<compile_context>
chip_gen: v7x
topology: tpu7x:2x2x1
jax: 0.10.2.dev20260603
libtpu: 0.0.44.dev20260713+nightly
codegen_flags: <defaults>
</compile_context>

<pallas_src>
import jax
import jax.numpy as jnp
from jax import lax
from jax.experimental import pallas as pl
from jax.experimental.pallas import tpu as pltpu
from jax.experimental.pallas import tpu_sc as plsc

N_ROWS = 1_000_000
DIM = 16
BATCH = 16384
NC = 2
NS = 16
NW = NC * NS
BPW = BATCH // NW
MW = 128
SW = 512
NG = (N_ROWS + SW - 1) // SW
NSLAB = 60
CAP = 576


def _rsqrt(s):
    i = plsc.bitcast(s, jnp.int32)
    y = plsc.bitcast(jnp.int32(0x5F3759DF) - (i >> 1), jnp.float32)
    for _ in range(3):
        y = y * (1.5 - 0.5 * s * y * y)
    return y


def _prep_body(zLt_hbm, zTt_hbm, a_hbm, msg_hbm, z_v, m_v, a_v):
    wid = lax.axis_index("s") * NC + lax.axis_index("c")
    base = wid * BPW

    pltpu.sync_copy(a_hbm, a_v)
    one_m_alpha = 1.0 - a_v[...]
    eps = jnp.full((DIM,), 1e-24, jnp.float32)
    iota = lax.iota(jnp.int32, DIM)

    for half, zt_hbm in ((0, zLt_hbm), (1, zTt_hbm)):
        pltpu.sync_copy(zt_hbm.at[:, pl.ds(base, BPW)], z_v)

        def blk(k, _, half=half):
            acc = jnp.zeros((DIM,), jnp.float32)
            rows = []
            for d in range(DIM):
                row = z_v[d, pl.ds(k * DIM, DIM)]
                rows.append(row)
                acc = acc + row * row
            rs = one_m_alpha * _rsqrt(jnp.maximum(acc, eps))
            for d in range(DIM):
                plsc.store_scatter(
                    m_v,
                    [k * DIM + iota, jnp.full((DIM,), half * DIM + d, jnp.int32)],
                    rows[d] * rs)
            return _

        lax.fori_loop(0, BPW // DIM, blk, 0)
    pltpu.sync_copy(m_v, msg_hbm.at[pl.ds(base, BPW)])


_mesh = plsc.VectorSubcoreMesh(core_axis_name="c", subcore_axis_name="s",
                               num_cores=NC, num_subcores=NS)

_prep = pl.kernel(
    _prep_body,
    out_type=jax.ShapeDtypeStruct((BATCH, MW), jnp.float32),
    mesh=_mesh,
    compiler_params=pltpu.CompilerParams(needs_layout_passes=False),
    scratch_types=[
        pltpu.VMEM((DIM, BPW), jnp.float32),
        pltpu.VMEM((BPW, MW), jnp.float32),
        pltpu.VMEM((DIM,), jnp.float32),
    ],
)


def _apply_body(idx_hbm, mLt_hbm, mTt_hbm, msg_hbm, a_hbm, outLt, outTt,
                idx_v, eid_v, val_v, off_v, sord_v,
                msg_v, slab_v, slabe_v, a_v,
                semg0, semg1, semg2, semg3, semp0, semp1, semp2, semp3, semc):
    wid = lax.axis_index("s") * NC + lax.axis_index("c")

    pltpu.sync_copy(a_hbm, a_v)
    alpha = a_v[...]
    eps = jnp.full((DIM,), 1e-24, jnp.float32)
    iota = lax.iota(jnp.int32, DIM)
    zero16 = jnp.zeros((DIM,), jnp.int32)

    ins = (mLt_hbm, mTt_hbm)
    outs = (outLt, outTt)
    semg = (semg0, semg1, semg2, semg3)
    semp = (semp0, semp1, semp2, semp3)

    ICH = 1024

    def clear(b, _):
        eid_v[pl.ds(b * DIM, DIM)] = zero16
        val_v[pl.ds(b * DIM, DIM)] = zero16
        return _

    lax.fori_loop(0, CAP // DIM, clear, 0)

    def chunk(q, cnt):
        pltpu.sync_copy(idx_hbm.at[pl.ds(q * ICH, ICH)], idx_v.at[pl.ds(0, ICH)])

        def scan(b, cnt):
            iv = idx_v[pl.ds(b * DIM, DIM)]
            own = (lax.shift_right_logical(iv, 9) & (NW - 1)) == wid
            e = q * ICH + b * DIM + iota
            c = jnp.minimum(cnt, CAP - DIM)
            plsc.store_compressed(eid_v.at[pl.ds(c, DIM)], e, mask=own)
            plsc.store_compressed(val_v.at[pl.ds(c, DIM)], iv, mask=own)
            npc = plsc.all_reduce_population_count(own)
            return cnt + npc[0]

        return lax.fori_loop(0, ICH // DIM, scan, cnt)

    cnt = lax.fori_loop(0, BATCH // ICH, chunk, jnp.int32(0))
    cnt = jnp.minimum(cnt, CAP)

    NBKT = 63

    def bucket(t, cur):
        plsc.store_scatter(off_v, [jnp.full((DIM,), t, jnp.int32)],
                           jnp.full((DIM,), cur, jnp.int32))

        def sweep(b, cur):
            kv = lax.shift_right_logical(val_v[pl.ds(b * DIM, DIM)], 14)
            m = (kv == t) & ((b * DIM + iota) < cnt)
            c = jnp.minimum(cur, CAP - DIM)
            plsc.store_compressed(sord_v.at[pl.ds(c, DIM)],
                                  b * DIM + iota, mask=m)
            npc = plsc.all_reduce_population_count(m)
            return cur + npc[0]

        return lax.fori_loop(0, CAP // DIM, sweep, cur)

    lax.fori_loop(0, NBKT, bucket, jnp.int32(0))

    gets = []
    for q0 in range(0, CAP, MW):
        qw = min(MW, CAP - q0)
        gets.append(pltpu.async_copy(msg_hbm.at[eid_v.at[pl.ds(q0, qw)]],
                                     msg_v.at[pl.ds(q0, qw)], semc))
    for gd in gets:
        gd.wait()

    def fire_gather(j, slot):
        off = pl.multiple_of((wid + j * NW) * SW, 128)
        pltpu.async_copy(mLt_hbm.at[:, pl.ds(off, SW)],
                         slab_v.at[slot, 0], semg[slot])
        pltpu.async_copy(mTt_hbm.at[:, pl.ds(off, SW)],
                         slab_v.at[slot, 1], semg[slot])

    def drain(sem, slot):
        pltpu.make_async_copy(mLt_hbm.at[:, pl.ds(0, SW)],
                              slab_v.at[slot, 0], sem).wait()
        pltpu.make_async_copy(mLt_hbm.at[:, pl.ds(0, SW)],
                              slab_v.at[slot, 1], sem).wait()

    def apply_updates(slab_ref, lo, hi):
        def upd(i, _):
            ii = jnp.full((DIM,), i, jnp.int32)
            pv = plsc.load_gather(sord_v, [ii])
            col = plsc.load_gather(val_v, [pv]) & (SW - 1)
            for half in (0, 1):
                w = plsc.load_gather(msg_v, [pv, half * DIM + iota])
                g = plsc.load_gather(slab_ref.at[half], [iota, col])
                v = alpha * g + w
                s2 = jnp.maximum(jnp.full((DIM,), jnp.sum(v * v)), eps)
                plsc.store_scatter(slab_ref.at[half], [iota, col],
                                   v * _rsqrt(s2))
            return _

        lax.fori_loop(lo, hi, upd, 0)

    for j0 in (0, 1):
        fire_gather(j0, j0)

    def slab3(m, carry):
        ov = off_v[pl.ds(m * 3, DIM)]
        for s in range(3):
            j = m * 3 + s
            drain(semg[s], s)

            apply_updates(slab_v.at[s], ov[s], ov[s + 1])

            off = pl.multiple_of((wid + j * NW) * SW, 128)
            pltpu.async_copy(slab_v.at[s, 0], outLt.at[:, pl.ds(off, SW)],
                             semp[s])
            pltpu.async_copy(slab_v.at[s, 1], outTt.at[:, pl.ds(off, SW)],
                             semp[s])

            ns = (s + 2) % 3

            @pl.when(j + 2 < NSLAB)
            def _(j=j, ns=ns):
                @pl.when(j >= 1)
                def _():
                    drain(semp[ns], ns)

                fire_gather(j + 2, ns)

        return carry

    lax.fori_loop(0, NSLAB // 3, slab3, 0)
    for s3 in range(3):
        drain(semp[s3], s3)

    ovE = off_v[pl.ds(48, DIM)]

    def sync_slab(goff, lo, hi):
        off = pl.multiple_of(goff * SW, 128)
        for half in (0, 1):
            pltpu.sync_copy(ins[half].at[:, pl.ds(off, SW)],
                            slab_v.at[0, half])
        apply_updates(slab_v.at[0], lo, hi)
        for half in (0, 1):
            pltpu.sync_copy(slab_v.at[0, half], outs[half].at[:, pl.ds(off, SW)])

    sync_slab(wid + 60 * NW, ovE[12], ovE[13])

    @pl.when(wid == 0)
    def _():
        sync_slab(wid + 61 * NW, ovE[13], ovE[14])

    @pl.when(wid == 1)
    def _():
        for half in (0, 1):
            pltpu.sync_copy(ins[half].at[:, pl.ds(1953 * SW, 64)],
                            slabe_v.at[half])
        apply_updates(slabe_v, ovE[13], ovE[14])
        for half in (0, 1):
            pltpu.sync_copy(slabe_v.at[half],
                            outs[half].at[:, pl.ds(1953 * SW, 64)])


_apply = pl.kernel(
    _apply_body,
    out_type=(jax.ShapeDtypeStruct((DIM, N_ROWS), jnp.float32),
              jax.ShapeDtypeStruct((DIM, N_ROWS), jnp.float32)),
    mesh=_mesh,
    compiler_params=pltpu.CompilerParams(needs_layout_passes=False),
    scratch_types=[
        pltpu.VMEM((1024,), jnp.int32),
        pltpu.VMEM((CAP,), jnp.int32),
        pltpu.VMEM((CAP,), jnp.int32),
        pltpu.VMEM((256,), jnp.int32),
        pltpu.VMEM((CAP,), jnp.int32),
        pltpu.VMEM((CAP, MW), jnp.float32),
        pltpu.VMEM((3, 2, DIM, SW), jnp.float32),
        pltpu.VMEM((2, DIM, 64), jnp.float32),
        pltpu.VMEM((DIM,), jnp.float32),
    ] + [pltpu.SemaphoreType.DMA] * 9,
)


def kernel(mL, mT, idx, zL, zT, alpha):
    a_vec = jnp.full((DIM,), alpha, jnp.float32)
    msg = _prep(zL.T, zT.T, a_vec)
    outLt, outTt = _apply(idx, mL.T, mT.T, msg, a_vec)
    return outLt.T, outTt.T

# --- scband reference (transcript-rebuilt; emitter-appended) ---
"""Pipeline reference for scband-unified-memory-bank-39067022524648 (READ-ONLY COPY).

The authoritative reference and input builder live on the scoring server;
editing this copy changes nothing except your own understanding.
"""

import jax, jax.numpy as jnp
import numpy as np

N_SAMPLES = 1000000
DIM = 16
BATCH = 16384


def _normalize(x, axis=1, eps=1e-12):
    n = jnp.linalg.norm(x, axis=axis, keepdims=True)
    return x / jnp.maximum(n, eps)


def setup_inputs(seed: int = 0) -> dict:
    key = jax.random.key(seed)
    k1, k2, k3, k4, k5 = jax.random.split(key, 5)
    # learned/buffered state sized per init_kwargs (n_samples, dim)
    mL = _normalize(jax.random.normal(k1, (N_SAMPLES, DIM), dtype=jnp.float32))
    mT = _normalize(jax.random.normal(k2, (N_SAMPLES, DIM), dtype=jnp.float32))
    # forward args for ema_update
    idx = jax.random.randint(k3, (BATCH,), 0, N_SAMPLES, dtype=jnp.int32)
    zL = jax.random.normal(k4, (BATCH, DIM), dtype=jnp.float32)
    zT = jax.random.normal(k5, (BATCH, DIM), dtype=jnp.float32)
    alpha = jnp.float32(0.99)
    return {"mL": mL, "mT": mT, "idx": idx, "zL": zL, "zT": zT, "alpha": alpha}


def reference(mL, mT, idx, zL, zT, alpha):
    # Faithful translation of UnifiedMemoryBank.ema_update:
    #   gather rows by idx, EMA-blend with fresh normalized embeddings,
    #   re-normalize, scatter-overwrite back into the memory bank.
    zL = _normalize(zL, axis=1)
    zT = _normalize(zT, axis=1)
    gL = jnp.take(mL, idx, axis=0)
    gT = jnp.take(mT, idx, axis=0)
    newL = _normalize(alpha * gL + (1.0 - alpha) * zL, axis=1)
    newT = _normalize(alpha * gT + (1.0 - alpha) * zT, axis=1)
    mL_out = mL.at[idx].set(newL)
    mT_out = mT.at[idx].set(newT)
    return (mL_out, mT_out)

if __name__ == "__main__":
    import jax
    _d = setup_inputs()
    print(jax.jit(kernel)(*tuple(_d.values())))

</pallas_src>

<mosaic_0001>
#map = affine_map<(d0, d1) -> (0)>
#map1 = affine_map<(d0, d1) -> (0, 0)>
module attributes {stable_mosaic.version = 14 : i64} {
  func.func @_apply_body(%arg0: i32, %arg1: i32, %arg2: memref<16384xi32, #tpu.memory_space<hbm>>, %arg3: memref<16x1000000xf32, #tpu.memory_space<hbm>>, %arg4: memref<16x1000000xf32, #tpu.memory_space<hbm>>, %arg5: memref<16384x128xf32, #tpu.memory_space<hbm>>, %arg6: memref<16xf32, #tpu.memory_space<hbm>>, %arg7: memref<16x1000000xf32, #tpu.memory_space<hbm>>, %arg8: memref<16x1000000xf32, #tpu.memory_space<hbm>>, %arg9: memref<1024xi32, #tpu.memory_space<vmem>>, %arg10: memref<576xi32, #tpu.memory_space<vmem>>, %arg11: memref<576xi32, #tpu.memory_space<vmem>>, %arg12: memref<256xi32, #tpu.memory_space<vmem>>, %arg13: memref<576xi32, #tpu.memory_space<vmem>>, %arg14: memref<576x128xf32, #tpu.memory_space<vmem>>, %arg15: memref<3x2x16x512xf32, #tpu.memory_space<vmem>>, %arg16: memref<2x16x64xf32, #tpu.memory_space<vmem>>, %arg17: memref<16xf32, #tpu.memory_space<vmem>>, %arg18: memref<!tpu.dma_semaphore, #tpu.memory_space<semaphore_mem>>, %arg19: memref<!tpu.dma_semaphore, #tpu.memory_space<semaphore_mem>>, %arg20: memref<!tpu.dma_semaphore, #tpu.memory_space<semaphore_mem>>, %arg21: memref<!tpu.dma_semaphore, #tpu.memory_space<semaphore_mem>>, %arg22: memref<!tpu.dma_semaphore, #tpu.memory_space<semaphore_mem>>, %arg23: memref<!tpu.dma_semaphore, #tpu.memory_space<semaphore_mem>>, %arg24: memref<!tpu.dma_semaphore, #tpu.memory_space<semaphore_mem>>, %arg25: memref<!tpu.dma_semaphore, #tpu.memory_space<semaphore_mem>>, %arg26: memref<!tpu.dma_semaphore, #tpu.memory_space<semaphore_mem>>) attributes {dimension_semantics = [#tpu.dimension_semantics<core_parallel>, #tpu.dimension_semantics<subcore_parallel>], iteration_bounds = array<i64: 2, 16>, scalar_prefetch = 0 : i64, scratch_operands = 18 : i64, tpu.core_type = #tpu.core_type<sc_vector_subcore>, window_params = [{transform_indices = #map}, {transform_indices = #map1}, {transform_indices = #map1}, {transform_indices = #map1}, {transform_indices = #map}, {transform_indices = #map1}, {transform_indices = #map1}]} {
    %mul3A = arith.constant 2 : i32
    %mul3A_0 = arith.muli %arg1, %mul3A : i32
    %add3A = arith.addi %mul3A_0, %arg0 : i32
    "tpu.region"() ({
      %run_scoped3A_302 = tpu.sem_alloc : memref<!tpu.dma_semaphore, #tpu.memory_space<semaphore_mem>>
      tpu.enqueue_dma source(%arg6 : memref<16xf32, #tpu.memory_space<hbm>>) target(%arg17 : memref<16xf32, #tpu.memory_space<vmem>>) target_semaphore(%run_scoped3A_302 : memref<!tpu.dma_semaphore, #tpu.memory_space<semaphore_mem>>)
      tpu.wait_dma2 semaphore(%run_scoped3A_302 : memref<!tpu.dma_semaphore, #tpu.memory_space<semaphore_mem>>) src(%arg6 : memref<16xf32, #tpu.memory_space<hbm>>) dst(%arg17 : memref<16xf32, #tpu.memory_space<vmem>>)
      tpu.yield
    }) : () -> ()
    %get3A = arith.constant 0 : index
    %get3A_1 = tpu.vector_load %arg17[%get3A] {strides = array<i32>} : memref<16xf32, #tpu.memory_space<vmem>>, vector<16xf32>,
    %broadcast_in_dim3A = arith.constant 1.000000e-24 : f32
    %broadcast_in_dim3A_2 = vector.broadcast %broadcast_in_dim3A : f32 to vector<16xf32>
    %iota3A = tpu.iota {dimensions = array<i32: 0>} : vector<16xi32>
    %broadcast_in_dim3A_3 = arith.constant 0 : i32
    %broadcast_in_dim3A_4 = vector.broadcast %broadcast_in_dim3A_3 : i32 to vector<16xi32>
    %scan3A = arith.constant 0 : i32
    %scan3A_5 = arith.constant 0 : i32
    %scan3A_6 = arith.constant 36 : i32
    %scan3A_7 = arith.addi %scan3A_5, %scan3A_6 : i32
    %scan3A_8 = arith.constant 1 : i32
    scf.for %scan3A_302 = %scan3A_5 to %scan3A_7 step %scan3A_8  : i32 {
      %mul3A_303 = arith.constant 16 : i32
      %mul3A_304 = arith.muli %scan3A_302, %mul3A_303 : i32
      %swap3A = arith.index_cast %mul3A_304 : i32 to index
      %swap3A_305 = tpu.vector_load %arg10[%swap3A] {strides = array<i32>} : memref<576xi32, #tpu.memory_space<vmem>>, vector<16xi32>,
      tpu.vector_store %arg10[%swap3A], %broadcast_in_dim3A_4 {strides = array<i32>} : memref<576xi32, #tpu.memory_space<vmem>>, vector<16xi32>,
      %mul3A_306 = arith.constant 16 : i32
      %mul3A_307 = arith.muli %scan3A_302, %mul3A_306 : i32
      %swap3A_308 = arith.index_cast %mul3A_307 : i32 to index
      %swap3A_309 = tpu.vector_load %arg11[%swap3A_308] {strides = array<i32>} : memref<576xi32, #tpu.memory_space<vmem>>, vector<16xi32>,
      tpu.vector_store %arg11[%swap3A_308], %broadcast_in_dim3A_4 {strides = array<i32>} : memref<576xi32, #tpu.memory_space<vmem>>, vector<16xi32>,
    }
    %scan3A_9 = arith.constant 36 : i32
    %scan3A_10 = arith.constant 0 : i32
    %scan3A_11 = arith.constant 0 : i32
    %scan3A_12 = arith.constant 16 : i32
    %scan3A_13 = arith.addi %scan3A_11, %scan3A_12 : i32
    %scan3A_14 = arith.constant 1 : i32
    %scan3A_15 = scf.for %scan3A_302 = %scan3A_11 to %scan3A_13 step %scan3A_14 iter_args(%scan3A_303 = %scan3A_10) -> (i32)  : i32 {
      %mul3A_304 = arith.constant 1024 : i32
      %mul3A_305 = arith.muli %scan3A_302, %mul3A_304 : i32
      "tpu.region"() ({
        %run_scoped3A_312 = tpu.sem_alloc : memref<!tpu.dma_semaphore, #tpu.memory_space<semaphore_mem>>
        %dma_start3A_313 = arith.constant 0 : i32
        %dma_start3A_314 = tpu.memref_slice %arg9[%dma_start3A_313] : memref<1024xi32, #tpu.memory_space<vmem>> -> memref<1024xi32, #tpu.memory_space<vmem>>
        %dma_start3A_315 = tpu.memref_slice %arg2[%mul3A_305] : memref<16384xi32, #tpu.memory_space<hbm>> -> memref<1024xi32, #tpu.memory_space<hbm>>
        %dma_start3A_316 = arith.constant 0 : i32
        %dma_start3A_317 = tpu.memref_slice %arg9[%dma_start3A_316] : memref<1024xi32, #tpu.memory_space<vmem>> -> memref<1024xi32, #tpu.memory_space<vmem>>
        %dma_start3A_318 = tpu.memref_slice %arg2[%mul3A_305] : memref<16384xi32, #tpu.memory_space<hbm>> -> memref<1024xi32, #tpu.memory_space<hbm>>
        tpu.enqueue_dma source(%dma_start3A_318 : memref<1024xi32, #tpu.memory_space<hbm>>) target(%dma_start3A_317 : memref<1024xi32, #tpu.memory_space<vmem>>) target_semaphore(%run_scoped3A_312 : memref<!tpu.dma_semaphore, #tpu.memory_space<semaphore_mem>>)
        %dma_wait3A_319 = arith.constant 0 : i32
        %dma_wait3A_320 = tpu.memref_slice %arg9[%dma_wait3A_319] : memref<1024xi32, #tpu.memory_space<vmem>> -> memref<1024xi32, #tpu.memory_space<vmem>>
        %dma_wait3A_321 = tpu.memref_slice %arg2[%mul3A_305] : memref<16384xi32, #tpu.memory_space<hbm>> -> memref<1024xi32, #tpu.memory_space<hbm>>
        %dma_wait3A_322 = arith.constant 0 : i32
        %dma_wait3A_323 = tpu.memref_slice %arg9[%dma_wait3A_322] : memref<1024xi32, #tpu.memory_space<vmem>> -> memref<1024xi32, #tpu.memory_space<vmem>>
        %dma_wait3A_324 = tpu.memref_slice %arg2[%mul3A_305] : memref<16384xi32, #tpu.memory_space<hbm>> -> memref<1024xi32, #tpu.memory_space<hbm>>
        tpu.wait_dma2 semaphore(%run_scoped3A_312 : memref<!tpu.dma_semaphore, #tpu.memory_space<semaphore_mem>>) src(%dma_wait3A_324 : memref<1024xi32, #tpu.memory_space<hbm>>) dst(%dma_wait3A_323 : memref<1024xi32, #tpu.memory_space<vmem>>)
        tpu.yield
      }) : () -> ()
      %scan3A_306 = arith.constant 0 : i32
      %scan3A_307 = arith.constant 64 : i32
      %scan3A_308 = arith.addi %scan3A_306, %scan3A_307 : i32
      %scan3A_309 = arith.constant 1 : i32
      %scan3A_310 = scf.for %scan3A_312 = %scan3A_306 to %scan3A_308 step %scan3A_309 iter_args(%scan3A_313 = %scan3A_303) -> (i32)  : i32 {
        %mul3A_314 = arith.constant 16 : i32
        %mul3A_315 = arith.muli %scan3A_312, %mul3A_314 : i32
        %get3A_316 = arith.index_cast %mul3A_315 : i32 to index
        %get3A_317 = tpu.vector_load %arg9[%get3A_316] {strides = array<i32>} : memref<1024xi32, #tpu.memory_space<vmem>>, vector<16xi32>,
        %shift_right_logical3A = arith.constant 9 : i32
        %shift_right_logical3A_318 = vector.broadcast %shift_right_logical3A : i32 to vector<16xi32>
        %shift_right_logical3A_319 = arith.shrui %get3A_317, %shift_right_logical3A_318 : vector<16xi32>
        %and3A = arith.constant 31 : i32
        %and3A_320 = vector.broadcast %and3A : i32 to vector<16xi32>
        %and3A_321 = arith.andi %shift_right_logical3A_319, %and3A_320 : vector<16xi32>
        %eq3A_322 = vector.broadcast %add3A : i32 to vector<16xi32>
        %eq3A_323 = arith.cmpi eq, %and3A_321, %eq3A_322 : vector<16xi32>
        %mul3A_324 = arith.constant 1024 : i32
        %mul3A_325 = arith.muli %scan3A_302, %mul3A_324 : i32
        %mul3A_326 = arith.constant 16 : i32
        %mul3A_327 = arith.muli %scan3A_312, %mul3A_326 : i32
        %add3A_328 = arith.addi %mul3A_325, %mul3A_327 : i32
        %add3A_329 = vector.broadcast %add3A_328 : i32 to vector<16xi32>
        %add3A_330 = arith.addi %add3A_329, %iota3A : vector<16xi32>
        %min3A_331 = arith.constant 560 : i32
        %min3A_332 = arith.minsi %scan3A_313, %min3A_331 : i32
        %swap3A = arith.index_cast %min3A_332 : i32 to index
        %swap3A_333 = tpu.vector_load %arg10[%swap3A] masked %eq3A_323 {strides = array<i32>} : memref<576xi32, #tpu.memory_space<vmem>>, vector<16xi32>, vector<16xi1>
        tpu.vector_store %arg10[%swap3A], %add3A_330 masked %eq3A_323 {strides = array<i32>} : memref<576xi32, #tpu.memory_space<vmem>>, vector<16xi32>, vector<16xi1>
        %swap3A_334 = arith.index_cast %min3A_332 : i32 to index
        %swap3A_335 = tpu.vector_load %arg11[%swap3A_334] masked %eq3A_323 {strides = array<i32>} : memref<576xi32, #tpu.memory_space<vmem>>, vector<16xi32>, vector<16xi1>
        tpu.vector_store %arg11[%swap3A_334], %get3A_317 masked %eq3A_323 {strides = array<i32>} : memref<576xi32, #tpu.memory_space<vmem>>, vector<16xi32>, vector<16xi1>
        %all_reduce_population_count3A = tpu.all_reduce %eq3A_323 {dim = 0 : i64, kind = #tpu.reduction_kind<sum>} : vector<16xi1> -> vector<16xi32>
        %slice3A_336 = vector.extract_strided_slice %all_reduce_population_count3A {offsets = [0], sizes = [1], strides = [1]} : vector<16xi32> to vector<1xi32>
        %squeeze3A_337 = vector.extract %slice3A_336[0] : i32 from vector<1xi32>
        %add3A_338 = arith.addi %scan3A_313, %squeeze3A_337 : i32
        scf.yield %add3A_338 : i32
      }
      %scan3A_311 = arith.constant 64 : i32
      scf.yield %scan3A_310 : i32
    }
    %scan3A_16 = arith.constant 16 : i32
    %min3A = arith.constant 576 : i32
    %min3A_17 = arith.minsi %scan3A_15, %min3A : i32
    %scan3A_18 = arith.constant 0 : i32
    %scan3A_19 = arith.constant 0 : i32
    %scan3A_20 = arith.constant 63 : i32
    %scan3A_21 = arith.addi %scan3A_19, %scan3A_20 : i32
    %scan3A_22 = arith.constant 1 : i32
    %scan3A_23 = scf.for %scan3A_302 = %scan3A_19 to %scan3A_21 step %scan3A_22 iter_args(%scan3A_303 = %scan3A_18) -> (i32)  : i32 {
      %broadcast_in_dim3A_304 = vector.broadcast %scan3A_302 : i32 to vector<16xi32>
      %broadcast_in_dim3A_305 = vector.broadcast %scan3A_303 : i32 to vector<16xi32>
      tpu.vector_store_idx %arg12[%broadcast_in_dim3A_304], %broadcast_in_dim3A_305 : memref<256xi32, #tpu.memory_space<vmem>>[vector<16xi32>], vector<16xi32>,
      %scan3A_306 = arith.constant 0 : i32
      %scan3A_307 = arith.constant 36 : i32
      %scan3A_308 = arith.addi %scan3A_306, %scan3A_307 : i32
      %scan3A_309 = arith.constant 1 : i32
      %scan3A_310 = scf.for %scan3A_312 = %scan3A_306 to %scan3A_308 step %scan3A_309 iter_args(%scan3A_313 = %scan3A_303) -> (i32)  : i32 {
        %mul3A_314 = arith.constant 16 : i32
        %mul3A_315 = arith.muli %scan3A_312, %mul3A_314 : i32
        %get3A_316 = arith.index_cast %mul3A_315 : i32 to index
        %get3A_317 = tpu.vector_load %arg11[%get3A_316] {strides = array<i32>} : memref<576xi32, #tpu.memory_space<vmem>>, vector<16xi32>,
        %shift_right_logical3A = arith.constant 14 : i32
        %shift_right_logical3A_318 = vector.broadcast %shift_right_logical3A : i32 to vector<16xi32>
        %shift_right_logical3A_319 = arith.shrui %get3A_317, %shift_right_logical3A_318 : vector<16xi32>
        %eq3A_320 = vector.broadcast %scan3A_302 : i32 to vector<16xi32>
        %eq3A_321 = arith.cmpi eq, %shift_right_logical3A_319, %eq3A_320 : vector<16xi32>
        %mul3A_322 = arith.constant 16 : i32
        %mul3A_323 = arith.muli %scan3A_312, %mul3A_322 : i32
        %add3A_324 = vector.broadcast %mul3A_323 : i32 to vector<16xi32>
        %add3A_325 = arith.addi %add3A_324, %iota3A : vector<16xi32>
        %lt3A = vector.broadcast %min3A_17 : i32 to vector<16xi32>
        %lt3A_326 = arith.cmpi slt, %add3A_325, %lt3A : vector<16xi32>
        %and3A = arith.andi %eq3A_321, %lt3A_326 : vector<16xi1>
        %min3A_327 = arith.constant 560 : i32
        %min3A_328 = arith.minsi %scan3A_313, %min3A_327 : i32
        %mul3A_329 = arith.constant 16 : i32
        %mul3A_330 = arith.muli %scan3A_312, %mul3A_329 : i32
        %add3A_331 = vector.broadcast %mul3A_330 : i32 to vector<16xi32>
        %add3A_332 = arith.addi %add3A_331, %iota3A : vector<16xi32>
        %swap3A = arith.index_cast %min3A_328 : i32 to index
        %swap3A_333 = tpu.vector_load %arg13[%swap3A] masked %and3A {strides = array<i32>} : memref<576xi32, #tpu.memory_space<vmem>>, vector<16xi32>, vector<16xi1>
        tpu.vector_store %arg13[%swap3A], %add3A_332 masked %and3A {strides = array<i32>} : memref<576xi32, #tpu.memory_space<vmem>>, vector<16xi32>, vector<16xi1>
        %all_reduce_population_count3A = tpu.all_reduce %and3A {dim = 0 : i64, kind = #tpu.reduction_kind<sum>} : vector<16xi1> -> vector<16xi32>
        %slice3A_334 = vector.extract_strided_slice %all_reduce_population_count3A {offsets = [0], sizes = [1], strides = [1]} : vector<16xi32> to vector<1xi32>
        %squeeze3A_335 = vector.extract %slice3A_334[0] : i32 from vector<1xi32>
        %add3A_336 = arith.addi %scan3A_313, %squeeze3A_335 : i32
        scf.yield %add3A_336 : i32
      }
      %scan3A_311 = arith.constant 36 : i32
      scf.yield %scan3A_310 : i32
    }
    %scan3A_24 = arith.constant 63 : i32
    %dma_start3A = arith.constant 0 : i32
    %dma_start3A_25 = arith.constant 0 : i32
    %dma_start3A_26 = tpu.memref_slice %arg14[%dma_start3A, %dma_start3A_25] : memref<576x128xf32, #tpu.memory_space<vmem>> -> memref<128x128xf32, #tpu.memory_space<vmem>>
    %dma_start3A_27 = arith.constant 0 : i32
    %dma_start3A_28 = tpu.memref_slice %arg10[%dma_start3A_27] : memref<576xi32, #tpu.memory_space<vmem>> -> memref<128xi32, #tpu.memory_space<vmem>>
    %dma_start3A_29 = arith.constant 0 : i32
    %dma_start3A_30 = arith.constant 0 : i32
    %dma_start3A_31 = tpu.memref_slice %arg5[%dma_start3A_29, %dma_start3A_30] : memref<16384x128xf32, #tpu.memory_space<hbm>> -> memref<16384x128xf32, #tpu.memory_space<hbm>>
    tpu.enqueue_indirect_dma source(%dma_start3A_31 : memref<16384x128xf32, #tpu.memory_space<hbm>>) target(%dma_start3A_26 : memref<128x128xf32, #tpu.memory_space<vmem>>) offsets(%dma_start3A_28 : memref<128xi32, #tpu.memory_space<vmem>>) semaphore(%arg26 : memref<!tpu.dma_semaphore, #tpu.memory_space<semaphore_mem>>)
    %dma_start3A_32 = arith.constant 128 : i32
    %dma_start3A_33 = arith.constant 0 : i32
    %dma_start3A_34 = tpu.memref_slice %arg14[%dma_start3A_32, %dma_start3A_33] : memref<576x128xf32, #tpu.memory_space<vmem>> -> memref<128x128xf32, #tpu.memory_space<vmem>>
    %dma_start3A_35 = arith.constant 128 : i32
    %dma_start3A_36 = tpu.memref_slice %arg10[%dma_start3A_35] : memref<576xi32, #tpu.memory_space<vmem>> -> memref<128xi32, #tpu.memory_space<vmem>>
    %dma_start3A_37 = arith.constant 0 : i32
    %dma_start3A_38 = arith.constant 0 : i32
    %dma_start3A_39 = tpu.memref_slice %arg5[%dma_start3A_37, %dma_start3A_38] : memref<16384x128xf32, #tpu.memory_space<hbm>> -> memref<16384x128xf32, #tpu.memory_space<hbm>>
    tpu.enqueue_indirect_dma source(%dma_start3A_39 : memref<16384x128xf32, #tpu.memory_space<hbm>>) target(%dma_start3A_34 : memref<128x128xf32, #tpu.memory_space<vmem>>) offsets(%dma_start3A_36 : memref<128xi32, #tpu.memory_space<vmem>>) semaphore(%arg26 : memref<!tpu.dma_semaphore, #tpu.memory_space<semaphore_mem>>)
    %dma_start3A_40 = arith.constant 256 : i32
    %dma_start3A_41 = arith.constant 0 : i32
    %dma_start3A_42 = tpu.memref_slice %arg14[%dma_start3A_40, %dma_start3A_41] : memref<576x128xf32, #tpu.memory_space<vmem>> -> memref<128x128xf32, #tpu.memory_space<vmem>>
    %dma_start3A_43 = arith.constant 256 : i32
    %dma_start3A_44 = tpu.memref_slice %arg10[%dma_start3A_43] : memref<576xi32, #tpu.memory_space<vmem>> -> memref<128xi32, #tpu.memory_space<vmem>>
    %dma_start3A_45 = arith.constant 0 : i32
    %dma_start3A_46 = arith.constant 0 : i32
    %dma_start3A_47 = tpu.memref_slice %arg5[%dma_start3A_45, %dma_start3A_46] : memref<16384x128xf32, #tpu.memory_space<hbm>> -> memref<16384x128xf32, #tpu.memory_space<hbm>>
    tpu.enqueue_indirect_dma source(%dma_start3A_47 : memref<16384x128xf32, #tpu.memory_space<hbm>>) target(%dma_start3A_42 : memref<128x128xf32, #tpu.memory_space<vmem>>) offsets(%dma_start3A_44 : memref<128xi32, #tpu.memory_space<vmem>>) semaphore(%arg26 : memref<!tpu.dma_semaphore, #tpu.memory_space<semaphore_mem>>)
    %dma_start3A_48 = arith.constant 384 : i32
    %dma_start3A_49 = arith.constant 0 : i32
    %dma_start3A_50 = tpu.memref_slice %arg14[%dma_start3A_48, %dma_start3A_49] : memref<576x128xf32, #tpu.memory_space<vmem>> -> memref<128x128xf32, #tpu.memory_space<vmem>>
    %dma_start3A_51 = arith.constant 384 : i32
    %dma_start3A_52 = tpu.memref_slice %arg10[%dma_start3A_51] : memref<576xi32, #tpu.memory_space<vmem>> -> memref<128xi32, #tpu.memory_space<vmem>>
    %dma_start3A_53 = arith.constant 0 : i32
    %dma_start3A_54 = arith.constant 0 : i32
    %dma_start3A_55 = tpu.memref_slice %arg5[%dma_start3A_53, %dma_start3A_54] : memref<16384x128xf32, #tpu.memory_space<hbm>> -> memref<16384x128xf32, #tpu.memory_space<hbm>>
    tpu.enqueue_indirect_dma source(%dma_start3A_55 : memref<16384x128xf32, #tpu.memory_space<hbm>>) target(%dma_start3A_50 : memref<128x128xf32, #tpu.memory_space<vmem>>) offsets(%dma_start3A_52 : memref<128xi32, #tpu.memory_space<vmem>>) semaphore(%arg26 : memref<!tpu.dma_semaphore, #tpu.memory_space<semaphore_mem>>)
    %dma_start3A_56 = arith.constant 512 : i32
    %dma_start3A_57 = arith.constant 0 : i32
    %dma_start3A_58 = tpu.memref_slice %arg14[%dma_start3A_56, %dma_start3A_57] : memref<576x128xf32, #tpu.memory_space<vmem>> -> memref<64x128xf32, #tpu.memory_space<vmem>>
    %dma_start3A_59 = arith.constant 512 : i32
    %dma_start3A_60 = tpu.memref_slice %arg10[%dma_start3A_59] : memref<576xi32, #tpu.memory_space<vmem>> -> memref<64xi32, #tpu.memory_space<vmem>>
    %dma_start3A_61 = arith.constant 0 : i32
    %dma_start3A_62 = arith.constant 0 : i32
    %dma_start3A_63 = tpu.memref_slice %arg5[%dma_start3A_61, %dma_start3A_62] : memref<16384x128xf32, #tpu.memory_space<hbm>> -> memref<16384x128xf32, #tpu.memory_space<hbm>>
    tpu.enqueue_indirect_dma source(%dma_start3A_63 : memref<16384x128xf32, #tpu.memory_space<hbm>>) target(%dma_start3A_58 : memref<64x128xf32, #tpu.memory_space<vmem>>) offsets(%dma_start3A_60 : memref<64xi32, #tpu.memory_space<vmem>>) semaphore(%arg26 : memref<!tpu.dma_semaphore, #tpu.memory_space<semaphore_mem>>)
    %dma_wait3A = arith.constant 0 : i32
    %dma_wait3A_64 = arith.constant 0 : i32
    %dma_wait3A_65 = tpu.memref_slice %arg14[%dma_wait3A, %dma_wait3A_64] : memref<576x128xf32, #tpu.memory_space<vmem>> -> memref<128x128xf32, #tpu.memory_space<vmem>>
    %dma_wait3A_66 = arith.constant 0 : i32
    %dma_wait3A_67 = tpu.memref_slice %arg10[%dma_wait3A_66] : memref<576xi32, #tpu.memory_space<vmem>> -> memref<128xi32, #tpu.memory_space<vmem>>
    %dma_wait3A_68 = arith.constant 0 : i32
    %dma_wait3A_69 = arith.constant 0 : i32
    %dma_wait3A_70 = tpu.memref_slice %arg5[%dma_wait3A_68, %dma_wait3A_69] : memref<16384x128xf32, #tpu.memory_space<hbm>> -> memref<16384x128xf32, #tpu.memory_space<hbm>>
    tpu.wait_indirect_dma semaphore(%arg26 : memref<!tpu.dma_semaphore, #tpu.memory_space<semaphore_mem>>) src(%dma_wait3A_70 : memref<16384x128xf32, #tpu.memory_space<hbm>>) dst(%dma_wait3A_65 : memref<128x128xf32, #tpu.memory_space<vmem>>)
    %dma_wait3A_71 = arith.constant 128 : i32
    %dma_wait3A_72 = arith.constant 0 : i32
    %dma_wait3A_73 = tpu.memref_slice %arg14[%dma_wait3A_71, %dma_wait3A_72] : memref<576x128xf32, #tpu.memory_space<vmem>> -> memref<128x128xf32, #tpu.memory_space<vmem>>
    %dma_wait3A_74 = arith.constant 128 : i32
    %dma_wait3A_75 = tpu.memref_slice %arg10[%dma_wait3A_74] : memref<576xi32, #tpu.memory_space<vmem>> -> memref<128xi32, #tpu.memory_space<vmem>>
    %dma_wait3A_76 = arith.constant 0 : i32
    %dma_wait3A_77 = arith.constant 0 : i32
    %dma_wait3A_78 = tpu.memref_slice %arg5[%dma_wait3A_76, %dma_wait3A_77] : memref<16384x128xf32, #tpu.memory_space<hbm>> -> memref<16384x128xf32, #tpu.memory_space<hbm>>
    tpu.wait_indirect_dma semaphore(%arg26 : memref<!tpu.dma_semaphore, #tpu.memory_space<semaphore_mem>>) src(%dma_wait3A_78 : memref<16384x128xf32, #tpu.memory_space<hbm>>) dst(%dma_wait3A_73 : memref<128x128xf32, #tpu.memory_space<vmem>>)
    %dma_wait3A_79 = arith.constant 256 : i32
    %dma_wait3A_80 = arith.constant 0 : i32
    %dma_wait3A_81 = tpu.memref_slice %arg14[%dma_wait3A_79, %dma_wait3A_80] : memref<576x128xf32, #tpu.memory_space<vmem>> -> memref<128x128xf32, #tpu.memory_space<vmem>>
    %dma_wait3A_82 = arith.constant 256 : i32
    %dma_wait3A_83 = tpu.memref_slice %arg10[%dma_wait3A_82] : memref<576xi32, #tpu.memory_space<vmem>> -> memref<128xi32, #tpu.memory_space<vmem>>
    %dma_wait3A_84 = arith.constant 0 : i32
    %dma_wait3A_85 = arith.constant 0 : i32
    %dma_wait3A_86 = tpu.memref_slice %arg5[%dma_wait3A_84, %dma_wait3A_85] : memref<16384x128xf32, #tpu.memory_space<hbm>> -> memref<16384x128xf32, #tpu.memory_space<hbm>>
    tpu.wait_indirect_dma semaphore(%arg26 : memref<!tpu.dma_semaphore, #tpu.memory_space<semaphore_mem>>) src(%dma_wait3A_86 : memref<16384x128xf32, #tpu.memory_space<hbm>>) dst(%dma_wait3A_81 : memref<128x128xf32, #tpu.memory_space<vmem>>)
    %dma_wait3A_87 = arith.constant 384 : i32
    %dma_wait3A_88 = arith.constant 0 : i32
    %dma_wait3A_89 = tpu.memref_slice %arg14[%dma_wait3A_87, %dma_wait3A_88] : memref<576x128xf32, #tpu.memory_space<vmem>> -> memref<128x128xf32, #tpu.memory_space<vmem>>
    %dma_wait3A_90 = arith.constant 384 : i32
    %dma_wait3A_91 = tpu.memref_slice %arg10[%dma_wait3A_90] : memref<576xi32, #tpu.memory_space<vmem>> -> memref<128xi32, #tpu.memory_space<vmem>>
    %dma_wait3A_92 = arith.constant 0 : i32
    %dma_wait3A_93 = arith.constant 0 : i32
    %dma_wait3A_94 = tpu.memref_slice %arg5[%dma_wait3A_92, %dma_wait3A_93] : memref<16384x128xf32, #tpu.memory_space<hbm>> -> memref<16384x128xf32, #tpu.memory_space<hbm>>
    tpu.wait_indirect_dma semaphore(%arg26 : memref<!tpu.dma_semaphore, #tpu.memory_space<semaphore_mem>>) src(%dma_wait3A_94 : memref<16384x128xf32, #tpu.memory_space<hbm>>) dst(%dma_wait3A_89 : memref<128x128xf32, #tpu.memory_space<vmem>>)
    %dma_wait3A_95 = arith.constant 512 : i32
    %dma_wait3A_96 = arith.constant 0 : i32
    %dma_wait3A_97 = tpu.memref_slice %arg14[%dma_wait3A_95, %dma_wait3A_96] : memref<576x128xf32, #tpu.memory_space<vmem>> -> memref<64x128xf32, #tpu.memory_space<vmem>>
    %dma_wait3A_98 = arith.constant 512 : i32
    %dma_wait3A_99 = tpu.memref_slice %arg10[%dma_wait3A_98] : memref<576xi32, #tpu.memory_space<vmem>> -> memref<64xi32, #tpu.memory_space<vmem>>
    %dma_wait3A_100 = arith.constant 0 : i32
    %dma_wait3A_101 = arith.constant 0 : i32
    %dma_wait3A_102 = tpu.memref_slice %arg5[%dma_wait3A_100, %dma_wait3A_101] : memref<16384x128xf32, #tpu.memory_space<hbm>> -> memref<16384x128xf32, #tpu.memory_space<hbm>>
    tpu.wait_indirect_dma semaphore(%arg26 : memref<!tpu.dma_semaphore, #tpu.memory_space<semaphore_mem>>) src(%dma_wait3A_102 : memref<16384x128xf32, #tpu.memory_space<hbm>>) dst(%dma_wait3A_97 : memref<64x128xf32, #tpu.memory_space<vmem>>)
    %add3A_103 = arith.constant 0 : i32
    %add3A_104 = arith.addi %add3A, %add3A_103 : i32
    %mul3A_105 = arith.constant 512 : i32
    %mul3A_106 = arith.muli %add3A_104, %mul3A_105 : i32
    %multiple_of3A = tpu.assume_multiple %mul3A_106, 128 : i32
    %dma_start3A_107 = arith.constant 0 : i32
    %dma_start3A_108 = arith.constant 0 : i32
    %dma_start3A_109 = arith.constant 0 : i32
    %dma_start3A_110 = arith.constant 0 : i32
    %dma_start3A_111 = tpu.memref_slice %arg15[%dma_start3A_107, %dma_start3A_108, %dma_start3A_109, %dma_start3A_110] : memref<3x2x16x512xf32, #tpu.memory_space<vmem>> -> memref<1x1x16x512xf32, #tpu.memory_space<vmem>>
    %dma_start3A_112 = tpu.memref_squeeze %dma_start3A_111 : memref<1x1x16x512xf32, #tpu.memory_space<vmem>> -> memref<16x512xf32, #tpu.memory_space<vmem>>
    %dma_start3A_113 = arith.constant 0 : i32
    %dma_start3A_114 = tpu.memref_slice %arg3[%dma_start3A_113, %multiple_of3A] : memref<16x1000000xf32, #tpu.memory_space<hbm>> -> memref<16x512xf32, #tpu.memory_space<hbm>>
    %dma_start3A_115 = arith.constant 0 : i32
    %dma_start3A_116 = arith.constant 0 : i32
    %dma_start3A_117 = tpu.memref_slice %arg15[%dma_start3A_107, %dma_start3A_108, %dma_start3A_115, %dma_start3A_116] : memref<3x2x16x512xf32, #tpu.memory_space<vmem>> -> memref<1x1x16x512xf32, #tpu.memory_space<vmem>>
    %dma_start3A_118 = tpu.memref_squeeze %dma_start3A_117 : memref<1x1x16x512xf32, #tpu.memory_space<vmem>> -> memref<16x512xf32, #tpu.memory_space<vmem>>
    %dma_start3A_119 = arith.constant 0 : i32
    %dma_start3A_120 = tpu.memref_slice %arg3[%dma_start3A_119, %multiple_of3A] : memref<16x1000000xf32, #tpu.memory_space<hbm>> -> memref<16x512xf32, #tpu.memory_space<hbm>>
    tpu.enqueue_dma source(%dma_start3A_120 : memref<16x512xf32, #tpu.memory_space<hbm>>) target(%dma_start3A_118 : memref<16x512xf32, #tpu.memory_space<vmem>>) target_semaphore(%arg18 : memref<!tpu.dma_semaphore, #tpu.memory_space<semaphore_mem>>)
    %dma_start3A_121 = arith.constant 0 : i32
    %dma_start3A_122 = arith.constant 1 : i32
    %dma_start3A_123 = arith.constant 0 : i32
    %dma_start3A_124 = arith.constant 0 : i32
    %dma_start3A_125 = tpu.memref_slice %arg15[%dma_start3A_121, %dma_start3A_122, %dma_start3A_123, %dma_start3A_124] : memref<3x2x16x512xf32, #tpu.memory_space<vmem>> -> memref<1x1x16x512xf32, #tpu.memory_space<vmem>>
    %dma_start3A_126 = tpu.memref_squeeze %dma_start3A_125 : memref<1x1x16x512xf32, #tpu.memory_space<vmem>> -> memref<16x512xf32, #tpu.memory_space<vmem>>
    %dma_start3A_127 = arith.constant 0 : i32
    %dma_start3A_128 = tpu.memref_slice %arg4[%dma_start3A_127, %multiple_of3A] : memref<16x1000000xf32, #tpu.memory_space<hbm>> -> memref<16x512xf32, #tpu.memory_space<hbm>>
    %dma_start3A_129 = arith.constant 0 : i32
    %dma_start3A_130 = arith.constant 0 : i32
    %dma_start3A_131 = tpu.memref_slice %arg15[%dma_start3A_121, %dma_start3A_122, %dma_start3A_129, %dma_start3A_130] : memref<3x2x16x512xf32, #tpu.memory_space<vmem>> -> memref<1x1x16x512xf32, #tpu.memory_space<vmem>>
    %dma_start3A_132 = tpu.memref_squeeze %dma_start3A_131 : memref<1x1x16x512xf32, #tpu.memory_space<vmem>> -> memref<16x512xf32, #tpu.memory_space<vmem>>
    %dma_start3A_133 = arith.constant 0 : i32
    %dma_start3A_134 = tpu.memref_slice %arg4[%dma_start3A_133, %multiple_of3A] : memref<16x1000000xf32, #tpu.memory_space<hbm>> -> memref<16x512xf32, #tpu.memory_space<hbm>>
    tpu.enqueue_dma source(%dma_start3A_134 : memref<16x512xf32, #tpu.memory_space<hbm>>) target(%dma_start3A_132 : memref<16x512xf32, #tpu.memory_space<vmem>>) target_semaphore(%arg18 : memref<!tpu.dma_semaphore, #tpu.memory_space<semaphore_mem>>)
    %add3A_135 = arith.constant 32 : i32
    %add3A_136 = arith.addi %add3A, %add3A_135 : i32
    %mul3A_137 = arith.constant 512 : i32
    %mul3A_138 = arith.muli %add3A_136, %mul3A_137 : i32
    %multiple_of3A_139 = tpu.assume_multiple %mul3A_138, 128 : i32
    %dma_start3A_140 = arith.constant 1 : i32
    %dma_start3A_141 = arith.constant 0 : i32
    %dma_start3A_142 = arith.constant 0 : i32
    %dma_start3A_143 = arith.constant 0 : i32
    %dma_start3A_144 = tpu.memref_slice %arg15[%dma_start3A_140, %dma_start3A_141, %dma_start3A_142, %dma_start3A_143] : memref<3x2x16x512xf32, #tpu.memory_space<vmem>> -> memref<1x1x16x512xf32, #tpu.memory_space<vmem>>
    %dma_start3A_145 = tpu.memref_squeeze %dma_start3A_144 : memref<1x1x16x512xf32, #tpu.memory_space<vmem>> -> memref<16x512xf32, #tpu.memory_space<vmem>>
    %dma_start3A_146 = arith.constant 0 : i32
    %dma_start3A_147 = tpu.memref_slice %arg3[%dma_start3A_146, %multiple_of3A_139] : memref<16x1000000xf32, #tpu.memory_space<hbm>> -> memref<16x512xf32, #tpu.memory_space<hbm>>
    %dma_start3A_148 = arith.constant 0 : i32
    %dma_start3A_149 = arith.constant 0 : i32
    %dma_start3A_150 = tpu.memref_slice %arg15[%dma_start3A_140, %dma_start3A_141, %dma_start3A_148, %dma_start3A_149] : memref<3x2x16x512xf32, #tpu.memory_space<vmem>> -> memref<1x1x16x512xf32, #tpu.memory_space<vmem>>
    %dma_start3A_151 = tpu.memref_squeeze %dma_start3A_150 : memref<1x1x16x512xf32, #tpu.memory_space<vmem>> -> memref<16x512xf32, #tpu.memory_space<vmem>>
    %dma_start3A_152 = arith.constant 0 : i32
    %dma_start3A_153 = tpu.memref_slice %arg3[%dma_start3A_152, %multiple_of3A_139] : memref<16x1000000xf32, #tpu.memory_space<hbm>> -> memref<16x512xf32, #tpu.memory_space<hbm>>
    tpu.enqueue_dma source(%dma_start3A_153 : memref<16x512xf32, #tpu.memory_space<hbm>>) target(%dma_start3A_151 : memref<16x512xf32, #tpu.memory_space<vmem>>) target_semaphore(%arg19 : memref<!tpu.dma_semaphore, #tpu.memory_space<semaphore_mem>>)
    %dma_start3A_154 = arith.constant 1 : i32
    %dma_start3A_155 = arith.constant 1 : i32
    %dma_start3A_156 = arith.constant 0 : i32
    %dma_start3A_157 = arith.constant 0 : i32
    %dma_start3A_158 = tpu.memref_slice %arg15[%dma_start3A_154, %dma_start3A_155, %dma_start3A_156, %dma_start3A_157] : memref<3x2x16x512xf32, #tpu.memory_space<vmem>> -> memref<1x1x16x512xf32, #tpu.memory_space<vmem>>
    %dma_start3A_159 = tpu.memref_squeeze %dma_start3A_158 : memref<1x1x16x512xf32, #tpu.memory_space<vmem>> -> memref<16x512xf32, #tpu.memory_space<vmem>>
    %dma_start3A_160 = arith.constant 0 : i32
    %dma_start3A_161 = tpu.memref_slice %arg4[%dma_start3A_160, %multiple_of3A_139] : memref<16x1000000xf32, #tpu.memory_space<hbm>> -> memref<16x512xf32, #tpu.memory_space<hbm>>
    %dma_start3A_162 = arith.constant 0 : i32
    %dma_start3A_163 = arith.constant 0 : i32
    %dma_start3A_164 = tpu.memref_slice %arg15[%dma_start3A_154, %dma_start3A_155, %dma_start3A_162, %dma_start3A_163] : memref<3x2x16x512xf32, #tpu.memory_space<vmem>> -> memref<1x1x16x512xf32, #tpu.memory_space<vmem>>
    %dma_start3A_165 = tpu.memref_squeeze %dma_start3A_164 : memref<1x1x16x512xf32, #tpu.memory_space<vmem>> -> memref<16x512xf32, #tpu.memory_space<vmem>>
    %dma_start3A_166 = arith.constant 0 : i32
    %dma_start3A_167 = tpu.memref_slice %arg4[%dma_start3A_166, %multiple_of3A_139] : memref<16x1000000xf32, #tpu.memory_space<hbm>> -> memref<16x512xf32, #tpu.memory_space<hbm>>
    tpu.enqueue_dma source(%dma_start3A_167 : memref<16x512xf32, #tpu.memory_space<hbm>>) target(%dma_start3A_165 : memref<16x512xf32, #tpu.memory_space<vmem>>) target_semaphore(%arg19 : memref<!tpu.dma_semaphore, #tpu.memory_space<semaphore_mem>>)
    %scan3A_168 = arith.constant 0 : i32
    %scan3A_169 = arith.constant 0 : i32
    %scan3A_170 = arith.constant 20 : i32
    %scan3A_171 = arith.addi %scan3A_169, %scan3A_170 : i32
    %scan3A_172 = arith.constant 1 : i32
    scf.for %scan3A_302 = %scan3A_169 to %scan3A_171 step %scan3A_172  : i32 {
      %mul3A_303 = arith.constant 3 : i32
      %mul3A_304 = arith.muli %scan3A_302, %mul3A_303 : i32
      %get3A_305 = arith.index_cast %mul3A_304 : i32 to index
      %get3A_306 = tpu.vector_load %arg12[%get3A_305] {strides = array<i32>} : memref<256xi32, #tpu.memory_space<vmem>>, vector<16xi32>,
      %mul3A_307 = arith.constant 3 : i32
      %mul3A_308 = arith.muli %scan3A_302, %mul3A_307 : i32
      %add3A_309 = arith.constant 0 : i32
      %add3A_310 = arith.addi %mul3A_308, %add3A_309 : i32
      %dma_wait3A_311 = arith.constant 0 : i32
      %dma_wait3A_312 = arith.constant 0 : i32
      %dma_wait3A_313 = arith.constant 0 : i32
      %dma_wait3A_314 = arith.constant 0 : i32
      %dma_wait3A_315 = tpu.memref_slice %arg15[%dma_wait3A_311, %dma_wait3A_312, %dma_wait3A_313, %dma_wait3A_314] : memref<3x2x16x512xf32, #tpu.memory_space<vmem>> -> memref<1x1x16x512xf32, #tpu.memory_space<vmem>>
      %dma_wait3A_316 = tpu.memref_squeeze %dma_wait3A_315 : memref<1x1x16x512xf32, #tpu.memory_space<vmem>> -> memref<16x512xf32, #tpu.memory_space<vmem>>
      %dma_wait3A_317 = arith.constant 0 : i32
      %dma_wait3A_318 = arith.constant 0 : i32
      %dma_wait3A_319 = tpu.memref_slice %arg3[%dma_wait3A_317, %dma_wait3A_318] : memref<16x1000000xf32, #tpu.memory_space<hbm>> -> memref<16x512xf32, #tpu.memory_space<hbm>>
      %dma_wait3A_320 = arith.constant 0 : i32
      %dma_wait3A_321 = arith.constant 0 : i32
      %dma_wait3A_322 = tpu.memref_slice %arg15[%dma_wait3A_311, %dma_wait3A_312, %dma_wait3A_320, %dma_wait3A_321] : memref<3x2x16x512xf32, #tpu.memory_space<vmem>> -> memref<1x1x16x512xf32, #tpu.memory_space<vmem>>
      %dma_wait3A_323 = tpu.memref_squeeze %dma_wait3A_322 : memref<1x1x16x512xf32, #tpu.memory_space<vmem>> -> memref<16x512xf32, #tpu.memory_space<vmem>>
      %dma_wait3A_324 = arith.constant 0 : i32
      %dma_wait3A_325 = arith.constant 0 : i32
      %dma_wait3A_326 = tpu.memref_slice %arg3[%dma_wait3A_324, %dma_wait3A_325] : memref<16x1000000xf32, #tpu.memory_space<hbm>> -> memref<16x512xf32, #tpu.memory_space<hbm>>
      tpu.wait_dma2 semaphore(%arg18 : memref<!tpu.dma_semaphore, #tpu.memory_space<semaphore_mem>>) src(%dma_wait3A_326 : memref<16x512xf32, #tpu.memory_space<hbm>>) dst(%dma_wait3A_323 : memref<16x512xf32, #tpu.memory_space<vmem>>)
      %dma_wait3A_327 = arith.constant 0 : i32
      %dma_wait3A_328 = arith.constant 1 : i32
      %dma_wait3A_329 = arith.constant 0 : i32
      %dma_wait3A_330 = arith.constant 0 : i32
      %dma_wait3A_331 = tpu.memref_slice %arg15[%dma_wait3A_327, %dma_wait3A_328, %dma_wait3A_329, %dma_wait3A_330] : memref<3x2x16x512xf32, #tpu.memory_space<vmem>> -> memref<1x1x16x512xf32, #tpu.memory_space<vmem>>
      %dma_wait3A_332 = tpu.memref_squeeze %dma_wait3A_331 : memref<1x1x16x512xf32, #tpu.memory_space<vmem>> -> memref<16x512xf32, #tpu.memory_space<vmem>>
      %dma_wait3A_333 = arith.constant 0 : i32
      %dma_wait3A_334 = arith.constant 0 : i32
      %dma_wait3A_335 = tpu.memref_slice %arg3[%dma_wait3A_333, %dma_wait3A_334] : memref<16x1000000xf32, #tpu.memory_space<hbm>> -> memref<16x512xf32, #tpu.memory_space<hbm>>
      %dma_wait3A_336 = arith.constant 0 : i32
      %dma_wait3A_337 = arith.constant 0 : i32
      %dma_wait3A_338 = tpu.memref_slice %arg15[%dma_wait3A_327, %dma_wait3A_328, %dma_wait3A_336, %dma_wait3A_337] : memref<3x2x16x512xf32, #tpu.memory_space<vmem>> -> memref<1x1x16x512xf32, #tpu.memory_space<vmem>>
      %dma_wait3A_339 = tpu.memref_squeeze %dma_wait3A_338 : memref<1x1x16x512xf32, #tpu.memory_space<vmem>> -> memref<16x512xf32, #tpu.memory_space<vmem>>
      %dma_wait3A_340 = arith.constant 0 : i32
      %dma_wait3A_341 = arith.constant 0 : i32
      %dma_wait3A_342 = tpu.memref_slice %arg3[%dma_wait3A_340, %dma_wait3A_341] : memref<16x1000000xf32, #tpu.memory_space<hbm>> -> memref<16x512xf32, #tpu.memory_space<hbm>>
      tpu.wait_dma2 semaphore(%arg18 : memref<!tpu.dma_semaphore, #tpu.memory_space<semaphore_mem>>) src(%dma_wait3A_342 : memref<16x512xf32, #tpu.memory_space<hbm>>) dst(%dma_wait3A_339 : memref<16x512xf32, #tpu.memory_space<vmem>>)
      %slice3A_343 = vector.extract_strided_slice %get3A_306 {offsets = [0], sizes = [1], strides = [1]} : vector<16xi32> to vector<1xi32>
      %squeeze3A_344 = vector.extract %slice3A_343[0] : i32 from vector<1xi32>
      %slice3A_345 = vector.extract_strided_slice %get3A_306 {offsets = [1], sizes = [1], strides = [1]} : vector<16xi32> to vector<1xi32>
      %squeeze3A_346 = vector.extract %slice3A_345[0] : i32 from vector<1xi32>
      %while3A_347 = arith.constant 0 : i32
      %while3A_348 = arith.constant 0 : i32
      %while3A_349 = arith.subi %squeeze3A_346, %squeeze3A_344 : i32
      %while3A_350 = arith.addi %squeeze3A_344, %while3A_349 : i32
      %while3A_351 = arith.constant 1 : i32
      %while3A_352 = arith.divsi %while3A_349, %while3A_351 : i32
      %while3A_353 = arith.muli %while3A_352, %while3A_351 : i32
      %while3A_354 = arith.addi %squeeze3A_344, %while3A_353 : i32
      %while3A_355 = arith.constant 1 : i32
      scf.for %while3A_579 = %squeeze3A_344 to %while3A_354 step %while3A_355  : i32 {
        %broadcast_in_dim3A_580 = vector.broadcast %while3A_579 : i32 to vector<16xi32>
        %gather3A = tpu.vector_load_idx %arg13[%broadcast_in_dim3A_580] : memref<576xi32, #tpu.memory_space<vmem>>[vector<16xi32>], vector<16xi32>,
        %gather3A_581 = tpu.vector_load_idx %arg11[%gather3A] : memref<576xi32, #tpu.memory_space<vmem>>[vector<16xi32>], vector<16xi32>,
        %and3A = arith.constant 511 : i32
        %and3A_582 = vector.broadcast %and3A : i32 to vector<16xi32>
        %and3A_583 = arith.andi %gather3A_581, %and3A_582 : vector<16xi32>
        %add3A_584 = arith.constant 0 : i32
        %add3A_585 = vector.broadcast %add3A_584 : i32 to vector<16xi32>
        %add3A_586 = arith.addi %add3A_585, %iota3A : vector<16xi32>
        %gather3A_587 = tpu.vector_load_idx %arg14[%gather3A, %add3A_586] : memref<576x128xf32, #tpu.memory_space<vmem>>[vector<16xi32>, vector<16xi32>], vector<16xf32>,
        %gather3A_588 = arith.constant 0 : i32
        %gather3A_589 = arith.constant 0 : i32
        %gather3A_590 = arith.constant 0 : i32
        %gather3A_591 = arith.constant 0 : i32
        %gather3A_592 = tpu.memref_slice %arg15[%while3A_348, %gather3A_589, %gather3A_590, %gather3A_591] : memref<3x2x16x512xf32, #tpu.memory_space<vmem>> -> memref<1x2x16x512xf32, #tpu.memory_space<vmem>>
        %gather3A_593 = tpu.memref_squeeze %gather3A_592 : memref<1x2x16x512xf32, #tpu.memory_space<vmem>> -> memref<2x16x512xf32, #tpu.memory_space<vmem>>
        %gather3A_594 = arith.constant 0 : i32
        %gather3A_595 = arith.constant 0 : i32
        %gather3A_596 = tpu.memref_slice %gather3A_593[%gather3A_588, %gather3A_594, %gather3A_595] : memref<2x16x512xf32, #tpu.memory_space<vmem>> -> memref<1x16x512xf32, #tpu.memory_space<vmem>>
        %gather3A_597 = tpu.memref_squeeze %gather3A_596 : memref<1x16x512xf32, #tpu.memory_space<vmem>> -> memref<16x512xf32, #tpu.memory_space<vmem>>
        %gather3A_598 = tpu.vector_load_idx %gather3A_597[%iota3A, %and3A_583] : memref<16x512xf32, #tpu.memory_space<vmem>>[vector<16xi32>, vector<16xi32>], vector<16xf32>,
        %mul3A_599 = arith.mulf %get3A_1, %gather3A_598 : vector<16xf32>
        %add3A_600 = arith.addf %mul3A_599, %gather3A_587 : vector<16xf32>
        %mul3A_601 = arith.mulf %add3A_600, %add3A_600 : vector<16xf32>
        %reduce_sum3A = arith.constant true
        %reduce_sum3A_602 = vector.broadcast %reduce_sum3A : i1 to vector<16xi1>
        %reduce_sum3A_603 = tpu.scan <sum>, %mul3A_601 masked %reduce_sum3A_602 : vector<16xf32>, vector<16xi1> -> vector<16xf32>
        %reduce_sum3A_604 = vector.extract %reduce_sum3A_603[15] : f32 from vector<16xf32>
        %broadcast_in_dim3A_605 = vector.broadcast %reduce_sum3A_604 : f32 to vector<16xf32>
        %max3A = arith.maximumf %broadcast_in_dim3A_605, %broadcast_in_dim3A_2 : vector<16xf32>
        %bitcast3A = vector.bitcast %max3A : vector<16xf32> to vector<16xi32>
        %shift_right_arithmetic3A = arith.constant 1 : i32
        %shift_right_arithmetic3A_606 = vector.broadcast %shift_right_arithmetic3A : i32 to vector<16xi32>
        %shift_right_arithmetic3A_607 = arith.shrsi %bitcast3A, %shift_right_arithmetic3A_606 : vector<16xi32>
        %sub3A = arith.constant 1597463007 : i32
        %sub3A_608 = vector.broadcast %sub3A : i32 to vector<16xi32>
        %sub3A_609 = arith.subi %sub3A_608, %shift_right_arithmetic3A_607 : vector<16xi32>
        %bitcast3A_610 = vector.bitcast %sub3A_609 : vector<16xi32> to vector<16xf32>
        %mul3A_611 = arith.constant 5.000000e-01 : f32
        %mul3A_612 = vector.broadcast %mul3A_611 : f32 to vector<16xf32>
        %mul3A_613 = arith.mulf %mul3A_612, %max3A : vector<16xf32>
        %mul3A_614 = arith.mulf %mul3A_613, %bitcast3A_610 : vector<16xf32>
        %mul3A_615 = arith.mulf %mul3A_614, %bitcast3A_610 : vector<16xf32>
        %sub3A_616 = arith.constant 1.500000e+00 : f32
        %sub3A_617 = vector.broadcast %sub3A_616 : f32 to vector<16xf32>
        %sub3A_618 = arith.subf %sub3A_617, %mul3A_615 : vector<16xf32>
        %mul3A_619 = arith.mulf %bitcast3A_610, %sub3A_618 : vector<16xf32>
        %mul3A_620 = arith.constant 5.000000e-01 : f32
        %mul3A_621 = vector.broadcast %mul3A_620 : f32 to vector<16xf32>
        %mul3A_622 = arith.mulf %mul3A_621, %max3A : vector<16xf32>
        %mul3A_623 = arith.mulf %mul3A_622, %mul3A_619 : vector<16xf32>
        %mul3A_624 = arith.mulf %mul3A_623, %mul3A_619 : vector<16xf32>
        %sub3A_625 = arith.constant 1.500000e+00 : f32
        %sub3A_626 = vector.broadcast %sub3A_625 : f32 to vector<16xf32>
        %sub3A_627 = arith.subf %sub3A_626, %mul3A_624 : vector<16xf32>
        %mul3A_628 = arith.mulf %mul3A_619, %sub3A_627 : vector<16xf32>
        %mul3A_629 = arith.constant 5.000000e-01 : f32
        %mul3A_630 = vector.broadcast %mul3A_629 : f32 to vector<16xf32>
        %mul3A_631 = arith.mulf %mul3A_630, %max3A : vector<16xf32>
        %mul3A_632 = arith.mulf %mul3A_631, %mul3A_628 : vector<16xf32>
        %mul3A_633 = arith.mulf %mul3A_632, %mul3A_628 : vector<16xf32>
        %sub3A_634 = arith.constant 1.500000e+00 : f32
        %sub3A_635 = vector.broadcast %sub3A_634 : f32 to vector<16xf32>
        %sub3A_636 = arith.subf %sub3A_635, %mul3A_633 : vector<16xf32>
        %mul3A_637 = arith.mulf %mul3A_628, %sub3A_636 : vector<16xf32>
        %mul3A_638 = arith.mulf %add3A_600, %mul3A_637 : vector<16xf32>
        %scatter3A = arith.constant 0 : i32
        %scatter3A_639 = arith.constant 0 : i32
        %scatter3A_640 = arith.constant 0 : i32
        %scatter3A_641 = arith.constant 0 : i32
        %scatter3A_642 = tpu.memref_slice %arg15[%while3A_348, %scatter3A_639, %scatter3A_640, %scatter3A_641] : memref<3x2x16x512xf32, #tpu.memory_space<vmem>> -> memref<1x2x16x512xf32, #tpu.memory_space<vmem>>
        %scatter3A_643 = tpu.memref_squeeze %scatter3A_642 : memref<1x2x16x512xf32, #tpu.memory_space<vmem>> -> memref<2x16x512xf32, #tpu.memory_space<vmem>>
        %scatter3A_644 = arith.constant 0 : i32
        %scatter3A_645 = arith.constant 0 : i32
        %scatter3A_646 = tpu.memref_slice %scatter3A_643[%scatter3A, %scatter3A_644, %scatter3A_645] : memref<2x16x512xf32, #tpu.memory_space<vmem>> -> memref<1x16x512xf32, #tpu.memory_space<vmem>>
        %scatter3A_647 = tpu.memref_squeeze %scatter3A_646 : memref<1x16x512xf32, #tpu.memory_space<vmem>> -> memref<16x512xf32, #tpu.memory_space<vmem>>
        tpu.vector_store_idx %scatter3A_647[%iota3A, %and3A_583], %mul3A_638 : memref<16x512xf32, #tpu.memory_space<vmem>>[vector<16xi32>, vector<16xi32>], vector<16xf32>,
        %add3A_648 = arith.constant 16 : i32
        %add3A_649 = vector.broadcast %add3A_648 : i32 to vector<16xi32>
        %add3A_650 = arith.addi %add3A_649, %iota3A : vector<16xi32>
        %gather3A_651 = tpu.vector_load_idx %arg14[%gather3A, %add3A_650] : memref<576x128xf32, #tpu.memory_space<vmem>>[vector<16xi32>, vector<16xi32>], vector<16xf32>,
        %gather3A_652 = arith.constant 1 : i32
        %gather3A_653 = arith.constant 0 : i32
        %gather3A_654 = arith.constant 0 : i32
        %gather3A_655 = arith.constant 0 : i32
        %gather3A_656 = tpu.memref_slice %arg15[%while3A_348, %gather3A_653, %gather3A_654, %gather3A_655] : memref<3x2x16x512xf32, #tpu.memory_space<vmem>> -> memref<1x2x16x512xf32, #tpu.memory_space<vmem>>
        %gather3A_657 = tpu.memref_squeeze %gather3A_656 : memref<1x2x16x512xf32, #tpu.memory_space<vmem>> -> memref<2x16x512xf32, #tpu.memory_space<vmem>>
        %gather3A_658 = arith.constant 0 : i32
        %gather3A_659 = arith.constant 0 : i32
        %gather3A_660 = tpu.memref_slice %gather3A_657[%gather3A_652, %gather3A_658, %gather3A_659] : memref<2x16x512xf32, #tpu.memory_space<vmem>> -> memref<1x16x512xf32, #tpu.memory_space<vmem>>
        %gather3A_661 = tpu.memref_squeeze %gather3A_660 : memref<1x16x512xf32, #tpu.memory_space<vmem>> -> memref<16x512xf32, #tpu.memory_space<vmem>>
        %gather3A_662 = tpu.vector_load_idx %gather3A_661[%iota3A, %and3A_583] : memref<16x512xf32, #tpu.memory_space<vmem>>[vector<16xi32>, vector<16xi32>], vector<16xf32>,
        %mul3A_663 = arith.mulf %get3A_1, %gather3A_662 : vector<16xf32>
        %add3A_664 = arith.addf %mul3A_663, %gather3A_651 : vector<16xf32>
        %mul3A_665 = arith.mulf %add3A_664, %add3A_664 : vector<16xf32>
        %reduce_sum3A_666 = arith.constant true
        %reduce_sum3A_667 = vector.broadcast %reduce_sum3A_666 : i1 to vector<16xi1>
        %reduce_sum3A_668 = tpu.scan <sum>, %mul3A_665 masked %reduce_sum3A_667 : vector<16xf32>, vector<16xi1> -> vector<16xf32>
        %reduce_sum3A_669 = vector.extract %reduce_sum3A_668[15] : f32 from vector<16xf32>
        %broadcast_in_dim3A_670 = vector.broadcast %reduce_sum3A_669 : f32 to vector<16xf32>
        %max3A_671 = arith.maximumf %broadcast_in_dim3A_670, %broadcast_in_dim3A_2 : vector<16xf32>
        %bitcast3A_672 = vector.bitcast %max3A_671 : vector<16xf32> to vector<16xi32>
        %shift_right_arithmetic3A_673 = arith.constant 1 : i32
        %shift_right_arithmetic3A_674 = vector.broadcast %shift_right_arithmetic3A_673 : i32 to vector<16xi32>
        %shift_right_arithmetic3A_675 = arith.shrsi %bitcast3A_672, %shift_right_arithmetic3A_674 : vector<16xi32>
        %sub3A_676 = arith.constant 1597463007 : i32
        %sub3A_677 = vector.broadcast %sub3A_676 : i32 to vector<16xi32>
        %sub3A_678 = arith.subi %sub3A_677, %shift_right_arithmetic3A_675 : vector<16xi32>
        %bitcast3A_679 = vector.bitcast %sub3A_678 : vector<16xi32> to vector<16xf32>
        %mul3A_680 = arith.constant 5.000000e-01 : f32
        %mul3A_681 = vector.broadcast %mul3A_680 : f32 to vector<16xf32>
        %mul3A_682 = arith.mulf %mul3A_681, %max3A_671 : vector<16xf32>
        %mul3A_683 = arith.mulf %mul3A_682, %bitcast3A_679 : vector<16xf32>
        %mul3A_684 = arith.mulf %mul3A_683, %bitcast3A_679 : vector<16xf32>
        %sub3A_685 = arith.constant 1.500000e+00 : f32
        %sub3A_686 = vector.broadcast %sub3A_685 : f32 to vector<16xf32>
        %sub3A_687 = arith.subf %sub3A_686, %mul3A_684 : vector<16xf32>
        %mul3A_688 = arith.mulf %bitcast3A_679, %sub3A_687 : vector<16xf32>
        %mul3A_689 = arith.constant 5.000000e-01 : f32
        %mul3A_690 = vector.broadcast %mul3A_689 : f32 to vector<16xf32>
        %mul3A_691 = arith.mulf %mul3A_690, %max3A_671 : vector<16xf32>
        %mul3A_692 = arith.mulf %mul3A_691, %mul3A_688 : vector<16xf32>
        %mul3A_693 = arith.mulf %mul3A_692, %mul3A_688 : vector<16xf32>
        %sub3A_694 = arith.constant 1.500000e+00 : f32
        %sub3A_695 = vector.broadcast %sub3A_694 : f32 to vector<16xf32>
        %sub3A_696 = arith.subf %sub3A_695, %mul3A_693 : vector<16xf32>
        %mul3A_697 = arith.mulf %mul3A_688, %sub3A_696 : vector<16xf32>
        %mul3A_698 = arith.constant 5.000000e-01 : f32
        %mul3A_699 = vector.broadcast %mul3A_698 : f32 to vector<16xf32>
        %mul3A_700 = arith.mulf %mul3A_699, %max3A_671 : vector<16xf32>
        %mul3A_701 = arith.mulf %mul3A_700, %mul3A_697 : vector<16xf32>
        %mul3A_702 = arith.mulf %mul3A_701, %mul3A_697 : vector<16xf32>
        %sub3A_703 = arith.constant 1.500000e+00 : f32
        %sub3A_704 = vector.broadcast %sub3A_703 : f32 to vector<16xf32>
        %sub3A_705 = arith.subf %sub3A_704, %mul3A_702 : vector<16xf32>
        %mul3A_706 = arith.mulf %mul3A_697, %sub3A_705 : vector<16xf32>
        %mul3A_707 = arith.mulf %add3A_664, %mul3A_706 : vector<16xf32>
        %scatter3A_708 = arith.constant 1 : i32
        %scatter3A_709 = arith.constant 0 : i32
        %scatter3A_710 = arith.constant 0 : i32
        %scatter3A_711 = arith.constant 0 : i32
        %scatter3A_712 = tpu.memref_slice %arg15[%while3A_348, %scatter3A_709, %scatter3A_710, %scatter3A_711] : memref<3x2x16x512xf32, #tpu.memory_space<vmem>> -> memref<1x2x16x512xf32, #tpu.memory_space<vmem>>
        %scatter3A_713 = tpu.memref_squeeze %scatter3A_712 : memref<1x2x16x512xf32, #tpu.memory_space<vmem>> -> memref<2x16x512xf32, #tpu.memory_space<vmem>>
        %scatter3A_714 = arith.constant 0 : i32
        %scatter3A_715 = arith.constant 0 : i32
        %scatter3A_716 = tpu.memref_slice %scatter3A_713[%scatter3A_708, %scatter3A_714, %scatter3A_715] : memref<2x16x512xf32, #tpu.memory_space<vmem>> -> memref<1x16x512xf32, #tpu.memory_space<vmem>>
        %scatter3A_717 = tpu.memref_squeeze %scatter3A_716 : memref<1x16x512xf32, #tpu.memory_space<vmem>> -> memref<16x512xf32, #tpu.memory_space<vmem>>
        tpu.vector_store_idx %scatter3A_717[%iota3A, %and3A_583], %mul3A_707 : memref<16x512xf32, #tpu.memory_space<vmem>>[vector<16xi32>, vector<16xi32>], vector<16xf32>,
      }
      %while3A_356 = arith.constant 1 : i32
      scf.for %while3A_579 = %while3A_354 to %while3A_350 step %while3A_356  : i32 {
        %broadcast_in_dim3A_580 = vector.broadcast %while3A_579 : i32 to vector<16xi32>
        %gather3A = tpu.vector_load_idx %arg13[%broadcast_in_dim3A_580] : memref<576xi32, #tpu.memory_space<vmem>>[vector<16xi32>], vector<16xi32>,
        %gather3A_581 = tpu.vector_load_idx %arg11[%gather3A] : memref<576xi32, #tpu.memory_space<vmem>>[vector<16xi32>], vector<16xi32>,
        %and3A = arith.constant 511 : i32
        %and3A_582 = vector.broadcast %and3A : i32 to vector<16xi32>
        %and3A_583 = arith.andi %gather3A_581, %and3A_582 : vector<16xi32>
        %add3A_584 = arith.constant 0 : i32
        %add3A_585 = vector.broadcast %add3A_584 : i32 to vector<16xi32>
        %add3A_586 = arith.addi %add3A_585, %iota3A : vector<16xi32>
        %gather3A_587 = tpu.vector_load_idx %arg14[%gather3A, %add3A_586] : memref<576x128xf32, #tpu.memory_space<vmem>>[vector<16xi32>, vector<16xi32>], vector<16xf32>,
        %gather3A_588 = arith.constant 0 : i32
        %gather3A_589 = arith.constant 0 : i32
        %gather3A_590 = arith.constant 0 : i32
        %gather3A_591 = arith.constant 0 : i32
        %gather3A_592 = tpu.memref_slice %arg15[%while3A_348, %gather3A_589, %gather3A_590, %gather3A_591] : memref<3x2x16x512xf32, #tpu.memory_space<vmem>> -> memref<1x2x16x512xf32, #tpu.memory_space<vmem>>
        %gather3A_593 = tpu.memref_squeeze %gather3A_592 : memref<1x2x16x512xf32, #tpu.memory_space<vmem>> -> memref<2x16x512xf32, #tpu.memory_space<vmem>>
        %gather3A_594 = arith.constant 0 : i32
        %gather3A_595 = arith.constant 0 : i32
        %gather3A_596 = tpu.memref_slice %gather3A_593[%gather3A_588, %gather3A_594, %gather3A_595] : memref<2x16x512xf32, #tpu.memory_space<vmem>> -> memref<1x16x512xf32, #tpu.memory_space<vmem>>
        %gather3A_597 = tpu.memref_squeeze %gather3A_596 : memref<1x16x512xf32, #tpu.memory_space<vmem>> -> memref<16x512xf32, #tpu.memory_space<vmem>>
        %gather3A_598 = tpu.vector_load_idx %gather3A_597[%iota3A, %and3A_583] : memref<16x512xf32, #tpu.memory_space<vmem>>[vector<16xi32>, vector<16xi32>], vector<16xf32>,
        %mul3A_599 = arith.mulf %get3A_1, %gather3A_598 : vector<16xf32>
        %add3A_600 = arith.addf %mul3A_599, %gather3A_587 : vector<16xf32>
        %mul3A_601 = arith.mulf %add3A_600, %add3A_600 : vector<16xf32>
        %reduce_sum3A = arith.constant true
        %reduce_sum3A_602 = vector.broadcast %reduce_sum3A : i1 to vector<16xi1>
        %reduce_sum3A_603 = tpu.scan <sum>, %mul3A_601 masked %reduce_sum3A_602 : vector<16xf32>, vector<16xi1> -> vector<16xf32>
        %reduce_sum3A_604 = vector.extract %reduce_sum3A_603[15] : f32 from vector<16xf32>
        %broadcast_in_dim3A_605 = vector.broadcast %reduce_sum3A_604 : f32 to vector<16xf32>
        %max3A = arith.maximumf %broadcast_in_dim3A_605, %broadcast_in_dim3A_2 : vector<16xf32>
        %bitcast3A = vector.bitcast %max3A : vector<16xf32> to vector<16xi32>
        %shift_right_arithmetic3A = arith.constant 1 : i32
        %shift_right_arithmetic3A_606 = vector.broadcast %shift_right_arithmetic3A : i32 to vector<16xi32>
        %shift_right_arithmetic3A_607 = arith.shrsi %bitcast3A, %shift_right_arithmetic3A_606 : vector<16xi32>
        %sub3A = arith.constant 1597463007 : i32
        %sub3A_608 = vector.broadcast %sub3A : i32 to vector<16xi32>
        %sub3A_609 = arith.subi %sub3A_608, %shift_right_arithmetic3A_607 : vector<16xi32>
        %bitcast3A_610 = vector.bitcast %sub3A_609 : vector<16xi32> to vector<16xf32>
        %mul3A_611 = arith.constant 5.000000e-01 : f32
        %mul3A_612 = vector.broadcast %mul3A_611 : f32 to vector<16xf32>
        %mul3A_613 = arith.mulf %mul3A_612, %max3A : vector<16xf32>
        %mul3A_614 = arith.mulf %mul3A_613, %bitcast3A_610 : vector<16xf32>
        %mul3A_615 = arith.mulf %mul3A_614, %bitcast3A_610 : vector<16xf32>
        %sub3A_616 = arith.constant 1.500000e+00 : f32
        %sub3A_617 = vector.broadcast %sub3A_616 : f32 to vector<16xf32>
        %sub3A_618 = arith.subf %sub3A_617, %mul3A_615 : vector<16xf32>
        %mul3A_619 = arith.mulf %bitcast3A_610, %sub3A_618 : vector<16xf32>
        %mul3A_620 = arith.constant 5.000000e-01 : f32
        %mul3A_621 = vector.broadcast %mul3A_620 : f32 to vector<16xf32>
        %mul3A_622 = arith.mulf %mul3A_621, %max3A : vector<16xf32>
        %mul3A_623 = arith.mulf %mul3A_622, %mul3A_619 : vector<16xf32>
        %mul3A_624 = arith.mulf %mul3A_623, %mul3A_619 : vector<16xf32>
        %sub3A_625 = arith.constant 1.500000e+00 : f32
        %sub3A_626 = vector.broadcast %sub3A_625 : f32 to vector<16xf32>
        %sub3A_627 = arith.subf %sub3A_626, %mul3A_624 : vector<16xf32>
        %mul3A_628 = arith.mulf %mul3A_619, %sub3A_627 : vector<16xf32>
        %mul3A_629 = arith.constant 5.000000e-01 : f32
        %mul3A_630 = vector.broadcast %mul3A_629 : f32 to vector<16xf32>
        %mul3A_631 = arith.mulf %mul3A_630, %max3A : vector<16xf32>
        %mul3A_632 = arith.mulf %mul3A_631, %mul3A_628 : vector<16xf32>
        %mul3A_633 = arith.mulf %mul3A_632, %mul3A_628 : vector<16xf32>
        %sub3A_634 = arith.constant 1.500000e+00 : f32
        %sub3A_635 = vector.broadcast %sub3A_634 : f32 to vector<16xf32>
        %sub3A_636 = arith.subf %sub3A_635, %mul3A_633 : vector<16xf32>
        %mul3A_637 = arith.mulf %mul3A_628, %sub3A_636 : vector<16xf32>
        %mul3A_638 = arith.mulf %add3A_600, %mul3A_637 : vector<16xf32>
        %scatter3A = arith.constant 0 : i32
        %scatter3A_639 = arith.constant 0 : i32
        %scatter3A_640 = arith.constant 0 : i32
        %scatter3A_641 = arith.constant 0 : i32
        %scatter3A_642 = tpu.memref_slice %arg15[%while3A_348, %scatter3A_639, %scatter3A_640, %scatter3A_641] : memref<3x2x16x512xf32, #tpu.memory_space<vmem>> -> memref<1x2x16x512xf32, #tpu.memory_space<vmem>>
        %scatter3A_643 = tpu.memref_squeeze %scatter3A_642 : memref<1x2x16x512xf32, #tpu.memory_space<vmem>> -> memref<2x16x512xf32, #tpu.memory_space<vmem>>
        %scatter3A_644 = arith.constant 0 : i32
        %scatter3A_645 = arith.constant 0 : i32
        %scatter3A_646 = tpu.memref_slice %scatter3A_643[%scatter3A, %scatter3A_644, %scatter3A_645] : memref<2x16x512xf32, #tpu.memory_space<vmem>> -> memref<1x16x512xf32, #tpu.memory_space<vmem>>
        %scatter3A_647 = tpu.memref_squeeze %scatter3A_646 : memref<1x16x512xf32, #tpu.memory_space<vmem>> -> memref<16x512xf32, #tpu.memory_space<vmem>>
        tpu.vector_store_idx %scatter3A_647[%iota3A, %and3A_583], %mul3A_638 : memref<16x512xf32, #tpu.memory_space<vmem>>[vector<16xi32>, vector<16xi32>], vector<16xf32>,
        %add3A_648 = arith.constant 16 : i32
        %add3A_649 = vector.broadcast %add3A_648 : i32 to vector<16xi32>
        %add3A_650 = arith.addi %add3A_649, %iota3A : vector<16xi32>
        %gather3A_651 = tpu.vector_load_idx %arg14[%gather3A, %add3A_650] : memref<576x128xf32, #tpu.memory_space<vmem>>[vector<16xi32>, vector<16xi32>], vector<16xf32>,
        %gather3A_652 = arith.constant 1 : i32
        %gather3A_653 = arith.constant 0 : i32
        %gather3A_654 = arith.constant 0 : i32
        %gather3A_655 = arith.constant 0 : i32
        %gather3A_656 = tpu.memref_slice %arg15[%while3A_348, %gather3A_653, %gather3A_654, %gather3A_655] : memref<3x2x16x512xf32, #tpu.memory_space<vmem>> -> memref<1x2x16x512xf32, #tpu.memory_space<vmem>>
        %gather3A_657 = tpu.memref_squeeze %gather3A_656 : memref<1x2x16x512xf32, #tpu.memory_space<vmem>> -> memref<2x16x512xf32, #tpu.memory_space<vmem>>
        %gather3A_658 = arith.constant 0 : i32
        %gather3A_659 = arith.constant 0 : i32
        %gather3A_660 = tpu.memref_slice %gather3A_657[%gather3A_652, %gather3A_658, %gather3A_659] : memref<2x16x512xf32, #tpu.memory_space<vmem>> -> memref<1x16x512xf32, #tpu.memory_space<vmem>>
        %gather3A_661 = tpu.memref_squeeze %gather3A_660 : memref<1x16x512xf32, #tpu.memory_space<vmem>> -> memref<16x512xf32, #tpu.memory_space<vmem>>
        %gather3A_662 = tpu.vector_load_idx %gather3A_661[%iota3A, %and3A_583] : memref<16x512xf32, #tpu.memory_space<vmem>>[vector<16xi32>, vector<16xi32>], vector<16xf32>,
        %mul3A_663 = arith.mulf %get3A_1, %gather3A_662 : vector<16xf32>
        %add3A_664 = arith.addf %mul3A_663, %gather3A_651 : vector<16xf32>
        %mul3A_665 = arith.mulf %add3A_664, %add3A_664 : vector<16xf32>
        %reduce_sum3A_666 = arith.constant true
        %reduce_sum3A_667 = vector.broadcast %reduce_sum3A_666 : i1 to vector<16xi1>
        %reduce_sum3A_668 = tpu.scan <sum>, %mul3A_665 masked %reduce_sum3A_667 : vector<16xf32>, vector<16xi1> -> vector<16xf32>
        %reduce_sum3A_669 = vector.extract %reduce_sum3A_668[15] : f32 from vector<16xf32>
        %broadcast_in_dim3A_670 = vector.broadcast %reduce_sum3A_669 : f32 to vector<16xf32>
        %max3A_671 = arith.maximumf %broadcast_in_dim3A_670, %broadcast_in_dim3A_2 : vector<16xf32>
        %bitcast3A_672 = vector.bitcast %max3A_671 : vector<16xf32> to vector<16xi32>
        %shift_right_arithmetic3A_673 = arith.constant 1 : i32
        %shift_right_arithmetic3A_674 = vector.broadcast %shift_right_arithmetic3A_673 : i32 to vector<16xi32>
        %shift_right_arithmetic3A_675 = arith.shrsi %bitcast3A_672, %shift_right_arithmetic3A_674 : vector<16xi32>
        %sub3A_676 = arith.constant 1597463007 : i32
        %sub3A_677 = vector.broadcast %sub3A_676 : i32 to vector<16xi32>
        %sub3A_678 = arith.subi %sub3A_677, %shift_right_arithmetic3A_675 : vector<16xi32>
        %bitcast3A_679 = vector.bitcast %sub3A_678 : vector<16xi32> to vector<16xf32>
        %mul3A_680 = arith.constant 5.000000e-01 : f32
        %mul3A_681 = vector.broadcast %mul3A_680 : f32 to vector<16xf32>
        %mul3A_682 = arith.mulf %mul3A_681, %max3A_671 : vector<16xf32>
        %mul3A_683 = arith.mulf %mul3A_682, %bitcast3A_679 : vector<16xf32>
        %mul3A_684 = arith.mulf %mul3A_683, %bitcast3A_679 : vector<16xf32>
        %sub3A_685 = arith.constant 1.500000e+00 : f32
        %sub3A_686 = vector.broadcast %sub3A_685 : f32 to vector<16xf32>
        %sub3A_687 = arith.subf %sub3A_686, %mul3A_684 : vector<16xf32>
        %mul3A_688 = arith.mulf %bitcast3A_679, %sub3A_687 : vector<16xf32>
        %mul3A_689 = arith.constant 5.000000e-01 : f32
        %mul3A_690 = vector.broadcast %mul3A_689 : f32 to vector<16xf32>
        %mul3A_691 = arith.mulf %mul3A_690, %max3A_671 : vector<16xf32>
        %mul3A_692 = arith.mulf %mul3A_691, %mul3A_688 : vector<16xf32>
        %mul3A_693 = arith.mulf %mul3A_692, %mul3A_688 : vector<16xf32>
        %sub3A_694 = arith.constant 1.500000e+00 : f32
        %sub3A_695 = vector.broadcast %sub3A_694 : f32 to vector<16xf32>
        %sub3A_696 = arith.subf %sub3A_695, %mul3A_693 : vector<16xf32>
        %mul3A_697 = arith.mulf %mul3A_688, %sub3A_696 : vector<16xf32>
        %mul3A_698 = arith.constant 5.000000e-01 : f32
        %mul3A_699 = vector.broadcast %mul3A_698 : f32 to vector<16xf32>
        %mul3A_700 = arith.mulf %mul3A_699, %max3A_671 : vector<16xf32>
        %mul3A_701 = arith.mulf %mul3A_700, %mul3A_697 : vector<16xf32>
        %mul3A_702 = arith.mulf %mul3A_701, %mul3A_697 : vector<16xf32>
        %sub3A_703 = arith.constant 1.500000e+00 : f32
        %sub3A_704 = vector.broadcast %sub3A_703 : f32 to vector<16xf32>
        %sub3A_705 = arith.subf %sub3A_704, %mul3A_702 : vector<16xf32>
        %mul3A_706 = arith.mulf %mul3A_697, %sub3A_705 : vector<16xf32>
        %mul3A_707 = arith.mulf %add3A_664, %mul3A_706 : vector<16xf32>
        %scatter3A_708 = arith.constant 1 : i32
        %scatter3A_709 = arith.constant 0 : i32
        %scatter3A_710 = arith.constant 0 : i32
        %scatter3A_711 = arith.constant 0 : i32
        %scatter3A_712 = tpu.memref_slice %arg15[%while3A_348, %scatter3A_709, %scatter3A_710, %scatter3A_711] : memref<3x2x16x512xf32, #tpu.memory_space<vmem>> -> memref<1x2x16x512xf32, #tpu.memory_space<vmem>>
        %scatter3A_713 = tpu.memref_squeeze %scatter3A_712 : memref<1x2x16x512xf32, #tpu.memory_space<vmem>> -> memref<2x16x512xf32, #tpu.memory_space<vmem>>
        %scatter3A_714 = arith.constant 0 : i32
        %scatter3A_715 = arith.constant 0 : i32
        %scatter3A_716 = tpu.memref_slice %scatter3A_713[%scatter3A_708, %scatter3A_714, %scatter3A_715] : memref<2x16x512xf32, #tpu.memory_space<vmem>> -> memref<1x16x512xf32, #tpu.memory_space<vmem>>
        %scatter3A_717 = tpu.memref_squeeze %scatter3A_716 : memref<1x16x512xf32, #tpu.memory_space<vmem>> -> memref<16x512xf32, #tpu.memory_space<vmem>>
        tpu.vector_store_idx %scatter3A_717[%iota3A, %and3A_583], %mul3A_707 : memref<16x512xf32, #tpu.memory_space<vmem>>[vector<16xi32>, vector<16xi32>], vector<16xf32>,
      }
      %mul3A_357 = arith.constant 32 : i32
      %mul3A_358 = arith.muli %add3A_310, %mul3A_357 : i32
      %add3A_359 = arith.addi %add3A, %mul3A_358 : i32
      %mul3A_360 = arith.constant 512 : i32
      %mul3A_361 = arith.muli %add3A_359, %mul3A_360 : i32
      %multiple_of3A_362 = tpu.assume_multiple %mul3A_361, 128 : i32
      %dma_start3A_363 = arith.constant 0 : i32
      %dma_start3A_364 = arith.constant 0 : i32
      %dma_start3A_365 = arith.constant 0 : i32
      %dma_start3A_366 = arith.constant 0 : i32
      %dma_start3A_367 = tpu.memref_slice %arg15[%dma_start3A_363, %dma_start3A_364, %dma_start3A_365, %dma_start3A_366] : memref<3x2x16x512xf32, #tpu.memory_space<vmem>> -> memref<1x1x16x512xf32, #tpu.memory_space<vmem>>
      %dma_start3A_368 = tpu.memref_squeeze %dma_start3A_367 : memref<1x1x16x512xf32, #tpu.memory_space<vmem>> -> memref<16x512xf32, #tpu.memory_space<vmem>>
      %dma_start3A_369 = arith.constant 0 : i32
      %dma_start3A_370 = tpu.memref_slice %arg7[%dma_start3A_369, %multiple_of3A_362] : memref<16x1000000xf32, #tpu.memory_space<hbm>> -> memref<16x512xf32, #tpu.memory_space<hbm>>
      %dma_start3A_371 = arith.constant 0 : i32
      %dma_start3A_372 = tpu.memref_slice %arg7[%dma_start3A_371, %multiple_of3A_362] : memref<16x1000000xf32, #tpu.memory_space<hbm>> -> memref<16x512xf32, #tpu.memory_space<hbm>>
      %dma_start3A_373 = arith.constant 0 : i32
      %dma_start3A_374 = arith.constant 0 : i32
      %dma_start3A_375 = tpu.memref_slice %arg15[%dma_start3A_363, %dma_start3A_364, %dma_start3A_373, %dma_start3A_374] : memref<3x2x16x512xf32, #tpu.memory_space<vmem>> -> memref<1x1x16x512xf32, #tpu.memory_space<vmem>>
      %dma_start3A_376 = tpu.memref_squeeze %dma_start3A_375 : memref<1x1x16x512xf32, #tpu.memory_space<vmem>> -> memref<16x512xf32, #tpu.memory_space<vmem>>
      tpu.enqueue_dma source(%dma_start3A_376 : memref<16x512xf32, #tpu.memory_space<vmem>>) target(%dma_start3A_372 : memref<16x512xf32, #tpu.memory_space<hbm>>) target_semaphore(%arg22 : memref<!tpu.dma_semaphore, #tpu.memory_space<semaphore_mem>>)
      %dma_start3A_377 = arith.constant 0 : i32
      %dma_start3A_378 = arith.constant 1 : i32
      %dma_start3A_379 = arith.constant 0 : i32
      %dma_start3A_380 = arith.constant 0 : i32
      %dma_start3A_381 = tpu.memref_slice %arg15[%dma_start3A_377, %dma_start3A_378, %dma_start3A_379, %dma_start3A_380] : memref<3x2x16x512xf32, #tpu.memory_space<vmem>> -> memref<1x1x16x512xf32, #tpu.memory_space<vmem>>
      %dma_start3A_382 = tpu.memref_squeeze %dma_start3A_381 : memref<1x1x16x512xf32, #tpu.memory_space<vmem>> -> memref<16x512xf32, #tpu.memory_space<vmem>>
      %dma_start3A_383 = arith.constant 0 : i32
      %dma_start3A_384 = tpu.memref_slice %arg8[%dma_start3A_383, %multiple_of3A_362] : memref<16x1000000xf32, #tpu.memory_space<hbm>> -> memref<16x512xf32, #tpu.memory_space<hbm>>
      %dma_start3A_385 = arith.constant 0 : i32
      %dma_start3A_386 = tpu.memref_slice %arg8[%dma_start3A_385, %multiple_of3A_362] : memref<16x1000000xf32, #tpu.memory_space<hbm>> -> memref<16x512xf32, #tpu.memory_space<hbm>>
      %dma_start3A_387 = arith.constant 0 : i32
      %dma_start3A_388 = arith.constant 0 : i32
      %dma_start3A_389 = tpu.memref_slice %arg15[%dma_start3A_377, %dma_start3A_378, %dma_start3A_387, %dma_start3A_388] : memref<3x2x16x512xf32, #tpu.memory_space<vmem>> -> memref<1x1x16x512xf32, #tpu.memory_space<vmem>>
      %dma_start3A_390 = tpu.memref_squeeze %dma_start3A_389 : memref<1x1x16x512xf32, #tpu.memory_space<vmem>> -> memref<16x512xf32, #tpu.memory_space<vmem>>
      tpu.enqueue_dma source(%dma_start3A_390 : memref<16x512xf32, #tpu.memory_space<vmem>>) target(%dma_start3A_386 : memref<16x512xf32, #tpu.memory_space<hbm>>) target_semaphore(%arg22 : memref<!tpu.dma_semaphore, #tpu.memory_space<semaphore_mem>>)
      %add3A_391 = arith.constant 2 : i32
      %add3A_392 = arith.addi %add3A_310, %add3A_391 : i32
      %lt3A = arith.constant 60 : i32
      %lt3A_393 = arith.cmpi slt, %add3A_392, %lt3A : i32
      %convert_element_type3A_394 = arith.extui %lt3A_393 : i1 to i32
      %cond3A_395 = arith.constant 0 : i32
      %cond3A_396 = arith.cmpi ne, %convert_element_type3A_394, %cond3A_395 : i32
      scf.if %cond3A_396 {
        %ge3A = arith.constant 1 : i32
        %ge3A_579 = arith.cmpi sge, %add3A_310, %ge3A : i32
        %convert_element_type3A_580 = arith.extui %ge3A_579 : i1 to i32
        %cond3A_581 = arith.constant 0 : i32
        %cond3A_582 = arith.cmpi ne, %convert_element_type3A_580, %cond3A_581 : i32
        scf.if %cond3A_582 {
          %dma_wait3A_619 = arith.constant 2 : i32
          %dma_wait3A_620 = arith.constant 0 : i32
          %dma_wait3A_621 = arith.constant 0 : i32
          %dma_wait3A_622 = arith.constant 0 : i32
          %dma_wait3A_623 = tpu.memref_slice %arg15[%dma_wait3A_619, %dma_wait3A_620, %dma_wait3A_621, %dma_wait3A_622] : memref<3x2x16x512xf32, #tpu.memory_space<vmem>> -> memref<1x1x16x512xf32, #tpu.memory_space<vmem>>
          %dma_wait3A_624 = tpu.memref_squeeze %dma_wait3A_623 : memref<1x1x16x512xf32, #tpu.memory_space<vmem>> -> memref<16x512xf32, #tpu.memory_space<vmem>>
          %dma_wait3A_625 = arith.constant 0 : i32
          %dma_wait3A_626 = arith.constant 0 : i32
          %dma_wait3A_627 = tpu.memref_slice %arg3[%dma_wait3A_625, %dma_wait3A_626] : memref<16x1000000xf32, #tpu.memory_space<hbm>> -> memref<16x512xf32, #tpu.memory_space<hbm>>
          %dma_wait3A_628 = arith.constant 0 : i32
          %dma_wait3A_629 = arith.constant 0 : i32
          %dma_wait3A_630 = tpu.memref_slice %arg15[%dma_wait3A_619, %dma_wait3A_620, %dma_wait3A_628, %dma_wait3A_629] : memref<3x2x16x512xf32, #tpu.memory_space<vmem>> -> memref<1x1x16x512xf32, #tpu.memory_space<vmem>>
          %dma_wait3A_631 = tpu.memref_squeeze %dma_wait3A_630 : memref<1x1x16x512xf32, #tpu.memory_space<vmem>> -> memref<16x512xf32, #tpu.memory_space<vmem>>
          %dma_wait3A_632 = arith.constant 0 : i32
          %dma_wait3A_633 = arith.constant 0 : i32
          %dma_wait3A_634 = tpu.memref_slice %arg3[%dma_wait3A_632, %dma_wait3A_633] : memref<16x1000000xf32, #tpu.memory_space<hbm>> -> memref<16x512xf32, #tpu.memory_space<hbm>>
          tpu.wait_dma2 semaphore(%arg24 : memref<!tpu.dma_semaphore, #tpu.memory_space<semaphore_mem>>) src(%dma_wait3A_634 : memref<16x512xf32, #tpu.memory_space<hbm>>) dst(%dma_wait3A_631 : memref<16x512xf32, #tpu.memory_space<vmem>>)
          %dma_wait3A_635 = arith.constant 2 : i32
          %dma_wait3A_636 = arith.constant 1 : i32
          %dma_wait3A_637 = arith.constant 0 : i32
          %dma_wait3A_638 = arith.constant 0 : i32
          %dma_wait3A_639 = tpu.memref_slice %arg15[%dma_wait3A_635, %dma_wait3A_636, %dma_wait3A_637, %dma_wait3A_638] : memref<3x2x16x512xf32, #tpu.memory_space<vmem>> -> memref<1x1x16x512xf32, #tpu.memory_space<vmem>>
          %dma_wait3A_640 = tpu.memref_squeeze %dma_wait3A_639 : memref<1x1x16x512xf32, #tpu.memory_space<vmem>> -> memref<16x512xf32, #tpu.memory_space<vmem>>
          %dma_wait3A_641 = arith.constant 0 : i32
          %dma_wait3A_642 = arith.constant 0 : i32
          %dma_wait3A_643 = tpu.memref_slice %arg3[%dma_wait3A_641, %dma_wait3A_642] : memref<16x1000000xf32, #tpu.memory_space<hbm>> -> memref<16x512xf32, #tpu.memory_space<hbm>>
          %dma_wait3A_644 = arith.constant 0 : i32
          %dma_wait3A_645 = arith.constant 0 : i32
          %dma_wait3A_646 = tpu.memref_slice %arg15[%dma_wait3A_635, %dma_wait3A_636, %dma_wait3A_644, %dma_wait3A_645] : memref<3x2x16x512xf32, #tpu.memory_space<vmem>> -> memref<1x1x16x512xf32, #tpu.memory_space<vmem>>
          %dma_wait3A_647 = tpu.memref_squeeze %dma_wait3A_646 : memref<1x1x16x512xf32, #tpu.memory_space<vmem>> -> memref<16x512xf32, #tpu.memory_space<vmem>>
          %dma_wait3A_648 = arith.constant 0 : i32
          %dma_wait3A_649 = arith.constant 0 : i32
          %dma_wait3A_650 = tpu.memref_slice %arg3[%dma_wait3A_648, %dma_wait3A_649] : memref<16x1000000xf32, #tpu.memory_space<hbm>> -> memref<16x512xf32, #tpu.memory_space<hbm>>
          tpu.wait_dma2 semaphore(%arg24 : memref<!tpu.dma_semaphore, #tpu.memory_space<semaphore_mem>>) src(%dma_wait3A_650 : memref<16x512xf32, #tpu.memory_space<hbm>>) dst(%dma_wait3A_647 : memref<16x512xf32, #tpu.memory_space<vmem>>)
        } else {
        }
        %add3A_583 = arith.constant 2 : i32
        %add3A_584 = arith.addi %add3A_310, %add3A_583 : i32
        %mul3A_585 = arith.constant 32 : i32
        %mul3A_586 = arith.muli %add3A_584, %mul3A_585 : i32
        %add3A_587 = arith.addi %add3A, %mul3A_586 : i32
        %mul3A_588 = arith.constant 512 : i32
        %mul3A_589 = arith.muli %add3A_587, %mul3A_588 : i32
        %multiple_of3A_590 = tpu.assume_multiple %mul3A_589, 128 : i32
        %dma_start3A_591 = arith.constant 2 : i32
        %dma_start3A_592 = arith.constant 0 : i32
        %dma_start3A_593 = arith.constant 0 : i32
        %dma_start3A_594 = arith.constant 0 : i32
        %dma_start3A_595 = tpu.memref_slice %arg15[%dma_start3A_591, %dma_start3A_592, %dma_start3A_593, %dma_start3A_594] : memref<3x2x16x512xf32, #tpu.memory_space<vmem>> -> memref<1x1x16x512xf32, #tpu.memory_space<vmem>>
        %dma_start3A_596 = tpu.memref_squeeze %dma_start3A_595 : memref<1x1x16x512xf32, #tpu.memory_space<vmem>> -> memref<16x512xf32, #tpu.memory_space<vmem>>
        %dma_start3A_597 = arith.constant 0 : i32
        %dma_start3A_598 = tpu.memref_slice %arg3[%dma_start3A_597, %multiple_of3A_590] : memref<16x1000000xf32, #tpu.memory_space<hbm>> -> memref<16x512xf32, #tpu.memory_space<hbm>>
        %dma_start3A_599 = arith.constant 0 : i32
        %dma_start3A_600 = arith.constant 0 : i32
        %dma_start3A_601 = tpu.memref_slice %arg15[%dma_start3A_591, %dma_start3A_592, %dma_start3A_599, %dma_start3A_600] : memref<3x2x16x512xf32, #tpu.memory_space<vmem>> -> memref<1x1x16x512xf32, #tpu.memory_space<vmem>>
        %dma_start3A_602 = tpu.memref_squeeze %dma_start3A_601 : memref<1x1x16x512xf32, #tpu.memory_space<vmem>> -> memref<16x512xf32, #tpu.memory_space<vmem>>
        %dma_start3A_603 = arith.constant 0 : i32
        %dma_start3A_604 = tpu.memref_slice %arg3[%dma_start3A_603, %multiple_of3A_590] : memref<16x1000000xf32, #tpu.memory_space<hbm>> -> memref<16x512xf32, #tpu.memory_space<hbm>>
        tpu.enqueue_dma source(%dma_start3A_604 : memref<16x512xf32, #tpu.memory_space<hbm>>) target(%dma_start3A_602 : memref<16x512xf32, #tpu.memory_space<vmem>>) target_semaphore(%arg20 : memref<!tpu.dma_semaphore, #tpu.memory_space<semaphore_mem>>)
        %dma_start3A_605 = arith.constant 2 : i32
        %dma_start3A_606 = arith.constant 1 : i32
        %dma_start3A_607 = arith.constant 0 : i32
        %dma_start3A_608 = arith.constant 0 : i32
        %dma_start3A_609 = tpu.memref_slice %arg15[%dma_start3A_605, %dma_start3A_606, %dma_start3A_607, %dma_start3A_608] : memref<3x2x16x512xf32, #tpu.memory_space<vmem>> -> memref<1x1x16x512xf32, #tpu.memory_space<vmem>>
        %dma_start3A_610 = tpu.memref_squeeze %dma_start3A_609 : memref<1x1x16x512xf32, #tpu.memory_space<vmem>> -> memref<16x512xf32, #tpu.memory_space<vmem>>
        %dma_start3A_611 = arith.constant 0 : i32
        %dma_start3A_612 = tpu.memref_slice %arg4[%dma_start3A_611, %multiple_of3A_590] : memref<16x1000000xf32, #tpu.memory_space<hbm>> -> memref<16x512xf32, #tpu.memory_space<hbm>>
        %dma_start3A_613 = arith.constant 0 : i32
        %dma_start3A_614 = arith.constant 0 : i32
        %dma_start3A_615 = tpu.memref_slice %arg15[%dma_start3A_605, %dma_start3A_606, %dma_start3A_613, %dma_start3A_614] : memref<3x2x16x512xf32, #tpu.memory_space<vmem>> -> memref<1x1x16x512xf32, #tpu.memory_space<vmem>>
        %dma_start3A_616 = tpu.memref_squeeze %dma_start3A_615 : memref<1x1x16x512xf32, #tpu.memory_space<vmem>> -> memref<16x512xf32, #tpu.memory_space<vmem>>
        %dma_start3A_617 = arith.constant 0 : i32
        %dma_start3A_618 = tpu.memref_slice %arg4[%dma_start3A_617, %multiple_of3A_590] : memref<16x1000000xf32, #tpu.memory_space<hbm>> -> memref<16x512xf32, #tpu.memory_space<hbm>>
        tpu.enqueue_dma source(%dma_start3A_618 : memref<16x512xf32, #tpu.memory_space<hbm>>) target(%dma_start3A_616 : memref<16x512xf32, #tpu.memory_space<vmem>>) target_semaphore(%arg20 : memref<!tpu.dma_semaphore, #tpu.memory_space<semaphore_mem>>)
      } else {
      }
      %mul3A_397 = arith.constant 3 : i32
      %mul3A_398 = arith.muli %scan3A_302, %mul3A_397 : i32
      %add3A_399 = arith.constant 1 : i32
      %add3A_400 = arith.addi %mul3A_398, %add3A_399 : i32
      %dma_wait3A_401 = arith.constant 1 : i32
      %dma_wait3A_402 = arith.constant 0 : i32
      %dma_wait3A_403 = arith.constant 0 : i32
      %dma_wait3A_404 = arith.constant 0 : i32
      %dma_wait3A_405 = tpu.memref_slice %arg15[%dma_wait3A_401, %dma_wait3A_402, %dma_wait3A_403, %dma_wait3A_404] : memref<3x2x16x512xf32, #tpu.memory_space<vmem>> -> memref<1x1x16x512xf32, #tpu.memory_space<vmem>>
      %dma_wait3A_406 = tpu.memref_squeeze %dma_wait3A_405 : memref<1x1x16x512xf32, #tpu.memory_space<vmem>> -> memref<16x512xf32, #tpu.memory_space<vmem>>
      %dma_wait3A_407 = arith.constant 0 : i32
      %dma_wait3A_408 = arith.constant 0 : i32
      %dma_wait3A_409 = tpu.memref_slice %arg3[%dma_wait3A_407, %dma_wait3A_408] : memref<16x1000000xf32, #tpu.memory_space<hbm>> -> memref<16x512xf32, #tpu.memory_space<hbm>>
      %dma_wait3A_410 = arith.constant 0 : i32
      %dma_wait3A_411 = arith.constant 0 : i32
      %dma_wait3A_412 = tpu.memref_slice %arg15[%dma_wait3A_401, %dma_wait3A_402, %dma_wait3A_410, %dma_wait3A_411] : memref<3x2x16x512xf32, #tpu.memory_space<vmem>> -> memref<1x1x16x512xf32, #tpu.memory_space<vmem>>
      %dma_wait3A_413 = tpu.memref_squeeze %dma_wait3A_412 : memref<1x1x16x512xf32, #tpu.memory_space<vmem>> -> memref<16x512xf32, #tpu.memory_space<vmem>>
      %dma_wait3A_414 = arith.constant 0 : i32
      %dma_wait3A_415 = arith.constant 0 : i32
      %dma_wait3A_416 = tpu.memref_slice %arg3[%dma_wait3A_414, %dma_wait3A_415] : memref<16x1000000xf32, #tpu.memory_space<hbm>> -> memref<16x512xf32, #tpu.memory_space<hbm>>
      tpu.wait_dma2 semaphore(%arg19 : memref<!tpu.dma_semaphore, #tpu.memory_space<semaphore_mem>>) src(%dma_wait3A_416 : memref<16x512xf32, #tpu.memory_space<hbm>>) dst(%dma_wait3A_413 : memref<16x512xf32, #tpu.memory_space<vmem>>)
      %dma_wait3A_417 = arith.constant 1 : i32
      %dma_wait3A_418 = arith.constant 1 : i32
      %dma_wait3A_419 = arith.constant 0 : i32
      %dma_wait3A_420 = arith.constant 0 : i32
      %dma_wait3A_421 = tpu.memref_slice %arg15[%dma_wait3A_417, %dma_wait3A_418, %dma_wait3A_419, %dma_wait3A_420] : memref<3x2x16x512xf32, #tpu.memory_space<vmem>> -> memref<1x1x16x512xf32, #tpu.memory_space<vmem>>
      %dma_wait3A_422 = tpu.memref_squeeze %dma_wait3A_421 : memref<1x1x16x512xf32, #tpu.memory_space<vmem>> -> memref<16x512xf32, #tpu.memory_space<vmem>>
      %dma_wait3A_423 = arith.constant 0 : i32
      %dma_wait3A_424 = arith.constant 0 : i32
      %dma_wait3A_425 = tpu.memref_slice %arg3[%dma_wait3A_423, %dma_wait3A_424] : memref<16x1000000xf32, #tpu.memory_space<hbm>> -> memref<16x512xf32, #tpu.memory_space<hbm>>
      %dma_wait3A_426 = arith.constant 0 : i32
      %dma_wait3A_427 = arith.constant 0 : i32
      %dma_wait3A_428 = tpu.memref_slice %arg15[%dma_wait3A_417, %dma_wait3A_418, %dma_wait3A_426, %dma_wait3A_427] : memref<3x2x16x512xf32, #tpu.memory_space<vmem>> -> memref<1x1x16x512xf32, #tpu.memory_space<vmem>>
      %dma_wait3A_429 = tpu.memref_squeeze %dma_wait3A_428 : memref<1x1x16x512xf32, #tpu.memory_space<vmem>> -> memref<16x512xf32, #tpu.memory_space<vmem>>
      %dma_wait3A_430 = arith.constant 0 : i32
      %dma_wait3A_431 = arith.constant 0 : i32
      %dma_wait3A_432 = tpu.memref_slice %arg3[%dma_wait3A_430, %dma_wait3A_431] : memref<16x1000000xf32, #tpu.memory_space<hbm>> -> memref<16x512xf32, #tpu.memory_space<hbm>>
      tpu.wait_dma2 semaphore(%arg19 : memref<!tpu.dma_semaphore, #tpu.memory_space<semaphore_mem>>) src(%dma_wait3A_432 : memref<16x512xf32, #tpu.memory_space<hbm>>) dst(%dma_wait3A_429 : memref<16x512xf32, #tpu.memory_space<vmem>>)
      %slice3A_433 = vector.extract_strided_slice %get3A_306 {offsets = [1], sizes = [1], strides = [1]} : vector<16xi32> to vector<1xi32>
      %squeeze3A_434 = vector.extract %slice3A_433[0] : i32 from vector<1xi32>
      %slice3A_435 = vector.extract_strided_slice %get3A_306 {offsets = [2], sizes = [1], strides = [1]} : vector<16xi32> to vector<1xi32>
      %squeeze3A_436 = vector.extract %slice3A_435[0] : i32 from vector<1xi32>
      %while3A_437 = arith.constant 0 : i32
      %while3A_438 = arith.constant 1 : i32
      %while3A_439 = arith.subi %squeeze3A_436, %squeeze3A_434 : i32
      %while3A_440 = arith.addi %squeeze3A_434, %while3A_439 : i32
      %while3A_441 = arith.constant 1 : i32
      %while3A_442 = arith.divsi %while3A_439, %while3A_441 : i32
      %while3A_443 = arith.muli %while3A_442, %while3A_441 : i32
      %while3A_444 = arith.addi %squeeze3A_434, %while3A_443 : i32
      %while3A_445 = arith.constant 1 : i32
      scf.for %while3A_579 = %squeeze3A_434 to %while3A_444 step %while3A_445  : i32 {
        %broadcast_in_dim3A_580 = vector.broadcast %while3A_579 : i32 to vector<16xi32>
        %gather3A = tpu.vector_load_idx %arg13[%broadcast_in_dim3A_580] : memref<576xi32, #tpu.memory_space<vmem>>[vector<16xi32>], vector<16xi32>,
        %gather3A_581 = tpu.vector_load_idx %arg11[%gather3A] : memref<576xi32, #tpu.memory_space<vmem>>[vector<16xi32>], vector<16xi32>,
        %and3A = arith.constant 511 : i32
        %and3A_582 = vector.broadcast %and3A : i32 to vector<16xi32>
        %and3A_583 = arith.andi %gather3A_581, %and3A_582 : vector<16xi32>
        %add3A_584 = arith.constant 0 : i32
        %add3A_585 = vector.broadcast %add3A_584 : i32 to vector<16xi32>
        %add3A_586 = arith.addi %add3A_585, %iota3A : vector<16xi32>
        %gather3A_587 = tpu.vector_load_idx %arg14[%gather3A, %add3A_586] : memref<576x128xf32, #tpu.memory_space<vmem>>[vector<16xi32>, vector<16xi32>], vector<16xf32>,
        %gather3A_588 = arith.constant 0 : i32
        %gather3A_589 = arith.constant 0 : i32
        %gather3A_590 = arith.constant 0 : i32
        %gather3A_591 = arith.constant 0 : i32
        %gather3A_592 = tpu.memref_slice %arg15[%while3A_438, %gather3A_589, %gather3A_590, %gather3A_591] : memref<3x2x16x512xf32, #tpu.memory_space<vmem>> -> memref<1x2x16x512xf32, #tpu.memory_space<vmem>>
        %gather3A_593 = tpu.memref_squeeze %gather3A_592 : memref<1x2x16x512xf32, #tpu.memory_space<vmem>> -> memref<2x16x512xf32, #tpu.memory_space<vmem>>
        %gather3A_594 = arith.constant 0 : i32
        %gather3A_595 = arith.constant 0 : i32
        %gather3A_596 = tpu.memref_slice %gather3A_593[%gather3A_588, %gather3A_594, %gather3A_595] : memref<2x16x512xf32, #tpu.memory_space<vmem>> -> memref<1x16x512xf32, #tpu.memory_space<vmem>>
        %gather3A_597 = tpu.memref_squeeze %gather3A_596 : memref<1x16x512xf32, #tpu.memory_space<vmem>> -> memref<16x512xf32, #tpu.memory_space<vmem>>
        %gather3A_598 = tpu.vector_load_idx %gather3A_597[%iota3A, %and3A_583] : memref<16x512xf32, #tpu.memory_space<vmem>>[vector<16xi32>, vector<16xi32>], vector<16xf32>,
        %mul3A_599 = arith.mulf %get3A_1, %gather3A_598 : vector<16xf32>
        %add3A_600 = arith.addf %mul3A_599, %gather3A_587 : vector<16xf32>
        %mul3A_601 = arith.mulf %add3A_600, %add3A_600 : vector<16xf32>
        %reduce_sum3A = arith.constant true
        %reduce_sum3A_602 = vector.broadcast %reduce_sum3A : i1 to vector<16xi1>
        %reduce_sum3A_603 = tpu.scan <sum>, %mul3A_601 masked %reduce_sum3A_602 : vector<16xf32>, vector<16xi1> -> vector<16xf32>
        %reduce_sum3A_604 = vector.extract %reduce_sum3A_603[15] : f32 from vector<16xf32>
        %broadcast_in_dim3A_605 = vector.broadcast %reduce_sum3A_604 : f32 to vector<16xf32>
        %max3A = arith.maximumf %broadcast_in_dim3A_605, %broadcast_in_dim3A_2 : vector<16xf32>
        %bitcast3A = vector.bitcast %max3A : vector<16xf32> to vector<16xi32>
        %shift_right_arithmetic3A = arith.constant 1 : i32
        %shift_right_arithmetic3A_606 = vector.broadcast %shift_right_arithmetic3A : i32 to vector<16xi32>
        %shift_right_arithmetic3A_607 = arith.shrsi %bitcast3A, %shift_right_arithmetic3A_606 : vector<16xi32>
        %sub3A = arith.constant 1597463007 : i32
        %sub3A_608 = vector.broadcast %sub3A : i32 to vector<16xi32>
        %sub3A_609 = arith.subi %sub3A_608, %shift_right_arithmetic3A_607 : vector<16xi32>
        %bitcast3A_610 = vector.bitcast %sub3A_609 : vector<16xi32> to vector<16xf32>
        %mul3A_611 = arith.constant 5.000000e-01 : f32
        %mul3A_612 = vector.broadcast %mul3A_611 : f32 to vector<16xf32>
        %mul3A_613 = arith.mulf %mul3A_612, %max3A : vector<16xf32>
        %mul3A_614 = arith.mulf %mul3A_613, %bitcast3A_610 : vector<16xf32>
        %mul3A_615 = arith.mulf %mul3A_614, %bitcast3A_610 : vector<16xf32>
        %sub3A_616 = arith.constant 1.500000e+00 : f32
        %sub3A_617 = vector.broadcast %sub3A_616 : f32 to vector<16xf32>
        %sub3A_618 = arith.subf %sub3A_617, %mul3A_615 : vector<16xf32>
        %mul3A_619 = arith.mulf %bitcast3A_610, %sub3A_618 : vector<16xf32>
        %mul3A_620 = arith.constant 5.000000e-01 : f32
        %mul3A_621 = vector.broadcast %mul3A_620 : f32 to vector<16xf32>
        %mul3A_622 = arith.mulf %mul3A_621, %max3A : vector<16xf32>
        %mul3A_623 = arith.mulf %mul3A_622, %mul3A_619 : vector<16xf32>
        %mul3A_624 = arith.mulf %mul3A_623, %mul3A_619 : vector<16xf32>
        %sub3A_625 = arith.constant 1.500000e+00 : f32
        %sub3A_626 = vector.broadcast %sub3A_625 : f32 to vector<16xf32>
        %sub3A_627 = arith.subf %sub3A_626, %mul3A_624 : vector<16xf32>
        %mul3A_628 = arith.mulf %mul3A_619, %sub3A_627 : vector<16xf32>
        %mul3A_629 = arith.constant 5.000000e-01 : f32
        %mul3A_630 = vector.broadcast %mul3A_629 : f32 to vector<16xf32>
        %mul3A_631 = arith.mulf %mul3A_630, %max3A : vector<16xf32>
        %mul3A_632 = arith.mulf %mul3A_631, %mul3A_628 : vector<16xf32>
        %mul3A_633 = arith.mulf %mul3A_632, %mul3A_628 : vector<16xf32>
        %sub3A_634 = arith.constant 1.500000e+00 : f32
        %sub3A_635 = vector.broadcast %sub3A_634 : f32 to vector<16xf32>
        %sub3A_636 = arith.subf %sub3A_635, %mul3A_633 : vector<16xf32>
        %mul3A_637 = arith.mulf %mul3A_628, %sub3A_636 : vector<16xf32>
        %mul3A_638 = arith.mulf %add3A_600, %mul3A_637 : vector<16xf32>
        %scatter3A = arith.constant 0 : i32
        %scatter3A_639 = arith.constant 0 : i32
        %scatter3A_640 = arith.constant 0 : i32
        %scatter3A_641 = arith.constant 0 : i32
        %scatter3A_642 = tpu.memref_slice %arg15[%while3A_438, %scatter3A_639, %scatter3A_640, %scatter3A_641] : memref<3x2x16x512xf32, #tpu.memory_space<vmem>> -> memref<1x2x16x512xf32, #tpu.memory_space<vmem>>
        %scatter3A_643 = tpu.memref_squeeze %scatter3A_642 : memref<1x2x16x512xf32, #tpu.memory_space<vmem>> -> memref<2x16x512xf32, #tpu.memory_space<vmem>>
        %scatter3A_644 = arith.constant 0 : i32
        %scatter3A_645 = arith.constant 0 : i32
        %scatter3A_646 = tpu.memref_slice %scatter3A_643[%scatter3A, %scatter3A_644, %scatter3A_645] : memref<2x16x512xf32, #tpu.memory_space<vmem>> -> memref<1x16x512xf32, #tpu.memory_space<vmem>>
        %scatter3A_647 = tpu.memref_squeeze %scatter3A_646 : memref<1x16x512xf32, #tpu.memory_space<vmem>> -> memref<16x512xf32, #tpu.memory_space<vmem>>
        tpu.vector_store_idx %scatter3A_647[%iota3A, %and3A_583], %mul3A_638 : memref<16x512xf32, #tpu.memory_space<vmem>>[vector<16xi32>, vector<16xi32>], vector<16xf32>,
        %add3A_648 = arith.constant 16 : i32
        %add3A_649 = vector.broadcast %add3A_648 : i32 to vector<16xi32>
        %add3A_650 = arith.addi %add3A_649, %iota3A : vector<16xi32>
        %gather3A_651 = tpu.vector_load_idx %arg14[%gather3A, %add3A_650] : memref<576x128xf32, #tpu.memory_space<vmem>>[vector<16xi32>, vector<16xi32>], vector<16xf32>,
        %gather3A_652 = arith.constant 1 : i32
        %gather3A_653 = arith.constant 0 : i32
        %gather3A_654 = arith.constant 0 : i32
        %gather3A_655 = arith.constant 0 : i32
        %gather3A_656 = tpu.memref_slice %arg15[%while3A_438, %gather3A_653, %gather3A_654, %gather3A_655] : memref<3x2x16x512xf32, #tpu.memory_space<vmem>> -> memref<1x2x16x512xf32, #tpu.memory_space<vmem>>
        %gather3A_657 = tpu.memref_squeeze %gather3A_656 : memref<1x2x16x512xf32, #tpu.memory_space<vmem>> -> memref<2x16x512xf32, #tpu.memory_space<vmem>>
        %gather3A_658 = arith.constant 0 : i32
        %gather3A_659 = arith.constant 0 : i32
        %gather3A_660 = tpu.memref_slice %gather3A_657[%gather3A_652, %gather3A_658, %gather3A_659] : memref<2x16x512xf32, #tpu.memory_space<vmem>> -> memref<1x16x512xf32, #tpu.memory_space<vmem>>
        %gather3A_661 = tpu.memref_squeeze %gather3A_660 : memref<1x16x512xf32, #tpu.memory_space<vmem>> -> memref<16x512xf32, #tpu.memory_space<vmem>>
        %gather3A_662 = tpu.vector_load_idx %gather3A_661[%iota3A, %and3A_583] : memref<16x512xf32, #tpu.memory_space<vmem>>[vector<16xi32>, vector<16xi32>], vector<16xf32>,
        %mul3A_663 = arith.mulf %get3A_1, %gather3A_662 : vector<16xf32>
        %add3A_664 = arith.addf %mul3A_663, %gather3A_651 : vector<16xf32>
        %mul3A_665 = arith.mulf %add3A_664, %add3A_664 : vector<16xf32>
        %reduce_sum3A_666 = arith.constant true
        %reduce_sum3A_667 = vector.broadcast %reduce_sum3A_666 : i1 to vector<16xi1>
        %reduce_sum3A_668 = tpu.scan <sum>, %mul3A_665 masked %reduce_sum3A_667 : vector<16xf32>, vector<16xi1> -> vector<16xf32>
        %reduce_sum3A_669 = vector.extract %reduce_sum3A_668[15] : f32 from vector<16xf32>
        %broadcast_in_dim3A_670 = vector.broadcast %reduce_sum3A_669 : f32 to vector<16xf32>
        %max3A_671 = arith.maximumf %broadcast_in_dim3A_670, %broadcast_in_dim3A_2 : vector<16xf32>
        %bitcast3A_672 = vector.bitcast %max3A_671 : vector<16xf32> to vector<16xi32>
        %shift_right_arithmetic3A_673 = arith.constant 1 : i32
        %shift_right_arithmetic3A_674 = vector.broadcast %shift_right_arithmetic3A_673 : i32 to vector<16xi32>
        %shift_right_arithmetic3A_675 = arith.shrsi %bitcast3A_672, %shift_right_arithmetic3A_674 : vector<16xi32>
        %sub3A_676 = arith.constant 1597463007 : i32
        %sub3A_677 = vector.broadcast %sub3A_676 : i32 to vector<16xi32>
        %sub3A_678 = arith.subi %sub3A_677, %shift_right_arithmetic3A_675 : vector<16xi32>
        %bitcast3A_679 = vector.bitcast %sub3A_678 : vector<16xi32> to vector<16xf32>
        %mul3A_680 = arith.constant 5.000000e-01 : f32
        %mul3A_681 = vector.broadcast %mul3A_680 : f32 to vector<16xf32>
        %mul3A_682 = arith.mulf %mul3A_681, %max3A_671 : vector<16xf32>
        %mul3A_683 = arith.mulf %mul3A_682, %bitcast3A_679 : vector<16xf32>
        %mul3A_684 = arith.mulf %mul3A_683, %bitcast3A_679 : vector<16xf32>
        %sub3A_685 = arith.constant 1.500000e+00 : f32
        %sub3A_686 = vector.broadcast %sub3A_685 : f32 to vector<16xf32>
        %sub3A_687 = arith.subf %sub3A_686, %mul3A_684 : vector<16xf32>
        %mul3A_688 = arith.mulf %bitcast3A_679, %sub3A_687 : vector<16xf32>
        %mul3A_689 = arith.constant 5.000000e-01 : f32
        %mul3A_690 = vector.broadcast %mul3A_689 : f32 to vector<16xf32>
        %mul3A_691 = arith.mulf %mul3A_690, %max3A_671 : vector<16xf32>
        %mul3A_692 = arith.mulf %mul3A_691, %mul3A_688 : vector<16xf32>
        %mul3A_693 = arith.mulf %mul3A_692, %mul3A_688 : vector<16xf32>
        %sub3A_694 = arith.constant 1.500000e+00 : f32
        %sub3A_695 = vector.broadcast %sub3A_694 : f32 to vector<16xf32>
        %sub3A_696 = arith.subf %sub3A_695, %mul3A_693 : vector<16xf32>
        %mul3A_697 = arith.mulf %mul3A_688, %sub3A_696 : vector<16xf32>
        %mul3A_698 = arith.constant 5.000000e-01 : f32
        %mul3A_699 = vector.broadcast %mul3A_698 : f32 to vector<16xf32>
        %mul3A_700 = arith.mulf %mul3A_699, %max3A_671 : vector<16xf32>
        %mul3A_701 = arith.mulf %mul3A_700, %mul3A_697 : vector<16xf32>
        %mul3A_702 = arith.mulf %mul3A_701, %mul3A_697 : vector<16xf32>
        %sub3A_703 = arith.constant 1.500000e+00 : f32
        %sub3A_704 = vector.broadcast %sub3A_703 : f32 to vector<16xf32>
        %sub3A_705 = arith.subf %sub3A_704, %mul3A_702 : vector<16xf32>
        %mul3A_706 = arith.mulf %mul3A_697, %sub3A_705 : vector<16xf32>
        %mul3A_707 = arith.mulf %add3A_664, %mul3A_706 : vector<16xf32>
        %scatter3A_708 = arith.constant 1 : i32
        %scatter3A_709 = arith.constant 0 : i32
        %scatter3A_710 = arith.constant 0 : i32
        %scatter3A_711 = arith.constant 0 : i32
        %scatter3A_712 = tpu.memref_slice %arg15[%while3A_438, %scatter3A_709, %scatter3A_710, %scatter3A_711] : memref<3x2x16x512xf32, #tpu.memory_space<vmem>> -> memref<1x2x16x512xf32, #tpu.memory_space<vmem>>
        %scatter3A_713 = tpu.memref_squeeze %scatter3A_712 : memref<1x2x16x512xf32, #tpu.memory_space<vmem>> -> memref<2x16x512xf32, #tpu.memory_space<vmem>>
        %scatter3A_714 = arith.constant 0 : i32
        %scatter3A_715 = arith.constant 0 : i32
        %scatter3A_716 = tpu.memref_slice %scatter3A_713[%scatter3A_708, %scatter3A_714, %scatter3A_715] : memref<2x16x512xf32, #tpu.memory_space<vmem>> -> memref<1x16x512xf32, #tpu.memory_space<vmem>>
        %scatter3A_717 = tpu.memref_squeeze %scatter3A_716 : memref<1x16x512xf32, #tpu.memory_space<vmem>> -> memref<16x512xf32, #tpu.memory_space<vmem>>
        tpu.vector_store_idx %scatter3A_717[%iota3A, %and3A_583], %mul3A_707 : memref<16x512xf32, #tpu.memory_space<vmem>>[vector<16xi32>, vector<16xi32>], vector<16xf32>,
      }
      %while3A_446 = arith.constant 1 : i32
      scf.for %while3A_579 = %while3A_444 to %while3A_440 step %while3A_446  : i32 {
        %broadcast_in_dim3A_580 = vector.broadcast %while3A_579 : i32 to vector<16xi32>
        %gather3A = tpu.vector_load_idx %arg13[%broadcast_in_dim3A_580] : memref<576xi32, #tpu.memory_space<vmem>>[vector<16xi32>], vector<16xi32>,
        %gather3A_581 = tpu.vector_load_idx %arg11[%gather3A] : memref<576xi32, #tpu.memory_space<vmem>>[vector<16xi32>], vector<16xi32>,
        %and3A = arith.constant 511 : i32
        %and3A_582 = vector.broadcast %and3A : i32 to vector<16xi32>
        %and3A_583 = arith.andi %gather3A_581, %and3A_582 : vector<16xi32>
        %add3A_584 = arith.constant 0 : i32
        %add3A_585 = vector.broadcast %add3A_584 : i32 to vector<16xi32>
        %add3A_586 = arith.addi %add3A_585, %iota3A : vector<16xi32>
        %gather3A_587 = tpu.vector_load_idx %arg14[%gather3A, %add3A_586] : memref<576x128xf32, #tpu.memory_space<vmem>>[vector<16xi32>, vector<16xi32>], vector<16xf32>,
        %gather3A_588 = arith.constant 0 : i32
        %gather3A_589 = arith.constant 0 : i32
        %gather3A_590 = arith.constant 0 : i32
        %gather3A_591 = arith.constant 0 : i32
        %gather3A_592 = tpu.memref_slice %arg15[%while3A_438, %gather3A_589, %gather3A_590, %gather3A_591] : memref<3x2x16x512xf32, #tpu.memory_space<vmem>> -> memref<1x2x16x512xf32, #tpu.memory_space<vmem>>
        %gather3A_593 = tpu.memref_squeeze %gather3A_592 : memref<1x2x16x512xf32, #tpu.memory_space<vmem>> -> memref<2x16x512xf32, #tpu.memory_space<vmem>>
        %gather3A_594 = arith.constant 0 : i32
        %gather3A_595 = arith.constant 0 : i32
        %gather3A_596 = tpu.memref_slice %gather3A_593[%gather3A_588, %gather3A_594, %gather3A_595] : memref<2x16x512xf32, #tpu.memory_space<vmem>> -> memref<1x16x512xf32, #tpu.memory_space<vmem>>
        %gather3A_597 = tpu.memref_squeeze %gather3A_596 : memref<1x16x512xf32, #tpu.memory_space<vmem>> -> memref<16x512xf32, #tpu.memory_space<vmem>>
        %gather3A_598 = tpu.vector_load_idx %gather3A_597[%iota3A, %and3A_583] : memref<16x512xf32, #tpu.memory_space<vmem>>[vector<16xi32>, vector<16xi32>], vector<16xf32>,
        %mul3A_599 = arith.mulf %get3A_1, %gather3A_598 : vector<16xf32>
        %add3A_600 = arith.addf %mul3A_599, %gather3A_587 : vector<16xf32>
        %mul3A_601 = arith.mulf %add3A_600, %add3A_600 : vector<16xf32>
        %reduce_sum3A = arith.constant true
        %reduce_sum3A_602 = vector.broadcast %reduce_sum3A : i1 to vector<16xi1>
        %reduce_sum3A_603 = tpu.scan <sum>, %mul3A_601 masked %reduce_sum3A_602 : vector<16xf32>, vector<16xi1> -> vector<16xf32>
        %reduce_sum3A_604 = vector.extract %reduce_sum3A_603[15] : f32 from vector<16xf32>
        %broadcast_in_dim3A_605 = vector.broadcast %reduce_sum3A_604 : f32 to vector<16xf32>
        %max3A = arith.maximumf %broadcast_in_dim3A_605, %broadcast_in_dim3A_2 : vector<16xf32>
        %bitcast3A = vector.bitcast %max3A : vector<16xf32> to vector<16xi32>
        %shift_right_arithmetic3A = arith.constant 1 : i32
        %shift_right_arithmetic3A_606 = vector.broadcast %shift_right_arithmetic3A : i32 to vector<16xi32>
        %shift_right_arithmetic3A_607 = arith.shrsi %bitcast3A, %shift_right_arithmetic3A_606 : vector<16xi32>
        %sub3A = arith.constant 1597463007 : i32
        %sub3A_608 = vector.broadcast %sub3A : i32 to vector<16xi32>
        %sub3A_609 = arith.subi %sub3A_608, %shift_right_arithmetic3A_607 : vector<16xi32>
        %bitcast3A_610 = vector.bitcast %sub3A_609 : vector<16xi32> to vector<16xf32>
        %mul3A_611 = arith.constant 5.000000e-01 : f32
        %mul3A_612 = vector.broadcast %mul3A_611 : f32 to vector<16xf32>
        %mul3A_613 = arith.mulf %mul3A_612, %max3A : vector<16xf32>
        %mul3A_614 = arith.mulf %mul3A_613, %bitcast3A_610 : vector<16xf32>
        %mul3A_615 = arith.mulf %mul3A_614, %bitcast3A_610 : vector<16xf32>
        %sub3A_616 = arith.constant 1.500000e+00 : f32
        %sub3A_617 = vector.broadcast %sub3A_616 : f32 to vector<16xf32>
        %sub3A_618 = arith.subf %sub3A_617, %mul3A_615 : vector<16xf32>
        %mul3A_619 = arith.mulf %bitcast3A_610, %sub3A_618 : vector<16xf32>
        %mul3A_620 = arith.constant 5.000000e-01 : f32
        %mul3A_621 = vector.broadcast %mul3A_620 : f32 to vector<16xf32>
        %mul3A_622 = arith.mulf %mul3A_621, %max3A : vector<16xf32>
        %mul3A_623 = arith.mulf %mul3A_622, %mul3A_619 : vector<16xf32>
        %mul3A_624 = arith.mulf %mul3A_623, %mul3A_619 : vector<16xf32>
        %sub3A_625 = arith.constant 1.500000e+00 : f32
        %sub3A_626 = vector.broadcast %sub3A_625 : f32 to vector<16xf32>
        %sub3A_627 = arith.subf %sub3A_626, %mul3A_624 : vector<16xf32>
        %mul3A_628 = arith.mulf %mul3A_619, %sub3A_627 : vector<16xf32>
        %mul3A_629 = arith.constant 5.000000e-01 : f32
        %mul3A_630 = vector.broadcast %mul3A_629 : f32 to vector<16xf32>
        %mul3A_631 = arith.mulf %mul3A_630, %max3A : vector<16xf32>
        %mul3A_632 = arith.mulf %mul3A_631, %mul3A_628 : vector<16xf32>
        %mul3A_633 = arith.mulf %mul3A_632, %mul3A_628 : vector<16xf32>
        %sub3A_634 = arith.constant 1.500000e+00 : f32
        %sub3A_635 = vector.broadcast %sub3A_634 : f32 to vector<16xf32>
        %sub3A_636 = arith.subf %sub3A_635, %mul3A_633 : vector<16xf32>
        %mul3A_637 = arith.mulf %mul3A_628, %sub3A_636 : vector<16xf32>
        %mul3A_638 = arith.mulf %add3A_600, %mul3A_637 : vector<16xf32>
        %scatter3A = arith.constant 0 : i32
        %scatter3A_639 = arith.constant 0 : i32
        %scatter3A_640 = arith.constant 0 : i32
        %scatter3A_641 = arith.constant 0 : i32
        %scatter3A_642 = tpu.memref_slice %arg15[%while3A_438, %scatter3A_639, %scatter3A_640, %scatter3A_641] : memref<3x2x16x512xf32, #tpu.memory_space<vmem>> -> memref<1x2x16x512xf32, #tpu.memory_space<vmem>>
        %scatter3A_643 = tpu.memref_squeeze %scatter3A_642 : memref<1x2x16x512xf32, #tpu.memory_space<vmem>> -> memref<2x16x512xf32, #tpu.memory_space<vmem>>
        %scatter3A_644 = arith.constant 0 : i32
        %scatter3A_645 = arith.constant 0 : i32
        %scatter3A_646 = tpu.memref_slice %scatter3A_643[%scatter3A, %scatter3A_644, %scatter3A_645] : memref<2x16x512xf32, #tpu.memory_space<vmem>> -> memref<1x16x512xf32, #tpu.memory_space<vmem>>
        %scatter3A_647 = tpu.memref_squeeze %scatter3A_646 : memref<1x16x512xf32, #tpu.memory_space<vmem>> -> memref<16x512xf32, #tpu.memory_space<vmem>>
        tpu.vector_store_idx %scatter3A_647[%iota3A, %and3A_583], %mul3A_638 : memref<16x512xf32, #tpu.memory_space<vmem>>[vector<16xi32>, vector<16xi32>], vector<16xf32>,
        %add3A_648 = arith.constant 16 : i32
        %add3A_649 = vector.broadcast %add3A_648 : i32 to vector<16xi32>
        %add3A_650 = arith.addi %add3A_649, %iota3A : vector<16xi32>
        %gather3A_651 = tpu.vector_load_idx %arg14[%gather3A, %add3A_650] : memref<576x128xf32, #tpu.memory_space<vmem>>[vector<16xi32>, vector<16xi32>], vector<16xf32>,
        %gather3A_652 = arith.constant 1 : i32
        %gather3A_653 = arith.constant 0 : i32
        %gather3A_654 = arith.constant 0 : i32
        %gather3A_655 = arith.constant 0 : i32
        %gather3A_656 = tpu.memref_slice %arg15[%while3A_438, %gather3A_653, %gather3A_654, %gather3A_655] : memref<3x2x16x512xf32, #tpu.memory_space<vmem>> -> memref<1x2x16x512xf32, #tpu.memory_space<vmem>>
        %gather3A_657 = tpu.memref_squeeze %gather3A_656 : memref<1x2x16x512xf32, #tpu.memory_space<vmem>> -> memref<2x16x512xf32, #tpu.memory_space<vmem>>
        %gather3A_658 = arith.constant 0 : i32
        %gather3A_659 = arith.constant 0 : i32
        %gather3A_660 = tpu.memref_slice %gather3A_657[%gather3A_652, %gather3A_658, %gather3A_659] : memref<2x16x512xf32, #tpu.memory_space<vmem>> -> memref<1x16x512xf32, #tpu.memory_space<vmem>>
        %gather3A_661 = tpu.memref_squeeze %gather3A_660 : memref<1x16x512xf32, #tpu.memory_space<vmem>> -> memref<16x512xf32, #tpu.memory_space<vmem>>
        %gather3A_662 = tpu.vector_load_idx %gather3A_661[%iota3A, %and3A_583] : memref<16x512xf32, #tpu.memory_space<vmem>>[vector<16xi32>, vector<16xi32>], vector<16xf32>,
        %mul3A_663 = arith.mulf %get3A_1, %gather3A_662 : vector<16xf32>
        %add3A_664 = arith.addf %mul3A_663, %gather3A_651 : vector<16xf32>
        %mul3A_665 = arith.mulf %add3A_664, %add3A_664 : vector<16xf32>
        %reduce_sum3A_666 = arith.constant true
        %reduce_sum3A_667 = vector.broadcast %reduce_sum3A_666 : i1 to vector<16xi1>
        %reduce_sum3A_668 = tpu.scan <sum>, %mul3A_665 masked %reduce_sum3A_667 : vector<16xf32>, vector<16xi1> -> vector<16xf32>
        %reduce_sum3A_669 = vector.extract %reduce_sum3A_668[15] : f32 from vector<16xf32>
        %broadcast_in_dim3A_670 = vector.broadcast %reduce_sum3A_669 : f32 to vector<16xf32>
        %max3A_671 = arith.maximumf %broadcast_in_dim3A_670, %broadcast_in_dim3A_2 : vector<16xf32>
        %bitcast3A_672 = vector.bitcast %max3A_671 : vector<16xf32> to vector<16xi32>
        %shift_right_arithmetic3A_673 = arith.constant 1 : i32
        %shift_right_arithmetic3A_674 = vector.broadcast %shift_right_arithmetic3A_673 : i32 to vector<16xi32>
        %shift_right_arithmetic3A_675 = arith.shrsi %bitcast3A_672, %shift_right_arithmetic3A_674 : vector<16xi32>
        %sub3A_676 = arith.constant 1597463007 : i32
        %sub3A_677 = vector.broadcast %sub3A_676 : i32 to vector<16xi32>
        %sub3A_678 = arith.subi %sub3A_677, %shift_right_arithmetic3A_675 : vector<16xi32>
        %bitcast3A_679 = vector.bitcast %sub3A_678 : vector<16xi32> to vector<16xf32>
        %mul3A_680 = arith.constant 5.000000e-01 : f32
        %mul3A_681 = vector.broadcast %mul3A_680 : f32 to vector<16xf32>
        %mul3A_682 = arith.mulf %mul3A_681, %max3A_671 : vector<16xf32>
        %mul3A_683 = arith.mulf %mul3A_682, %bitcast3A_679 : vector<16xf32>
        %mul3A_684 = arith.mulf %mul3A_683, %bitcast3A_679 : vector<16xf32>
        %sub3A_685 = arith.constant 1.500000e+00 : f32
        %sub3A_686 = vector.broadcast %sub3A_685 : f32 to vector<16xf32>
        %sub3A_687 = arith.subf %sub3A_686, %mul3A_684 : vector<16xf32>
        %mul3A_688 = arith.mulf %bitcast3A_679, %sub3A_687 : vector<16xf32>
        %mul3A_689 = arith.constant 5.000000e-01 : f32
        %mul3A_690 = vector.broadcast %mul3A_689 : f32 to vector<16xf32>
        %mul3A_691 = arith.mulf %mul3A_690, %max3A_671 : vector<16xf32>
        %mul3A_692 = arith.mulf %mul3A_691, %mul3A_688 : vector<16xf32>
        %mul3A_693 = arith.mulf %mul3A_692, %mul3A_688 : vector<16xf32>
        %sub3A_694 = arith.constant 1.500000e+00 : f32
        %sub3A_695 = vector.broadcast %sub3A_694 : f32 to vector<16xf32>
        %sub3A_696 = arith.subf %sub3A_695, %mul3A_693 : vector<16xf32>
        %mul3A_697 = arith.mulf %mul3A_688, %sub3A_696 : vector<16xf32>
        %mul3A_698 = arith.constant 5.000000e-01 : f32
        %mul3A_699 = vector.broadcast %mul3A_698 : f32 to vector<16xf32>
        %mul3A_700 = arith.mulf %mul3A_699, %max3A_671 : vector<16xf32>
        %mul3A_701 = arith.mulf %mul3A_700, %mul3A_697 : vector<16xf32>
        %mul3A_702 = arith.mulf %mul3A_701, %mul3A_697 : vector<16xf32>
        %sub3A_703 = arith.constant 1.500000e+00 : f32
        %sub3A_704 = vector.broadcast %sub3A_703 : f32 to vector<16xf32>
        %sub3A_705 = arith.subf %sub3A_704, %mul3A_702 : vector<16xf32>
        %mul3A_706 = arith.mulf %mul3A_697, %sub3A_705 : vector<16xf32>
        %mul3A_707 = arith.mulf %add3A_664, %mul3A_706 : vector<16xf32>
        %scatter3A_708 = arith.constant 1 : i32
        %scatter3A_709 = arith.constant 0 : i32
        %scatter3A_710 = arith.constant 0 : i32
        %scatter3A_711 = arith.constant 0 : i32
        %scatter3A_712 = tpu.memref_slice %arg15[%while3A_438, %scatter3A_709, %scatter3A_710, %scatter3A_711] : memref<3x2x16x512xf32, #tpu.memory_space<vmem>> -> memref<1x2x16x512xf32, #tpu.memory_space<vmem>>
        %scatter3A_713 = tpu.memref_squeeze %scatter3A_712 : memref<1x2x16x512xf32, #tpu.memory_space<vmem>> -> memref<2x16x512xf32, #tpu.memory_space<vmem>>
        %scatter3A_714 = arith.constant 0 : i32
        %scatter3A_715 = arith.constant 0 : i32
        %scatter3A_716 = tpu.memref_slice %scatter3A_713[%scatter3A_708, %scatter3A_714, %scatter3A_715] : memref<2x16x512xf32, #tpu.memory_space<vmem>> -> memref<1x16x512xf32, #tpu.memory_space<vmem>>
        %scatter3A_717 = tpu.memref_squeeze %scatter3A_716 : memref<1x16x512xf32, #tpu.memory_space<vmem>> -> memref<16x512xf32, #tpu.memory_space<vmem>>
        tpu.vector_store_idx %scatter3A_717[%iota3A, %and3A_583], %mul3A_707 : memref<16x512xf32, #tpu.memory_space<vmem>>[vector<16xi32>, vector<16xi32>], vector<16xf32>,
      }
      %mul3A_447 = arith.constant 32 : i32
      %mul3A_448 = arith.muli %add3A_400, %mul3A_447 : i32
      %add3A_449 = arith.addi %add3A, %mul3A_448 : i32
      %mul3A_450 = arith.constant 512 : i32
      %mul3A_451 = arith.muli %add3A_449, %mul3A_450 : i32
      %multiple_of3A_452 = tpu.assume_multiple %mul3A_451, 128 : i32
      %dma_start3A_453 = arith.constant 1 : i32
      %dma_start3A_454 = arith.constant 0 : i32
      %dma_start3A_455 = arith.constant 0 : i32
      %dma_start3A_456 = arith.constant 0 : i32
      %dma_start3A_457 = tpu.memref_slice %arg15[%dma_start3A_453, %dma_start3A_454, %dma_start3A_455, %dma_start3A_456] : memref<3x2x16x512xf32, #tpu.memory_space<vmem>> -> memref<1x1x16x512xf32, #tpu.memory_space<vmem>>
      %dma_start3A_458 = tpu.memref_squeeze %dma_start3A_457 : memref<1x1x16x512xf32, #tpu.memory_space<vmem>> -> memref<16x512xf32, #tpu.memory_space<vmem>>
      %dma_start3A_459 = arith.constant 0 : i32
      %dma_start3A_460 = tpu.memref_slice %arg7[%dma_start3A_459, %multiple_of3A_452] : memref<16x1000000xf32, #tpu.memory_space<hbm>> -> memref<16x512xf32, #tpu.memory_space<hbm>>
      %dma_start3A_461 = arith.constant 0 : i32
      %dma_start3A_462 = tpu.memref_slice %arg7[%dma_start3A_461, %multiple_of3A_452] : memref<16x1000000xf32, #tpu.memory_space<hbm>> -> memref<16x512xf32, #tpu.memory_space<hbm>>
      %dma_start3A_463 = arith.constant 0 : i32
      %dma_start3A_464 = arith.constant 0 : i32
      %dma_start3A_465 = tpu.memref_slice %arg15[%dma_start3A_453, %dma_start3A_454, %dma_start3A_463, %dma_start3A_464] : memref<3x2x16x512xf32, #tpu.memory_space<vmem>> -> memref<1x1x16x512xf32, #tpu.memory_space<vmem>>
      %dma_start3A_466 = tpu.memref_squeeze %dma_start3A_465 : memref<1x1x16x512xf32, #tpu.memory_space<vmem>> -> memref<16x512xf32, #tpu.memory_space<vmem>>
      tpu.enqueue_dma source(%dma_start3A_466 : memref<16x512xf32, #tpu.memory_space<vmem>>) target(%dma_start3A_462 : memref<16x512xf32, #tpu.memory_space<hbm>>) target_semaphore(%arg23 : memref<!tpu.dma_semaphore, #tpu.memory_space<semaphore_mem>>)
      %dma_start3A_467 = arith.constant 1 : i32
      %dma_start3A_468 = arith.constant 1 : i32
      %dma_start3A_469 = arith.constant 0 : i32
      %dma_start3A_470 = arith.constant 0 : i32
      %dma_start3A_471 = tpu.memref_slice %arg15[%dma_start3A_467, %dma_start3A_468, %dma_start3A_469, %dma_start3A_470] : memref<3x2x16x512xf32, #tpu.memory_space<vmem>> -> memref<1x1x16x512xf32, #tpu.memory_space<vmem>>
      %dma_start3A_472 = tpu.memref_squeeze %dma_start3A_471 : memref<1x1x16x512xf32, #tpu.memory_space<vmem>> -> memref<16x512xf32, #tpu.memory_space<vmem>>
      %dma_start3A_473 = arith.constant 0 : i32
      %dma_start3A_474 = tpu.memref_slice %arg8[%dma_start3A_473, %multiple_of3A_452] : memref<16x1000000xf32, #tpu.memory_space<hbm>> -> memref<16x512xf32, #tpu.memory_space<hbm>>
      %dma_start3A_475 = arith.constant 0 : i32
      %dma_start3A_476 = tpu.memref_slice %arg8[%dma_start3A_475, %multiple_of3A_452] : memref<16x1000000xf32, #tpu.memory_space<hbm>> -> memref<16x512xf32, #tpu.memory_space<hbm>>
      %dma_start3A_477 = arith.constant 0 : i32
      %dma_start3A_478 = arith.constant 0 : i32
      %dma_start3A_479 = tpu.memref_slice %arg15[%dma_start3A_467, %dma_start3A_468, %dma_start3A_477, %dma_start3A_478] : memref<3x2x16x512xf32, #tpu.memory_space<vmem>> -> memref<1x1x16x512xf32, #tpu.memory_space<vmem>>
      %dma_start3A_480 = tpu.memref_squeeze %dma_start3A_479 : memref<1x1x16x512xf32, #tpu.memory_space<vmem>> -> memref<16x512xf32, #tpu.memory_space<vmem>>
      tpu.enqueue_dma source(%dma_start3A_480 : memref<16x512xf32, #tpu.memory_space<vmem>>) target(%dma_start3A_476 : memref<16x512xf32, #tpu.memory_space<hbm>>) target_semaphore(%arg23 : memref<!tpu.dma_semaphore, #tpu.memory_space<semaphore_mem>>)
      %add3A_481 = arith.constant 2 : i32
      %add3A_482 = arith.addi %add3A_400, %add3A_481 : i32
      %lt3A_483 = arith.constant 60 : i32
      %lt3A_484 = arith.cmpi slt, %add3A_482, %lt3A_483 : i32
      %convert_element_type3A_485 = arith.extui %lt3A_484 : i1 to i32
      %cond3A_486 = arith.constant 0 : i32
      %cond3A_487 = arith.cmpi ne, %convert_element_type3A_485, %cond3A_486 : i32
      scf.if %cond3A_487 {
        %ge3A = arith.constant 1 : i32
        %ge3A_579 = arith.cmpi sge, %add3A_400, %ge3A : i32
        %convert_element_type3A_580 = arith.extui %ge3A_579 : i1 to i32
        %cond3A_581 = arith.constant 0 : i32
        %cond3A_582 = arith.cmpi ne, %convert_element_type3A_580, %cond3A_581 : i32
        scf.if %cond3A_582 {
          %dma_wait3A_619 = arith.constant 0 : i32
          %dma_wait3A_620 = arith.constant 0 : i32
          %dma_wait3A_621 = arith.constant 0 : i32
          %dma_wait3A_622 = arith.constant 0 : i32
          %dma_wait3A_623 = tpu.memref_slice %arg15[%dma_wait3A_619, %dma_wait3A_620, %dma_wait3A_621, %dma_wait3A_622] : memref<3x2x16x512xf32, #tpu.memory_space<vmem>> -> memref<1x1x16x512xf32, #tpu.memory_space<vmem>>
          %dma_wait3A_624 = tpu.memref_squeeze %dma_wait3A_623 : memref<1x1x16x512xf32, #tpu.memory_space<vmem>> -> memref<16x512xf32, #tpu.memory_space<vmem>>
          %dma_wait3A_625 = arith.constant 0 : i32
          %dma_wait3A_626 = arith.constant 0 : i32
          %dma_wait3A_627 = tpu.memref_slice %arg3[%dma_wait3A_625, %dma_wait3A_626] : memref<16x1000000xf32, #tpu.memory_space<hbm>> -> memref<16x512xf32, #tpu.memory_space<hbm>>
          %dma_wait3A_628 = arith.constant 0 : i32
          %dma_wait3A_629 = arith.constant 0 : i32
          %dma_wait3A_630 = tpu.memref_slice %arg15[%dma_wait3A_619, %dma_wait3A_620, %dma_wait3A_628, %dma_wait3A_629] : memref<3x2x16x512xf32, #tpu.memory_space<vmem>> -> memref<1x1x16x512xf32, #tpu.memory_space<vmem>>
          %dma_wait3A_631 = tpu.memref_squeeze %dma_wait3A_630 : memref<1x1x16x512xf32, #tpu.memory_space<vmem>> -> memref<16x512xf32, #tpu.memory_space<vmem>>
          %dma_wait3A_632 = arith.constant 0 : i32
          %dma_wait3A_633 = arith.constant 0 : i32
          %dma_wait3A_634 = tpu.memref_slice %arg3[%dma_wait3A_632, %dma_wait3A_633] : memref<16x1000000xf32, #tpu.memory_space<hbm>> -> memref<16x512xf32, #tpu.memory_space<hbm>>
          tpu.wait_dma2 semaphore(%arg22 : memref<!tpu.dma_semaphore, #tpu.memory_space<semaphore_mem>>) src(%dma_wait3A_634 : memref<16x512xf32, #tpu.memory_space<hbm>>) dst(%dma_wait3A_631 : memref<16x512xf32, #tpu.memory_space<vmem>>)
          %dma_wait3A_635 = arith.constant 0 : i32
          %dma_wait3A_636 = arith.constant 1 : i32
          %dma_wait3A_637 = arith.constant 0 : i32
          %dma_wait3A_638 = arith.constant 0 : i32
          %dma_wait3A_639 = tpu.memref_slice %arg15[%dma_wait3A_635, %dma_wait3A_636, %dma_wait3A_637, %dma_wait3A_638] : memref<3x2x16x512xf32, #tpu.memory_space<vmem>> -> memref<1x1x16x512xf32, #tpu.memory_space<vmem>>
          %dma_wait3A_640 = tpu.memref_squeeze %dma_wait3A_639 : memref<1x1x16x512xf32, #tpu.memory_space<vmem>> -> memref<16x512xf32, #tpu.memory_space<vmem>>
          %dma_wait3A_641 = arith.constant 0 : i32
          %dma_wait3A_642 = arith.constant 0 : i32
          %dma_wait3A_643 = tpu.memref_slice %arg3[%dma_wait3A_641, %dma_wait3A_642] : memref<16x1000000xf32, #tpu.memory_space<hbm>> -> memref<16x512xf32, #tpu.memory_space<hbm>>
          %dma_wait3A_644 = arith.constant 0 : i32
          %dma_wait3A_645 = arith.constant 0 : i32
          %dma_wait3A_646 = tpu.memref_slice %arg15[%dma_wait3A_635, %dma_wait3A_636, %dma_wait3A_644, %dma_wait3A_645] : memref<3x2x16x512xf32, #tpu.memory_space<vmem>> -> memref<1x1x16x512xf32, #tpu.memory_space<vmem>>
          %dma_wait3A_647 = tpu.memref_squeeze %dma_wait3A_646 : memref<1x1x16x512xf32, #tpu.memory_space<vmem>> -> memref<16x512xf32, #tpu.memory_space<vmem>>
          %dma_wait3A_648 = arith.constant 0 : i32
          %dma_wait3A_649 = arith.constant 0 : i32
          %dma_wait3A_650 = tpu.memref_slice %arg3[%dma_wait3A_648, %dma_wait3A_649] : memref<16x1000000xf32, #tpu.memory_space<hbm>> -> memref<16x512xf32, #tpu.memory_space<hbm>>
          tpu.wait_dma2 semaphore(%arg22 : memref<!tpu.dma_semaphore, #tpu.memory_space<semaphore_mem>>) src(%dma_wait3A_650 : memref<16x512xf32, #tpu.memory_space<hbm>>) dst(%dma_wait3A_647 : memref<16x512xf32, #tpu.memory_space<vmem>>)
        } else {
        }
        %add3A_583 = arith.constant 2 : i32
        %add3A_584 = arith.addi %add3A_400, %add3A_583 : i32
        %mul3A_585 = arith.constant 32 : i32
        %mul3A_586 = arith.muli %add3A_584, %mul3A_585 : i32
        %add3A_587 = arith.addi %add3A, %mul3A_586 : i32
        %mul3A_588 = arith.constant 512 : i32
        %mul3A_589 = arith.muli %add3A_587, %mul3A_588 : i32
        %multiple_of3A_590 = tpu.assume_multiple %mul3A_589, 128 : i32
        %dma_start3A_591 = arith.constant 0 : i32
        %dma_start3A_592 = arith.constant 0 : i32
        %dma_start3A_593 = arith.constant 0 : i32
        %dma_start3A_594 = arith.constant 0 : i32
        %dma_start3A_595 = tpu.memref_slice %arg15[%dma_start3A_591, %dma_start3A_592, %dma_start3A_593, %dma_start3A_594] : memref<3x2x16x512xf32, #tpu.memory_space<vmem>> -> memref<1x1x16x512xf32, #tpu.memory_space<vmem>>
        %dma_start3A_596 = tpu.memref_squeeze %dma_start3A_595 : memref<1x1x16x512xf32, #tpu.memory_space<vmem>> -> memref<16x512xf32, #tpu.memory_space<vmem>>
        %dma_start3A_597 = arith.constant 0 : i32
        %dma_start3A_598 = tpu.memref_slice %arg3[%dma_start3A_597, %multiple_of3A_590] : memref<16x1000000xf32, #tpu.memory_space<hbm>> -> memref<16x512xf32, #tpu.memory_space<hbm>>
        %dma_start3A_599 = arith.constant 0 : i32
        %dma_start3A_600 = arith.constant 0 : i32
        %dma_start3A_601 = tpu.memref_slice %arg15[%dma_start3A_591, %dma_start3A_592, %dma_start3A_599, %dma_start3A_600] : memref<3x2x16x512xf32, #tpu.memory_space<vmem>> -> memref<1x1x16x512xf32, #tpu.memory_space<vmem>>
        %dma_start3A_602 = tpu.memref_squeeze %dma_start3A_601 : memref<1x1x16x512xf32, #tpu.memory_space<vmem>> -> memref<16x512xf32, #tpu.memory_space<vmem>>
        %dma_start3A_603 = arith.constant 0 : i32
        %dma_start3A_604 = tpu.memref_slice %arg3[%dma_start3A_603, %multiple_of3A_590] : memref<16x1000000xf32, #tpu.memory_space<hbm>> -> memref<16x512xf32, #tpu.memory_space<hbm>>
        tpu.enqueue_dma source(%dma_start3A_604 : memref<16x512xf32, #tpu.memory_space<hbm>>) target(%dma_start3A_602 : memref<16x512xf32, #tpu.memory_space<vmem>>) target_semaphore(%arg18 : memref<!tpu.dma_semaphore, #tpu.memory_space<semaphore_mem>>)
        %dma_start3A_605 = arith.constant 0 : i32
        %dma_start3A_606 = arith.constant 1 : i32
        %dma_start3A_607 = arith.constant 0 : i32
        %dma_start3A_608 = arith.constant 0 : i32
        %dma_start3A_609 = tpu.memref_slice %arg15[%dma_start3A_605, %dma_start3A_606, %dma_start3A_607, %dma_start3A_608] : memref<3x2x16x512xf32, #tpu.memory_space<vmem>> -> memref<1x1x16x512xf32, #tpu.memory_space<vmem>>
        %dma_start3A_610 = tpu.memref_squeeze %dma_start3A_609 : memref<1x1x16x512xf32, #tpu.memory_space<vmem>> -> memref<16x512xf32, #tpu.memory_space<vmem>>
        %dma_start3A_611 = arith.constant 0 : i32
        %dma_start3A_612 = tpu.memref_slice %arg4[%dma_start3A_611, %multiple_of3A_590] : memref<16x1000000xf32, #tpu.memory_space<hbm>> -> memref<16x512xf32, #tpu.memory_space<hbm>>
        %dma_start3A_613 = arith.constant 0 : i32
        %dma_start3A_614 = arith.constant 0 : i32
        %dma_start3A_615 = tpu.memref_slice %arg15[%dma_start3A_605, %dma_start3A_606, %dma_start3A_613, %dma_start3A_614] : memref<3x2x16x512xf32, #tpu.memory_space<vmem>> -> memref<1x1x16x512xf32, #tpu.memory_space<vmem>>
        %dma_start3A_616 = tpu.memref_squeeze %dma_start3A_615 : memref<1x1x16x512xf32, #tpu.memory_space<vmem>> -> memref<16x512xf32, #tpu.memory_space<vmem>>
        %dma_start3A_617 = arith.constant 0 : i32
        %dma_start3A_618 = tpu.memref_slice %arg4[%dma_start3A_617, %multiple_of3A_590] : memref<16x1000000xf32, #tpu.memory_space<hbm>> -> memref<16x512xf32, #tpu.memory_space<hbm>>
        tpu.enqueue_dma source(%dma_start3A_618 : memref<16x512xf32, #tpu.memory_space<hbm>>) target(%dma_start3A_616 : memref<16x512xf32, #tpu.memory_space<vmem>>) target_semaphore(%arg18 : memref<!tpu.dma_semaphore, #tpu.memory_space<semaphore_mem>>)
      } else {
      }
      %mul3A_488 = arith.constant 3 : i32
      %mul3A_489 = arith.muli %scan3A_302, %mul3A_488 : i32
      %add3A_490 = arith.constant 2 : i32
      %add3A_491 = arith.addi %mul3A_489, %add3A_490 : i32
      %dma_wait3A_492 = arith.constant 2 : i32
      %dma_wait3A_493 = arith.constant 0 : i32
      %dma_wait3A_494 = arith.constant 0 : i32
      %dma_wait3A_495 = arith.constant 0 : i32
      %dma_wait3A_496 = tpu.memref_slice %arg15[%dma_wait3A_492, %dma_wait3A_493, %dma_wait3A_494, %dma_wait3A_495] : memref<3x2x16x512xf32, #tpu.memory_space<vmem>> -> memref<1x1x16x512xf32, #tpu.memory_space<vmem>>
      %dma_wait3A_497 = tpu.memref_squeeze %dma_wait3A_496 : memref<1x1x16x512xf32, #tpu.memory_space<vmem>> -> memref<16x512xf32, #tpu.memory_space<vmem>>
      %dma_wait3A_498 = arith.constant 0 : i32
      %dma_wait3A_499 = arith.constant 0 : i32
      %dma_wait3A_500 = tpu.memref_slice %arg3[%dma_wait3A_498, %dma_wait3A_499] : memref<16x1000000xf32, #tpu.memory_space<hbm>> -> memref<16x512xf32, #tpu.memory_space<hbm>>
      %dma_wait3A_501 = arith.constant 0 : i32
      %dma_wait3A_502 = arith.constant 0 : i32
      %dma_wait3A_503 = tpu.memref_slice %arg15[%dma_wait3A_492, %dma_wait3A_493, %dma_wait3A_501, %dma_wait3A_502] : memref<3x2x16x512xf32, #tpu.memory_space<vmem>> -> memref<1x1x16x512xf32, #tpu.memory_space<vmem>>
      %dma_wait3A_504 = tpu.memref_squeeze %dma_wait3A_503 : memref<1x1x16x512xf32, #tpu.memory_space<vmem>> -> memref<16x512xf32, #tpu.memory_space<vmem>>
      %dma_wait3A_505 = arith.constant 0 : i32
      %dma_wait3A_506 = arith.constant 0 : i32
      %dma_wait3A_507 = tpu.memref_slice %arg3[%dma_wait3A_505, %dma_wait3A_506] : memref<16x1000000xf32, #tpu.memory_space<hbm>> -> memref<16x512xf32, #tpu.memory_space<hbm>>
      tpu.wait_dma2 semaphore(%arg20 : memref<!tpu.dma_semaphore, #tpu.memory_space<semaphore_mem>>) src(%dma_wait3A_507 : memref<16x512xf32, #tpu.memory_space<hbm>>) dst(%dma_wait3A_504 : memref<16x512xf32, #tpu.memory_space<vmem>>)
      %dma_wait3A_508 = arith.constant 2 : i32
      %dma_wait3A_509 = arith.constant 1 : i32
      %dma_wait3A_510 = arith.constant 0 : i32
      %dma_wait3A_511 = arith.constant 0 : i32
      %dma_wait3A_512 = tpu.memref_slice %arg15[%dma_wait3A_508, %dma_wait3A_509, %dma_wait3A_510, %dma_wait3A_511] : memref<3x2x16x512xf32, #tpu.memory_space<vmem>> -> memref<1x1x16x512xf32, #tpu.memory_space<vmem>>
      %dma_wait3A_513 = tpu.memref_squeeze %dma_wait3A_512 : memref<1x1x16x512xf32, #tpu.memory_space<vmem>> -> memref<16x512xf32, #tpu.memory_space<vmem>>
      %dma_wait3A_514 = arith.constant 0 : i32
      %dma_wait3A_515 = arith.constant 0 : i32
      %dma_wait3A_516 = tpu.memref_slice %arg3[%dma_wait3A_514, %dma_wait3A_515] : memref<16x1000000xf32, #tpu.memory_space<hbm>> -> memref<16x512xf32, #tpu.memory_space<hbm>>
      %dma_wait3A_517 = arith.constant 0 : i32
      %dma_wait3A_518 = arith.constant 0 : i32
      %dma_wait3A_519 = tpu.memref_slice %arg15[%dma_wait3A_508, %dma_wait3A_509, %dma_wait3A_517, %dma_wait3A_518] : memref<3x2x16x512xf32, #tpu.memory_space<vmem>> -> memref<1x1x16x512xf32, #tpu.memory_space<vmem>>
      %dma_wait3A_520 = tpu.memref_squeeze %dma_wait3A_519 : memref<1x1x16x512xf32, #tpu.memory_space<vmem>> -> memref<16x512xf32, #tpu.memory_space<vmem>>
      %dma_wait3A_521 = arith.constant 0 : i32
      %dma_wait3A_522 = arith.constant 0 : i32
      %dma_wait3A_523 = tpu.memref_slice %arg3[%dma_wait3A_521, %dma_wait3A_522] : memref<16x1000000xf32, #tpu.memory_space<hbm>> -> memref<16x512xf32, #tpu.memory_space<hbm>>
      tpu.wait_dma2 semaphore(%arg20 : memref<!tpu.dma_semaphore, #tpu.memory_space<semaphore_mem>>) src(%dma_wait3A_523 : memref<16x512xf32, #tpu.memory_space<hbm>>) dst(%dma_wait3A_520 : memref<16x512xf32, #tpu.memory_space<vmem>>)
      %slice3A_524 = vector.extract_strided_slice %get3A_306 {offsets = [2], sizes = [1], strides = [1]} : vector<16xi32> to vector<1xi32>
      %squeeze3A_525 = vector.extract %slice3A_524[0] : i32 from vector<1xi32>
      %slice3A_526 = vector.extract_strided_slice %get3A_306 {offsets = [3], sizes = [1], strides = [1]} : vector<16xi32> to vector<1xi32>
      %squeeze3A_527 = vector.extract %slice3A_526[0] : i32 from vector<1xi32>
      %while3A_528 = arith.constant 0 : i32
      %while3A_529 = arith.constant 2 : i32
      %while3A_530 = arith.subi %squeeze3A_527, %squeeze3A_525 : i32
      %while3A_531 = arith.addi %squeeze3A_525, %while3A_530 : i32
      %while3A_532 = arith.constant 1 : i32
      %while3A_533 = arith.divsi %while3A_530, %while3A_532 : i32
      %while3A_534 = arith.muli %while3A_533, %while3A_532 : i32
      %while3A_535 = arith.addi %squeeze3A_525, %while3A_534 : i32
      %while3A_536 = arith.constant 1 : i32
      scf.for %while3A_579 = %squeeze3A_525 to %while3A_535 step %while3A_536  : i32 {
        %broadcast_in_dim3A_580 = vector.broadcast %while3A_579 : i32 to vector<16xi32>
        %gather3A = tpu.vector_load_idx %arg13[%broadcast_in_dim3A_580] : memref<576xi32, #tpu.memory_space<vmem>>[vector<16xi32>], vector<16xi32>,
        %gather3A_581 = tpu.vector_load_idx %arg11[%gather3A] : memref<576xi32, #tpu.memory_space<vmem>>[vector<16xi32>], vector<16xi32>,
        %and3A = arith.constant 511 : i32
        %and3A_582 = vector.broadcast %and3A : i32 to vector<16xi32>
        %and3A_583 = arith.andi %gather3A_581, %and3A_582 : vector<16xi32>
        %add3A_584 = arith.constant 0 : i32
        %add3A_585 = vector.broadcast %add3A_584 : i32 to vector<16xi32>
        %add3A_586 = arith.addi %add3A_585, %iota3A : vector<16xi32>
        %gather3A_587 = tpu.vector_load_idx %arg14[%gather3A, %add3A_586] : memref<576x128xf32, #tpu.memory_space<vmem>>[vector<16xi32>, vector<16xi32>], vector<16xf32>,
        %gather3A_588 = arith.constant 0 : i32
        %gather3A_589 = arith.constant 0 : i32
        %gather3A_590 = arith.constant 0 : i32
        %gather3A_591 = arith.constant 0 : i32
        %gather3A_592 = tpu.memref_slice %arg15[%while3A_529, %gather3A_589, %gather3A_590, %gather3A_591] : memref<3x2x16x512xf32, #tpu.memory_space<vmem>> -> memref<1x2x16x512xf32, #tpu.memory_space<vmem>>
        %gather3A_593 = tpu.memref_squeeze %gather3A_592 : memref<1x2x16x512xf32, #tpu.memory_space<vmem>> -> memref<2x16x512xf32, #tpu.memory_space<vmem>>
        %gather3A_594 = arith.constant 0 : i32
        %gather3A_595 = arith.constant 0 : i32
        %gather3A_596 = tpu.memref_slice %gather3A_593[%gather3A_588, %gather3A_594, %gather3A_595] : memref<2x16x512xf32, #tpu.memory_space<vmem>> -> memref<1x16x512xf32, #tpu.memory_space<vmem>>
        %gather3A_597 = tpu.memref_squeeze %gather3A_596 : memref<1x16x512xf32, #tpu.memory_space<vmem>> -> memref<16x512xf32, #tpu.memory_space<vmem>>
        %gather3A_598 = tpu.vector_load_idx %gather3A_597[%iota3A, %and3A_583] : memref<16x512xf32, #tpu.memory_space<vmem>>[vector<16xi32>, vector<16xi32>], vector<16xf32>,
        %mul3A_599 = arith.mulf %get3A_1, %gather3A_598 : vector<16xf32>
        %add3A_600 = arith.addf %mul3A_599, %gather3A_587 : vector<16xf32>
        %mul3A_601 = arith.mulf %add3A_600, %add3A_600 : vector<16xf32>
        %reduce_sum3A = arith.constant true
        %reduce_sum3A_602 = vector.broadcast %reduce_sum3A : i1 to vector<16xi1>
        %reduce_sum3A_603 = tpu.scan <sum>, %mul3A_601 masked %reduce_sum3A_602 : vector<16xf32>, vector<16xi1> -> vector<16xf32>
        %reduce_sum3A_604 = vector.extract %reduce_sum3A_603[15] : f32 from vector<16xf32>
        %broadcast_in_dim3A_605 = vector.broadcast %reduce_sum3A_604 : f32 to vector<16xf32>
        %max3A = arith.maximumf %broadcast_in_dim3A_605, %broadcast_in_dim3A_2 : vector<16xf32>
        %bitcast3A = vector.bitcast %max3A : vector<16xf32> to vector<16xi32>
        %shift_right_arithmetic3A = arith.constant 1 : i32
        %shift_right_arithmetic3A_606 = vector.broadcast %shift_right_arithmetic3A : i32 to vector<16xi32>
        %shift_right_arithmetic3A_607 = arith.shrsi %bitcast3A, %shift_right_arithmetic3A_606 : vector<16xi32>
        %sub3A = arith.constant 1597463007 : i32
        %sub3A_608 = vector.broadcast %sub3A : i32 to vector<16xi32>
        %sub3A_609 = arith.subi %sub3A_608, %shift_right_arithmetic3A_607 : vector<16xi32>
        %bitcast3A_610 = vector.bitcast %sub3A_609 : vector<16xi32> to vector<16xf32>
        %mul3A_611 = arith.constant 5.000000e-01 : f32
        %mul3A_612 = vector.broadcast %mul3A_611 : f32 to vector<16xf32>
        %mul3A_613 = arith.mulf %mul3A_612, %max3A : vector<16xf32>
        %mul3A_614 = arith.mulf %mul3A_613, %bitcast3A_610 : vector<16xf32>
        %mul3A_615 = arith.mulf %mul3A_614, %bitcast3A_610 : vector<16xf32>
        %sub3A_616 = arith.constant 1.500000e+00 : f32
        %sub3A_617 = vector.broadcast %sub3A_616 : f32 to vector<16xf32>
        %sub3A_618 = arith.subf %sub3A_617, %mul3A_615 : vector<16xf32>
        %mul3A_619 = arith.mulf %bitcast3A_610, %sub3A_618 : vector<16xf32>
        %mul3A_620 = arith.constant 5.000000e-01 : f32
        %mul3A_621 = vector.broadcast %mul3A_620 : f32 to vector<16xf32>
        %mul3A_622 = arith.mulf %mul3A_621, %max3A : vector<16xf32>
        %mul3A_623 = arith.mulf %mul3A_622, %mul3A_619 : vector<16xf32>
        %mul3A_624 = arith.mulf %mul3A_623, %mul3A_619 : vector<16xf32>
        %sub3A_625 = arith.constant 1.500000e+00 : f32
        %sub3A_626 = vector.broadcast %sub3A_625 : f32 to vector<16xf32>
        %sub3A_627 = arith.subf %sub3A_626, %mul3A_624 : vector<16xf32>
        %mul3A_628 = arith.mulf %mul3A_619, %sub3A_627 : vector<16xf32>
        %mul3A_629 = arith.constant 5.000000e-01 : f32
        %mul3A_630 = vector.broadcast %mul3A_629 : f32 to vector<16xf32>
        %mul3A_631 = arith.mulf %mul3A_630, %max3A : vector<16xf32>
        %mul3A_632 = arith.mulf %mul3A_631, %mul3A_628 : vector<16xf32>
        %mul3A_633 = arith.mulf %mul3A_632, %mul3A_628 : vector<16xf32>
        %sub3A_634 = arith.constant 1.500000e+00 : f32
        %sub3A_635 = vector.broadcast %sub3A_634 : f32 to vector<16xf32>
        %sub3A_636 = arith.subf %sub3A_635, %mul3A_633 : vector<16xf32>
        %mul3A_637 = arith.mulf %mul3A_628, %sub3A_636 : vector<16xf32>
        %mul3A_638 = arith.mulf %add3A_600, %mul3A_637 : vector<16xf32>
        %scatter3A = arith.constant 0 : i32
        %scatter3A_639 = arith.constant 0 : i32
        %scatter3A_640 = arith.constant 0 : i32
        %scatter3A_641 = arith.constant 0 : i32
        %scatter3A_642 = tpu.memref_slice %arg15[%while3A_529, %scatter3A_639, %scatter3A_640, %scatter3A_641] : memref<3x2x16x512xf32, #tpu.memory_space<vmem>> -> memref<1x2x16x512xf32, #tpu.memory_space<vmem>>
        %scatter3A_643 = tpu.memref_squeeze %scatter3A_642 : memref<1x2x16x512xf32, #tpu.memory_space<vmem>> -> memref<2x16x512xf32, #tpu.memory_space<vmem>>
        %scatter3A_644 = arith.constant 0 : i32
        %scatter3A_645 = arith.constant 0 : i32
        %scatter3A_646 = tpu.memref_slice %scatter3A_643[%scatter3A, %scatter3A_644, %scatter3A_645] : memref<2x16x512xf32, #tpu.memory_space<vmem>> -> memref<1x16x512xf32, #tpu.memory_space<vmem>>
        %scatter3A_647 = tpu.memref_squeeze %scatter3A_646 : memref<1x16x512xf32, #tpu.memory_space<vmem>> -> memref<16x512xf32, #tpu.memory_space<vmem>>
        tpu.vector_store_idx %scatter3A_647[%iota3A, %and3A_583], %mul3A_638 : memref<16x512xf32, #tpu.memory_space<vmem>>[vector<16xi32>, vector<16xi32>], vector<16xf32>,
        %add3A_648 = arith.constant 16 : i32
        %add3A_649 = vector.broadcast %add3A_648 : i32 to vector<16xi32>
        %add3A_650 = arith.addi %add3A_649, %iota3A : vector<16xi32>
        %gather3A_651 = tpu.vector_load_idx %arg14[%gather3A, %add3A_650] : memref<576x128xf32, #tpu.memory_space<vmem>>[vector<16xi32>, vector<16xi32>], vector<16xf32>,
        %gather3A_652 = arith.constant 1 : i32
        %gather3A_653 = arith.constant 0 : i32
        %gather3A_654 = arith.constant 0 : i32
        %gather3A_655 = arith.constant 0 : i32
        %gather3A_656 = tpu.memref_slice %arg15[%while3A_529, %gather3A_653, %gather3A_654, %gather3A_655] : memref<3x2x16x512xf32, #tpu.memory_space<vmem>> -> memref<1x2x16x512xf32, #tpu.memory_space<vmem>>
        %gather3A_657 = tpu.memref_squeeze %gather3A_656 : memref<1x2x16x512xf32, #tpu.memory_space<vmem>> -> memref<2x16x512xf32, #tpu.memory_space<vmem>>
        %gather3A_658 = arith.constant 0 : i32
        %gather3A_659 = arith.constant 0 : i32
        %gather3A_660 = tpu.memref_slice %gather3A_657[%gather3A_652, %gather3A_658, %gather3A_659] : memref<2x16x512xf32, #tpu.memory_space<vmem>> -> memref<1x16x512xf32, #tpu.memory_space<vmem>>
        %gather3A_661 = tpu.memref_squeeze %gather3A_660 : memref<1x16x512xf32, #tpu.memory_space<vmem>> -> memref<16x512xf32, #tpu.memory_space<vmem>>
        %gather3A_662 = tpu.vector_load_idx %gather3A_661[%iota3A, %and3A_583] : memref<16x512xf32, #tpu.memory_space<vmem>>[vector<16xi32>, vector<16xi32>], vector<16xf32>,
        %mul3A_663 = arith.mulf %get3A_1, %gather3A_662 : vector<16xf32>
        %add3A_664 = arith.addf %mul3A_663, %gather3A_651 : vector<16xf32>
        %mul3A_665 = arith.mulf %add3A_664, %add3A_664 : vector<16xf32>
        %reduce_sum3A_666 = arith.constant true
        %reduce_sum3A_667 = vector.broadcast %reduce_sum3A_666 : i1 to vector<16xi1>
        %reduce_sum3A_668 = tpu.scan <sum>, %mul3A_665 masked %reduce_sum3A_667 : vector<16xf32>, vector<16xi1> -> vector<16xf32>
        %reduce_sum3A_669 = vector.extract %reduce_sum3A_668[15] : f32 from vector<16xf32>
        %broadcast_in_dim3A_670 = vector.broadcast %reduce_sum3A_669 : f32 to vector<16xf32>
        %max3A_671 = arith.maximumf %broadcast_in_dim3A_670, %broadcast_in_dim3A_2 : vector<16xf32>
        %bitcast3A_672 = vector.bitcast %max3A_671 : vector<16xf32> to vector<16xi32>
        %shift_right_arithmetic3A_673 = arith.constant 1 : i32
        %shift_right_arithmetic3A_674 = vector.broadcast %shift_right_arithmetic3A_673 : i32 to vector<16xi32>
        %shift_right_arithmetic3A_675 = arith.shrsi %bitcast3A_672, %shift_right_arithmetic3A_674 : vector<16xi32>
        %sub3A_676 = arith.constant 1597463007 : i32
        %sub3A_677 = vector.broadcast %sub3A_676 : i32 to vector<16xi32>
        %sub3A_678 = arith.subi %sub3A_677, %shift_right_arithmetic3A_675 : vector<16xi32>
        %bitcast3A_679 = vector.bitcast %sub3A_678 : vector<16xi32> to vector<16xf32>
        %mul3A_680 = arith.constant 5.000000e-01 : f32
        %mul3A_681 = vector.broadcast %mul3A_680 : f32 to vector<16xf32>
        %mul3A_682 = arith.mulf %mul3A_681, %max3A_671 : vector<16xf32>
        %mul3A_683 = arith.mulf %mul3A_682, %bitcast3A_679 : vector<16xf32>
        %mul3A_684 = arith.mulf %mul3A_683, %bitcast3A_679 : vector<16xf32>
        %sub3A_685 = arith.constant 1.500000e+00 : f32
        %sub3A_686 = vector.broadcast %sub3A_685 : f32 to vector<16xf32>
        %sub3A_687 = arith.subf %sub3A_686, %mul3A_684 : vector<16xf32>
        %mul3A_688 = arith.mulf %bitcast3A_679, %sub3A_687 : vector<16xf32>
        %mul3A_689 = arith.constant 5.000000e-01 : f32
        %mul3A_690 = vector.broadcast %mul3A_689 : f32 to vector<16xf32>
        %mul3A_691 = arith.mulf %mul3A_690, %max3A_671 : vector<16xf32>
        %mul3A_692 = arith.mulf %mul3A_691, %mul3A_688 : vector<16xf32>
        %mul3A_693 = arith.mulf %mul3A_692, %mul3A_688 : vector<16xf32>
        %sub3A_694 = arith.constant 1.500000e+00 : f32
        %sub3A_695 = vector.broadcast %sub3A_694 : f32 to vector<16xf32>
        %sub3A_696 = arith.subf %sub3A_695, %mul3A_693 : vector<16xf32>
        %mul3A_697 = arith.mulf %mul3A_688, %sub3A_696 : vector<16xf32>
        %mul3A_698 = arith.constant 5.000000e-01 : f32
        %mul3A_699 = vector.broadcast %mul3A_698 : f32 to vector<16xf32>
        %mul3A_700 = arith.mulf %mul3A_699, %max3A_671 : vector<16xf32>
        %mul3A_701 = arith.mulf %mul3A_700, %mul3A_697 : vector<16xf32>
        %mul3A_702 = arith.mulf %mul3A_701, %mul3A_697 : vector<16xf32>
        %sub3A_703 = arith.constant 1.500000e+00 : f32
        %sub3A_704 = vector.broadcast %sub3A_703 : f32 to vector<16xf32>
        %sub3A_705 = arith.subf %sub3A_704, %mul3A_702 : vector<16xf32>
        %mul3A_706 = arith.mulf %mul3A_697, %sub3A_705 : vector<16xf32>
        %mul3A_707 = arith.mulf %add3A_664, %mul3A_706 : vector<16xf32>
        %scatter3A_708 = arith.constant 1 : i32
        %scatter3A_709 = arith.constant 0 : i32
        %scatter3A_710 = arith.constant 0 : i32
        %scatter3A_711 = arith.constant 0 : i32
        %scatter3A_712 = tpu.memref_slice %arg15[%while3A_529, %scatter3A_709, %scatter3A_710, %scatter3A_711] : memref<3x2x16x512xf32, #tpu.memory_space<vmem>> -> memref<1x2x16x512xf32, #tpu.memory_space<vmem>>
        %scatter3A_713 = tpu.memref_squeeze %scatter3A_712 : memref<1x2x16x512xf32, #tpu.memory_space<vmem>> -> memref<2x16x512xf32, #tpu.memory_space<vmem>>
        %scatter3A_714 = arith.constant 0 : i32
        %scatter3A_715 = arith.constant 0 : i32
        %scatter3A_716 = tpu.memref_slice %scatter3A_713[%scatter3A_708, %scatter3A_714, %scatter3A_715] : memref<2x16x512xf32, #tpu.memory_space<vmem>> -> memref<1x16x512xf32, #tpu.memory_space<vmem>>
        %scatter3A_717 = tpu.memref_squeeze %scatter3A_716 : memref<1x16x512xf32, #tpu.memory_space<vmem>> -> memref<16x512xf32, #tpu.memory_space<vmem>>
        tpu.vector_store_idx %scatter3A_717[%iota3A, %and3A_583], %mul3A_707 : memref<16x512xf32, #tpu.memory_space<vmem>>[vector<16xi32>, vector<16xi32>], vector<16xf32>,
      }
      %while3A_537 = arith.constant 1 : i32
      scf.for %while3A_579 = %while3A_535 to %while3A_531 step %while3A_537  : i32 {
        %broadcast_in_dim3A_580 = vector.broadcast %while3A_579 : i32 to vector<16xi32>
        %gather3A = tpu.vector_load_idx %arg13[%broadcast_in_dim3A_580] : memref<576xi32, #tpu.memory_space<vmem>>[vector<16xi32>], vector<16xi32>,
        %gather3A_581 = tpu.vector_load_idx %arg11[%gather3A] : memref<576xi32, #tpu.memory_space<vmem>>[vector<16xi32>], vector<16xi32>,
        %and3A = arith.constant 511 : i32
        %and3A_582 = vector.broadcast %and3A : i32 to vector<16xi32>
        %and3A_583 = arith.andi %gather3A_581, %and3A_582 : vector<16xi32>
        %add3A_584 = arith.constant 0 : i32
        %add3A_585 = vector.broadcast %add3A_584 : i32 to vector<16xi32>
        %add3A_586 = arith.addi %add3A_585, %iota3A : vector<16xi32>
        %gather3A_587 = tpu.vector_load_idx %arg14[%gather3A, %add3A_586] : memref<576x128xf32, #tpu.memory_space<vmem>>[vector<16xi32>, vector<16xi32>], vector<16xf32>,
        %gather3A_588 = arith.constant 0 : i32
        %gather3A_589 = arith.constant 0 : i32
        %gather3A_590 = arith.constant 0 : i32
        %gather3A_591 = arith.constant 0 : i32
        %gather3A_592 = tpu.memref_slice %arg15[%while3A_529, %gather3A_589, %gather3A_590, %gather3A_591] : memref<3x2x16x512xf32, #tpu.memory_space<vmem>> -> memref<1x2x16x512xf32, #tpu.memory_space<vmem>>
        %gather3A_593 = tpu.memref_squeeze %gather3A_592 : memref<1x2x16x512xf32, #tpu.memory_space<vmem>> -> memref<2x16x512xf32, #tpu.memory_space<vmem>>
        %gather3A_594 = arith.constant 0 : i32
        %gather3A_595 = arith.constant 0 : i32
        %gather3A_596 = tpu.memref_slice %gather3A_593[%gather3A_588, %gather3A_594, %gather3A_595] : memref<2x16x512xf32, #tpu.memory_space<vmem>> -> memref<1x16x512xf32, #tpu.memory_space<vmem>>
        %gather3A_597 = tpu.memref_squeeze %gather3A_596 : memref<1x16x512xf32, #tpu.memory_space<vmem>> -> memref<16x512xf32, #tpu.memory_space<vmem>>
        %gather3A_598 = tpu.vector_load_idx %gather3A_597[%iota3A, %and3A_583] : memref<16x512xf32, #tpu.memory_space<vmem>>[vector<16xi32>, vector<16xi32>], vector<16xf32>,
        %mul3A_599 = arith.mulf %get3A_1, %gather3A_598 : vector<16xf32>
        %add3A_600 = arith.addf %mul3A_599, %gather3A_587 : vector<16xf32>
        %mul3A_601 = arith.mulf %add3A_600, %add3A_600 : vector<16xf32>
        %reduce_sum3A = arith.constant true
        %reduce_sum3A_602 = vector.broadcast %reduce_sum3A : i1 to vector<16xi1>
        %reduce_sum3A_603 = tpu.scan <sum>, %mul3A_601 masked %reduce_sum3A_602 : vector<16xf32>, vector<16xi1> -> vector<16xf32>
        %reduce_sum3A_604 = vector.extract %reduce_sum3A_603[15] : f32 from vector<16xf32>
        %broadcast_in_dim3A_605 = vector.broadcast %reduce_sum3A_604 : f32 to vector<16xf32>
        %max3A = arith.maximumf %broadcast_in_dim3A_605, %broadcast_in_dim3A_2 : vector<16xf32>
        %bitcast3A = vector.bitcast %max3A : vector<16xf32> to vector<16xi32>
        %shift_right_arithmetic3A = arith.constant 1 : i32
        %shift_right_arithmetic3A_606 = vector.broadcast %shift_right_arithmetic3A : i32 to vector<16xi32>
        %shift_right_arithmetic3A_607 = arith.shrsi %bitcast3A, %shift_right_arithmetic3A_606 : vector<16xi32>
        %sub3A = arith.constant 1597463007 : i32
        %sub3A_608 = vector.broadcast %sub3A : i32 to vector<16xi32>
        %sub3A_609 = arith.subi %sub3A_608, %shift_right_arithmetic3A_607 : vector<16xi32>
        %bitcast3A_610 = vector.bitcast %sub3A_609 : vector<16xi32> to vector<16xf32>
        %mul3A_611 = arith.constant 5.000000e-01 : f32
        %mul3A_612 = vector.broadcast %mul3A_611 : f32 to vector<16xf32>
        %mul3A_613 = arith.mulf %mul3A_612, %max3A : vector<16xf32>
        %mul3A_614 = arith.mulf %mul3A_613, %bitcast3A_610 : vector<16xf32>
        %mul3A_615 = arith.mulf %mul3A_614, %bitcast3A_610 : vector<16xf32>
        %sub3A_616 = arith.constant 1.500000e+00 : f32
        %sub3A_617 = vector.broadcast %sub3A_616 : f32 to vector<16xf32>
        %sub3A_618 = arith.subf %sub3A_617, %mul3A_615 : vector<16xf32>
        %mul3A_619 = arith.mulf %bitcast3A_610, %sub3A_618 : vector<16xf32>
        %mul3A_620 = arith.constant 5.000000e-01 : f32
        %mul3A_621 = vector.broadcast %mul3A_620 : f32 to vector<16xf32>
        %mul3A_622 = arith.mulf %mul3A_621, %max3A : vector<16xf32>
        %mul3A_623 = arith.mulf %mul3A_622, %mul3A_619 : vector<16xf32>
        %mul3A_624 = arith.mulf %mul3A_623, %mul3A_619 : vector<16xf32>
        %sub3A_625 = arith.constant 1.500000e+00 : f32
        %sub3A_626 = vector.broadcast %sub3A_625 : f32 to vector<16xf32>
        %sub3A_627 = arith.subf %sub3A_626, %mul3A_624 : vector<16xf32>
        %mul3A_628 = arith.mulf %mul3A_619, %sub3A_627 : vector<16xf32>
        %mul3A_629 = arith.constant 5.000000e-01 : f32
        %mul3A_630 = vector.broadcast %mul3A_629 : f32 to vector<16xf32>
        %mul3A_631 = arith.mulf %mul3A_630, %max3A : vector<16xf32>
        %mul3A_632 = arith.mulf %mul3A_631, %mul3A_628 : vector<16xf32>
        %mul3A_633 = arith.mulf %mul3A_632, %mul3A_628 : vector<16xf32>
        %sub3A_634 = arith.constant 1.500000e+00 : f32
        %sub3A_635 = vector.broadcast %sub3A_634 : f32 to vector<16xf32>
        %sub3A_636 = arith.subf %sub3A_635, %mul3A_633 : vector<16xf32>
        %mul3A_637 = arith.mulf %mul3A_628, %sub3A_636 : vector<16xf32>
        %mul3A_638 = arith.mulf %add3A_600, %mul3A_637 : vector<16xf32>
        %scatter3A = arith.constant 0 : i32
        %scatter3A_639 = arith.constant 0 : i32
        %scatter3A_640 = arith.constant 0 : i32
        %scatter3A_641 = arith.constant 0 : i32
        %scatter3A_642 = tpu.memref_slice %arg15[%while3A_529, %scatter3A_639, %scatter3A_640, %scatter3A_641] : memref<3x2x16x512xf32, #tpu.memory_space<vmem>> -> memref<1x2x16x512xf32, #tpu.memory_space<vmem>>
        %scatter3A_643 = tpu.memref_squeeze %scatter3A_642 : memref<1x2x16x512xf32, #tpu.memory_space<vmem>> -> memref<2x16x512xf32, #tpu.memory_space<vmem>>
        %scatter3A_644 = arith.constant 0 : i32
        %scatter3A_645 = arith.constant 0 : i32
        %scatter3A_646 = tpu.memref_slice %scatter3A_643[%scatter3A, %scatter3A_644, %scatter3A_645] : memref<2x16x512xf32, #tpu.memory_space<vmem>> -> memref<1x16x512xf32, #tpu.memory_space<vmem>>
        %scatter3A_647 = tpu.memref_squeeze %scatter3A_646 : memref<1x16x512xf32, #tpu.memory_space<vmem>> -> memref<16x512xf32, #tpu.memory_space<vmem>>
        tpu.vector_store_idx %scatter3A_647[%iota3A, %and3A_583], %mul3A_638 : memref<16x512xf32, #tpu.memory_space<vmem>>[vector<16xi32>, vector<16xi32>], vector<16xf32>,
        %add3A_648 = arith.constant 16 : i32
        %add3A_649 = vector.broadcast %add3A_648 : i32 to vector<16xi32>
        %add3A_650 = arith.addi %add3A_649, %iota3A : vector<16xi32>
        %gather3A_651 = tpu.vector_load_idx %arg14[%gather3A, %add3A_650] : memref<576x128xf32, #tpu.memory_space<vmem>>[vector<16xi32>, vector<16xi32>], vector<16xf32>,
        %gather3A_652 = arith.constant 1 : i32
        %gather3A_653 = arith.constant 0 : i32
        %gather3A_654 = arith.constant 0 : i32
        %gather3A_655 = arith.constant 0 : i32
        %gather3A_656 = tpu.memref_slice %arg15[%while3A_529, %gather3A_653, %gather3A_654, %gather3A_655] : memref<3x2x16x512xf32, #tpu.memory_space<vmem>> -> memref<1x2x16x512xf32, #tpu.memory_space<vmem>>
        %gather3A_657 = tpu.memref_squeeze %gather3A_656 : memref<1x2x16x512xf32, #tpu.memory_space<vmem>> -> memref<2x16x512xf32, #tpu.memory_space<vmem>>
        %gather3A_658 = arith.constant 0 : i32
        %gather3A_659 = arith.constant 0 : i32
        %gather3A_660 = tpu.memref_slice %gather3A_657[%gather3A_652, %gather3A_658, %gather3A_659] : memref<2x16x512xf32, #tpu.memory_space<vmem>> -> memref<1x16x512xf32, #tpu.memory_space<vmem>>
        %gather3A_661 = tpu.memref_squeeze %gather3A_660 : memref<1x16x512xf32, #tpu.memory_space<vmem>> -> memref<16x512xf32, #tpu.memory_space<vmem>>
        %gather3A_662 = tpu.vector_load_idx %gather3A_661[%iota3A, %and3A_583] : memref<16x512xf32, #tpu.memory_space<vmem>>[vector<16xi32>, vector<16xi32>], vector<16xf32>,
        %mul3A_663 = arith.mulf %get3A_1, %gather3A_662 : vector<16xf32>
        %add3A_664 = arith.addf %mul3A_663, %gather3A_651 : vector<16xf32>
        %mul3A_665 = arith.mulf %add3A_664, %add3A_664 : vector<16xf32>
        %reduce_sum3A_666 = arith.constant true
        %reduce_sum3A_667 = vector.broadcast %reduce_sum3A_666 : i1 to vector<16xi1>
        %reduce_sum3A_668 = tpu.scan <sum>, %mul3A_665 masked %reduce_sum3A_667 : vector<16xf32>, vector<16xi1> -> vector<16xf32>
        %reduce_sum3A_669 = vector.extract %reduce_sum3A_668[15] : f32 from vector<16xf32>
        %broadcast_in_dim3A_670 = vector.broadcast %reduce_sum3A_669 : f32 to vector<16xf32>
        %max3A_671 = arith.maximumf %broadcast_in_dim3A_670, %broadcast_in_dim3A_2 : vector<16xf32>
        %bitcast3A_672 = vector.bitcast %max3A_671 : vector<16xf32> to vector<16xi32>
        %shift_right_arithmetic3A_673 = arith.constant 1 : i32
        %shift_right_arithmetic3A_674 = vector.broadcast %shift_right_arithmetic3A_673 : i32 to vector<16xi32>
        %shift_right_arithmetic3A_675 = arith.shrsi %bitcast3A_672, %shift_right_arithmetic3A_674 : vector<16xi32>
        %sub3A_676 = arith.constant 1597463007 : i32
        %sub3A_677 = vector.broadcast %sub3A_676 : i32 to vector<16xi32>
        %sub3A_678 = arith.subi %sub3A_677, %shift_right_arithmetic3A_675 : vector<16xi32>
        %bitcast3A_679 = vector.bitcast %sub3A_678 : vector<16xi32> to vector<16xf32>
        %mul3A_680 = arith.constant 5.000000e-01 : f32
        %mul3A_681 = vector.broadcast %mul3A_680 : f32 to vector<16xf32>
        %mul3A_682 = arith.mulf %mul3A_681, %max3A_671 : vector<16xf32>
        %mul3A_683 = arith.mulf %mul3A_682, %bitcast3A_679 : vector<16xf32>
        %mul3A_684 = arith.mulf %mul3A_683, %bitcast3A_679 : vector<16xf32>
        %sub3A_685 = arith.constant 1.500000e+00 : f32
        %sub3A_686 = vector.broadcast %sub3A_685 : f32 to vector<16xf32>
        %sub3A_687 = arith.subf %sub3A_686, %mul3A_684 : vector<16xf32>
        %mul3A_688 = arith.mulf %bitcast3A_679, %sub3A_687 : vector<16xf32>
        %mul3A_689 = arith.constant 5.000000e-01 : f32
        %mul3A_690 = vector.broadcast %mul3A_689 : f32 to vector<16xf32>
        %mul3A_691 = arith.mulf %mul3A_690, %max3A_671 : vector<16xf32>
        %mul3A_692 = arith.mulf %mul3A_691, %mul3A_688 : vector<16xf32>
        %mul3A_693 = arith.mulf %mul3A_692, %mul3A_688 : vector<16xf32>
        %sub3A_694 = arith.constant 1.500000e+00 : f32
        %sub3A_695 = vector.broadcast %sub3A_694 : f32 to vector<16xf32>
        %sub3A_696 = arith.subf %sub3A_695, %mul3A_693 : vector<16xf32>
        %mul3A_697 = arith.mulf %mul3A_688, %sub3A_696 : vector<16xf32>
        %mul3A_698 = arith.constant 5.000000e-01 : f32
        %mul3A_699 = vector.broadcast %mul3A_698 : f32 to vector<16xf32>
        %mul3A_700 = arith.mulf %mul3A_699, %max3A_671 : vector<16xf32>
        %mul3A_701 = arith.mulf %mul3A_700, %mul3A_697 : vector<16xf32>
        %mul3A_702 = arith.mulf %mul3A_701, %mul3A_697 : vector<16xf32>
        %sub3A_703 = arith.constant 1.500000e+00 : f32
        %sub3A_704 = vector.broadcast %sub3A_703 : f32 to vector<16xf32>
        %sub3A_705 = arith.subf %sub3A_704, %mul3A_702 : vector<16xf32>
        %mul3A_706 = arith.mulf %mul3A_697, %sub3A_705 : vector<16xf32>
        %mul3A_707 = arith.mulf %add3A_664, %mul3A_706 : vector<16xf32>
        %scatter3A_708 = arith.constant 1 : i32
        %scatter3A_709 = arith.constant 0 : i32
        %scatter3A_710 = arith.constant 0 : i32
        %scatter3A_711 = arith.constant 0 : i32
        %scatter3A_712 = tpu.memref_slice %arg15[%while3A_529, %scatter3A_709, %scatter3A_710, %scatter3A_711] : memref<3x2x16x512xf32, #tpu.memory_space<vmem>> -> memref<1x2x16x512xf32, #tpu.memory_space<vmem>>
        %scatter3A_713 = tpu.memref_squeeze %scatter3A_712 : memref<1x2x16x512xf32, #tpu.memory_space<vmem>> -> memref<2x16x512xf32, #tpu.memory_space<vmem>>
        %scatter3A_714 = arith.constant 0 : i32
        %scatter3A_715 = arith.constant 0 : i32
        %scatter3A_716 = tpu.memref_slice %scatter3A_713[%scatter3A_708, %scatter3A_714, %scatter3A_715] : memref<2x16x512xf32, #tpu.memory_space<vmem>> -> memref<1x16x512xf32, #tpu.memory_space<vmem>>
        %scatter3A_717 = tpu.memref_squeeze %scatter3A_716 : memref<1x16x512xf32, #tpu.memory_space<vmem>> -> memref<16x512xf32, #tpu.memory_space<vmem>>
        tpu.vector_store_idx %scatter3A_717[%iota3A, %and3A_583], %mul3A_707 : memref<16x512xf32, #tpu.memory_space<vmem>>[vector<16xi32>, vector<16xi32>], vector<16xf32>,
      }
      %mul3A_538 = arith.constant 32 : i32
      %mul3A_539 = arith.muli %add3A_491, %mul3A_538 : i32
      %add3A_540 = arith.addi %add3A, %mul3A_539 : i32
      %mul3A_541 = arith.constant 512 : i32
      %mul3A_542 = arith.muli %add3A_540, %mul3A_541 : i32
      %multiple_of3A_543 = tpu.assume_multiple %mul3A_542, 128 : i32
      %dma_start3A_544 = arith.constant 2 : i32
      %dma_start3A_545 = arith.constant 0 : i32
      %dma_start3A_546 = arith.constant 0 : i32
      %dma_start3A_547 = arith.constant 0 : i32
      %dma_start3A_548 = tpu.memref_slice %arg15[%dma_start3A_544, %dma_start3A_545, %dma_start3A_546, %dma_start3A_547] : memref<3x2x16x512xf32, #tpu.memory_space<vmem>> -> memref<1x1x16x512xf32, #tpu.memory_space<vmem>>
      %dma_start3A_549 = tpu.memref_squeeze %dma_start3A_548 : memref<1x1x16x512xf32, #tpu.memory_space<vmem>> -> memref<16x512xf32, #tpu.memory_space<vmem>>
      %dma_start3A_550 = arith.constant 0 : i32
      %dma_start3A_551 = tpu.memref_slice %arg7[%dma_start3A_550, %multiple_of3A_543] : memref<16x1000000xf32, #tpu.memory_space<hbm>> -> memref<16x512xf32, #tpu.memory_space<hbm>>
      %dma_start3A_552 = arith.constant 0 : i32
      %dma_start3A_553 = tpu.memref_slice %arg7[%dma_start3A_552, %multiple_of3A_543] : memref<16x1000000xf32, #tpu.memory_space<hbm>> -> memref<16x512xf32, #tpu.memory_space<hbm>>
      %dma_start3A_554 = arith.constant 0 : i32
      %dma_start3A_555 = arith.constant 0 : i32
      %dma_start3A_556 = tpu.memref_slice %arg15[%dma_start3A_544, %dma_start3A_545, %dma_start3A_554, %dma_start3A_555] : memref<3x2x16x512xf32, #tpu.memory_space<vmem>> -> memref<1x1x16x512xf32, #tpu.memory_space<vmem>>
      %dma_start3A_557 = tpu.memref_squeeze %dma_start3A_556 : memref<1x1x16x512xf32, #tpu.memory_space<vmem>> -> memref<16x512xf32, #tpu.memory_space<vmem>>
      tpu.enqueue_dma source(%dma_start3A_557 : memref<16x512xf32, #tpu.memory_space<vmem>>) target(%dma_start3A_553 : memref<16x512xf32, #tpu.memory_space<hbm>>) target_semaphore(%arg24 : memref<!tpu.dma_semaphore, #tpu.memory_space<semaphore_mem>>)
      %dma_start3A_558 = arith.constant 2 : i32
      %dma_start3A_559 = arith.constant 1 : i32
      %dma_start3A_560 = arith.constant 0 : i32
      %dma_start3A_561 = arith.constant 0 : i32
      %dma_start3A_562 = tpu.memref_slice %arg15[%dma_start3A_558, %dma_start3A_559, %dma_start3A_560, %dma_start3A_561] : memref<3x2x16x512xf32, #tpu.memory_space<vmem>> -> memref<1x1x16x512xf32, #tpu.memory_space<vmem>>
      %dma_start3A_563 = tpu.memref_squeeze %dma_start3A_562 : memref<1x1x16x512xf32, #tpu.memory_space<vmem>> -> memref<16x512xf32, #tpu.memory_space<vmem>>
      %dma_start3A_564 = arith.constant 0 : i32
      %dma_start3A_565 = tpu.memref_slice %arg8[%dma_start3A_564, %multiple_of3A_543] : memref<16x1000000xf32, #tpu.memory_space<hbm>> -> memref<16x512xf32, #tpu.memory_space<hbm>>
      %dma_start3A_566 = arith.constant 0 : i32
      %dma_start3A_567 = tpu.memref_slice %arg8[%dma_start3A_566, %multiple_of3A_543] : memref<16x1000000xf32, #tpu.memory_space<hbm>> -> memref<16x512xf32, #tpu.memory_space<hbm>>
      %dma_start3A_568 = arith.constant 0 : i32
      %dma_start3A_569 = arith.constant 0 : i32
      %dma_start3A_570 = tpu.memref_slice %arg15[%dma_start3A_558, %dma_start3A_559, %dma_start3A_568, %dma_start3A_569] : memref<3x2x16x512xf32, #tpu.memory_space<vmem>> -> memref<1x1x16x512xf32, #tpu.memory_space<vmem>>
      %dma_start3A_571 = tpu.memref_squeeze %dma_start3A_570 : memref<1x1x16x512xf32, #tpu.memory_space<vmem>> -> memref<16x512xf32, #tpu.memory_space<vmem>>
      tpu.enqueue_dma source(%dma_start3A_571 : memref<16x512xf32, #tpu.memory_space<vmem>>) target(%dma_start3A_567 : memref<16x512xf32, #tpu.memory_space<hbm>>) target_semaphore(%arg24 : memref<!tpu.dma_semaphore, #tpu.memory_space<semaphore_mem>>)
      %add3A_572 = arith.constant 2 : i32
      %add3A_573 = arith.addi %add3A_491, %add3A_572 : i32
      %lt3A_574 = arith.constant 60 : i32
      %lt3A_575 = arith.cmpi slt, %add3A_573, %lt3A_574 : i32
      %convert_element_type3A_576 = arith.extui %lt3A_575 : i1 to i32
      %cond3A_577 = arith.constant 0 : i32
      %cond3A_578 = arith.cmpi ne, %convert_element_type3A_576, %cond3A_577 : i32
      scf.if %cond3A_578 {
        %ge3A = arith.constant 1 : i32
        %ge3A_579 = arith.cmpi sge, %add3A_491, %ge3A : i32
        %convert_element_type3A_580 = arith.extui %ge3A_579 : i1 to i32
        %cond3A_581 = arith.constant 0 : i32
        %cond3A_582 = arith.cmpi ne, %convert_element_type3A_580, %cond3A_581 : i32
        scf.if %cond3A_582 {
          %dma_wait3A_619 = arith.constant 1 : i32
          %dma_wait3A_620 = arith.constant 0 : i32
          %dma_wait3A_621 = arith.constant 0 : i32
          %dma_wait3A_622 = arith.constant 0 : i32
          %dma_wait3A_623 = tpu.memref_slice %arg15[%dma_wait3A_619, %dma_wait3A_620, %dma_wait3A_621, %dma_wait3A_622] : memref<3x2x16x512xf32, #tpu.memory_space<vmem>> -> memref<1x1x16x512xf32, #tpu.memory_space<vmem>>
          %dma_wait3A_624 = tpu.memref_squeeze %dma_wait3A_623 : memref<1x1x16x512xf32, #tpu.memory_space<vmem>> -> memref<16x512xf32, #tpu.memory_space<vmem>>
          %dma_wait3A_625 = arith.constant 0 : i32
          %dma_wait3A_626 = arith.constant 0 : i32
          %dma_wait3A_627 = tpu.memref_slice %arg3[%dma_wait3A_625, %dma_wait3A_626] : memref<16x1000000xf32, #tpu.memory_space<hbm>> -> memref<16x512xf32, #tpu.memory_space<hbm>>
          %dma_wait3A_628 = arith.constant 0 : i32
          %dma_wait3A_629 = arith.constant 0 : i32
          %dma_wait3A_630 = tpu.memref_slice %arg15[%dma_wait3A_619, %dma_wait3A_620, %dma_wait3A_628, %dma_wait3A_629] : memref<3x2x16x512xf32, #tpu.memory_space<vmem>> -> memref<1x1x16x512xf32, #tpu.memory_space<vmem>>
          %dma_wait3A_631 = tpu.memref_squeeze %dma_wait3A_630 : memref<1x1x16x512xf32, #tpu.memory_space<vmem>> -> memref<16x512xf32, #tpu.memory_space<vmem>>
          %dma_wait3A_632 = arith.constant 0 : i32
          %dma_wait3A_633 = arith.constant 0 : i32
          %dma_wait3A_634 = tpu.memref_slice %arg3[%dma_wait3A_632, %dma_wait3A_633] : memref<16x1000000xf32, #tpu.memory_space<hbm>> -> memref<16x512xf32, #tpu.memory_space<hbm>>
          tpu.wait_dma2 semaphore(%arg23 : memref<!tpu.dma_semaphore, #tpu.memory_space<semaphore_mem>>) src(%dma_wait3A_634 : memref<16x512xf32, #tpu.memory_space<hbm>>) dst(%dma_wait3A_631 : memref<16x512xf32, #tpu.memory_space<vmem>>)
          %dma_wait3A_635 = arith.constant 1 : i32
          %dma_wait3A_636 = arith.constant 1 : i32
          %dma_wait3A_637 = arith.constant 0 : i32
          %dma_wait3A_638 = arith.constant 0 : i32
          %dma_wait3A_639 = tpu.memref_slice %arg15[%dma_wait3A_635, %dma_wait3A_636, %dma_wait3A_637, %dma_wait3A_638] : memref<3x2x16x512xf32, #tpu.memory_space<vmem>> -> memref<1x1x16x512xf32, #tpu.memory_space<vmem>>
          %dma_wait3A_640 = tpu.memref_squeeze %dma_wait3A_639 : memref<1x1x16x512xf32, #tpu.memory_space<vmem>> -> memref<16x512xf32, #tpu.memory_space<vmem>>
          %dma_wait3A_641 = arith.constant 0 : i32
          %dma_wait3A_642 = arith.constant 0 : i32
          %dma_wait3A_643 = tpu.memref_slice %arg3[%dma_wait3A_641, %dma_wait3A_642] : memref<16x1000000xf32, #tpu.memory_space<hbm>> -> memref<16x512xf32, #tpu.memory_space<hbm>>
          %dma_wait3A_644 = arith.constant 0 : i32
          %dma_wait3A_645 = arith.constant 0 : i32
          %dma_wait3A_646 = tpu.memref_slice %arg15[%dma_wait3A_635, %dma_wait3A_636, %dma_wait3A_644, %dma_wait3A_645] : memref<3x2x16x512xf32, #tpu.memory_space<vmem>> -> memref<1x1x16x512xf32, #tpu.memory_space<vmem>>
          %dma_wait3A_647 = tpu.memref_squeeze %dma_wait3A_646 : memref<1x1x16x512xf32, #tpu.memory_space<vmem>> -> memref<16x512xf32, #tpu.memory_space<vmem>>
          %dma_wait3A_648 = arith.constant 0 : i32
          %dma_wait3A_649 = arith.constant 0 : i32
          %dma_wait3A_650 = tpu.memref_slice %arg3[%dma_wait3A_648, %dma_wait3A_649] : memref<16x1000000xf32, #tpu.memory_space<hbm>> -> memref<16x512xf32, #tpu.memory_space<hbm>>
          tpu.wait_dma2 semaphore(%arg23 : memref<!tpu.dma_semaphore, #tpu.memory_space<semaphore_mem>>) src(%dma_wait3A_650 : memref<16x512xf32, #tpu.memory_space<hbm>>) dst(%dma_wait3A_647 : memref<16x512xf32, #tpu.memory_space<vmem>>)
        } else {
        }
        %add3A_583 = arith.constant 2 : i32
        %add3A_584 = arith.addi %add3A_491, %add3A_583 : i32
        %mul3A_585 = arith.constant 32 : i32
        %mul3A_586 = arith.muli %add3A_584, %mul3A_585 : i32
        %add3A_587 = arith.addi %add3A, %mul3A_586 : i32
        %mul3A_588 = arith.constant 512 : i32
        %mul3A_589 = arith.muli %add3A_587, %mul3A_588 : i32
        %multiple_of3A_590 = tpu.assume_multiple %mul3A_589, 128 : i32
        %dma_start3A_591 = arith.constant 1 : i32
        %dma_start3A_592 = arith.constant 0 : i32
        %dma_start3A_593 = arith.constant 0 : i32
        %dma_start3A_594 = arith.constant 0 : i32
        %dma_start3A_595 = tpu.memref_slice %arg15[%dma_start3A_591, %dma_start3A_592, %dma_start3A_593, %dma_start3A_594] : memref<3x2x16x512xf32, #tpu.memory_space<vmem>> -> memref<1x1x16x512xf32, #tpu.memory_space<vmem>>
        %dma_start3A_596 = tpu.memref_squeeze %dma_start3A_595 : memref<1x1x16x512xf32, #tpu.memory_space<vmem>> -> memref<16x512xf32, #tpu.memory_space<vmem>>
        %dma_start3A_597 = arith.constant 0 : i32
        %dma_start3A_598 = tpu.memref_slice %arg3[%dma_start3A_597, %multiple_of3A_590] : memref<16x1000000xf32, #tpu.memory_space<hbm>> -> memref<16x512xf32, #tpu.memory_space<hbm>>
        %dma_start3A_599 = arith.constant 0 : i32
        %dma_start3A_600 = arith.constant 0 : i32
        %dma_start3A_601 = tpu.memref_slice %arg15[%dma_start3A_591, %dma_start3A_592, %dma_start3A_599, %dma_start3A_600] : memref<3x2x16x512xf32, #tpu.memory_space<vmem>> -> memref<1x1x16x512xf32, #tpu.memory_space<vmem>>
        %dma_start3A_602 = tpu.memref_squeeze %dma_start3A_601 : memref<1x1x16x512xf32, #tpu.memory_space<vmem>> -> memref<16x512xf32, #tpu.memory_space<vmem>>
        %dma_start3A_603 = arith.constant 0 : i32
        %dma_start3A_604 = tpu.memref_slice %arg3[%dma_start3A_603, %multiple_of3A_590] : memref<16x1000000xf32, #tpu.memory_space<hbm>> -> memref<16x512xf32, #tpu.memory_space<hbm>>
        tpu.enqueue_dma source(%dma_start3A_604 : memref<16x512xf32, #tpu.memory_space<hbm>>) target(%dma_start3A_602 : memref<16x512xf32, #tpu.memory_space<vmem>>) target_semaphore(%arg19 : memref<!tpu.dma_semaphore, #tpu.memory_space<semaphore_mem>>)
        %dma_start3A_605 = arith.constant 1 : i32
        %dma_start3A_606 = arith.constant 1 : i32
        %dma_start3A_607 = arith.constant 0 : i32
        %dma_start3A_608 = arith.constant 0 : i32
        %dma_start3A_609 = tpu.memref_slice %arg15[%dma_start3A_605, %dma_start3A_606, %dma_start3A_607, %dma_start3A_608] : memref<3x2x16x512xf32, #tpu.memory_space<vmem>> -> memref<1x1x16x512xf32, #tpu.memory_space<vmem>>
        %dma_start3A_610 = tpu.memref_squeeze %dma_start3A_609 : memref<1x1x16x512xf32, #tpu.memory_space<vmem>> -> memref<16x512xf32, #tpu.memory_space<vmem>>
        %dma_start3A_611 = arith.constant 0 : i32
        %dma_start3A_612 = tpu.memref_slice %arg4[%dma_start3A_611, %multiple_of3A_590] : memref<16x1000000xf32, #tpu.memory_space<hbm>> -> memref<16x512xf32, #tpu.memory_space<hbm>>
        %dma_start3A_613 = arith.constant 0 : i32
        %dma_start3A_614 = arith.constant 0 : i32
        %dma_start3A_615 = tpu.memref_slice %arg15[%dma_start3A_605, %dma_start3A_606, %dma_start3A_613, %dma_start3A_614] : memref<3x2x16x512xf32, #tpu.memory_space<vmem>> -> memref<1x1x16x512xf32, #tpu.memory_space<vmem>>
        %dma_start3A_616 = tpu.memref_squeeze %dma_start3A_615 : memref<1x1x16x512xf32, #tpu.memory_space<vmem>> -> memref<16x512xf32, #tpu.memory_space<vmem>>
        %dma_start3A_617 = arith.constant 0 : i32
        %dma_start3A_618 = tpu.memref_slice %arg4[%dma_start3A_617, %multiple_of3A_590] : memref<16x1000000xf32, #tpu.memory_space<hbm>> -> memref<16x512xf32, #tpu.memory_space<hbm>>
        tpu.enqueue_dma source(%dma_start3A_618 : memref<16x512xf32, #tpu.memory_space<hbm>>) target(%dma_start3A_616 : memref<16x512xf32, #tpu.memory_space<vmem>>) target_semaphore(%arg19 : memref<!tpu.dma_semaphore, #tpu.memory_space<semaphore_mem>>)
      } else {
      }
    }
    %scan3A_173 = arith.constant 20 : i32
    %dma_wait3A_174 = arith.constant 0 : i32
    %dma_wait3A_175 = arith.constant 0 : i32
    %dma_wait3A_176 = arith.constant 0 : i32
    %dma_wait3A_177 = arith.constant 0 : i32
    %dma_wait3A_178 = tpu.memref_slice %arg15[%dma_wait3A_174, %dma_wait3A_175, %dma_wait3A_176, %dma_wait3A_177] : memref<3x2x16x512xf32, #tpu.memory_space<vmem>> -> memref<1x1x16x512xf32, #tpu.memory_space<vmem>>
    %dma_wait3A_179 = tpu.memref_squeeze %dma_wait3A_178 : memref<1x1x16x512xf32, #tpu.memory_space<vmem>> -> memref<16x512xf32, #tpu.memory_space<vmem>>
    %dma_wait3A_180 = arith.constant 0 : i32
    %dma_wait3A_181 = arith.constant 0 : i32
    %dma_wait3A_182 = tpu.memref_slice %arg3[%dma_wait3A_180, %dma_wait3A_181] : memref<16x1000000xf32, #tpu.memory_space<hbm>> -> memref<16x512xf32, #tpu.memory_space<hbm>>
    %dma_wait3A_183 = arith.constant 0 : i32
    %dma_wait3A_184 = arith.constant 0 : i32
    %dma_wait3A_185 = tpu.memref_slice %arg15[%dma_wait3A_174, %dma_wait3A_175, %dma_wait3A_183, %dma_wait3A_184] : memref<3x2x16x512xf32, #tpu.memory_space<vmem>> -> memref<1x1x16x512xf32, #tpu.memory_space<vmem>>
    %dma_wait3A_186 = tpu.memref_squeeze %dma_wait3A_185 : memref<1x1x16x512xf32, #tpu.memory_space<vmem>> -> memref<16x512xf32, #tpu.memory_space<vmem>>
    %dma_wait3A_187 = arith.constant 0 : i32
    %dma_wait3A_188 = arith.constant 0 : i32
    %dma_wait3A_189 = tpu.memref_slice %arg3[%dma_wait3A_187, %dma_wait3A_188] : memref<16x1000000xf32, #tpu.memory_space<hbm>> -> memref<16x512xf32, #tpu.memory_space<hbm>>
    tpu.wait_dma2 semaphore(%arg22 : memref<!tpu.dma_semaphore, #tpu.memory_space<semaphore_mem>>) src(%dma_wait3A_189 : memref<16x512xf32, #tpu.memory_space<hbm>>) dst(%dma_wait3A_186 : memref<16x512xf32, #tpu.memory_space<vmem>>)
    %dma_wait3A_190 = arith.constant 0 : i32
    %dma_wait3A_191 = arith.constant 1 : i32
    %dma_wait3A_192 = arith.constant 0 : i32
    %dma_wait3A_193 = arith.constant 0 : i32
    %dma_wait3A_194 = tpu.memref_slice %arg15[%dma_wait3A_190, %dma_wait3A_191, %dma_wait3A_192, %dma_wait3A_193] : memref<3x2x16x512xf32, #tpu.memory_space<vmem>> -> memref<1x1x16x512xf32, #tpu.memory_space<vmem>>
    %dma_wait3A_195 = tpu.memref_squeeze %dma_wait3A_194 : memref<1x1x16x512xf32, #tpu.memory_space<vmem>> -> memref<16x512xf32, #tpu.memory_space<vmem>>
    %dma_wait3A_196 = arith.constant 0 : i32
    %dma_wait3A_197 = arith.constant 0 : i32
    %dma_wait3A_198 = tpu.memref_slice %arg3[%dma_wait3A_196, %dma_wait3A_197] : memref<16x1000000xf32, #tpu.memory_space<hbm>> -> memref<16x512xf32, #tpu.memory_space<hbm>>
    %dma_wait3A_199 = arith.constant 0 : i32
    %dma_wait3A_200 = arith.constant 0 : i32
    %dma_wait3A_201 = tpu.memref_slice %arg15[%dma_wait3A_190, %dma_wait3A_191, %dma_wait3A_199, %dma_wait3A_200] : memref<3x2x16x512xf32, #tpu.memory_space<vmem>> -> memref<1x1x16x512xf32, #tpu.memory_space<vmem>>
    %dma_wait3A_202 = tpu.memref_squeeze %dma_wait3A_201 : memref<1x1x16x512xf32, #tpu.memory_space<vmem>> -> memref<16x512xf32, #tpu.memory_space<vmem>>
    %dma_wait3A_203 = arith.constant 0 : i32
    %dma_wait3A_204 = arith.constant 0 : i32
    %dma_wait3A_205 = tpu.memref_slice %arg3[%dma_wait3A_203, %dma_wait3A_204] : memref<16x1000000xf32, #tpu.memory_space<hbm>> -> memref<16x512xf32, #tpu.memory_space<hbm>>
    tpu.wait_dma2 semaphore(%arg22 : memref<!tpu.dma_semaphore, #tpu.memory_space<semaphore_mem>>) src(%dma_wait3A_205 : memref<16x512xf32, #tpu.memory_space<hbm>>) dst(%dma_wait3A_202 : memref<16x512xf32, #tpu.memory_space<vmem>>)
    %dma_wait3A_206 = arith.constant 1 : i32
    %dma_wait3A_207 = arith.constant 0 : i32
    %dma_wait3A_208 = arith.constant 0 : i32
    %dma_wait3A_209 = arith.constant 0 : i32
    %dma_wait3A_210 = tpu.memref_slice %arg15[%dma_wait3A_206, %dma_wait3A_207, %dma_wait3A_208, %dma_wait3A_209] : memref<3x2x16x512xf32, #tpu.memory_space<vmem>> -> memref<1x1x16x512xf32, #tpu.memory_space<vmem>>
    %dma_wait3A_211 = tpu.memref_squeeze %dma_wait3A_210 : memref<1x1x16x512xf32, #tpu.memory_space<vmem>> -> memref<16x512xf32, #tpu.memory_space<vmem>>
    %dma_wait3A_212 = arith.constant 0 : i32
    %dma_wait3A_213 = arith.constant 0 : i32
    %dma_wait3A_214 = tpu.memref_slice %arg3[%dma_wait3A_212, %dma_wait3A_213] : memref<16x1000000xf32, #tpu.memory_space<hbm>> -> memref<16x512xf32, #tpu.memory_space<hbm>>
    %dma_wait3A_215 = arith.constant 0 : i32
    %dma_wait3A_216 = arith.constant 0 : i32
    %dma_wait3A_217 = tpu.memref_slice %arg15[%dma_wait3A_206, %dma_wait3A_207, %dma_wait3A_215, %dma_wait3A_216] : memref<3x2x16x512xf32, #tpu.memory_space<vmem>> -> memref<1x1x16x512xf32, #tpu.memory_space<vmem>>
    %dma_wait3A_218 = tpu.memref_squeeze %dma_wait3A_217 : memref<1x1x16x512xf32, #tpu.memory_space<vmem>> -> memref<16x512xf32, #tpu.memory_space<vmem>>
    %dma_wait3A_219 = arith.constant 0 : i32
    %dma_wait3A_220 = arith.constant 0 : i32
    %dma_wait3A_221 = tpu.memref_slice %arg3[%dma_wait3A_219, %dma_wait3A_220] : memref<16x1000000xf32, #tpu.memory_space<hbm>> -> memref<16x512xf32, #tpu.memory_space<hbm>>
    tpu.wait_dma2 semaphore(%arg23 : memref<!tpu.dma_semaphore, #tpu.memory_space<semaphore_mem>>) src(%dma_wait3A_221 : memref<16x512xf32, #tpu.memory_space<hbm>>) dst(%dma_wait3A_218 : memref<16x512xf32, #tpu.memory_space<vmem>>)
    %dma_wait3A_222 = arith.constant 1 : i32
    %dma_wait3A_223 = arith.constant 1 : i32
    %dma_wait3A_224 = arith.constant 0 : i32
    %dma_wait3A_225 = arith.constant 0 : i32
    %dma_wait3A_226 = tpu.memref_slice %arg15[%dma_wait3A_222, %dma_wait3A_223, %dma_wait3A_224, %dma_wait3A_225] : memref<3x2x16x512xf32, #tpu.memory_space<vmem>> -> memref<1x1x16x512xf32, #tpu.memory_space<vmem>>
    %dma_wait3A_227 = tpu.memref_squeeze %dma_wait3A_226 : memref<1x1x16x512xf32, #tpu.memory_space<vmem>> -> memref<16x512xf32, #tpu.memory_space<vmem>>
    %dma_wait3A_228 = arith.constant 0 : i32
    %dma_wait3A_229 = arith.constant 0 : i32
    %dma_wait3A_230 = tpu.memref_slice %arg3[%dma_wait3A_228, %dma_wait3A_229] : memref<16x1000000xf32, #tpu.memory_space<hbm>> -> memref<16x512xf32, #tpu.memory_space<hbm>>
    %dma_wait3A_231 = arith.constant 0 : i32
    %dma_wait3A_232 = arith.constant 0 : i32
    %dma_wait3A_233 = tpu.memref_slice %arg15[%dma_wait3A_222, %dma_wait3A_223, %dma_wait3A_231, %dma_wait3A_232] : memref<3x2x16x512xf32, #tpu.memory_space<vmem>> -> memref<1x1x16x512xf32, #tpu.memory_space<vmem>>
    %dma_wait3A_234 = tpu.memref_squeeze %dma_wait3A_233 : memref<1x1x16x512xf32, #tpu.memory_space<vmem>> -> memref<16x512xf32, #tpu.memory_space<vmem>>
    %dma_wait3A_235 = arith.constant 0 : i32
    %dma_wait3A_236 = arith.constant 0 : i32
    %dma_wait3A_237 = tpu.memref_slice %arg3[%dma_wait3A_235, %dma_wait3A_236] : memref<16x1000000xf32, #tpu.memory_space<hbm>> -> memref<16x512xf32, #tpu.memory_space<hbm>>
    tpu.wait_dma2 semaphore(%arg23 : memref<!tpu.dma_semaphore, #tpu.memory_space<semaphore_mem>>) src(%dma_wait3A_237 : memref<16x512xf32, #tpu.memory_space<hbm>>) dst(%dma_wait3A_234 : memref<16x512xf32, #tpu.memory_space<vmem>>)
    %dma_wait3A_238 = arith.constant 2 : i32
    %dma_wait3A_239 = arith.constant 0 : i32
    %dma_wait3A_240 = arith.constant 0 : i32
    %dma_wait3A_241 = arith.constant 0 : i32
    %dma_wait3A_242 = tpu.memref_slice %arg15[%dma_wait3A_238, %dma_wait3A_239, %dma_wait3A_240, %dma_wait3A_241] : memref<3x2x16x512xf32, #tpu.memory_space<vmem>> -> memref<1x1x16x512xf32, #tpu.memory_space<vmem>>
    %dma_wait3A_243 = tpu.memref_squeeze %dma_wait3A_242 : memref<1x1x16x512xf32, #tpu.memory_space<vmem>> -> memref<16x512xf32, #tpu.memory_space<vmem>>
    %dma_wait3A_244 = arith.constant 0 : i32
    %dma_wait3A_245 = arith.constant 0 : i32
    %dma_wait3A_246 = tpu.memref_slice %arg3[%dma_wait3A_244, %dma_wait3A_245] : memref<16x1000000xf32, #tpu.memory_space<hbm>> -> memref<16x512xf32, #tpu.memory_space<hbm>>
    %dma_wait3A_247 = arith.constant 0 : i32
    %dma_wait3A_248 = arith.constant 0 : i32
    %dma_wait3A_249 = tpu.memref_slice %arg15[%dma_wait3A_238, %dma_wait3A_239, %dma_wait3A_247, %dma_wait3A_248] : memref<3x2x16x512xf32, #tpu.memory_space<vmem>> -> memref<1x1x16x512xf32, #tpu.memory_space<vmem>>
    %dma_wait3A_250 = tpu.memref_squeeze %dma_wait3A_249 : memref<1x1x16x512xf32, #tpu.memory_space<vmem>> -> memref<16x512xf32, #tpu.memory_space<vmem>>
    %dma_wait3A_251 = arith.constant 0 : i32
    %dma_wait3A_252 = arith.constant 0 : i32
    %dma_wait3A_253 = tpu.memref_slice %arg3[%dma_wait3A_251, %dma_wait3A_252] : memref<16x1000000xf32, #tpu.memory_space<hbm>> -> memref<16x512xf32, #tpu.memory_space<hbm>>
    tpu.wait_dma2 semaphore(%arg24 : memref<!tpu.dma_semaphore, #tpu.memory_space<semaphore_mem>>) src(%dma_wait3A_253 : memref<16x512xf32, #tpu.memory_space<hbm>>) dst(%dma_wait3A_250 : memref<16x512xf32, #tpu.memory_space<vmem>>)
    %dma_wait3A_254 = arith.constant 2 : i32
    %dma_wait3A_255 = arith.constant 1 : i32
    %dma_wait3A_256 = arith.constant 0 : i32
    %dma_wait3A_257 = arith.constant 0 : i32
    %dma_wait3A_258 = tpu.memref_slice %arg15[%dma_wait3A_254, %dma_wait3A_255, %dma_wait3A_256, %dma_wait3A_257] : memref<3x2x16x512xf32, #tpu.memory_space<vmem>> -> memref<1x1x16x512xf32, #tpu.memory_space<vmem>>
    %dma_wait3A_259 = tpu.memref_squeeze %dma_wait3A_258 : memref<1x1x16x512xf32, #tpu.memory_space<vmem>> -> memref<16x512xf32, #tpu.memory_space<vmem>>
    %dma_wait3A_260 = arith.constant 0 : i32
    %dma_wait3A_261 = arith.constant 0 : i32
    %dma_wait3A_262 = tpu.memref_slice %arg3[%dma_wait3A_260, %dma_wait3A_261] : memref<16x1000000xf32, #tpu.memory_space<hbm>> -> memref<16x512xf32, #tpu.memory_space<hbm>>
    %dma_wait3A_263 = arith.constant 0 : i32
    %dma_wait3A_264 = arith.constant 0 : i32
    %dma_wait3A_265 = tpu.memref_slice %arg15[%dma_wait3A_254, %dma_wait3A_255, %dma_wait3A_263, %dma_wait3A_264] : memref<3x2x16x512xf32, #tpu.memory_space<vmem>> -> memref<1x1x16x512xf32, #tpu.memory_space<vmem>>
    %dma_wait3A_266 = tpu.memref_squeeze %dma_wait3A_265 : memref<1x1x16x512xf32, #tpu.memory_space<vmem>> -> memref<16x512xf32, #tpu.memory_space<vmem>>
    %dma_wait3A_267 = arith.constant 0 : i32
    %dma_wait3A_268 = arith.constant 0 : i32
    %dma_wait3A_269 = tpu.memref_slice %arg3[%dma_wait3A_267, %dma_wait3A_268] : memref<16x1000000xf32, #tpu.memory_space<hbm>> -> memref<16x512xf32, #tpu.memory_space<hbm>>
    tpu.wait_dma2 semaphore(%arg24 : memref<!tpu.dma_semaphore, #tpu.memory_space<semaphore_mem>>) src(%dma_wait3A_269 : memref<16x512xf32, #tpu.memory_space<hbm>>) dst(%dma_wait3A_266 : memref<16x512xf32, #tpu.memory_space<vmem>>)
    %get3A_270 = arith.constant 48 : index
    %get3A_271 = tpu.vector_load %arg12[%get3A_270] {strides = array<i32>} : memref<256xi32, #tpu.memory_space<vmem>>, vector<16xi32>,
    %add3A_272 = arith.constant 1920 : i32
    %add3A_273 = arith.addi %add3A, %add3A_272 : i32
    %slice3A = vector.extract_strided_slice %get3A_271 {offsets = [12], sizes = [1], strides = [1]} : vector<16xi32> to vector<1xi32>
    %squeeze3A = vector.extract %slice3A[0] : i32 from vector<1xi32>
    %slice3A_274 = vector.extract_strided_slice %get3A_271 {offsets = [13], sizes = [1], strides = [1]} : vector<16xi32> to vector<1xi32>
    %squeeze3A_275 = vector.extract %slice3A_274[0] : i32 from vector<1xi32>
    %mul3A_276 = arith.constant 512 : i32
    %mul3A_277 = arith.muli %add3A_273, %mul3A_276 : i32
    %multiple_of3A_278 = tpu.assume_multiple %mul3A_277, 128 : i32
    %run_scoped3A = arith.constant 0 : i32
    %run_scoped3A_279 = arith.constant 0 : i32
    "tpu.region"() ({
      %run_scoped3A_302 = tpu.sem_alloc : memref<!tpu.dma_semaphore, #tpu.memory_space<semaphore_mem>>
      %dma_start3A_303 = arith.constant 0 : i32
      %dma_start3A_304 = arith.constant 0 : i32
      %dma_start3A_305 = tpu.memref_slice %arg15[%run_scoped3A, %run_scoped3A_279, %dma_start3A_303, %dma_start3A_304] : memref<3x2x16x512xf32, #tpu.memory_space<vmem>> -> memref<1x1x16x512xf32, #tpu.memory_space<vmem>>
      %dma_start3A_306 = tpu.memref_squeeze %dma_start3A_305 : memref<1x1x16x512xf32, #tpu.memory_space<vmem>> -> memref<16x512xf32, #tpu.memory_space<vmem>>
      %dma_start3A_307 = arith.constant 0 : i32
      %dma_start3A_308 = tpu.memref_slice %arg3[%dma_start3A_307, %multiple_of3A_278] : memref<16x1000000xf32, #tpu.memory_space<hbm>> -> memref<16x512xf32, #tpu.memory_space<hbm>>
      %dma_start3A_309 = arith.constant 0 : i32
      %dma_start3A_310 = arith.constant 0 : i32
      %dma_start3A_311 = tpu.memref_slice %arg15[%run_scoped3A, %run_scoped3A_279, %dma_start3A_309, %dma_start3A_310] : memref<3x2x16x512xf32, #tpu.memory_space<vmem>> -> memref<1x1x16x512xf32, #tpu.memory_space<vmem>>
      %dma_start3A_312 = tpu.memref_squeeze %dma_start3A_311 : memref<1x1x16x512xf32, #tpu.memory_space<vmem>> -> memref<16x512xf32, #tpu.memory_space<vmem>>
      %dma_start3A_313 = arith.constant 0 : i32
      %dma_start3A_314 = tpu.memref_slice %arg3[%dma_start3A_313, %multiple_of3A_278] : memref<16x1000000xf32, #tpu.memory_space<hbm>> -> memref<16x512xf32, #tpu.memory_space<hbm>>
      tpu.enqueue_dma source(%dma_start3A_314 : memref<16x512xf32, #tpu.memory_space<hbm>>) target(%dma_start3A_312 : memref<16x512xf32, #tpu.memory_space<vmem>>) target_semaphore(%run_scoped3A_302 : memref<!tpu.dma_semaphore, #tpu.memory_space<semaphore_mem>>)
      %dma_wait3A_315 = arith.constant 0 : i32
      %dma_wait3A_316 = arith.constant 0 : i32
      %dma_wait3A_317 = tpu.memref_slice %arg15[%run_scoped3A, %run_scoped3A_279, %dma_wait3A_315, %dma_wait3A_316] : memref<3x2x16x512xf32, #tpu.memory_space<vmem>> -> memref<1x1x16x512xf32, #tpu.memory_space<vmem>>
      %dma_wait3A_318 = tpu.memref_squeeze %dma_wait3A_317 : memref<1x1x16x512xf32, #tpu.memory_space<vmem>> -> memref<16x512xf32, #tpu.memory_space<vmem>>
      %dma_wait3A_319 = arith.constant 0 : i32
      %dma_wait3A_320 = tpu.memref_slice %arg3[%dma_wait3A_319, %multiple_of3A_278] : memref<16x1000000xf32, #tpu.memory_space<hbm>> -> memref<16x512xf32, #tpu.memory_space<hbm>>
      %dma_wait3A_321 = arith.constant 0 : i32
      %dma_wait3A_322 = arith.constant 0 : i32
      %dma_wait3A_323 = tpu.memref_slice %arg15[%run_scoped3A, %run_scoped3A_279, %dma_wait3A_321, %dma_wait3A_322] : memref<3x2x16x512xf32, #tpu.memory_space<vmem>> -> memref<1x1x16x512xf32, #tpu.memory_space<vmem>>
      %dma_wait3A_324 = tpu.memref_squeeze %dma_wait3A_323 : memref<1x1x16x512xf32, #tpu.memory_space<vmem>> -> memref<16x512xf32, #tpu.memory_space<vmem>>
      %dma_wait3A_325 = arith.constant 0 : i32
      %dma_wait3A_326 = tpu.memref_slice %arg3[%dma_wait3A_325, %multiple_of3A_278] : memref<16x1000000xf32, #tpu.memory_space<hbm>> -> memref<16x512xf32, #tpu.memory_space<hbm>>
      tpu.wait_dma2 semaphore(%run_scoped3A_302 : memref<!tpu.dma_semaphore, #tpu.memory_space<semaphore_mem>>) src(%dma_wait3A_326 : memref<16x512xf32, #tpu.memory_space<hbm>>) dst(%dma_wait3A_324 : memref<16x512xf32, #tpu.memory_space<vmem>>)
      tpu.yield
    }) : () -> ()
    %run_scoped3A_280 = arith.constant 0 : i32
    %run_scoped3A_281 = arith.constant 1 : i32
    "tpu.region"() ({
      %run_scoped3A_302 = tpu.sem_alloc : memref<!tpu.dma_semaphore, #tpu.memory_space<semaphore_mem>>
      %dma_start3A_303 = arith.constant 0 : i32
      %dma_start3A_304 = arith.constant 0 : i32
      %dma_start3A_305 = tpu.memref_slice %arg15[%run_scoped3A_280, %run_scoped3A_281, %dma_start3A_303, %dma_start3A_304] : memref<3x2x16x512xf32, #tpu.memory_space<vmem>> -> memref<1x1x16x512xf32, #tpu.memory_space<vmem>>
      %dma_start3A_306 = tpu.memref_squeeze %dma_start3A_305 : memref<1x1x16x512xf32, #tpu.memory_space<vmem>> -> memref<16x512xf32, #tpu.memory_space<vmem>>
      %dma_start3A_307 = arith.constant 0 : i32
      %dma_start3A_308 = tpu.memref_slice %arg4[%dma_start3A_307, %multiple_of3A_278] : memref<16x1000000xf32, #tpu.memory_space<hbm>> -> memref<16x512xf32, #tpu.memory_space<hbm>>
      %dma_start3A_309 = arith.constant 0 : i32
      %dma_start3A_310 = arith.constant 0 : i32
      %dma_start3A_311 = tpu.memref_slice %arg15[%run_scoped3A_280, %run_scoped3A_281, %dma_start3A_309, %dma_start3A_310] : memref<3x2x16x512xf32, #tpu.memory_space<vmem>> -> memref<1x1x16x512xf32, #tpu.memory_space<vmem>>
      %dma_start3A_312 = tpu.memref_squeeze %dma_start3A_311 : memref<1x1x16x512xf32, #tpu.memory_space<vmem>> -> memref<16x512xf32, #tpu.memory_space<vmem>>
      %dma_start3A_313 = arith.constant 0 : i32
      %dma_start3A_314 = tpu.memref_slice %arg4[%dma_start3A_313, %multiple_of3A_278] : memref<16x1000000xf32, #tpu.memory_space<hbm>> -> memref<16x512xf32, #tpu.memory_space<hbm>>
      tpu.enqueue_dma source(%dma_start3A_314 : memref<16x512xf32, #tpu.memory_space<hbm>>) target(%dma_start3A_312 : memref<16x512xf32, #tpu.memory_space<vmem>>) target_semaphore(%run_scoped3A_302 : memref<!tpu.dma_semaphore, #tpu.memory_space<semaphore_mem>>)
      %dma_wait3A_315 = arith.constant 0 : i32
      %dma_wait3A_316 = arith.constant 0 : i32
      %dma_wait3A_317 = tpu.memref_slice %arg15[%run_scoped3A_280, %run_scoped3A_281, %dma_wait3A_315, %dma_wait3A_316] : memref<3x2x16x512xf32, #tpu.memory_space<vmem>> -> memref<1x1x16x512xf32, #tpu.memory_space<vmem>>
      %dma_wait3A_318 = tpu.memref_squeeze %dma_wait3A_317 : memref<1x1x16x512xf32, #tpu.memory_space<vmem>> -> memref<16x512xf32, #tpu.memory_space<vmem>>
      %dma_wait3A_319 = arith.constant 0 : i32
      %dma_wait3A_320 = tpu.memref_slice %arg4[%dma_wait3A_319, %multiple_of3A_278] : memref<16x1000000xf32, #tpu.memory_space<hbm>> -> memref<16x512xf32, #tpu.memory_space<hbm>>
      %dma_wait3A_321 = arith.constant 0 : i32
      %dma_wait3A_322 = arith.constant 0 : i32
      %dma_wait3A_323 = tpu.memref_slice %arg15[%run_scoped3A_280, %run_scoped3A_281, %dma_wait3A_321, %dma_wait3A_322] : memref<3x2x16x512xf32, #tpu.memory_space<vmem>> -> memref<1x1x16x512xf32, #tpu.memory_space<vmem>>
      %dma_wait3A_324 = tpu.memref_squeeze %dma_wait3A_323 : memref<1x1x16x512xf32, #tpu.memory_space<vmem>> -> memref<16x512xf32, #tpu.memory_space<vmem>>
      %dma_wait3A_325 = arith.constant 0 : i32
      %dma_wait3A_326 = tpu.memref_slice %arg4[%dma_wait3A_325, %multiple_of3A_278] : memref<16x1000000xf32, #tpu.memory_space<hbm>> -> memref<16x512xf32, #tpu.memory_space<hbm>>
      tpu.wait_dma2 semaphore(%run_scoped3A_302 : memref<!tpu.dma_semaphore, #tpu.memory_space<semaphore_mem>>) src(%dma_wait3A_326 : memref<16x512xf32, #tpu.memory_space<hbm>>) dst(%dma_wait3A_324 : memref<16x512xf32, #tpu.memory_space<vmem>>)
      tpu.yield
    }) : () -> ()
    %while3A = arith.constant 0 : i32
    %while3A_282 = arith.constant 0 : i32
    %while3A_283 = arith.subi %squeeze3A_275, %squeeze3A : i32
    %while3A_284 = arith.addi %squeeze3A, %while3A_283 : i32
    %while3A_285 = arith.constant 1 : i32
    %while3A_286 = arith.divsi %while3A_283, %while3A_285 : i32
    %while3A_287 = arith.muli %while3A_286, %while3A_285 : i32
    %while3A_288 = arith.addi %squeeze3A, %while3A_287 : i32
    %while3A_289 = arith.constant 1 : i32
    scf.for %while3A_302 = %squeeze3A to %while3A_288 step %while3A_289  : i32 {
      %broadcast_in_dim3A_303 = vector.broadcast %while3A_302 : i32 to vector<16xi32>
      %gather3A = tpu.vector_load_idx %arg13[%broadcast_in_dim3A_303] : memref<576xi32, #tpu.memory_space<vmem>>[vector<16xi32>], vector<16xi32>,
      %gather3A_304 = tpu.vector_load_idx %arg11[%gather3A] : memref<576xi32, #tpu.memory_space<vmem>>[vector<16xi32>], vector<16xi32>,
      %and3A = arith.constant 511 : i32
      %and3A_305 = vector.broadcast %and3A : i32 to vector<16xi32>
      %and3A_306 = arith.andi %gather3A_304, %and3A_305 : vector<16xi32>
      %add3A_307 = arith.constant 0 : i32
      %add3A_308 = vector.broadcast %add3A_307 : i32 to vector<16xi32>
      %add3A_309 = arith.addi %add3A_308, %iota3A : vector<16xi32>
      %gather3A_310 = tpu.vector_load_idx %arg14[%gather3A, %add3A_309] : memref<576x128xf32, #tpu.memory_space<vmem>>[vector<16xi32>, vector<16xi32>], vector<16xf32>,
      %gather3A_311 = arith.constant 0 : i32
      %gather3A_312 = arith.constant 0 : i32
      %gather3A_313 = arith.constant 0 : i32
      %gather3A_314 = arith.constant 0 : i32
      %gather3A_315 = tpu.memref_slice %arg15[%while3A_282, %gather3A_312, %gather3A_313, %gather3A_314] : memref<3x2x16x512xf32, #tpu.memory_space<vmem>> -> memref<1x2x16x512xf32, #tpu.memory_space<vmem>>
      %gather3A_316 = tpu.memref_squeeze %gather3A_315 : memref<1x2x16x512xf32, #tpu.memory_space<vmem>> -> memref<2x16x512xf32, #tpu.memory_space<vmem>>
      %gather3A_317 = arith.constant 0 : i32
      %gather3A_318 = arith.constant 0 : i32
      %gather3A_319 = tpu.memref_slice %gather3A_316[%gather3A_311, %gather3A_317, %gather3A_318] : memref<2x16x512xf32, #tpu.memory_space<vmem>> -> memref<1x16x512xf32, #tpu.memory_space<vmem>>
      %gather3A_320 = tpu.memref_squeeze %gather3A_319 : memref<1x16x512xf32, #tpu.memory_space<vmem>> -> memref<16x512xf32, #tpu.memory_space<vmem>>
      %gather3A_321 = tpu.vector_load_idx %gather3A_320[%iota3A, %and3A_306] : memref<16x512xf32, #tpu.memory_space<vmem>>[vector<16xi32>, vector<16xi32>], vector<16xf32>,
      %mul3A_322 = arith.mulf %get3A_1, %gather3A_321 : vector<16xf32>
      %add3A_323 = arith.addf %mul3A_322, %gather3A_310 : vector<16xf32>
      %mul3A_324 = arith.mulf %add3A_323, %add3A_323 : vector<16xf32>
      %reduce_sum3A = arith.constant true
      %reduce_sum3A_325 = vector.broadcast %reduce_sum3A : i1 to vector<16xi1>
      %reduce_sum3A_326 = tpu.scan <sum>, %mul3A_324 masked %reduce_sum3A_325 : vector<16xf32>, vector<16xi1> -> vector<16xf32>
      %reduce_sum3A_327 = vector.extract %reduce_sum3A_326[15] : f32 from vector<16xf32>
      %broadcast_in_dim3A_328 = vector.broadcast %reduce_sum3A_327 : f32 to vector<16xf32>
      %max3A = arith.maximumf %broadcast_in_dim3A_328, %broadcast_in_dim3A_2 : vector<16xf32>
      %bitcast3A = vector.bitcast %max3A : vector<16xf32> to vector<16xi32>
      %shift_right_arithmetic3A = arith.constant 1 : i32
      %shift_right_arithmetic3A_329 = vector.broadcast %shift_right_arithmetic3A : i32 to vector<16xi32>
      %shift_right_arithmetic3A_330 = arith.shrsi %bitcast3A, %shift_right_arithmetic3A_329 : vector<16xi32>
      %sub3A = arith.constant 1597463007 : i32
      %sub3A_331 = vector.broadcast %sub3A : i32 to vector<16xi32>
      %sub3A_332 = arith.subi %sub3A_331, %shift_right_arithmetic3A_330 : vector<16xi32>
      %bitcast3A_333 = vector.bitcast %sub3A_332 : vector<16xi32> to vector<16xf32>
      %mul3A_334 = arith.constant 5.000000e-01 : f32
      %mul3A_335 = vector.broadcast %mul3A_334 : f32 to vector<16xf32>
      %mul3A_336 = arith.mulf %mul3A_335, %max3A : vector<16xf32>
      %mul3A_337 = arith.mulf %mul3A_336, %bitcast3A_333 : vector<16xf32>
      %mul3A_338 = arith.mulf %mul3A_337, %bitcast3A_333 : vector<16xf32>
      %sub3A_339 = arith.constant 1.500000e+00 : f32
      %sub3A_340 = vector.broadcast %sub3A_339 : f32 to vector<16xf32>
      %sub3A_341 = arith.subf %sub3A_340, %mul3A_338 : vector<16xf32>
      %mul3A_342 = arith.mulf %bitcast3A_333, %sub3A_341 : vector<16xf32>
      %mul3A_343 = arith.constant 5.000000e-01 : f32
      %mul3A_344 = vector.broadcast %mul3A_343 : f32 to vector<16xf32>
      %mul3A_345 = arith.mulf %mul3A_344, %max3A : vector<16xf32>
      %mul3A_346 = arith.mulf %mul3A_345, %mul3A_342 : vector<16xf32>
      %mul3A_347 = arith.mulf %mul3A_346, %mul3A_342 : vector<16xf32>
      %sub3A_348 = arith.constant 1.500000e+00 : f32
      %sub3A_349 = vector.broadcast %sub3A_348 : f32 to vector<16xf32>
      %sub3A_350 = arith.subf %sub3A_349, %mul3A_347 : vector<16xf32>
      %mul3A_351 = arith.mulf %mul3A_342, %sub3A_350 : vector<16xf32>
      %mul3A_352 = arith.constant 5.000000e-01 : f32
      %mul3A_353 = vector.broadcast %mul3A_352 : f32 to vector<16xf32>
      %mul3A_354 = arith.mulf %mul3A_353, %max3A : vector<16xf32>
      %mul3A_355 = arith.mulf %mul3A_354, %mul3A_351 : vector<16xf32>
      %mul3A_356 = arith.mulf %mul3A_355, %mul3A_351 : vector<16xf32>
      %sub3A_357 = arith.constant 1.500000e+00 : f32
      %sub3A_358 = vector.broadcast %sub3A_357 : f32 to vector<16xf32>
      %sub3A_359 = arith.subf %sub3A_358, %mul3A_356 : vector<16xf32>
      %mul3A_360 = arith.mulf %mul3A_351, %sub3A_359 : vector<16xf32>
      %mul3A_361 = arith.mulf %add3A_323, %mul3A_360 : vector<16xf32>
      %scatter3A = arith.constant 0 : i32
      %scatter3A_362 = arith.constant 0 : i32
      %scatter3A_363 = arith.constant 0 : i32
      %scatter3A_364 = arith.constant 0 : i32
      %scatter3A_365 = tpu.memref_slice %arg15[%while3A_282, %scatter3A_362, %scatter3A_363, %scatter3A_364] : memref<3x2x16x512xf32, #tpu.memory_space<vmem>> -> memref<1x2x16x512xf32, #tpu.memory_space<vmem>>
      %scatter3A_366 = tpu.memref_squeeze %scatter3A_365 : memref<1x2x16x512xf32, #tpu.memory_space<vmem>> -> memref<2x16x512xf32, #tpu.memory_space<vmem>>
      %scatter3A_367 = arith.constant 0 : i32
      %scatter3A_368 = arith.constant 0 : i32
      %scatter3A_369 = tpu.memref_slice %scatter3A_366[%scatter3A, %scatter3A_367, %scatter3A_368] : memref<2x16x512xf32, #tpu.memory_space<vmem>> -> memref<1x16x512xf32, #tpu.memory_space<vmem>>
      %scatter3A_370 = tpu.memref_squeeze %scatter3A_369 : memref<1x16x512xf32, #tpu.memory_space<vmem>> -> memref<16x512xf32, #tpu.memory_space<vmem>>
      tpu.vector_store_idx %scatter3A_370[%iota3A, %and3A_306], %mul3A_361 : memref<16x512xf32, #tpu.memory_space<vmem>>[vector<16xi32>, vector<16xi32>], vector<16xf32>,
      %add3A_371 = arith.constant 16 : i32
      %add3A_372 = vector.broadcast %add3A_371 : i32 to vector<16xi32>
      %add3A_373 = arith.addi %add3A_372, %iota3A : vector<16xi32>
      %gather3A_374 = tpu.vector_load_idx %arg14[%gather3A, %add3A_373] : memref<576x128xf32, #tpu.memory_space<vmem>>[vector<16xi32>, vector<16xi32>], vector<16xf32>,
      %gather3A_375 = arith.constant 1 : i32
      %gather3A_376 = arith.constant 0 : i32
      %gather3A_377 = arith.constant 0 : i32
      %gather3A_378 = arith.constant 0 : i32
      %gather3A_379 = tpu.memref_slice %arg15[%while3A_282, %gather3A_376, %gather3A_377, %gather3A_378] : memref<3x2x16x512xf32, #tpu.memory_space<vmem>> -> memref<1x2x16x512xf32, #tpu.memory_space<vmem>>
      %gather3A_380 = tpu.memref_squeeze %gather3A_379 : memref<1x2x16x512xf32, #tpu.memory_space<vmem>> -> memref<2x16x512xf32, #tpu.memory_space<vmem>>
      %gather3A_381 = arith.constant 0 : i32
      %gather3A_382 = arith.constant 0 : i32
      %gather3A_383 = tpu.memref_slice %gather3A_380[%gather3A_375, %gather3A_381, %gather3A_382] : memref<2x16x512xf32, #tpu.memory_space<vmem>> -> memref<1x16x512xf32, #tpu.memory_space<vmem>>
      %gather3A_384 = tpu.memref_squeeze %gather3A_383 : memref<1x16x512xf32, #tpu.memory_space<vmem>> -> memref<16x512xf32, #tpu.memory_space<vmem>>
      %gather3A_385 = tpu.vector_load_idx %gather3A_384[%iota3A, %and3A_306] : memref<16x512xf32, #tpu.memory_space<vmem>>[vector<16xi32>, vector<16xi32>], vector<16xf32>,
      %mul3A_386 = arith.mulf %get3A_1, %gather3A_385 : vector<16xf32>
      %add3A_387 = arith.addf %mul3A_386, %gather3A_374 : vector<16xf32>
      %mul3A_388 = arith.mulf %add3A_387, %add3A_387 : vector<16xf32>
      %reduce_sum3A_389 = arith.constant true
      %reduce_sum3A_390 = vector.broadcast %reduce_sum3A_389 : i1 to vector<16xi1>
      %reduce_sum3A_391 = tpu.scan <sum>, %mul3A_388 masked %reduce_sum3A_390 : vector<16xf32>, vector<16xi1> -> vector<16xf32>
      %reduce_sum3A_392 = vector.extract %reduce_sum3A_391[15] : f32 from vector<16xf32>
      %broadcast_in_dim3A_393 = vector.broadcast %reduce_sum3A_392 : f32 to vector<16xf32>
      %max3A_394 = arith.maximumf %broadcast_in_dim3A_393, %broadcast_in_dim3A_2 : vector<16xf32>
      %bitcast3A_395 = vector.bitcast %max3A_394 : vector<16xf32> to vector<16xi32>
      %shift_right_arithmetic3A_396 = arith.constant 1 : i32
      %shift_right_arithmetic3A_397 = vector.broadcast %shift_right_arithmetic3A_396 : i32 to vector<16xi32>
      %shift_right_arithmetic3A_398 = arith.shrsi %bitcast3A_395, %shift_right_arithmetic3A_397 : vector<16xi32>
      %sub3A_399 = arith.constant 1597463007 : i32
      %sub3A_400 = vector.broadcast %sub3A_399 : i32 to vector<16xi32>
      %sub3A_401 = arith.subi %sub3A_400, %shift_right_arithmetic3A_398 : vector<16xi32>
      %bitcast3A_402 = vector.bitcast %sub3A_401 : vector<16xi32> to vector<16xf32>
      %mul3A_403 = arith.constant 5.000000e-01 : f32
      %mul3A_404 = vector.broadcast %mul3A_403 : f32 to vector<16xf32>
      %mul3A_405 = arith.mulf %mul3A_404, %max3A_394 : vector<16xf32>
      %mul3A_406 = arith.mulf %mul3A_405, %bitcast3A_402 : vector<16xf32>
      %mul3A_407 = arith.mulf %mul3A_406, %bitcast3A_402 : vector<16xf32>
      %sub3A_408 = arith.constant 1.500000e+00 : f32
      %sub3A_409 = vector.broadcast %sub3A_408 : f32 to vector<16xf32>
      %sub3A_410 = arith.subf %sub3A_409, %mul3A_407 : vector<16xf32>
      %mul3A_411 = arith.mulf %bitcast3A_402, %sub3A_410 : vector<16xf32>
      %mul3A_412 = arith.constant 5.000000e-01 : f32
      %mul3A_413 = vector.broadcast %mul3A_412 : f32 to vector<16xf32>
      %mul3A_414 = arith.mulf %mul3A_413, %max3A_394 : vector<16xf32>
      %mul3A_415 = arith.mulf %mul3A_414, %mul3A_411 : vector<16xf32>
      %mul3A_416 = arith.mulf %mul3A_415, %mul3A_411 : vector<16xf32>
      %sub3A_417 = arith.constant 1.500000e+00 : f32
      %sub3A_418 = vector.broadcast %sub3A_417 : f32 to vector<16xf32>
      %sub3A_419 = arith.subf %sub3A_418, %mul3A_416 : vector<16xf32>
      %mul3A_420 = arith.mulf %mul3A_411, %sub3A_419 : vector<16xf32>
      %mul3A_421 = arith.constant 5.000000e-01 : f32
      %mul3A_422 = vector.broadcast %mul3A_421 : f32 to vector<16xf32>
      %mul3A_423 = arith.mulf %mul3A_422, %max3A_394 : vector<16xf32>
      %mul3A_424 = arith.mulf %mul3A_423, %mul3A_420 : vector<16xf32>
      %mul3A_425 = arith.mulf %mul3A_424, %mul3A_420 : vector<16xf32>
      %sub3A_426 = arith.constant 1.500000e+00 : f32
      %sub3A_427 = vector.broadcast %sub3A_426 : f32 to vector<16xf32>
      %sub3A_428 = arith.subf %sub3A_427, %mul3A_425 : vector<16xf32>
      %mul3A_429 = arith.mulf %mul3A_420, %sub3A_428 : vector<16xf32>
      %mul3A_430 = arith.mulf %add3A_387, %mul3A_429 : vector<16xf32>
      %scatter3A_431 = arith.constant 1 : i32
      %scatter3A_432 = arith.constant 0 : i32
      %scatter3A_433 = arith.constant 0 : i32
      %scatter3A_434 = arith.constant 0 : i32
      %scatter3A_435 = tpu.memref_slice %arg15[%while3A_282, %scatter3A_432, %scatter3A_433, %scatter3A_434] : memref<3x2x16x512xf32, #tpu.memory_space<vmem>> -> memref<1x2x16x512xf32, #tpu.memory_space<vmem>>
      %scatter3A_436 = tpu.memref_squeeze %scatter3A_435 : memref<1x2x16x512xf32, #tpu.memory_space<vmem>> -> memref<2x16x512xf32, #tpu.memory_space<vmem>>
      %scatter3A_437 = arith.constant 0 : i32
      %scatter3A_438 = arith.constant 0 : i32
      %scatter3A_439 = tpu.memref_slice %scatter3A_436[%scatter3A_431, %scatter3A_437, %scatter3A_438] : memref<2x16x512xf32, #tpu.memory_space<vmem>> -> memref<1x16x512xf32, #tpu.memory_space<vmem>>
      %scatter3A_440 = tpu.memref_squeeze %scatter3A_439 : memref<1x16x512xf32, #tpu.memory_space<vmem>> -> memref<16x512xf32, #tpu.memory_space<vmem>>
      tpu.vector_store_idx %scatter3A_440[%iota3A, %and3A_306], %mul3A_430 : memref<16x512xf32, #tpu.memory_space<vmem>>[vector<16xi32>, vector<16xi32>], vector<16xf32>,
    }
    %while3A_290 = arith.constant 1 : i32
    scf.for %while3A_302 = %while3A_288 to %while3A_284 step %while3A_290  : i32 {
      %broadcast_in_dim3A_303 = vector.broadcast %while3A_302 : i32 to vector<16xi32>
      %gather3A = tpu.vector_load_idx %arg13[%broadcast_in_dim3A_303] : memref<576xi32, #tpu.memory_space<vmem>>[vector<16xi32>], vector<16xi32>,
      %gather3A_304 = tpu.vector_load_idx %arg11[%gather3A] : memref<576xi32, #tpu.memory_space<vmem>>[vector<16xi32>], vector<16xi32>,
      %and3A = arith.constant 511 : i32
      %and3A_305 = vector.broadcast %and3A : i32 to vector<16xi32>
      %and3A_306 = arith.andi %gather3A_304, %and3A_305 : vector<16xi32>
      %add3A_307 = arith.constant 0 : i32
      %add3A_308 = vector.broadcast %add3A_307 : i32 to vector<16xi32>
      %add3A_309 = arith.addi %add3A_308, %iota3A : vector<16xi32>
      %gather3A_310 = tpu.vector_load_idx %arg14[%gather3A, %add3A_309] : memref<576x128xf32, #tpu.memory_space<vmem>>[vector<16xi32>, vector<16xi32>], vector<16xf32>,
      %gather3A_311 = arith.constant 0 : i32
      %gather3A_312 = arith.constant 0 : i32
      %gather3A_313 = arith.constant 0 : i32
      %gather3A_314 = arith.constant 0 : i32
      %gather3A_315 = tpu.memref_slice %arg15[%while3A_282, %gather3A_312, %gather3A_313, %gather3A_314] : memref<3x2x16x512xf32, #tpu.memory_space<vmem>> -> memref<1x2x16x512xf32, #tpu.memory_space<vmem>>
      %gather3A_316 = tpu.memref_squeeze %gather3A_315 : memref<1x2x16x512xf32, #tpu.memory_space<vmem>> -> memref<2x16x512xf32, #tpu.memory_space<vmem>>
      %gather3A_317 = arith.constant 0 : i32
      %gather3A_318 = arith.constant 0 : i32
      %gather3A_319 = tpu.memref_slice %gather3A_316[%gather3A_311, %gather3A_317, %gather3A_318] : memref<2x16x512xf32, #tpu.memory_space<vmem>> -> memref<1x16x512xf32, #tpu.memory_space<vmem>>
      %gather3A_320 = tpu.memref_squeeze %gather3A_319 : memref<1x16x512xf32, #tpu.memory_space<vmem>> -> memref<16x512xf32, #tpu.memory_space<vmem>>
      %gather3A_321 = tpu.vector_load_idx %gather3A_320[%iota3A, %and3A_306] : memref<16x512xf32, #tpu.memory_space<vmem>>[vector<16xi32>, vector<16xi32>], vector<16xf32>,
      %mul3A_322 = arith.mulf %get3A_1, %gather3A_321 : vector<16xf32>
      %add3A_323 = arith.addf %mul3A_322, %gather3A_310 : vector<16xf32>
      %mul3A_324 = arith.mulf %add3A_323, %add3A_323 : vector<16xf32>
      %reduce_sum3A = arith.constant true
      %reduce_sum3A_325 = vector.broadcast %reduce_sum3A : i1 to vector<16xi1>
      %reduce_sum3A_326 = tpu.scan <sum>, %mul3A_324 masked %reduce_sum3A_325 : vector<16xf32>, vector<16xi1> -> vector<16xf32>
      %reduce_sum3A_327 = vector.extract %reduce_sum3A_326[15] : f32 from vector<16xf32>
      %broadcast_in_dim3A_328 = vector.broadcast %reduce_sum3A_327 : f32 to vector<16xf32>
      %max3A = arith.maximumf %broadcast_in_dim3A_328, %broadcast_in_dim3A_2 : vector<16xf32>
      %bitcast3A = vector.bitcast %max3A : vector<16xf32> to vector<16xi32>
      %shift_right_arithmetic3A = arith.constant 1 : i32
      %shift_right_arithmetic3A_329 = vector.broadcast %shift_right_arithmetic3A : i32 to vector<16xi32>
      %shift_right_arithmetic3A_330 = arith.shrsi %bitcast3A, %shift_right_arithmetic3A_329 : vector<16xi32>
      %sub3A = arith.constant 1597463007 : i32
      %sub3A_331 = vector.broadcast %sub3A : i32 to vector<16xi32>
      %sub3A_332 = arith.subi %sub3A_331, %shift_right_arithmetic3A_330 : vector<16xi32>
      %bitcast3A_333 = vector.bitcast %sub3A_332 : vector<16xi32> to vector<16xf32>
      %mul3A_334 = arith.constant 5.000000e-01 : f32
      %mul3A_335 = vector.broadcast %mul3A_334 : f32 to vector<16xf32>
      %mul3A_336 = arith.mulf %mul3A_335, %max3A : vector<16xf32>
      %mul3A_337 = arith.mulf %mul3A_336, %bitcast3A_333 : vector<16xf32>
      %mul3A_338 = arith.mulf %mul3A_337, %bitcast3A_333 : vector<16xf32>
      %sub3A_339 = arith.constant 1.500000e+00 : f32
      %sub3A_340 = vector.broadcast %sub3A_339 : f32 to vector<16xf32>
      %sub3A_341 = arith.subf %sub3A_340, %mul3A_338 : vector<16xf32>
      %mul3A_342 = arith.mulf %bitcast3A_333, %sub3A_341 : vector<16xf32>
      %mul3A_343 = arith.constant 5.000000e-01 : f32
      %mul3A_344 = vector.broadcast %mul3A_343 : f32 to vector<16xf32>
      %mul3A_345 = arith.mulf %mul3A_344, %max3A : vector<16xf32>
      %mul3A_346 = arith.mulf %mul3A_345, %mul3A_342 : vector<16xf32>
      %mul3A_347 = arith.mulf %mul3A_346, %mul3A_342 : vector<16xf32>
      %sub3A_348 = arith.constant 1.500000e+00 : f32
      %sub3A_349 = vector.broadcast %sub3A_348 : f32 to vector<16xf32>
      %sub3A_350 = arith.subf %sub3A_349, %mul3A_347 : vector<16xf32>
      %mul3A_351 = arith.mulf %mul3A_342, %sub3A_350 : vector<16xf32>
      %mul3A_352 = arith.constant 5.000000e-01 : f32
      %mul3A_353 = vector.broadcast %mul3A_352 : f32 to vector<16xf32>
      %mul3A_354 = arith.mulf %mul3A_353, %max3A : vector<16xf32>
      %mul3A_355 = arith.mulf %mul3A_354, %mul3A_351 : vector<16xf32>
      %mul3A_356 = arith.mulf %mul3A_355, %mul3A_351 : vector<16xf32>
      %sub3A_357 = arith.constant 1.500000e+00 : f32
      %sub3A_358 = vector.broadcast %sub3A_357 : f32 to vector<16xf32>
      %sub3A_359 = arith.subf %sub3A_358, %mul3A_356 : vector<16xf32>
      %mul3A_360 = arith.mulf %mul3A_351, %sub3A_359 : vector<16xf32>
      %mul3A_361 = arith.mulf %add3A_323, %mul3A_360 : vector<16xf32>
      %scatter3A = arith.constant 0 : i32
      %scatter3A_362 = arith.constant 0 : i32
      %scatter3A_363 = arith.constant 0 : i32
      %scatter3A_364 = arith.constant 0 : i32
      %scatter3A_365 = tpu.memref_slice %arg15[%while3A_282, %scatter3A_362, %scatter3A_363, %scatter3A_364] : memref<3x2x16x512xf32, #tpu.memory_space<vmem>> -> memref<1x2x16x512xf32, #tpu.memory_space<vmem>>
      %scatter3A_366 = tpu.memref_squeeze %scatter3A_365 : memref<1x2x16x512xf32, #tpu.memory_space<vmem>> -> memref<2x16x512xf32, #tpu.memory_space<vmem>>
      %scatter3A_367 = arith.constant 0 : i32
      %scatter3A_368 = arith.constant 0 : i32
      %scatter3A_369 = tpu.memref_slice %scatter3A_366[%scatter3A, %scatter3A_367, %scatter3A_368] : memref<2x16x512xf32, #tpu.memory_space<vmem>> -> memref<1x16x512xf32, #tpu.memory_space<vmem>>
      %scatter3A_370 = tpu.memref_squeeze %scatter3A_369 : memref<1x16x512xf32, #tpu.memory_space<vmem>> -> memref<16x512xf32, #tpu.memory_space<vmem>>
      tpu.vector_store_idx %scatter3A_370[%iota3A, %and3A_306], %mul3A_361 : memref<16x512xf32, #tpu.memory_space<vmem>>[vector<16xi32>, vector<16xi32>], vector<16xf32>,
      %add3A_371 = arith.constant 16 : i32
      %add3A_372 = vector.broadcast %add3A_371 : i32 to vector<16xi32>
      %add3A_373 = arith.addi %add3A_372, %iota3A : vector<16xi32>
      %gather3A_374 = tpu.vector_load_idx %arg14[%gather3A, %add3A_373] : memref<576x128xf32, #tpu.memory_space<vmem>>[vector<16xi32>, vector<16xi32>], vector<16xf32>,
      %gather3A_375 = arith.constant 1 : i32
      %gather3A_376 = arith.constant 0 : i32
      %gather3A_377 = arith.constant 0 : i32
      %gather3A_378 = arith.constant 0 : i32
      %gather3A_379 = tpu.memref_slice %arg15[%while3A_282, %gather3A_376, %gather3A_377, %gather3A_378] : memref<3x2x16x512xf32, #tpu.memory_space<vmem>> -> memref<1x2x16x512xf32, #tpu.memory_space<vmem>>
      %gather3A_380 = tpu.memref_squeeze %gather3A_379 : memref<1x2x16x512xf32, #tpu.memory_space<vmem>> -> memref<2x16x512xf32, #tpu.memory_space<vmem>>
      %gather3A_381 = arith.constant 0 : i32
      %gather3A_382 = arith.constant 0 : i32
      %gather3A_383 = tpu.memref_slice %gather3A_380[%gather3A_375, %gather3A_381, %gather3A_382] : memref<2x16x512xf32, #tpu.memory_space<vmem>> -> memref<1x16x512xf32, #tpu.memory_space<vmem>>
      %gather3A_384 = tpu.memref_squeeze %gather3A_383 : memref<1x16x512xf32, #tpu.memory_space<vmem>> -> memref<16x512xf32, #tpu.memory_space<vmem>>
      %gather3A_385 = tpu.vector_load_idx %gather3A_384[%iota3A, %and3A_306] : memref<16x512xf32, #tpu.memory_space<vmem>>[vector<16xi32>, vector<16xi32>], vector<16xf32>,
      %mul3A_386 = arith.mulf %get3A_1, %gather3A_385 : vector<16xf32>
      %add3A_387 = arith.addf %mul3A_386, %gather3A_374 : vector<16xf32>
      %mul3A_388 = arith.mulf %add3A_387, %add3A_387 : vector<16xf32>
      %reduce_sum3A_389 = arith.constant true
      %reduce_sum3A_390 = vector.broadcast %reduce_sum3A_389 : i1 to vector<16xi1>
      %reduce_sum3A_391 = tpu.scan <sum>, %mul3A_388 masked %reduce_sum3A_390 : vector<16xf32>, vector<16xi1> -> vector<16xf32>
      %reduce_sum3A_392 = vector.extract %reduce_sum3A_391[15] : f32 from vector<16xf32>
      %broadcast_in_dim3A_393 = vector.broadcast %reduce_sum3A_392 : f32 to vector<16xf32>
      %max3A_394 = arith.maximumf %broadcast_in_dim3A_393, %broadcast_in_dim3A_2 : vector<16xf32>
      %bitcast3A_395 = vector.bitcast %max3A_394 : vector<16xf32> to vector<16xi32>
      %shift_right_arithmetic3A_396 = arith.constant 1 : i32
      %shift_right_arithmetic3A_397 = vector.broadcast %shift_right_arithmetic3A_396 : i32 to vector<16xi32>
      %shift_right_arithmetic3A_398 = arith.shrsi %bitcast3A_395, %shift_right_arithmetic3A_397 : vector<16xi32>
      %sub3A_399 = arith.constant 1597463007 : i32
      %sub3A_400 = vector.broadcast %sub3A_399 : i32 to vector<16xi32>
      %sub3A_401 = arith.subi %sub3A_400, %shift_right_arithmetic3A_398 : vector<16xi32>
      %bitcast3A_402 = vector.bitcast %sub3A_401 : vector<16xi32> to vector<16xf32>
      %mul3A_403 = arith.constant 5.000000e-01 : f32
      %mul3A_404 = vector.broadcast %mul3A_403 : f32 to vector<16xf32>
      %mul3A_405 = arith.mulf %mul3A_404, %max3A_394 : vector<16xf32>
      %mul3A_406 = arith.mulf %mul3A_405, %bitcast3A_402 : vector<16xf32>
      %mul3A_407 = arith.mulf %mul3A_406, %bitcast3A_402 : vector<16xf32>
      %sub3A_408 = arith.constant 1.500000e+00 : f32
      %sub3A_409 = vector.broadcast %sub3A_408 : f32 to vector<16xf32>
      %sub3A_410 = arith.subf %sub3A_409, %mul3A_407 : vector<16xf32>
      %mul3A_411 = arith.mulf %bitcast3A_402, %sub3A_410 : vector<16xf32>
      %mul3A_412 = arith.constant 5.000000e-01 : f32
      %mul3A_413 = vector.broadcast %mul3A_412 : f32 to vector<16xf32>
      %mul3A_414 = arith.mulf %mul3A_413, %max3A_394 : vector<16xf32>
      %mul3A_415 = arith.mulf %mul3A_414, %mul3A_411 : vector<16xf32>
      %mul3A_416 = arith.mulf %mul3A_415, %mul3A_411 : vector<16xf32>
      %sub3A_417 = arith.constant 1.500000e+00 : f32
      %sub3A_418 = vector.broadcast %sub3A_417 : f32 to vector<16xf32>
      %sub3A_419 = arith.subf %sub3A_418, %mul3A_416 : vector<16xf32>
      %mul3A_420 = arith.mulf %mul3A_411, %sub3A_419 : vector<16xf32>
      %mul3A_421 = arith.constant 5.000000e-01 : f32
      %mul3A_422 = vector.broadcast %mul3A_421 : f32 to vector<16xf32>
      %mul3A_423 = arith.mulf %mul3A_422, %max3A_394 : vector<16xf32>
      %mul3A_424 = arith.mulf %mul3A_423, %mul3A_420 : vector<16xf32>
      %mul3A_425 = arith.mulf %mul3A_424, %mul3A_420 : vector<16xf32>
      %sub3A_426 = arith.constant 1.500000e+00 : f32
      %sub3A_427 = vector.broadcast %sub3A_426 : f32 to vector<16xf32>
      %sub3A_428 = arith.subf %sub3A_427, %mul3A_425 : vector<16xf32>
      %mul3A_429 = arith.mulf %mul3A_420, %sub3A_428 : vector<16xf32>
      %mul3A_430 = arith.mulf %add3A_387, %mul3A_429 : vector<16xf32>
      %scatter3A_431 = arith.constant 1 : i32
      %scatter3A_432 = arith.constant 0 : i32
      %scatter3A_433 = arith.constant 0 : i32
      %scatter3A_434 = arith.constant 0 : i32
      %scatter3A_435 = tpu.memref_slice %arg15[%while3A_282, %scatter3A_432, %scatter3A_433, %scatter3A_434] : memref<3x2x16x512xf32, #tpu.memory_space<vmem>> -> memref<1x2x16x512xf32, #tpu.memory_space<vmem>>
      %scatter3A_436 = tpu.memref_squeeze %scatter3A_435 : memref<1x2x16x512xf32, #tpu.memory_space<vmem>> -> memref<2x16x512xf32, #tpu.memory_space<vmem>>
      %scatter3A_437 = arith.constant 0 : i32
      %scatter3A_438 = arith.constant 0 : i32
      %scatter3A_439 = tpu.memref_slice %scatter3A_436[%scatter3A_431, %scatter3A_437, %scatter3A_438] : memref<2x16x512xf32, #tpu.memory_space<vmem>> -> memref<1x16x512xf32, #tpu.memory_space<vmem>>
      %scatter3A_440 = tpu.memref_squeeze %scatter3A_439 : memref<1x16x512xf32, #tpu.memory_space<vmem>> -> memref<16x512xf32, #tpu.memory_space<vmem>>
      tpu.vector_store_idx %scatter3A_440[%iota3A, %and3A_306], %mul3A_430 : memref<16x512xf32, #tpu.memory_space<vmem>>[vector<16xi32>, vector<16xi32>], vector<16xf32>,
    }
    %run_scoped3A_291 = arith.constant 0 : i32
    %run_scoped3A_292 = arith.constant 0 : i32
    "tpu.region"() ({
      %run_scoped3A_302 = tpu.sem_alloc : memref<!tpu.dma_semaphore, #tpu.memory_space<semaphore_mem>>
      %dma_start3A_303 = arith.constant 0 : i32
      %dma_start3A_304 = arith.constant 0 : i32
      %dma_start3A_305 = tpu.memref_slice %arg15[%run_scoped3A_291, %run_scoped3A_292, %dma_start3A_303, %dma_start3A_304] : memref<3x2x16x512xf32, #tpu.memory_space<vmem>> -> memref<1x1x16x512xf32, #tpu.memory_space<vmem>>
      %dma_start3A_306 = tpu.memref_squeeze %dma_start3A_305 : memref<1x1x16x512xf32, #tpu.memory_space<vmem>> -> memref<16x512xf32, #tpu.memory_space<vmem>>
      %dma_start3A_307 = arith.constant 0 : i32
      %dma_start3A_308 = tpu.memref_slice %arg7[%dma_start3A_307, %multiple_of3A_278] : memref<16x1000000xf32, #tpu.memory_space<hbm>> -> memref<16x512xf32, #tpu.memory_space<hbm>>
      %dma_start3A_309 = arith.constant 0 : i32
      %dma_start3A_310 = tpu.memref_slice %arg7[%dma_start3A_309, %multiple_of3A_278] : memref<16x1000000xf32, #tpu.memory_space<hbm>> -> memref<16x512xf32, #tpu.memory_space<hbm>>
      %dma_start3A_311 = arith.constant 0 : i32
      %dma_start3A_312 = arith.constant 0 : i32
      %dma_start3A_313 = tpu.memref_slice %arg15[%run_scoped3A_291, %run_scoped3A_292, %dma_start3A_311, %dma_start3A_312] : memref<3x2x16x512xf32, #tpu.memory_space<vmem>> -> memref<1x1x16x512xf32, #tpu.memory_space<vmem>>
      %dma_start3A_314 = tpu.memref_squeeze %dma_start3A_313 : memref<1x1x16x512xf32, #tpu.memory_space<vmem>> -> memref<16x512xf32, #tpu.memory_space<vmem>>
      tpu.enqueue_dma source(%dma_start3A_314 : memref<16x512xf32, #tpu.memory_space<vmem>>) target(%dma_start3A_310 : memref<16x512xf32, #tpu.memory_space<hbm>>) target_semaphore(%run_scoped3A_302 : memref<!tpu.dma_semaphore, #tpu.memory_space<semaphore_mem>>)
      %dma_wait3A_315 = arith.constant 0 : i32
      %dma_wait3A_316 = arith.constant 0 : i32
      %dma_wait3A_317 = tpu.memref_slice %arg15[%run_scoped3A_291, %run_scoped3A_292, %dma_wait3A_315, %dma_wait3A_316] : memref<3x2x16x512xf32, #tpu.memory_space<vmem>> -> memref<1x1x16x512xf32, #tpu.memory_space<vmem>>
      %dma_wait3A_318 = tpu.memref_squeeze %dma_wait3A_317 : memref<1x1x16x512xf32, #tpu.memory_space<vmem>> -> memref<16x512xf32, #tpu.memory_space<vmem>>
      %dma_wait3A_319 = arith.constant 0 : i32
      %dma_wait3A_320 = tpu.memref_slice %arg7[%dma_wait3A_319, %multiple_of3A_278] : memref<16x1000000xf32, #tpu.memory_space<hbm>> -> memref<16x512xf32, #tpu.memory_space<hbm>>
      %dma_wait3A_321 = arith.constant 0 : i32
      %dma_wait3A_322 = tpu.memref_slice %arg7[%dma_wait3A_321, %multiple_of3A_278] : memref<16x1000000xf32, #tpu.memory_space<hbm>> -> memref<16x512xf32, #tpu.memory_space<hbm>>
      %dma_wait3A_323 = arith.constant 0 : i32
      %dma_wait3A_324 = arith.constant 0 : i32
      %dma_wait3A_325 = tpu.memref_slice %arg15[%run_scoped3A_291, %run_scoped3A_292, %dma_wait3A_323, %dma_wait3A_324] : memref<3x2x16x512xf32, #tpu.memory_space<vmem>> -> memref<1x1x16x512xf32, #tpu.memory_space<vmem>>
      %dma_wait3A_326 = tpu.memref_squeeze %dma_wait3A_325 : memref<1x1x16x512xf32, #tpu.memory_space<vmem>> -> memref<16x512xf32, #tpu.memory_space<vmem>>
      tpu.wait_dma2 semaphore(%run_scoped3A_302 : memref<!tpu.dma_semaphore, #tpu.memory_space<semaphore_mem>>) src(%dma_wait3A_326 : memref<16x512xf32, #tpu.memory_space<vmem>>) dst(%dma_wait3A_322 : memref<16x512xf32, #tpu.memory_space<hbm>>)
      tpu.yield
    }) : () -> ()
    %run_scoped3A_293 = arith.constant 0 : i32
    %run_scoped3A_294 = arith.constant 1 : i32
    "tpu.region"() ({
      %run_scoped3A_302 = tpu.sem_alloc : memref<!tpu.dma_semaphore, #tpu.memory_space<semaphore_mem>>
      %dma_start3A_303 = arith.constant 0 : i32
      %dma_start3A_304 = arith.constant 0 : i32
      %dma_start3A_305 = tpu.memref_slice %arg15[%run_scoped3A_293, %run_scoped3A_294, %dma_start3A_303, %dma_start3A_304] : memref<3x2x16x512xf32, #tpu.memory_space<vmem>> -> memref<1x1x16x512xf32, #tpu.memory_space<vmem>>
      %dma_start3A_306 = tpu.memref_squeeze %dma_start3A_305 : memref<1x1x16x512xf32, #tpu.memory_space<vmem>> -> memref<16x512xf32, #tpu.memory_space<vmem>>
      %dma_start3A_307 = arith.constant 0 : i32
      %dma_start3A_308 = tpu.memref_slice %arg8[%dma_start3A_307, %multiple_of3A_278] : memref<16x1000000xf32, #tpu.memory_space<hbm>> -> memref<16x512xf32, #tpu.memory_space<hbm>>
      %dma_start3A_309 = arith.constant 0 : i32
      %dma_start3A_310 = tpu.memref_slice %arg8[%dma_start3A_309, %multiple_of3A_278] : memref<16x1000000xf32, #tpu.memory_space<hbm>> -> memref<16x512xf32, #tpu.memory_space<hbm>>
      %dma_start3A_311 = arith.constant 0 : i32
      %dma_start3A_312 = arith.constant 0 : i32
      %dma_start3A_313 = tpu.memref_slice %arg15[%run_scoped3A_293, %run_scoped3A_294, %dma_start3A_311, %dma_start3A_312] : memref<3x2x16x512xf32, #tpu.memory_space<vmem>> -> memref<1x1x16x512xf32, #tpu.memory_space<vmem>>
      %dma_start3A_314 = tpu.memref_squeeze %dma_start3A_313 : memref<1x1x16x512xf32, #tpu.memory_space<vmem>> -> memref<16x512xf32, #tpu.memory_space<vmem>>
      tpu.enqueue_dma source(%dma_start3A_314 : memref<16x512xf32, #tpu.memory_space<vmem>>) target(%dma_start3A_310 : memref<16x512xf32, #tpu.memory_space<hbm>>) target_semaphore(%run_scoped3A_302 : memref<!tpu.dma_semaphore, #tpu.memory_space<semaphore_mem>>)
      %dma_wait3A_315 = arith.constant 0 : i32
      %dma_wait3A_316 = arith.constant 0 : i32
      %dma_wait3A_317 = tpu.memref_slice %arg15[%run_scoped3A_293, %run_scoped3A_294, %dma_wait3A_315, %dma_wait3A_316] : memref<3x2x16x512xf32, #tpu.memory_space<vmem>> -> memref<1x1x16x512xf32, #tpu.memory_space<vmem>>
      %dma_wait3A_318 = tpu.memref_squeeze %dma_wait3A_317 : memref<1x1x16x512xf32, #tpu.memory_space<vmem>> -> memref<16x512xf32, #tpu.memory_space<vmem>>
      %dma_wait3A_319 = arith.constant 0 : i32
      %dma_wait3A_320 = tpu.memref_slice %arg8[%dma_wait3A_319, %multiple_of3A_278] : memref<16x1000000xf32, #tpu.memory_space<hbm>> -> memref<16x512xf32, #tpu.memory_space<hbm>>
      %dma_wait3A_321 = arith.constant 0 : i32
      %dma_wait3A_322 = tpu.memref_slice %arg8[%dma_wait3A_321, %multiple_of3A_278] : memref<16x1000000xf32, #tpu.memory_space<hbm>> -> memref<16x512xf32, #tpu.memory_space<hbm>>
      %dma_wait3A_323 = arith.constant 0 : i32
      %dma_wait3A_324 = arith.constant 0 : i32
      %dma_wait3A_325 = tpu.memref_slice %arg15[%run_scoped3A_293, %run_scoped3A_294, %dma_wait3A_323, %dma_wait3A_324] : memref<3x2x16x512xf32, #tpu.memory_space<vmem>> -> memref<1x1x16x512xf32, #tpu.memory_space<vmem>>
      %dma_wait3A_326 = tpu.memref_squeeze %dma_wait3A_325 : memref<1x1x16x512xf32, #tpu.memory_space<vmem>> -> memref<16x512xf32, #tpu.memory_space<vmem>>
      tpu.wait_dma2 semaphore(%run_scoped3A_302 : memref<!tpu.dma_semaphore, #tpu.memory_space<semaphore_mem>>) src(%dma_wait3A_326 : memref<16x512xf32, #tpu.memory_space<vmem>>) dst(%dma_wait3A_322 : memref<16x512xf32, #tpu.memory_space<hbm>>)
      tpu.yield
    }) : () -> ()
    %eq3A = arith.constant 0 : i32
    %eq3A_295 = arith.cmpi eq, %add3A, %eq3A : i32
    %convert_element_type3A = arith.extui %eq3A_295 : i1 to i32
    %cond3A = arith.constant 0 : i32
    %cond3A_296 = arith.cmpi ne, %convert_element_type3A, %cond3A : i32
    scf.if %cond3A_296 {
      %add3A_302 = arith.constant 1952 : i32
      %add3A_303 = arith.addi %add3A, %add3A_302 : i32
      %slice3A_304 = vector.extract_strided_slice %get3A_271 {offsets = [13], sizes = [1], strides = [1]} : vector<16xi32> to vector<1xi32>
      %squeeze3A_305 = vector.extract %slice3A_304[0] : i32 from vector<1xi32>
      %slice3A_306 = vector.extract_strided_slice %get3A_271 {offsets = [14], sizes = [1], strides = [1]} : vector<16xi32> to vector<1xi32>
      %squeeze3A_307 = vector.extract %slice3A_306[0] : i32 from vector<1xi32>
      %mul3A_308 = arith.constant 512 : i32
      %mul3A_309 = arith.muli %add3A_303, %mul3A_308 : i32
      %multiple_of3A_310 = tpu.assume_multiple %mul3A_309, 128 : i32
      %run_scoped3A_311 = arith.constant 0 : i32
      %run_scoped3A_312 = arith.constant 0 : i32
      "tpu.region"() ({
        %run_scoped3A_329 = tpu.sem_alloc : memref<!tpu.dma_semaphore, #tpu.memory_space<semaphore_mem>>
        %dma_start3A_330 = arith.constant 0 : i32
        %dma_start3A_331 = arith.constant 0 : i32
        %dma_start3A_332 = tpu.memref_slice %arg15[%run_scoped3A_311, %run_scoped3A_312, %dma_start3A_330, %dma_start3A_331] : memref<3x2x16x512xf32, #tpu.memory_space<vmem>> -> memref<1x1x16x512xf32, #tpu.memory_space<vmem>>
        %dma_start3A_333 = tpu.memref_squeeze %dma_start3A_332 : memref<1x1x16x512xf32, #tpu.memory_space<vmem>> -> memref<16x512xf32, #tpu.memory_space<vmem>>
        %dma_start3A_334 = arith.constant 0 : i32
        %dma_start3A_335 = tpu.memref_slice %arg3[%dma_start3A_334, %multiple_of3A_310] : memref<16x1000000xf32, #tpu.memory_space<hbm>> -> memref<16x512xf32, #tpu.memory_space<hbm>>
        %dma_start3A_336 = arith.constant 0 : i32
        %dma_start3A_337 = arith.constant 0 : i32
        %dma_start3A_338 = tpu.memref_slice %arg15[%run_scoped3A_311, %run_scoped3A_312, %dma_start3A_336, %dma_start3A_337] : memref<3x2x16x512xf32, #tpu.memory_space<vmem>> -> memref<1x1x16x512xf32, #tpu.memory_space<vmem>>
        %dma_start3A_339 = tpu.memref_squeeze %dma_start3A_338 : memref<1x1x16x512xf32, #tpu.memory_space<vmem>> -> memref<16x512xf32, #tpu.memory_space<vmem>>
        %dma_start3A_340 = arith.constant 0 : i32
        %dma_start3A_341 = tpu.memref_slice %arg3[%dma_start3A_340, %multiple_of3A_310] : memref<16x1000000xf32, #tpu.memory_space<hbm>> -> memref<16x512xf32, #tpu.memory_space<hbm>>
        tpu.enqueue_dma source(%dma_start3A_341 : memref<16x512xf32, #tpu.memory_space<hbm>>) target(%dma_start3A_339 : memref<16x512xf32, #tpu.memory_space<vmem>>) target_semaphore(%run_scoped3A_329 : memref<!tpu.dma_semaphore, #tpu.memory_space<semaphore_mem>>)
        %dma_wait3A_342 = arith.constant 0 : i32
        %dma_wait3A_343 = arith.constant 0 : i32
        %dma_wait3A_344 = tpu.memref_slice %arg15[%run_scoped3A_311, %run_scoped3A_312, %dma_wait3A_342, %dma_wait3A_343] : memref<3x2x16x512xf32, #tpu.memory_space<vmem>> -> memref<1x1x16x512xf32, #tpu.memory_space<vmem>>
        %dma_wait3A_345 = tpu.memref_squeeze %dma_wait3A_344 : memref<1x1x16x512xf32, #tpu.memory_space<vmem>> -> memref<16x512xf32, #tpu.memory_space<vmem>>
        %dma_wait3A_346 = arith.constant 0 : i32
        %dma_wait3A_347 = tpu.memref_slice %arg3[%dma_wait3A_346, %multiple_of3A_310] : memref<16x1000000xf32, #tpu.memory_space<hbm>> -> memref<16x512xf32, #tpu.memory_space<hbm>>
        %dma_wait3A_348 = arith.constant 0 : i32
        %dma_wait3A_349 = arith.constant 0 : i32
        %dma_wait3A_350 = tpu.memref_slice %arg15[%run_scoped3A_311, %run_scoped3A_312, %dma_wait3A_348, %dma_wait3A_349] : memref<3x2x16x512xf32, #tpu.memory_space<vmem>> -> memref<1x1x16x512xf32, #tpu.memory_space<vmem>>
        %dma_wait3A_351 = tpu.memref_squeeze %dma_wait3A_350 : memref<1x1x16x512xf32, #tpu.memory_space<vmem>> -> memref<16x512xf32, #tpu.memory_space<vmem>>
        %dma_wait3A_352 = arith.constant 0 : i32
        %dma_wait3A_353 = tpu.memref_slice %arg3[%dma_wait3A_352, %multiple_of3A_310] : memref<16x1000000xf32, #tpu.memory_space<hbm>> -> memref<16x512xf32, #tpu.memory_space<hbm>>
        tpu.wait_dma2 semaphore(%run_scoped3A_329 : memref<!tpu.dma_semaphore, #tpu.memory_space<semaphore_mem>>) src(%dma_wait3A_353 : memref<16x512xf32, #tpu.memory_space<hbm>>) dst(%dma_wait3A_351 : memref<16x512xf32, #tpu.memory_space<vmem>>)
        tpu.yield
      }) : () -> ()
      %run_scoped3A_313 = arith.constant 0 : i32
      %run_scoped3A_314 = arith.constant 1 : i32
      "tpu.region"() ({
        %run_scoped3A_329 = tpu.sem_alloc : memref<!tpu.dma_semaphore, #tpu.memory_space<semaphore_mem>>
        %dma_start3A_330 = arith.constant 0 : i32
        %dma_start3A_331 = arith.constant 0 : i32
        %dma_start3A_332 = tpu.memref_slice %arg15[%run_scoped3A_313, %run_scoped3A_314, %dma_start3A_330, %dma_start3A_331] : memref<3x2x16x512xf32, #tpu.memory_space<vmem>> -> memref<1x1x16x512xf32, #tpu.memory_space<vmem>>
        %dma_start3A_333 = tpu.memref_squeeze %dma_start3A_332 : memref<1x1x16x512xf32, #tpu.memory_space<vmem>> -> memref<16x512xf32, #tpu.memory_space<vmem>>
        %dma_start3A_334 = arith.constant 0 : i32
        %dma_start3A_335 = tpu.memref_slice %arg4[%dma_start3A_334, %multiple_of3A_310] : memref<16x1000000xf32, #tpu.memory_space<hbm>> -> memref<16x512xf32, #tpu.memory_space<hbm>>
        %dma_start3A_336 = arith.constant 0 : i32
        %dma_start3A_337 = arith.constant 0 : i32
        %dma_start3A_338 = tpu.memref_slice %arg15[%run_scoped3A_313, %run_scoped3A_314, %dma_start3A_336, %dma_start3A_337] : memref<3x2x16x512xf32, #tpu.memory_space<vmem>> -> memref<1x1x16x512xf32, #tpu.memory_space<vmem>>
        %dma_start3A_339 = tpu.memref_squeeze %dma_start3A_338 : memref<1x1x16x512xf32, #tpu.memory_space<vmem>> -> memref<16x512xf32, #tpu.memory_space<vmem>>
        %dma_start3A_340 = arith.constant 0 : i32
        %dma_start3A_341 = tpu.memref_slice %arg4[%dma_start3A_340, %multiple_of3A_310] : memref<16x1000000xf32, #tpu.memory_space<hbm>> -> memref<16x512xf32, #tpu.memory_space<hbm>>
        tpu.enqueue_dma source(%dma_start3A_341 : memref<16x512xf32, #tpu.memory_space<hbm>>) target(%dma_start3A_339 : memref<16x512xf32, #tpu.memory_space<vmem>>) target_semaphore(%run_scoped3A_329 : memref<!tpu.dma_semaphore, #tpu.memory_space<semaphore_mem>>)
        %dma_wait3A_342 = arith.constant 0 : i32
        %dma_wait3A_343 = arith.constant 0 : i32
        %dma_wait3A_344 = tpu.memref_slice %arg15[%run_scoped3A_313, %run_scoped3A_314, %dma_wait3A_342, %dma_wait3A_343] : memref<3x2x16x512xf32, #tpu.memory_space<vmem>> -> memref<1x1x16x512xf32, #tpu.memory_space<vmem>>
        %dma_wait3A_345 = tpu.memref_squeeze %dma_wait3A_344 : memref<1x1x16x512xf32, #tpu.memory_space<vmem>> -> memref<16x512xf32, #tpu.memory_space<vmem>>
        %dma_wait3A_346 = arith.constant 0 : i32
        %dma_wait3A_347 = tpu.memref_slice %arg4[%dma_wait3A_346, %multiple_of3A_310] : memref<16x1000000xf32, #tpu.memory_space<hbm>> -> memref<16x512xf32, #tpu.memory_space<hbm>>
        %dma_wait3A_348 = arith.constant 0 : i32
        %dma_wait3A_349 = arith.constant 0 : i32
        %dma_wait3A_350 = tpu.memref_slice %arg15[%run_scoped3A_313, %run_scoped3A_314, %dma_wait3A_348, %dma_wait3A_349] : memref<3x2x16x512xf32, #tpu.memory_space<vmem>> -> memref<1x1x16x512xf32, #tpu.memory_space<vmem>>
        %dma_wait3A_351 = tpu.memref_squeeze %dma_wait3A_350 : memref<1x1x16x512xf32, #tpu.memory_space<vmem>> -> memref<16x512xf32, #tpu.memory_space<vmem>>
        %dma_wait3A_352 = arith.constant 0 : i32
        %dma_wait3A_353 = tpu.memref_slice %arg4[%dma_wait3A_352, %multiple_of3A_310] : memref<16x1000000xf32, #tpu.memory_space<hbm>> -> memref<16x512xf32, #tpu.memory_space<hbm>>
        tpu.wait_dma2 semaphore(%run_scoped3A_329 : memref<!tpu.dma_semaphore, #tpu.memory_space<semaphore_mem>>) src(%dma_wait3A_353 : memref<16x512xf32, #tpu.memory_space<hbm>>) dst(%dma_wait3A_351 : memref<16x512xf32, #tpu.memory_space<vmem>>)
        tpu.yield
      }) : () -> ()
      %while3A_315 = arith.constant 0 : i32
      %while3A_316 = arith.constant 0 : i32
      %while3A_317 = arith.subi %squeeze3A_307, %squeeze3A_305 : i32
      %while3A_318 = arith.addi %squeeze3A_305, %while3A_317 : i32
      %while3A_319 = arith.constant 1 : i32
      %while3A_320 = arith.divsi %while3A_317, %while3A_319 : i32
      %while3A_321 = arith.muli %while3A_320, %while3A_319 : i32
      %while3A_322 = arith.addi %squeeze3A_305, %while3A_321 : i32
      %while3A_323 = arith.constant 1 : i32
      scf.for %while3A_329 = %squeeze3A_305 to %while3A_322 step %while3A_323  : i32 {
        %broadcast_in_dim3A_330 = vector.broadcast %while3A_329 : i32 to vector<16xi32>
        %gather3A = tpu.vector_load_idx %arg13[%broadcast_in_dim3A_330] : memref<576xi32, #tpu.memory_space<vmem>>[vector<16xi32>], vector<16xi32>,
        %gather3A_331 = tpu.vector_load_idx %arg11[%gather3A] : memref<576xi32, #tpu.memory_space<vmem>>[vector<16xi32>], vector<16xi32>,
        %and3A = arith.constant 511 : i32
        %and3A_332 = vector.broadcast %and3A : i32 to vector<16xi32>
        %and3A_333 = arith.andi %gather3A_331, %and3A_332 : vector<16xi32>
        %add3A_334 = arith.constant 0 : i32
        %add3A_335 = vector.broadcast %add3A_334 : i32 to vector<16xi32>
        %add3A_336 = arith.addi %add3A_335, %iota3A : vector<16xi32>
        %gather3A_337 = tpu.vector_load_idx %arg14[%gather3A, %add3A_336] : memref<576x128xf32, #tpu.memory_space<vmem>>[vector<16xi32>, vector<16xi32>], vector<16xf32>,
        %gather3A_338 = arith.constant 0 : i32
        %gather3A_339 = arith.constant 0 : i32
        %gather3A_340 = arith.constant 0 : i32
        %gather3A_341 = arith.constant 0 : i32
        %gather3A_342 = tpu.memref_slice %arg15[%while3A_316, %gather3A_339, %gather3A_340, %gather3A_341] : memref<3x2x16x512xf32, #tpu.memory_space<vmem>> -> memref<1x2x16x512xf32, #tpu.memory_space<vmem>>
        %gather3A_343 = tpu.memref_squeeze %gather3A_342 : memref<1x2x16x512xf32, #tpu.memory_space<vmem>> -> memref<2x16x512xf32, #tpu.memory_space<vmem>>
        %gather3A_344 = arith.constant 0 : i32
        %gather3A_345 = arith.constant 0 : i32
        %gather3A_346 = tpu.memref_slice %gather3A_343[%gather3A_338, %gather3A_344, %gather3A_345] : memref<2x16x512xf32, #tpu.memory_space<vmem>> -> memref<1x16x512xf32, #tpu.memory_space<vmem>>
        %gather3A_347 = tpu.memref_squeeze %gather3A_346 : memref<1x16x512xf32, #tpu.memory_space<vmem>> -> memref<16x512xf32, #tpu.memory_space<vmem>>
        %gather3A_348 = tpu.vector_load_idx %gather3A_347[%iota3A, %and3A_333] : memref<16x512xf32, #tpu.memory_space<vmem>>[vector<16xi32>, vector<16xi32>], vector<16xf32>,
        %mul3A_349 = arith.mulf %get3A_1, %gather3A_348 : vector<16xf32>
        %add3A_350 = arith.addf %mul3A_349, %gather3A_337 : vector<16xf32>
        %mul3A_351 = arith.mulf %add3A_350, %add3A_350 : vector<16xf32>
        %reduce_sum3A = arith.constant true
        %reduce_sum3A_352 = vector.broadcast %reduce_sum3A : i1 to vector<16xi1>
        %reduce_sum3A_353 = tpu.scan <sum>, %mul3A_351 masked %reduce_sum3A_352 : vector<16xf32>, vector<16xi1> -> vector<16xf32>
        %reduce_sum3A_354 = vector.extract %reduce_sum3A_353[15] : f32 from vector<16xf32>
        %broadcast_in_dim3A_355 = vector.broadcast %reduce_sum3A_354 : f32 to vector<16xf32>
        %max3A = arith.maximumf %broadcast_in_dim3A_355, %broadcast_in_dim3A_2 : vector<16xf32>
        %bitcast3A = vector.bitcast %max3A : vector<16xf32> to vector<16xi32>
        %shift_right_arithmetic3A = arith.constant 1 : i32
        %shift_right_arithmetic3A_356 = vector.broadcast %shift_right_arithmetic3A : i32 to vector<16xi32>
        %shift_right_arithmetic3A_357 = arith.shrsi %bitcast3A, %shift_right_arithmetic3A_356 : vector<16xi32>
        %sub3A = arith.constant 1597463007 : i32
        %sub3A_358 = vector.broadcast %sub3A : i32 to vector<16xi32>
        %sub3A_359 = arith.subi %sub3A_358, %shift_right_arithmetic3A_357 : vector<16xi32>
        %bitcast3A_360 = vector.bitcast %sub3A_359 : vector<16xi32> to vector<16xf32>
        %mul3A_361 = arith.constant 5.000000e-01 : f32
        %mul3A_362 = vector.broadcast %mul3A_361 : f32 to vector<16xf32>
        %mul3A_363 = arith.mulf %mul3A_362, %max3A : vector<16xf32>
        %mul3A_364 = arith.mulf %mul3A_363, %bitcast3A_360 : vector<16xf32>
        %mul3A_365 = arith.mulf %mul3A_364, %bitcast3A_360 : vector<16xf32>
        %sub3A_366 = arith.constant 1.500000e+00 : f32
        %sub3A_367 = vector.broadcast %sub3A_366 : f32 to vector<16xf32>
        %sub3A_368 = arith.subf %sub3A_367, %mul3A_365 : vector<16xf32>
        %mul3A_369 = arith.mulf %bitcast3A_360, %sub3A_368 : vector<16xf32>
        %mul3A_370 = arith.constant 5.000000e-01 : f32
        %mul3A_371 = vector.broadcast %mul3A_370 : f32 to vector<16xf32>
        %mul3A_372 = arith.mulf %mul3A_371, %max3A : vector<16xf32>
        %mul3A_373 = arith.mulf %mul3A_372, %mul3A_369 : vector<16xf32>
        %mul3A_374 = arith.mulf %mul3A_373, %mul3A_369 : vector<16xf32>
        %sub3A_375 = arith.constant 1.500000e+00 : f32
        %sub3A_376 = vector.broadcast %sub3A_375 : f32 to vector<16xf32>
        %sub3A_377 = arith.subf %sub3A_376, %mul3A_374 : vector<16xf32>
        %mul3A_378 = arith.mulf %mul3A_369, %sub3A_377 : vector<16xf32>
        %mul3A_379 = arith.constant 5.000000e-01 : f32
        %mul3A_380 = vector.broadcast %mul3A_379 : f32 to vector<16xf32>
        %mul3A_381 = arith.mulf %mul3A_380, %max3A : vector<16xf32>
        %mul3A_382 = arith.mulf %mul3A_381, %mul3A_378 : vector<16xf32>
        %mul3A_383 = arith.mulf %mul3A_382, %mul3A_378 : vector<16xf32>
        %sub3A_384 = arith.constant 1.500000e+00 : f32
        %sub3A_385 = vector.broadcast %sub3A_384 : f32 to vector<16xf32>
        %sub3A_386 = arith.subf %sub3A_385, %mul3A_383 : vector<16xf32>
        %mul3A_387 = arith.mulf %mul3A_378, %sub3A_386 : vector<16xf32>
        %mul3A_388 = arith.mulf %add3A_350, %mul3A_387 : vector<16xf32>
        %scatter3A = arith.constant 0 : i32
        %scatter3A_389 = arith.constant 0 : i32
        %scatter3A_390 = arith.constant 0 : i32
        %scatter3A_391 = arith.constant 0 : i32
        %scatter3A_392 = tpu.memref_slice %arg15[%while3A_316, %scatter3A_389, %scatter3A_390, %scatter3A_391] : memref<3x2x16x512xf32, #tpu.memory_space<vmem>> -> memref<1x2x16x512xf32, #tpu.memory_space<vmem>>
        %scatter3A_393 = tpu.memref_squeeze %scatter3A_392 : memref<1x2x16x512xf32, #tpu.memory_space<vmem>> -> memref<2x16x512xf32, #tpu.memory_space<vmem>>
        %scatter3A_394 = arith.constant 0 : i32
        %scatter3A_395 = arith.constant 0 : i32
        %scatter3A_396 = tpu.memref_slice %scatter3A_393[%scatter3A, %scatter3A_394, %scatter3A_395] : memref<2x16x512xf32, #tpu.memory_space<vmem>> -> memref<1x16x512xf32, #tpu.memory_space<vmem>>
        %scatter3A_397 = tpu.memref_squeeze %scatter3A_396 : memref<1x16x512xf32, #tpu.memory_space<vmem>> -> memref<16x512xf32, #tpu.memory_space<vmem>>
        tpu.vector_store_idx %scatter3A_397[%iota3A, %and3A_333], %mul3A_388 : memref<16x512xf32, #tpu.memory_space<vmem>>[vector<16xi32>, vector<16xi32>], vector<16xf32>,
        %add3A_398 = arith.constant 16 : i32
        %add3A_399 = vector.broadcast %add3A_398 : i32 to vector<16xi32>
        %add3A_400 = arith.addi %add3A_399, %iota3A : vector<16xi32>
        %gather3A_401 = tpu.vector_load_idx %arg14[%gather3A, %add3A_400] : memref<576x128xf32, #tpu.memory_space<vmem>>[vector<16xi32>, vector<16xi32>], vector<16xf32>,
        %gather3A_402 = arith.constant 1 : i32
        %gather3A_403 = arith.constant 0 : i32
        %gather3A_404 = arith.constant 0 : i32
        %gather3A_405 = arith.constant 0 : i32
        %gather3A_406 = tpu.memref_slice %arg15[%while3A_316, %gather3A_403, %gather3A_404, %gather3A_405] : memref<3x2x16x512xf32, #tpu.memory_space<vmem>> -> memref<1x2x16x512xf32, #tpu.memory_space<vmem>>
        %gather3A_407 = tpu.memref_squeeze %gather3A_406 : memref<1x2x16x512xf32, #tpu.memory_space<vmem>> -> memref<2x16x512xf32, #tpu.memory_space<vmem>>
        %gather3A_408 = arith.constant 0 : i32
        %gather3A_409 = arith.constant 0 : i32
        %gather3A_410 = tpu.memref_slice %gather3A_407[%gather3A_402, %gather3A_408, %gather3A_409] : memref<2x16x512xf32, #tpu.memory_space<vmem>> -> memref<1x16x512xf32, #tpu.memory_space<vmem>>
        %gather3A_411 = tpu.memref_squeeze %gather3A_410 : memref<1x16x512xf32, #tpu.memory_space<vmem>> -> memref<16x512xf32, #tpu.memory_space<vmem>>
        %gather3A_412 = tpu.vector_load_idx %gather3A_411[%iota3A, %and3A_333] : memref<16x512xf32, #tpu.memory_space<vmem>>[vector<16xi32>, vector<16xi32>], vector<16xf32>,
        %mul3A_413 = arith.mulf %get3A_1, %gather3A_412 : vector<16xf32>
        %add3A_414 = arith.addf %mul3A_413, %gather3A_401 : vector<16xf32>
        %mul3A_415 = arith.mulf %add3A_414, %add3A_414 : vector<16xf32>
        %reduce_sum3A_416 = arith.constant true
        %reduce_sum3A_417 = vector.broadcast %reduce_sum3A_416 : i1 to vector<16xi1>
        %reduce_sum3A_418 = tpu.scan <sum>, %mul3A_415 masked %reduce_sum3A_417 : vector<16xf32>, vector<16xi1> -> vector<16xf32>
        %reduce_sum3A_419 = vector.extract %reduce_sum3A_418[15] : f32 from vector<16xf32>
        %broadcast_in_dim3A_420 = vector.broadcast %reduce_sum3A_419 : f32 to vector<16xf32>
        %max3A_421 = arith.maximumf %broadcast_in_dim3A_420, %broadcast_in_dim3A_2 : vector<16xf32>
        %bitcast3A_422 = vector.bitcast %max3A_421 : vector<16xf32> to vector<16xi32>
        %shift_right_arithmetic3A_423 = arith.constant 1 : i32
        %shift_right_arithmetic3A_424 = vector.broadcast %shift_right_arithmetic3A_423 : i32 to vector<16xi32>
        %shift_right_arithmetic3A_425 = arith.shrsi %bitcast3A_422, %shift_right_arithmetic3A_424 : vector<16xi32>
        %sub3A_426 = arith.constant 1597463007 : i32
        %sub3A_427 = vector.broadcast %sub3A_426 : i32 to vector<16xi32>
        %sub3A_428 = arith.subi %sub3A_427, %shift_right_arithmetic3A_425 : vector<16xi32>
        %bitcast3A_429 = vector.bitcast %sub3A_428 : vector<16xi32> to vector<16xf32>
        %mul3A_430 = arith.constant 5.000000e-01 : f32
        %mul3A_431 = vector.broadcast %mul3A_430 : f32 to vector<16xf32>
        %mul3A_432 = arith.mulf %mul3A_431, %max3A_421 : vector<16xf32>
        %mul3A_433 = arith.mulf %mul3A_432, %bitcast3A_429 : vector<16xf32>
        %mul3A_434 = arith.mulf %mul3A_433, %bitcast3A_429 : vector<16xf32>
        %sub3A_435 = arith.constant 1.500000e+00 : f32
        %sub3A_436 = vector.broadcast %sub3A_435 : f32 to vector<16xf32>
        %sub3A_437 = arith.subf %sub3A_436, %mul3A_434 : vector<16xf32>
        %mul3A_438 = arith.mulf %bitcast3A_429, %sub3A_437 : vector<16xf32>
        %mul3A_439 = arith.constant 5.000000e-01 : f32
        %mul3A_440 = vector.broadcast %mul3A_439 : f32 to vector<16xf32>
        %mul3A_441 = arith.mulf %mul3A_440, %max3A_421 : vector<16xf32>
        %mul3A_442 = arith.mulf %mul3A_441, %mul3A_438 : vector<16xf32>
        %mul3A_443 = arith.mulf %mul3A_442, %mul3A_438 : vector<16xf32>
        %sub3A_444 = arith.constant 1.500000e+00 : f32
        %sub3A_445 = vector.broadcast %sub3A_444 : f32 to vector<16xf32>
        %sub3A_446 = arith.subf %sub3A_445, %mul3A_443 : vector<16xf32>
        %mul3A_447 = arith.mulf %mul3A_438, %sub3A_446 : vector<16xf32>
        %mul3A_448 = arith.constant 5.000000e-01 : f32
        %mul3A_449 = vector.broadcast %mul3A_448 : f32 to vector<16xf32>
        %mul3A_450 = arith.mulf %mul3A_449, %max3A_421 : vector<16xf32>
        %mul3A_451 = arith.mulf %mul3A_450, %mul3A_447 : vector<16xf32>
        %mul3A_452 = arith.mulf %mul3A_451, %mul3A_447 : vector<16xf32>
        %sub3A_453 = arith.constant 1.500000e+00 : f32
        %sub3A_454 = vector.broadcast %sub3A_453 : f32 to vector<16xf32>
        %sub3A_455 = arith.subf %sub3A_454, %mul3A_452 : vector<16xf32>
        %mul3A_456 = arith.mulf %mul3A_447, %sub3A_455 : vector<16xf32>
        %mul3A_457 = arith.mulf %add3A_414, %mul3A_456 : vector<16xf32>
        %scatter3A_458 = arith.constant 1 : i32
        %scatter3A_459 = arith.constant 0 : i32
        %scatter3A_460 = arith.constant 0 : i32
        %scatter3A_461 = arith.constant 0 : i32
        %scatter3A_462 = tpu.memref_slice %arg15[%while3A_316, %scatter3A_459, %scatter3A_460, %scatter3A_461] : memref<3x2x16x512xf32, #tpu.memory_space<vmem>> -> memref<1x2x16x512xf32, #tpu.memory_space<vmem>>
        %scatter3A_463 = tpu.memref_squeeze %scatter3A_462 : memref<1x2x16x512xf32, #tpu.memory_space<vmem>> -> memref<2x16x512xf32, #tpu.memory_space<vmem>>
        %scatter3A_464 = arith.constant 0 : i32
        %scatter3A_465 = arith.constant 0 : i32
        %scatter3A_466 = tpu.memref_slice %scatter3A_463[%scatter3A_458, %scatter3A_464, %scatter3A_465] : memref<2x16x512xf32, #tpu.memory_space<vmem>> -> memref<1x16x512xf32, #tpu.memory_space<vmem>>
        %scatter3A_467 = tpu.memref_squeeze %scatter3A_466 : memref<1x16x512xf32, #tpu.memory_space<vmem>> -> memref<16x512xf32, #tpu.memory_space<vmem>>
        tpu.vector_store_idx %scatter3A_467[%iota3A, %and3A_333], %mul3A_457 : memref<16x512xf32, #tpu.memory_space<vmem>>[vector<16xi32>, vector<16xi32>], vector<16xf32>,
      }
      %while3A_324 = arith.constant 1 : i32
      scf.for %while3A_329 = %while3A_322 to %while3A_318 step %while3A_324  : i32 {
        %broadcast_in_dim3A_330 = vector.broadcast %while3A_329 : i32 to vector<16xi32>
        %gather3A = tpu.vector_load_idx %arg13[%broadcast_in_dim3A_330] : memref<576xi32, #tpu.memory_space<vmem>>[vector<16xi32>], vector<16xi32>,
        %gather3A_331 = tpu.vector_load_idx %arg11[%gather3A] : memref<576xi32, #tpu.memory_space<vmem>>[vector<16xi32>], vector<16xi32>,
        %and3A = arith.constant 511 : i32
        %and3A_332 = vector.broadcast %and3A : i32 to vector<16xi32>
        %and3A_333 = arith.andi %gather3A_331, %and3A_332 : vector<16xi32>
        %add3A_334 = arith.constant 0 : i32
        %add3A_335 = vector.broadcast %add3A_334 : i32 to vector<16xi32>
        %add3A_336 = arith.addi %add3A_335, %iota3A : vector<16xi32>
        %gather3A_337 = tpu.vector_load_idx %arg14[%gather3A, %add3A_336] : memref<576x128xf32, #tpu.memory_space<vmem>>[vector<16xi32>, vector<16xi32>], vector<16xf32>,
        %gather3A_338 = arith.constant 0 : i32
        %gather3A_339 = arith.constant 0 : i32
        %gather3A_340 = arith.constant 0 : i32
        %gather3A_341 = arith.constant 0 : i32
        %gather3A_342 = tpu.memref_slice %arg15[%while3A_316, %gather3A_339, %gather3A_340, %gather3A_341] : memref<3x2x16x512xf32, #tpu.memory_space<vmem>> -> memref<1x2x16x512xf32, #tpu.memory_space<vmem>>
        %gather3A_343 = tpu.memref_squeeze %gather3A_342 : memref<1x2x16x512xf32, #tpu.memory_space<vmem>> -> memref<2x16x512xf32, #tpu.memory_space<vmem>>
        %gather3A_344 = arith.constant 0 : i32
        %gather3A_345 = arith.constant 0 : i32
        %gather3A_346 = tpu.memref_slice %gather3A_343[%gather3A_338, %gather3A_344, %gather3A_345] : memref<2x16x512xf32, #tpu.memory_space<vmem>> -> memref<1x16x512xf32, #tpu.memory_space<vmem>>
        %gather3A_347 = tpu.memref_squeeze %gather3A_346 : memref<1x16x512xf32, #tpu.memory_space<vmem>> -> memref<16x512xf32, #tpu.memory_space<vmem>>
        %gather3A_348 = tpu.vector_load_idx %gather3A_347[%iota3A, %and3A_333] : memref<16x512xf32, #tpu.memory_space<vmem>>[vector<16xi32>, vector<16xi32>], vector<16xf32>,
        %mul3A_349 = arith.mulf %get3A_1, %gather3A_348 : vector<16xf32>
        %add3A_350 = arith.addf %mul3A_349, %gather3A_337 : vector<16xf32>
        %mul3A_351 = arith.mulf %add3A_350, %add3A_350 : vector<16xf32>
        %reduce_sum3A = arith.constant true
        %reduce_sum3A_352 = vector.broadcast %reduce_sum3A : i1 to vector<16xi1>
        %reduce_sum3A_353 = tpu.scan <sum>, %mul3A_351 masked %reduce_sum3A_352 : vector<16xf32>, vector<16xi1> -> vector<16xf32>
        %reduce_sum3A_354 = vector.extract %reduce_sum3A_353[15] : f32 from vector<16xf32>
        %broadcast_in_dim3A_355 = vector.broadcast %reduce_sum3A_354 : f32 to vector<16xf32>
        %max3A = arith.maximumf %broadcast_in_dim3A_355, %broadcast_in_dim3A_2 : vector<16xf32>
        %bitcast3A = vector.bitcast %max3A : vector<16xf32> to vector<16xi32>
        %shift_right_arithmetic3A = arith.constant 1 : i32
        %shift_right_arithmetic3A_356 = vector.broadcast %shift_right_arithmetic3A : i32 to vector<16xi32>
        %shift_right_arithmetic3A_357 = arith.shrsi %bitcast3A, %shift_right_arithmetic3A_356 : vector<16xi32>
        %sub3A = arith.constant 1597463007 : i32
        %sub3A_358 = vector.broadcast %sub3A : i32 to vector<16xi32>
        %sub3A_359 = arith.subi %sub3A_358, %shift_right_arithmetic3A_357 : vector<16xi32>
        %bitcast3A_360 = vector.bitcast %sub3A_359 : vector<16xi32> to vector<16xf32>
        %mul3A_361 = arith.constant 5.000000e-01 : f32
        %mul3A_362 = vector.broadcast %mul3A_361 : f32 to vector<16xf32>
        %mul3A_363 = arith.mulf %mul3A_362, %max3A : vector<16xf32>
        %mul3A_364 = arith.mulf %mul3A_363, %bitcast3A_360 : vector<16xf32>
        %mul3A_365 = arith.mulf %mul3A_364, %bitcast3A_360 : vector<16xf32>
        %sub3A_366 = arith.constant 1.500000e+00 : f32
        %sub3A_367 = vector.broadcast %sub3A_366 : f32 to vector<16xf32>
        %sub3A_368 = arith.subf %sub3A_367, %mul3A_365 : vector<16xf32>
        %mul3A_369 = arith.mulf %bitcast3A_360, %sub3A_368 : vector<16xf32>
        %mul3A_370 = arith.constant 5.000000e-01 : f32
        %mul3A_371 = vector.broadcast %mul3A_370 : f32 to vector<16xf32>
        %mul3A_372 = arith.mulf %mul3A_371, %max3A : vector<16xf32>
        %mul3A_373 = arith.mulf %mul3A_372, %mul3A_369 : vector<16xf32>
        %mul3A_374 = arith.mulf %mul3A_373, %mul3A_369 : vector<16xf32>
        %sub3A_375 = arith.constant 1.500000e+00 : f32
        %sub3A_376 = vector.broadcast %sub3A_375 : f32 to vector<16xf32>
        %sub3A_377 = arith.subf %sub3A_376, %mul3A_374 : vector<16xf32>
        %mul3A_378 = arith.mulf %mul3A_369, %sub3A_377 : vector<16xf32>
        %mul3A_379 = arith.constant 5.000000e-01 : f32
        %mul3A_380 = vector.broadcast %mul3A_379 : f32 to vector<16xf32>
        %mul3A_381 = arith.mulf %mul3A_380, %max3A : vector<16xf32>
        %mul3A_382 = arith.mulf %mul3A_381, %mul3A_378 : vector<16xf32>
        %mul3A_383 = arith.mulf %mul3A_382, %mul3A_378 : vector<16xf32>
        %sub3A_384 = arith.constant 1.500000e+00 : f32
        %sub3A_385 = vector.broadcast %sub3A_384 : f32 to vector<16xf32>
        %sub3A_386 = arith.subf %sub3A_385, %mul3A_383 : vector<16xf32>
        %mul3A_387 = arith.mulf %mul3A_378, %sub3A_386 : vector<16xf32>
        %mul3A_388 = arith.mulf %add3A_350, %mul3A_387 : vector<16xf32>
        %scatter3A = arith.constant 0 : i32
        %scatter3A_389 = arith.constant 0 : i32
        %scatter3A_390 = arith.constant 0 : i32
        %scatter3A_391 = arith.constant 0 : i32
        %scatter3A_392 = tpu.memref_slice %arg15[%while3A_316, %scatter3A_389, %scatter3A_390, %scatter3A_391] : memref<3x2x16x512xf32, #tpu.memory_space<vmem>> -> memref<1x2x16x512xf32, #tpu.memory_space<vmem>>
        %scatter3A_393 = tpu.memref_squeeze %scatter3A_392 : memref<1x2x16x512xf32, #tpu.memory_space<vmem>> -> memref<2x16x512xf32, #tpu.memory_space<vmem>>
        %scatter3A_394 = arith.constant 0 : i32
        %scatter3A_395 = arith.constant 0 : i32
        %scatter3A_396 = tpu.memref_slice %scatter3A_393[%scatter3A, %scatter3A_394, %scatter3A_395] : memref<2x16x512xf32, #tpu.memory_space<vmem>> -> memref<1x16x512xf32, #tpu.memory_space<vmem>>
        %scatter3A_397 = tpu.memref_squeeze %scatter3A_396 : memref<1x16x512xf32, #tpu.memory_space<vmem>> -> memref<16x512xf32, #tpu.memory_space<vmem>>
        tpu.vector_store_idx %scatter3A_397[%iota3A, %and3A_333], %mul3A_388 : memref<16x512xf32, #tpu.memory_space<vmem>>[vector<16xi32>, vector<16xi32>], vector<16xf32>,
        %add3A_398 = arith.constant 16 : i32
        %add3A_399 = vector.broadcast %add3A_398 : i32 to vector<16xi32>
        %add3A_400 = arith.addi %add3A_399, %iota3A : vector<16xi32>
        %gather3A_401 = tpu.vector_load_idx %arg14[%gather3A, %add3A_400] : memref<576x128xf32, #tpu.memory_space<vmem>>[vector<16xi32>, vector<16xi32>], vector<16xf32>,
        %gather3A_402 = arith.constant 1 : i32
        %gather3A_403 = arith.constant 0 : i32
        %gather3A_404 = arith.constant 0 : i32
        %gather3A_405 = arith.constant 0 : i32
        %gather3A_406 = tpu.memref_slice %arg15[%while3A_316, %gather3A_403, %gather3A_404, %gather3A_405] : memref<3x2x16x512xf32, #tpu.memory_space<vmem>> -> memref<1x2x16x512xf32, #tpu.memory_space<vmem>>
        %gather3A_407 = tpu.memref_squeeze %gather3A_406 : memref<1x2x16x512xf32, #tpu.memory_space<vmem>> -> memref<2x16x512xf32, #tpu.memory_space<vmem>>
        %gather3A_408 = arith.constant 0 : i32
        %gather3A_409 = arith.constant 0 : i32
        %gather3A_410 = tpu.memref_slice %gather3A_407[%gather3A_402, %gather3A_408, %gather3A_409] : memref<2x16x512xf32, #tpu.memory_space<vmem>> -> memref<1x16x512xf32, #tpu.memory_space<vmem>>
        %gather3A_411 = tpu.memref_squeeze %gather3A_410 : memref<1x16x512xf32, #tpu.memory_space<vmem>> -> memref<16x512xf32, #tpu.memory_space<vmem>>
        %gather3A_412 = tpu.vector_load_idx %gather3A_411[%iota3A, %and3A_333] : memref<16x512xf32, #tpu.memory_space<vmem>>[vector<16xi32>, vector<16xi32>], vector<16xf32>,
        %mul3A_413 = arith.mulf %get3A_1, %gather3A_412 : vector<16xf32>
        %add3A_414 = arith.addf %mul3A_413, %gather3A_401 : vector<16xf32>
        %mul3A_415 = arith.mulf %add3A_414, %add3A_414 : vector<16xf32>
        %reduce_sum3A_416 = arith.constant true
        %reduce_sum3A_417 = vector.broadcast %reduce_sum3A_416 : i1 to vector<16xi1>
        %reduce_sum3A_418 = tpu.scan <sum>, %mul3A_415 masked %reduce_sum3A_417 : vector<16xf32>, vector<16xi1> -> vector<16xf32>
        %reduce_sum3A_419 = vector.extract %reduce_sum3A_418[15] : f32 from vector<16xf32>
        %broadcast_in_dim3A_420 = vector.broadcast %reduce_sum3A_419 : f32 to vector<16xf32>
        %max3A_421 = arith.maximumf %broadcast_in_dim3A_420, %broadcast_in_dim3A_2 : vector<16xf32>
        %bitcast3A_422 = vector.bitcast %max3A_421 : vector<16xf32> to vector<16xi32>
        %shift_right_arithmetic3A_423 = arith.constant 1 : i32
        %shift_right_arithmetic3A_424 = vector.broadcast %shift_right_arithmetic3A_423 : i32 to vector<16xi32>
        %shift_right_arithmetic3A_425 = arith.shrsi %bitcast3A_422, %shift_right_arithmetic3A_424 : vector<16xi32>
        %sub3A_426 = arith.constant 1597463007 : i32
        %sub3A_427 = vector.broadcast %sub3A_426 : i32 to vector<16xi32>
        %sub3A_428 = arith.subi %sub3A_427, %shift_right_arithmetic3A_425 : vector<16xi32>
        %bitcast3A_429 = vector.bitcast %sub3A_428 : vector<16xi32> to vector<16xf32>
        %mul3A_430 = arith.constant 5.000000e-01 : f32
        %mul3A_431 = vector.broadcast %mul3A_430 : f32 to vector<16xf32>
        %mul3A_432 = arith.mulf %mul3A_431, %max3A_421 : vector<16xf32>
        %mul3A_433 = arith.mulf %mul3A_432, %bitcast3A_429 : vector<16xf32>
        %mul3A_434 = arith.mulf %mul3A_433, %bitcast3A_429 : vector<16xf32>
        %sub3A_435 = arith.constant 1.500000e+00 : f32
        %sub3A_436 = vector.broadcast %sub3A_435 : f32 to vector<16xf32>
        %sub3A_437 = arith.subf %sub3A_436, %mul3A_434 : vector<16xf32>
        %mul3A_438 = arith.mulf %bitcast3A_429, %sub3A_437 : vector<16xf32>
        %mul3A_439 = arith.constant 5.000000e-01 : f32
        %mul3A_440 = vector.broadcast %mul3A_439 : f32 to vector<16xf32>
        %mul3A_441 = arith.mulf %mul3A_440, %max3A_421 : vector<16xf32>
        %mul3A_442 = arith.mulf %mul3A_441, %mul3A_438 : vector<16xf32>
        %mul3A_443 = arith.mulf %mul3A_442, %mul3A_438 : vector<16xf32>
        %sub3A_444 = arith.constant 1.500000e+00 : f32
        %sub3A_445 = vector.broadcast %sub3A_444 : f32 to vector<16xf32>
        %sub3A_446 = arith.subf %sub3A_445, %mul3A_443 : vector<16xf32>
        %mul3A_447 = arith.mulf %mul3A_438, %sub3A_446 : vector<16xf32>
        %mul3A_448 = arith.constant 5.000000e-01 : f32
        %mul3A_449 = vector.broadcast %mul3A_448 : f32 to vector<16xf32>
        %mul3A_450 = arith.mulf %mul3A_449, %max3A_421 : vector<16xf32>
        %mul3A_451 = arith.mulf %mul3A_450, %mul3A_447 : vector<16xf32>
        %mul3A_452 = arith.mulf %mul3A_451, %mul3A_447 : vector<16xf32>
        %sub3A_453 = arith.constant 1.500000e+00 : f32
        %sub3A_454 = vector.broadcast %sub3A_453 : f32 to vector<16xf32>
        %sub3A_455 = arith.subf %sub3A_454, %mul3A_452 : vector<16xf32>
        %mul3A_456 = arith.mulf %mul3A_447, %sub3A_455 : vector<16xf32>
        %mul3A_457 = arith.mulf %add3A_414, %mul3A_456 : vector<16xf32>
        %scatter3A_458 = arith.constant 1 : i32
        %scatter3A_459 = arith.constant 0 : i32
        %scatter3A_460 = arith.constant 0 : i32
        %scatter3A_461 = arith.constant 0 : i32
        %scatter3A_462 = tpu.memref_slice %arg15[%while3A_316, %scatter3A_459, %scatter3A_460, %scatter3A_461] : memref<3x2x16x512xf32, #tpu.memory_space<vmem>> -> memref<1x2x16x512xf32, #tpu.memory_space<vmem>>
        %scatter3A_463 = tpu.memref_squeeze %scatter3A_462 : memref<1x2x16x512xf32, #tpu.memory_space<vmem>> -> memref<2x16x512xf32, #tpu.memory_space<vmem>>
        %scatter3A_464 = arith.constant 0 : i32
        %scatter3A_465 = arith.constant 0 : i32
        %scatter3A_466 = tpu.memref_slice %scatter3A_463[%scatter3A_458, %scatter3A_464, %scatter3A_465] : memref<2x16x512xf32, #tpu.memory_space<vmem>> -> memref<1x16x512xf32, #tpu.memory_space<vmem>>
        %scatter3A_467 = tpu.memref_squeeze %scatter3A_466 : memref<1x16x512xf32, #tpu.memory_space<vmem>> -> memref<16x512xf32, #tpu.memory_space<vmem>>
        tpu.vector_store_idx %scatter3A_467[%iota3A, %and3A_333], %mul3A_457 : memref<16x512xf32, #tpu.memory_space<vmem>>[vector<16xi32>, vector<16xi32>], vector<16xf32>,
      }
      %run_scoped3A_325 = arith.constant 0 : i32
      %run_scoped3A_326 = arith.constant 0 : i32
      "tpu.region"() ({
        %run_scoped3A_329 = tpu.sem_alloc : memref<!tpu.dma_semaphore, #tpu.memory_space<semaphore_mem>>
        %dma_start3A_330 = arith.constant 0 : i32
        %dma_start3A_331 = arith.constant 0 : i32
        %dma_start3A_332 = tpu.memref_slice %arg15[%run_scoped3A_325, %run_scoped3A_326, %dma_start3A_330, %dma_start3A_331] : memref<3x2x16x512xf32, #tpu.memory_space<vmem>> -> memref<1x1x16x512xf32, #tpu.memory_space<vmem>>
        %dma_start3A_333 = tpu.memref_squeeze %dma_start3A_332 : memref<1x1x16x512xf32, #tpu.memory_space<vmem>> -> memref<16x512xf32, #tpu.memory_space<vmem>>
        %dma_start3A_334 = arith.constant 0 : i32
        %dma_start3A_335 = tpu.memref_slice %arg7[%dma_start3A_334, %multiple_of3A_310] : memref<16x1000000xf32, #tpu.memory_space<hbm>> -> memref<16x512xf32, #tpu.memory_space<hbm>>
        %dma_start3A_336 = arith.constant 0 : i32
        %dma_start3A_337 = tpu.memref_slice %arg7[%dma_start3A_336, %multiple_of3A_310] : memref<16x1000000xf32, #tpu.memory_space<hbm>> -> memref<16x512xf32, #tpu.memory_space<hbm>>
        %dma_start3A_338 = arith.constant 0 : i32
        %dma_start3A_339 = arith.constant 0 : i32
        %dma_start3A_340 = tpu.memref_slice %arg15[%run_scoped3A_325, %run_scoped3A_326, %dma_start3A_338, %dma_start3A_339] : memref<3x2x16x512xf32, #tpu.memory_space<vmem>> -> memref<1x1x16x512xf32, #tpu.memory_space<vmem>>
        %dma_start3A_341 = tpu.memref_squeeze %dma_start3A_340 : memref<1x1x16x512xf32, #tpu.memory_space<vmem>> -> memref<16x512xf32, #tpu.memory_space<vmem>>
        tpu.enqueue_dma source(%dma_start3A_341 : memref<16x512xf32, #tpu.memory_space<vmem>>) target(%dma_start3A_337 : memref<16x512xf32, #tpu.memory_space<hbm>>) target_semaphore(%run_scoped3A_329 : memref<!tpu.dma_semaphore, #tpu.memory_space<semaphore_mem>>)
        %dma_wait3A_342 = arith.constant 0 : i32
        %dma_wait3A_343 = arith.constant 0 : i32
        %dma_wait3A_344 = tpu.memref_slice %arg15[%run_scoped3A_325, %run_scoped3A_326, %dma_wait3A_342, %dma_wait3A_343] : memref<3x2x16x512xf32, #tpu.memory_space<vmem>> -> memref<1x1x16x512xf32, #tpu.memory_space<vmem>>
        %dma_wait3A_345 = tpu.memref_squeeze %dma_wait3A_344 : memref<1x1x16x512xf32, #tpu.memory_space<vmem>> -> memref<16x512xf32, #tpu.memory_space<vmem>>
        %dma_wait3A_346 = arith.constant 0 : i32
        %dma_wait3A_347 = tpu.memref_slice %arg7[%dma_wait3A_346, %multiple_of3A_310] : memref<16x1000000xf32, #tpu.memory_space<hbm>> -> memref<16x512xf32, #tpu.memory_space<hbm>>
        %dma_wait3A_348 = arith.constant 0 : i32
        %dma_wait3A_349 = tpu.memref_slice %arg7[%dma_wait3A_348, %multiple_of3A_310] : memref<16x1000000xf32, #tpu.memory_space<hbm>> -> memref<16x512xf32, #tpu.memory_space<hbm>>
        %dma_wait3A_350 = arith.constant 0 : i32
        %dma_wait3A_351 = arith.constant 0 : i32
        %dma_wait3A_352 = tpu.memref_slice %arg15[%run_scoped3A_325, %run_scoped3A_326, %dma_wait3A_350, %dma_wait3A_351] : memref<3x2x16x512xf32, #tpu.memory_space<vmem>> -> memref<1x1x16x512xf32, #tpu.memory_space<vmem>>
        %dma_wait3A_353 = tpu.memref_squeeze %dma_wait3A_352 : memref<1x1x16x512xf32, #tpu.memory_space<vmem>> -> memref<16x512xf32, #tpu.memory_space<vmem>>
        tpu.wait_dma2 semaphore(%run_scoped3A_329 : memref<!tpu.dma_semaphore, #tpu.memory_space<semaphore_mem>>) src(%dma_wait3A_353 : memref<16x512xf32, #tpu.memory_space<vmem>>) dst(%dma_wait3A_349 : memref<16x512xf32, #tpu.memory_space<hbm>>)
        tpu.yield
      }) : () -> ()
      %run_scoped3A_327 = arith.constant 0 : i32
      %run_scoped3A_328 = arith.constant 1 : i32
      "tpu.region"() ({
        %run_scoped3A_329 = tpu.sem_alloc : memref<!tpu.dma_semaphore, #tpu.memory_space<semaphore_mem>>
        %dma_start3A_330 = arith.constant 0 : i32
        %dma_start3A_331 = arith.constant 0 : i32
        %dma_start3A_332 = tpu.memref_slice %arg15[%run_scoped3A_327, %run_scoped3A_328, %dma_start3A_330, %dma_start3A_331] : memref<3x2x16x512xf32, #tpu.memory_space<vmem>> -> memref<1x1x16x512xf32, #tpu.memory_space<vmem>>
        %dma_start3A_333 = tpu.memref_squeeze %dma_start3A_332 : memref<1x1x16x512xf32, #tpu.memory_space<vmem>> -> memref<16x512xf32, #tpu.memory_space<vmem>>
        %dma_start3A_334 = arith.constant 0 : i32
        %dma_start3A_335 = tpu.memref_slice %arg8[%dma_start3A_334, %multiple_of3A_310] : memref<16x1000000xf32, #tpu.memory_space<hbm>> -> memref<16x512xf32, #tpu.memory_space<hbm>>
        %dma_start3A_336 = arith.constant 0 : i32
        %dma_start3A_337 = tpu.memref_slice %arg8[%dma_start3A_336, %multiple_of3A_310] : memref<16x1000000xf32, #tpu.memory_space<hbm>> -> memref<16x512xf32, #tpu.memory_space<hbm>>
        %dma_start3A_338 = arith.constant 0 : i32
        %dma_start3A_339 = arith.constant 0 : i32
        %dma_start3A_340 = tpu.memref_slice %arg15[%run_scoped3A_327, %run_scoped3A_328, %dma_start3A_338, %dma_start3A_339] : memref<3x2x16x512xf32, #tpu.memory_space<vmem>> -> memref<1x1x16x512xf32, #tpu.memory_space<vmem>>
        %dma_start3A_341 = tpu.memref_squeeze %dma_start3A_340 : memref<1x1x16x512xf32, #tpu.memory_space<vmem>> -> memref<16x512xf32, #tpu.memory_space<vmem>>
        tpu.enqueue_dma source(%dma_start3A_341 : memref<16x512xf32, #tpu.memory_space<vmem>>) target(%dma_start3A_337 : memref<16x512xf32, #tpu.memory_space<hbm>>) target_semaphore(%run_scoped3A_329 : memref<!tpu.dma_semaphore, #tpu.memory_space<semaphore_mem>>)
        %dma_wait3A_342 = arith.constant 0 : i32
        %dma_wait3A_343 = arith.constant 0 : i32
        %dma_wait3A_344 = tpu.memref_slice %arg15[%run_scoped3A_327, %run_scoped3A_328, %dma_wait3A_342, %dma_wait3A_343] : memref<3x2x16x512xf32, #tpu.memory_space<vmem>> -> memref<1x1x16x512xf32, #tpu.memory_space<vmem>>
        %dma_wait3A_345 = tpu.memref_squeeze %dma_wait3A_344 : memref<1x1x16x512xf32, #tpu.memory_space<vmem>> -> memref<16x512xf32, #tpu.memory_space<vmem>>
        %dma_wait3A_346 = arith.constant 0 : i32
        %dma_wait3A_347 = tpu.memref_slice %arg8[%dma_wait3A_346, %multiple_of3A_310] : memref<16x1000000xf32, #tpu.memory_space<hbm>> -> memref<16x512xf32, #tpu.memory_space<hbm>>
        %dma_wait3A_348 = arith.constant 0 : i32
        %dma_wait3A_349 = tpu.memref_slice %arg8[%dma_wait3A_348, %multiple_of3A_310] : memref<16x1000000xf32, #tpu.memory_space<hbm>> -> memref<16x512xf32, #tpu.memory_space<hbm>>
        %dma_wait3A_350 = arith.constant 0 : i32
        %dma_wait3A_351 = arith.constant 0 : i32
        %dma_wait3A_352 = tpu.memref_slice %arg15[%run_scoped3A_327, %run_scoped3A_328, %dma_wait3A_350, %dma_wait3A_351] : memref<3x2x16x512xf32, #tpu.memory_space<vmem>> -> memref<1x1x16x512xf32, #tpu.memory_space<vmem>>
        %dma_wait3A_353 = tpu.memref_squeeze %dma_wait3A_352 : memref<1x1x16x512xf32, #tpu.memory_space<vmem>> -> memref<16x512xf32, #tpu.memory_space<vmem>>
        tpu.wait_dma2 semaphore(%run_scoped3A_329 : memref<!tpu.dma_semaphore, #tpu.memory_space<semaphore_mem>>) src(%dma_wait3A_353 : memref<16x512xf32, #tpu.memory_space<vmem>>) dst(%dma_wait3A_349 : memref<16x512xf32, #tpu.memory_space<hbm>>)
        tpu.yield
      }) : () -> ()
    } else {
    }
    %eq3A_297 = arith.constant 1 : i32
    %eq3A_298 = arith.cmpi eq, %add3A, %eq3A_297 : i32
    %convert_element_type3A_299 = arith.extui %eq3A_298 : i1 to i32
    %cond3A_300 = arith.constant 0 : i32
    %cond3A_301 = arith.cmpi ne, %convert_element_type3A_299, %cond3A_300 : i32
    scf.if %cond3A_301 {
      %run_scoped3A_302 = arith.constant 0 : i32
      "tpu.region"() ({
        %run_scoped3A_319 = tpu.sem_alloc : memref<!tpu.dma_semaphore, #tpu.memory_space<semaphore_mem>>
        %dma_start3A_320 = arith.constant 0 : i32
        %dma_start3A_321 = arith.constant 0 : i32
        %dma_start3A_322 = tpu.memref_slice %arg16[%run_scoped3A_302, %dma_start3A_320, %dma_start3A_321] : memref<2x16x64xf32, #tpu.memory_space<vmem>> -> memref<1x16x64xf32, #tpu.memory_space<vmem>>
        %dma_start3A_323 = tpu.memref_squeeze %dma_start3A_322 : memref<1x16x64xf32, #tpu.memory_space<vmem>> -> memref<16x64xf32, #tpu.memory_space<vmem>>
        %dma_start3A_324 = arith.constant 0 : i32
        %dma_start3A_325 = arith.constant 999936 : i32
        %dma_start3A_326 = tpu.memref_slice %arg3[%dma_start3A_324, %dma_start3A_325] : memref<16x1000000xf32, #tpu.memory_space<hbm>> -> memref<16x64xf32, #tpu.memory_space<hbm>>
        %dma_start3A_327 = arith.constant 0 : i32
        %dma_start3A_328 = arith.constant 0 : i32
        %dma_start3A_329 = tpu.memref_slice %arg16[%run_scoped3A_302, %dma_start3A_327, %dma_start3A_328] : memref<2x16x64xf32, #tpu.memory_space<vmem>> -> memref<1x16x64xf32, #tpu.memory_space<vmem>>
        %dma_start3A_330 = tpu.memref_squeeze %dma_start3A_329 : memref<1x16x64xf32, #tpu.memory_space<vmem>> -> memref<16x64xf32, #tpu.memory_space<vmem>>
        %dma_start3A_331 = arith.constant 0 : i32
        %dma_start3A_332 = arith.constant 999936 : i32
        %dma_start3A_333 = tpu.memref_slice %arg3[%dma_start3A_331, %dma_start3A_332] : memref<16x1000000xf32, #tpu.memory_space<hbm>> -> memref<16x64xf32, #tpu.memory_space<hbm>>
        tpu.enqueue_dma source(%dma_start3A_333 : memref<16x64xf32, #tpu.memory_space<hbm>>) target(%dma_start3A_330 : memref<16x64xf32, #tpu.memory_space<vmem>>) target_semaphore(%run_scoped3A_319 : memref<!tpu.dma_semaphore, #tpu.memory_space<semaphore_mem>>)
        %dma_wait3A_334 = arith.constant 0 : i32
        %dma_wait3A_335 = arith.constant 0 : i32
        %dma_wait3A_336 = tpu.memref_slice %arg16[%run_scoped3A_302, %dma_wait3A_334, %dma_wait3A_335] : memref<2x16x64xf32, #tpu.memory_space<vmem>> -> memref<1x16x64xf32, #tpu.memory_space<vmem>>
        %dma_wait3A_337 = tpu.memref_squeeze %dma_wait3A_336 : memref<1x16x64xf32, #tpu.memory_space<vmem>> -> memref<16x64xf32, #tpu.memory_space<vmem>>
        %dma_wait3A_338 = arith.constant 0 : i32
        %dma_wait3A_339 = arith.constant 999936 : i32
        %dma_wait3A_340 = tpu.memref_slice %arg3[%dma_wait3A_338, %dma_wait3A_339] : memref<16x1000000xf32, #tpu.memory_space<hbm>> -> memref<16x64xf32, #tpu.memory_space<hbm>>
        %dma_wait3A_341 = arith.constant 0 : i32
        %dma_wait3A_342 = arith.constant 0 : i32
        %dma_wait3A_343 = tpu.memref_slice %arg16[%run_scoped3A_302, %dma_wait3A_341, %dma_wait3A_342] : memref<2x16x64xf32, #tpu.memory_space<vmem>> -> memref<1x16x64xf32, #tpu.memory_space<vmem>>
        %dma_wait3A_344 = tpu.memref_squeeze %dma_wait3A_343 : memref<1x16x64xf32, #tpu.memory_space<vmem>> -> memref<16x64xf32, #tpu.memory_space<vmem>>
        %dma_wait3A_345 = arith.constant 0 : i32
        %dma_wait3A_346 = arith.constant 999936 : i32
        %dma_wait3A_347 = tpu.memref_slice %arg3[%dma_wait3A_345, %dma_wait3A_346] : memref<16x1000000xf32, #tpu.memory_space<hbm>> -> memref<16x64xf32, #tpu.memory_space<hbm>>
        tpu.wait_dma2 semaphore(%run_scoped3A_319 : memref<!tpu.dma_semaphore, #tpu.memory_space<semaphore_mem>>) src(%dma_wait3A_347 : memref<16x64xf32, #tpu.memory_space<hbm>>) dst(%dma_wait3A_344 : memref<16x64xf32, #tpu.memory_space<vmem>>)
        tpu.yield
      }) : () -> ()
      %run_scoped3A_303 = arith.constant 1 : i32
      "tpu.region"() ({
        %run_scoped3A_319 = tpu.sem_alloc : memref<!tpu.dma_semaphore, #tpu.memory_space<semaphore_mem>>
        %dma_start3A_320 = arith.constant 0 : i32
        %dma_start3A_321 = arith.constant 0 : i32
        %dma_start3A_322 = tpu.memref_slice %arg16[%run_scoped3A_303, %dma_start3A_320, %dma_start3A_321] : memref<2x16x64xf32, #tpu.memory_space<vmem>> -> memref<1x16x64xf32, #tpu.memory_space<vmem>>
        %dma_start3A_323 = tpu.memref_squeeze %dma_start3A_322 : memref<1x16x64xf32, #tpu.memory_space<vmem>> -> memref<16x64xf32, #tpu.memory_space<vmem>>
        %dma_start3A_324 = arith.constant 0 : i32
        %dma_start3A_325 = arith.constant 999936 : i32
        %dma_start3A_326 = tpu.memref_slice %arg4[%dma_start3A_324, %dma_start3A_325] : memref<16x1000000xf32, #tpu.memory_space<hbm>> -> memref<16x64xf32, #tpu.memory_space<hbm>>
        %dma_start3A_327 = arith.constant 0 : i32
        %dma_start3A_328 = arith.constant 0 : i32
        %dma_start3A_329 = tpu.memref_slice %arg16[%run_scoped3A_303, %dma_start3A_327, %dma_start3A_328] : memref<2x16x64xf32, #tpu.memory_space<vmem>> -> memref<1x16x64xf32, #tpu.memory_space<vmem>>
        %dma_start3A_330 = tpu.memref_squeeze %dma_start3A_329 : memref<1x16x64xf32, #tpu.memory_space<vmem>> -> memref<16x64xf32, #tpu.memory_space<vmem>>
        %dma_start3A_331 = arith.constant 0 : i32
        %dma_start3A_332 = arith.constant 999936 : i32
        %dma_start3A_333 = tpu.memref_slice %arg4[%dma_start3A_331, %dma_start3A_332] : memref<16x1000000xf32, #tpu.memory_space<hbm>> -> memref<16x64xf32, #tpu.memory_space<hbm>>
        tpu.enqueue_dma source(%dma_start3A_333 : memref<16x64xf32, #tpu.memory_space<hbm>>) target(%dma_start3A_330 : memref<16x64xf32, #tpu.memory_space<vmem>>) target_semaphore(%run_scoped3A_319 : memref<!tpu.dma_semaphore, #tpu.memory_space<semaphore_mem>>)
        %dma_wait3A_334 = arith.constant 0 : i32
        %dma_wait3A_335 = arith.constant 0 : i32
        %dma_wait3A_336 = tpu.memref_slice %arg16[%run_scoped3A_303, %dma_wait3A_334, %dma_wait3A_335] : memref<2x16x64xf32, #tpu.memory_space<vmem>> -> memref<1x16x64xf32, #tpu.memory_space<vmem>>
        %dma_wait3A_337 = tpu.memref_squeeze %dma_wait3A_336 : memref<1x16x64xf32, #tpu.memory_space<vmem>> -> memref<16x64xf32, #tpu.memory_space<vmem>>
        %dma_wait3A_338 = arith.constant 0 : i32
        %dma_wait3A_339 = arith.constant 999936 : i32
        %dma_wait3A_340 = tpu.memref_slice %arg4[%dma_wait3A_338, %dma_wait3A_339] : memref<16x1000000xf32, #tpu.memory_space<hbm>> -> memref<16x64xf32, #tpu.memory_space<hbm>>
        %dma_wait3A_341 = arith.constant 0 : i32
        %dma_wait3A_342 = arith.constant 0 : i32
        %dma_wait3A_343 = tpu.memref_slice %arg16[%run_scoped3A_303, %dma_wait3A_341, %dma_wait3A_342] : memref<2x16x64xf32, #tpu.memory_space<vmem>> -> memref<1x16x64xf32, #tpu.memory_space<vmem>>
        %dma_wait3A_344 = tpu.memref_squeeze %dma_wait3A_343 : memref<1x16x64xf32, #tpu.memory_space<vmem>> -> memref<16x64xf32, #tpu.memory_space<vmem>>
        %dma_wait3A_345 = arith.constant 0 : i32
        %dma_wait3A_346 = arith.constant 999936 : i32
        %dma_wait3A_347 = tpu.memref_slice %arg4[%dma_wait3A_345, %dma_wait3A_346] : memref<16x1000000xf32, #tpu.memory_space<hbm>> -> memref<16x64xf32, #tpu.memory_space<hbm>>
        tpu.wait_dma2 semaphore(%run_scoped3A_319 : memref<!tpu.dma_semaphore, #tpu.memory_space<semaphore_mem>>) src(%dma_wait3A_347 : memref<16x64xf32, #tpu.memory_space<hbm>>) dst(%dma_wait3A_344 : memref<16x64xf32, #tpu.memory_space<vmem>>)
        tpu.yield
      }) : () -> ()
      %slice3A_304 = vector.extract_strided_slice %get3A_271 {offsets = [13], sizes = [1], strides = [1]} : vector<16xi32> to vector<1xi32>
      %squeeze3A_305 = vector.extract %slice3A_304[0] : i32 from vector<1xi32>
      %slice3A_306 = vector.extract_strided_slice %get3A_271 {offsets = [14], sizes = [1], strides = [1]} : vector<16xi32> to vector<1xi32>
      %squeeze3A_307 = vector.extract %slice3A_306[0] : i32 from vector<1xi32>
      %while3A_308 = arith.constant 0 : i32
      %while3A_309 = arith.subi %squeeze3A_307, %squeeze3A_305 : i32
      %while3A_310 = arith.addi %squeeze3A_305, %while3A_309 : i32
      %while3A_311 = arith.constant 1 : i32
      %while3A_312 = arith.divsi %while3A_309, %while3A_311 : i32
      %while3A_313 = arith.muli %while3A_312, %while3A_311 : i32
      %while3A_314 = arith.addi %squeeze3A_305, %while3A_313 : i32
      %while3A_315 = arith.constant 1 : i32
      scf.for %while3A_319 = %squeeze3A_305 to %while3A_314 step %while3A_315  : i32 {
        %broadcast_in_dim3A_320 = vector.broadcast %while3A_319 : i32 to vector<16xi32>
        %gather3A = tpu.vector_load_idx %arg13[%broadcast_in_dim3A_320] : memref<576xi32, #tpu.memory_space<vmem>>[vector<16xi32>], vector<16xi32>,
        %gather3A_321 = tpu.vector_load_idx %arg11[%gather3A] : memref<576xi32, #tpu.memory_space<vmem>>[vector<16xi32>], vector<16xi32>,
        %and3A = arith.constant 511 : i32
        %and3A_322 = vector.broadcast %and3A : i32 to vector<16xi32>
        %and3A_323 = arith.andi %gather3A_321, %and3A_322 : vector<16xi32>
        %add3A_324 = arith.constant 0 : i32
        %add3A_325 = vector.broadcast %add3A_324 : i32 to vector<16xi32>
        %add3A_326 = arith.addi %add3A_325, %iota3A : vector<16xi32>
        %gather3A_327 = tpu.vector_load_idx %arg14[%gather3A, %add3A_326] : memref<576x128xf32, #tpu.memory_space<vmem>>[vector<16xi32>, vector<16xi32>], vector<16xf32>,
        %gather3A_328 = arith.constant 0 : i32
        %gather3A_329 = arith.constant 0 : i32
        %gather3A_330 = arith.constant 0 : i32
        %gather3A_331 = tpu.memref_slice %arg16[%gather3A_328, %gather3A_329, %gather3A_330] : memref<2x16x64xf32, #tpu.memory_space<vmem>> -> memref<1x16x64xf32, #tpu.memory_space<vmem>>
        %gather3A_332 = tpu.memref_squeeze %gather3A_331 : memref<1x16x64xf32, #tpu.memory_space<vmem>> -> memref<16x64xf32, #tpu.memory_space<vmem>>
        %gather3A_333 = tpu.vector_load_idx %gather3A_332[%iota3A, %and3A_323] : memref<16x64xf32, #tpu.memory_space<vmem>>[vector<16xi32>, vector<16xi32>], vector<16xf32>,
        %mul3A_334 = arith.mulf %get3A_1, %gather3A_333 : vector<16xf32>
        %add3A_335 = arith.addf %mul3A_334, %gather3A_327 : vector<16xf32>
        %mul3A_336 = arith.mulf %add3A_335, %add3A_335 : vector<16xf32>
        %reduce_sum3A = arith.constant true
        %reduce_sum3A_337 = vector.broadcast %reduce_sum3A : i1 to vector<16xi1>
        %reduce_sum3A_338 = tpu.scan <sum>, %mul3A_336 masked %reduce_sum3A_337 : vector<16xf32>, vector<16xi1> -> vector<16xf32>
        %reduce_sum3A_339 = vector.extract %reduce_sum3A_338[15] : f32 from vector<16xf32>
        %broadcast_in_dim3A_340 = vector.broadcast %reduce_sum3A_339 : f32 to vector<16xf32>
        %max3A = arith.maximumf %broadcast_in_dim3A_340, %broadcast_in_dim3A_2 : vector<16xf32>
        %bitcast3A = vector.bitcast %max3A : vector<16xf32> to vector<16xi32>
        %shift_right_arithmetic3A = arith.constant 1 : i32
        %shift_right_arithmetic3A_341 = vector.broadcast %shift_right_arithmetic3A : i32 to vector<16xi32>
        %shift_right_arithmetic3A_342 = arith.shrsi %bitcast3A, %shift_right_arithmetic3A_341 : vector<16xi32>
        %sub3A = arith.constant 1597463007 : i32
        %sub3A_343 = vector.broadcast %sub3A : i32 to vector<16xi32>
        %sub3A_344 = arith.subi %sub3A_343, %shift_right_arithmetic3A_342 : vector<16xi32>
        %bitcast3A_345 = vector.bitcast %sub3A_344 : vector<16xi32> to vector<16xf32>
        %mul3A_346 = arith.constant 5.000000e-01 : f32
        %mul3A_347 = vector.broadcast %mul3A_346 : f32 to vector<16xf32>
        %mul3A_348 = arith.mulf %mul3A_347, %max3A : vector<16xf32>
        %mul3A_349 = arith.mulf %mul3A_348, %bitcast3A_345 : vector<16xf32>
        %mul3A_350 = arith.mulf %mul3A_349, %bitcast3A_345 : vector<16xf32>
        %sub3A_351 = arith.constant 1.500000e+00 : f32
        %sub3A_352 = vector.broadcast %sub3A_351 : f32 to vector<16xf32>
        %sub3A_353 = arith.subf %sub3A_352, %mul3A_350 : vector<16xf32>
        %mul3A_354 = arith.mulf %bitcast3A_345, %sub3A_353 : vector<16xf32>
        %mul3A_355 = arith.constant 5.000000e-01 : f32
        %mul3A_356 = vector.broadcast %mul3A_355 : f32 to vector<16xf32>
        %mul3A_357 = arith.mulf %mul3A_356, %max3A : vector<16xf32>
        %mul3A_358 = arith.mulf %mul3A_357, %mul3A_354 : vector<16xf32>
        %mul3A_359 = arith.mulf %mul3A_358, %mul3A_354 : vector<16xf32>
        %sub3A_360 = arith.constant 1.500000e+00 : f32
        %sub3A_361 = vector.broadcast %sub3A_360 : f32 to vector<16xf32>
        %sub3A_362 = arith.subf %sub3A_361, %mul3A_359 : vector<16xf32>
        %mul3A_363 = arith.mulf %mul3A_354, %sub3A_362 : vector<16xf32>
        %mul3A_364 = arith.constant 5.000000e-01 : f32
        %mul3A_365 = vector.broadcast %mul3A_364 : f32 to vector<16xf32>
        %mul3A_366 = arith.mulf %mul3A_365, %max3A : vector<16xf32>
        %mul3A_367 = arith.mulf %mul3A_366, %mul3A_363 : vector<16xf32>
        %mul3A_368 = arith.mulf %mul3A_367, %mul3A_363 : vector<16xf32>
        %sub3A_369 = arith.constant 1.500000e+00 : f32
        %sub3A_370 = vector.broadcast %sub3A_369 : f32 to vector<16xf32>
        %sub3A_371 = arith.subf %sub3A_370, %mul3A_368 : vector<16xf32>
        %mul3A_372 = arith.mulf %mul3A_363, %sub3A_371 : vector<16xf32>
        %mul3A_373 = arith.mulf %add3A_335, %mul3A_372 : vector<16xf32>
        %scatter3A = arith.constant 0 : i32
        %scatter3A_374 = arith.constant 0 : i32
        %scatter3A_375 = arith.constant 0 : i32
        %scatter3A_376 = tpu.memref_slice %arg16[%scatter3A, %scatter3A_374, %scatter3A_375] : memref<2x16x64xf32, #tpu.memory_space<vmem>> -> memref<1x16x64xf32, #tpu.memory_space<vmem>>
        %scatter3A_377 = tpu.memref_squeeze %scatter3A_376 : memref<1x16x64xf32, #tpu.memory_space<vmem>> -> memref<16x64xf32, #tpu.memory_space<vmem>>
        tpu.vector_store_idx %scatter3A_377[%iota3A, %and3A_323], %mul3A_373 : memref<16x64xf32, #tpu.memory_space<vmem>>[vector<16xi32>, vector<16xi32>], vector<16xf32>,
        %add3A_378 = arith.constant 16 : i32
        %add3A_379 = vector.broadcast %add3A_378 : i32 to vector<16xi32>
        %add3A_380 = arith.addi %add3A_379, %iota3A : vector<16xi32>
        %gather3A_381 = tpu.vector_load_idx %arg14[%gather3A, %add3A_380] : memref<576x128xf32, #tpu.memory_space<vmem>>[vector<16xi32>, vector<16xi32>], vector<16xf32>,
        %gather3A_382 = arith.constant 1 : i32
        %gather3A_383 = arith.constant 0 : i32
        %gather3A_384 = arith.constant 0 : i32
        %gather3A_385 = tpu.memref_slice %arg16[%gather3A_382, %gather3A_383, %gather3A_384] : memref<2x16x64xf32, #tpu.memory_space<vmem>> -> memref<1x16x64xf32, #tpu.memory_space<vmem>>
        %gather3A_386 = tpu.memref_squeeze %gather3A_385 : memref<1x16x64xf32, #tpu.memory_space<vmem>> -> memref<16x64xf32, #tpu.memory_space<vmem>>
        %gather3A_387 = tpu.vector_load_idx %gather3A_386[%iota3A, %and3A_323] : memref<16x64xf32, #tpu.memory_space<vmem>>[vector<16xi32>, vector<16xi32>], vector<16xf32>,
        %mul3A_388 = arith.mulf %get3A_1, %gather3A_387 : vector<16xf32>
        %add3A_389 = arith.addf %mul3A_388, %gather3A_381 : vector<16xf32>
        %mul3A_390 = arith.mulf %add3A_389, %add3A_389 : vector<16xf32>
        %reduce_sum3A_391 = arith.constant true
        %reduce_sum3A_392 = vector.broadcast %reduce_sum3A_391 : i1 to vector<16xi1>
        %reduce_sum3A_393 = tpu.scan <sum>, %mul3A_390 masked %reduce_sum3A_392 : vector<16xf32>, vector<16xi1> -> vector<16xf32>
        %reduce_sum3A_394 = vector.extract %reduce_sum3A_393[15] : f32 from vector<16xf32>
        %broadcast_in_dim3A_395 = vector.broadcast %reduce_sum3A_394 : f32 to vector<16xf32>
        %max3A_396 = arith.maximumf %broadcast_in_dim3A_395, %broadcast_in_dim3A_2 : vector<16xf32>
        %bitcast3A_397 = vector.bitcast %max3A_396 : vector<16xf32> to vector<16xi32>
        %shift_right_arithmetic3A_398 = arith.constant 1 : i32
        %shift_right_arithmetic3A_399 = vector.broadcast %shift_right_arithmetic3A_398 : i32 to vector<16xi32>
        %shift_right_arithmetic3A_400 = arith.shrsi %bitcast3A_397, %shift_right_arithmetic3A_399 : vector<16xi32>
        %sub3A_401 = arith.constant 1597463007 : i32
        %sub3A_402 = vector.broadcast %sub3A_401 : i32 to vector<16xi32>
        %sub3A_403 = arith.subi %sub3A_402, %shift_right_arithmetic3A_400 : vector<16xi32>
        %bitcast3A_404 = vector.bitcast %sub3A_403 : vector<16xi32> to vector<16xf32>
        %mul3A_405 = arith.constant 5.000000e-01 : f32
        %mul3A_406 = vector.broadcast %mul3A_405 : f32 to vector<16xf32>
        %mul3A_407 = arith.mulf %mul3A_406, %max3A_396 : vector<16xf32>
        %mul3A_408 = arith.mulf %mul3A_407, %bitcast3A_404 : vector<16xf32>
        %mul3A_409 = arith.mulf %mul3A_408, %bitcast3A_404 : vector<16xf32>
        %sub3A_410 = arith.constant 1.500000e+00 : f32
        %sub3A_411 = vector.broadcast %sub3A_410 : f32 to vector<16xf32>
        %sub3A_412 = arith.subf %sub3A_411, %mul3A_409 : vector<16xf32>
        %mul3A_413 = arith.mulf %bitcast3A_404, %sub3A_412 : vector<16xf32>
        %mul3A_414 = arith.constant 5.000000e-01 : f32
        %mul3A_415 = vector.broadcast %mul3A_414 : f32 to vector<16xf32>
        %mul3A_416 = arith.mulf %mul3A_415, %max3A_396 : vector<16xf32>
        %mul3A_417 = arith.mulf %mul3A_416, %mul3A_413 : vector<16xf32>
        %mul3A_418 = arith.mulf %mul3A_417, %mul3A_413 : vector<16xf32>
        %sub3A_419 = arith.constant 1.500000e+00 : f32
        %sub3A_420 = vector.broadcast %sub3A_419 : f32 to vector<16xf32>
        %sub3A_421 = arith.subf %sub3A_420, %mul3A_418 : vector<16xf32>
        %mul3A_422 = arith.mulf %mul3A_413, %sub3A_421 : vector<16xf32>
        %mul3A_423 = arith.constant 5.000000e-01 : f32
        %mul3A_424 = vector.broadcast %mul3A_423 : f32 to vector<16xf32>
        %mul3A_425 = arith.mulf %mul3A_424, %max3A_396 : vector<16xf32>
        %mul3A_426 = arith.mulf %mul3A_425, %mul3A_422 : vector<16xf32>
        %mul3A_427 = arith.mulf %mul3A_426, %mul3A_422 : vector<16xf32>
        %sub3A_428 = arith.constant 1.500000e+00 : f32
        %sub3A_429 = vector.broadcast %sub3A_428 : f32 to vector<16xf32>
        %sub3A_430 = arith.subf %sub3A_429, %mul3A_427 : vector<16xf32>
        %mul3A_431 = arith.mulf %mul3A_422, %sub3A_430 : vector<16xf32>
        %mul3A_432 = arith.mulf %add3A_389, %mul3A_431 : vector<16xf32>
        %scatter3A_433 = arith.constant 1 : i32
        %scatter3A_434 = arith.constant 0 : i32
        %scatter3A_435 = arith.constant 0 : i32
        %scatter3A_436 = tpu.memref_slice %arg16[%scatter3A_433, %scatter3A_434, %scatter3A_435] : memref<2x16x64xf32, #tpu.memory_space<vmem>> -> memref<1x16x64xf32, #tpu.memory_space<vmem>>
        %scatter3A_437 = tpu.memref_squeeze %scatter3A_436 : memref<1x16x64xf32, #tpu.memory_space<vmem>> -> memref<16x64xf32, #tpu.memory_space<vmem>>
        tpu.vector_store_idx %scatter3A_437[%iota3A, %and3A_323], %mul3A_432 : memref<16x64xf32, #tpu.memory_space<vmem>>[vector<16xi32>, vector<16xi32>], vector<16xf32>,
      }
      %while3A_316 = arith.constant 1 : i32
      scf.for %while3A_319 = %while3A_314 to %while3A_310 step %while3A_316  : i32 {
        %broadcast_in_dim3A_320 = vector.broadcast %while3A_319 : i32 to vector<16xi32>
        %gather3A = tpu.vector_load_idx %arg13[%broadcast_in_dim3A_320] : memref<576xi32, #tpu.memory_space<vmem>>[vector<16xi32>], vector<16xi32>,
        %gather3A_321 = tpu.vector_load_idx %arg11[%gather3A] : memref<576xi32, #tpu.memory_space<vmem>>[vector<16xi32>], vector<16xi32>,
        %and3A = arith.constant 511 : i32
        %and3A_322 = vector.broadcast %and3A : i32 to vector<16xi32>
        %and3A_323 = arith.andi %gather3A_321, %and3A_322 : vector<16xi32>
        %add3A_324 = arith.constant 0 : i32
        %add3A_325 = vector.broadcast %add3A_324 : i32 to vector<16xi32>
        %add3A_326 = arith.addi %add3A_325, %iota3A : vector<16xi32>
        %gather3A_327 = tpu.vector_load_idx %arg14[%gather3A, %add3A_326] : memref<576x128xf32, #tpu.memory_space<vmem>>[vector<16xi32>, vector<16xi32>], vector<16xf32>,
        %gather3A_328 = arith.constant 0 : i32
        %gather3A_329 = arith.constant 0 : i32
        %gather3A_330 = arith.constant 0 : i32
        %gather3A_331 = tpu.memref_slice %arg16[%gather3A_328, %gather3A_329, %gather3A_330] : memref<2x16x64xf32, #tpu.memory_space<vmem>> -> memref<1x16x64xf32, #tpu.memory_space<vmem>>
        %gather3A_332 = tpu.memref_squeeze %gather3A_331 : memref<1x16x64xf32, #tpu.memory_space<vmem>> -> memref<16x64xf32, #tpu.memory_space<vmem>>
        %gather3A_333 = tpu.vector_load_idx %gather3A_332[%iota3A, %and3A_323] : memref<16x64xf32, #tpu.memory_space<vmem>>[vector<16xi32>, vector<16xi32>], vector<16xf32>,
        %mul3A_334 = arith.mulf %get3A_1, %gather3A_333 : vector<16xf32>
        %add3A_335 = arith.addf %mul3A_334, %gather3A_327 : vector<16xf32>
        %mul3A_336 = arith.mulf %add3A_335, %add3A_335 : vector<16xf32>
        %reduce_sum3A = arith.constant true
        %reduce_sum3A_337 = vector.broadcast %reduce_sum3A : i1 to vector<16xi1>
        %reduce_sum3A_338 = tpu.scan <sum>, %mul3A_336 masked %reduce_sum3A_337 : vector<16xf32>, vector<16xi1> -> vector<16xf32>
        %reduce_sum3A_339 = vector.extract %reduce_sum3A_338[15] : f32 from vector<16xf32>
        %broadcast_in_dim3A_340 = vector.broadcast %reduce_sum3A_339 : f32 to vector<16xf32>
        %max3A = arith.maximumf %broadcast_in_dim3A_340, %broadcast_in_dim3A_2 : vector<16xf32>
        %bitcast3A = vector.bitcast %max3A : vector<16xf32> to vector<16xi32>
        %shift_right_arithmetic3A = arith.constant 1 : i32
        %shift_right_arithmetic3A_341 = vector.broadcast %shift_right_arithmetic3A : i32 to vector<16xi32>
        %shift_right_arithmetic3A_342 = arith.shrsi %bitcast3A, %shift_right_arithmetic3A_341 : vector<16xi32>
        %sub3A = arith.constant 1597463007 : i32
        %sub3A_343 = vector.broadcast %sub3A : i32 to vector<16xi32>
        %sub3A_344 = arith.subi %sub3A_343, %shift_right_arithmetic3A_342 : vector<16xi32>
        %bitcast3A_345 = vector.bitcast %sub3A_344 : vector<16xi32> to vector<16xf32>
        %mul3A_346 = arith.constant 5.000000e-01 : f32
        %mul3A_347 = vector.broadcast %mul3A_346 : f32 to vector<16xf32>
        %mul3A_348 = arith.mulf %mul3A_347, %max3A : vector<16xf32>
        %mul3A_349 = arith.mulf %mul3A_348, %bitcast3A_345 : vector<16xf32>
        %mul3A_350 = arith.mulf %mul3A_349, %bitcast3A_345 : vector<16xf32>
        %sub3A_351 = arith.constant 1.500000e+00 : f32
        %sub3A_352 = vector.broadcast %sub3A_351 : f32 to vector<16xf32>
        %sub3A_353 = arith.subf %sub3A_352, %mul3A_350 : vector<16xf32>
        %mul3A_354 = arith.mulf %bitcast3A_345, %sub3A_353 : vector<16xf32>
        %mul3A_355 = arith.constant 5.000000e-01 : f32
        %mul3A_356 = vector.broadcast %mul3A_355 : f32 to vector<16xf32>
        %mul3A_357 = arith.mulf %mul3A_356, %max3A : vector<16xf32>
        %mul3A_358 = arith.mulf %mul3A_357, %mul3A_354 : vector<16xf32>
        %mul3A_359 = arith.mulf %mul3A_358, %mul3A_354 : vector<16xf32>
        %sub3A_360 = arith.constant 1.500000e+00 : f32
        %sub3A_361 = vector.broadcast %sub3A_360 : f32 to vector<16xf32>
        %sub3A_362 = arith.subf %sub3A_361, %mul3A_359 : vector<16xf32>
        %mul3A_363 = arith.mulf %mul3A_354, %sub3A_362 : vector<16xf32>
        %mul3A_364 = arith.constant 5.000000e-01 : f32
        %mul3A_365 = vector.broadcast %mul3A_364 : f32 to vector<16xf32>
        %mul3A_366 = arith.mulf %mul3A_365, %max3A : vector<16xf32>
        %mul3A_367 = arith.mulf %mul3A_366, %mul3A_363 : vector<16xf32>
        %mul3A_368 = arith.mulf %mul3A_367, %mul3A_363 : vector<16xf32>
        %sub3A_369 = arith.constant 1.500000e+00 : f32
        %sub3A_370 = vector.broadcast %sub3A_369 : f32 to vector<16xf32>
        %sub3A_371 = arith.subf %sub3A_370, %mul3A_368 : vector<16xf32>
        %mul3A_372 = arith.mulf %mul3A_363, %sub3A_371 : vector<16xf32>
        %mul3A_373 = arith.mulf %add3A_335, %mul3A_372 : vector<16xf32>
        %scatter3A = arith.constant 0 : i32
        %scatter3A_374 = arith.constant 0 : i32
        %scatter3A_375 = arith.constant 0 : i32
        %scatter3A_376 = tpu.memref_slice %arg16[%scatter3A, %scatter3A_374, %scatter3A_375] : memref<2x16x64xf32, #tpu.memory_space<vmem>> -> memref<1x16x64xf32, #tpu.memory_space<vmem>>
        %scatter3A_377 = tpu.memref_squeeze %scatter3A_376 : memref<1x16x64xf32, #tpu.memory_space<vmem>> -> memref<16x64xf32, #tpu.memory_space<vmem>>
        tpu.vector_store_idx %scatter3A_377[%iota3A, %and3A_323], %mul3A_373 : memref<16x64xf32, #tpu.memory_space<vmem>>[vector<16xi32>, vector<16xi32>], vector<16xf32>,
        %add3A_378 = arith.constant 16 : i32
        %add3A_379 = vector.broadcast %add3A_378 : i32 to vector<16xi32>
        %add3A_380 = arith.addi %add3A_379, %iota3A : vector<16xi32>
        %gather3A_381 = tpu.vector_load_idx %arg14[%gather3A, %add3A_380] : memref<576x128xf32, #tpu.memory_space<vmem>>[vector<16xi32>, vector<16xi32>], vector<16xf32>,
        %gather3A_382 = arith.constant 1 : i32
        %gather3A_383 = arith.constant 0 : i32
        %gather3A_384 = arith.constant 0 : i32
        %gather3A_385 = tpu.memref_slice %arg16[%gather3A_382, %gather3A_383, %gather3A_384] : memref<2x16x64xf32, #tpu.memory_space<vmem>> -> memref<1x16x64xf32, #tpu.memory_space<vmem>>
        %gather3A_386 = tpu.memref_squeeze %gather3A_385 : memref<1x16x64xf32, #tpu.memory_space<vmem>> -> memref<16x64xf32, #tpu.memory_space<vmem>>
        %gather3A_387 = tpu.vector_load_idx %gather3A_386[%iota3A, %and3A_323] : memref<16x64xf32, #tpu.memory_space<vmem>>[vector<16xi32>, vector<16xi32>], vector<16xf32>,
        %mul3A_388 = arith.mulf %get3A_1, %gather3A_387 : vector<16xf32>
        %add3A_389 = arith.addf %mul3A_388, %gather3A_381 : vector<16xf32>
        %mul3A_390 = arith.mulf %add3A_389, %add3A_389 : vector<16xf32>
        %reduce_sum3A_391 = arith.constant true
        %reduce_sum3A_392 = vector.broadcast %reduce_sum3A_391 : i1 to vector<16xi1>
        %reduce_sum3A_393 = tpu.scan <sum>, %mul3A_390 masked %reduce_sum3A_392 : vector<16xf32>, vector<16xi1> -> vector<16xf32>
        %reduce_sum3A_394 = vector.extract %reduce_sum3A_393[15] : f32 from vector<16xf32>
        %broadcast_in_dim3A_395 = vector.broadcast %reduce_sum3A_394 : f32 to vector<16xf32>
        %max3A_396 = arith.maximumf %broadcast_in_dim3A_395, %broadcast_in_dim3A_2 : vector<16xf32>
        %bitcast3A_397 = vector.bitcast %max3A_396 : vector<16xf32> to vector<16xi32>
        %shift_right_arithmetic3A_398 = arith.constant 1 : i32
        %shift_right_arithmetic3A_399 = vector.broadcast %shift_right_arithmetic3A_398 : i32 to vector<16xi32>
        %shift_right_arithmetic3A_400 = arith.shrsi %bitcast3A_397, %shift_right_arithmetic3A_399 : vector<16xi32>
        %sub3A_401 = arith.constant 1597463007 : i32
        %sub3A_402 = vector.broadcast %sub3A_401 : i32 to vector<16xi32>
        %sub3A_403 = arith.subi %sub3A_402, %shift_right_arithmetic3A_400 : vector<16xi32>
        %bitcast3A_404 = vector.bitcast %sub3A_403 : vector<16xi32> to vector<16xf32>
        %mul3A_405 = arith.constant 5.000000e-01 : f32
        %mul3A_406 = vector.broadcast %mul3A_405 : f32 to vector<16xf32>
        %mul3A_407 = arith.mulf %mul3A_406, %max3A_396 : vector<16xf32>
        %mul3A_408 = arith.mulf %mul3A_407, %bitcast3A_404 : vector<16xf32>
        %mul3A_409 = arith.mulf %mul3A_408, %bitcast3A_404 : vector<16xf32>
        %sub3A_410 = arith.constant 1.500000e+00 : f32
        %sub3A_411 = vector.broadcast %sub3A_410 : f32 to vector<16xf32>
        %sub3A_412 = arith.subf %sub3A_411, %mul3A_409 : vector<16xf32>
        %mul3A_413 = arith.mulf %bitcast3A_404, %sub3A_412 : vector<16xf32>
        %mul3A_414 = arith.constant 5.000000e-01 : f32
        %mul3A_415 = vector.broadcast %mul3A_414 : f32 to vector<16xf32>
        %mul3A_416 = arith.mulf %mul3A_415, %max3A_396 : vector<16xf32>
        %mul3A_417 = arith.mulf %mul3A_416, %mul3A_413 : vector<16xf32>
        %mul3A_418 = arith.mulf %mul3A_417, %mul3A_413 : vector<16xf32>
        %sub3A_419 = arith.constant 1.500000e+00 : f32
        %sub3A_420 = vector.broadcast %sub3A_419 : f32 to vector<16xf32>
        %sub3A_421 = arith.subf %sub3A_420, %mul3A_418 : vector<16xf32>
        %mul3A_422 = arith.mulf %mul3A_413, %sub3A_421 : vector<16xf32>
        %mul3A_423 = arith.constant 5.000000e-01 : f32
        %mul3A_424 = vector.broadcast %mul3A_423 : f32 to vector<16xf32>
        %mul3A_425 = arith.mulf %mul3A_424, %max3A_396 : vector<16xf32>
        %mul3A_426 = arith.mulf %mul3A_425, %mul3A_422 : vector<16xf32>
        %mul3A_427 = arith.mulf %mul3A_426, %mul3A_422 : vector<16xf32>
        %sub3A_428 = arith.constant 1.500000e+00 : f32
        %sub3A_429 = vector.broadcast %sub3A_428 : f32 to vector<16xf32>
        %sub3A_430 = arith.subf %sub3A_429, %mul3A_427 : vector<16xf32>
        %mul3A_431 = arith.mulf %mul3A_422, %sub3A_430 : vector<16xf32>
        %mul3A_432 = arith.mulf %add3A_389, %mul3A_431 : vector<16xf32>
        %scatter3A_433 = arith.constant 1 : i32
        %scatter3A_434 = arith.constant 0 : i32
        %scatter3A_435 = arith.constant 0 : i32
        %scatter3A_436 = tpu.memref_slice %arg16[%scatter3A_433, %scatter3A_434, %scatter3A_435] : memref<2x16x64xf32, #tpu.memory_space<vmem>> -> memref<1x16x64xf32, #tpu.memory_space<vmem>>
        %scatter3A_437 = tpu.memref_squeeze %scatter3A_436 : memref<1x16x64xf32, #tpu.memory_space<vmem>> -> memref<16x64xf32, #tpu.memory_space<vmem>>
        tpu.vector_store_idx %scatter3A_437[%iota3A, %and3A_323], %mul3A_432 : memref<16x64xf32, #tpu.memory_space<vmem>>[vector<16xi32>, vector<16xi32>], vector<16xf32>,
      }
      %run_scoped3A_317 = arith.constant 0 : i32
      "tpu.region"() ({
        %run_scoped3A_319 = tpu.sem_alloc : memref<!tpu.dma_semaphore, #tpu.memory_space<semaphore_mem>>
        %dma_start3A_320 = arith.constant 0 : i32
        %dma_start3A_321 = arith.constant 0 : i32
        %dma_start3A_322 = tpu.memref_slice %arg16[%run_scoped3A_317, %dma_start3A_320, %dma_start3A_321] : memref<2x16x64xf32, #tpu.memory_space<vmem>> -> memref<1x16x64xf32, #tpu.memory_space<vmem>>
        %dma_start3A_323 = tpu.memref_squeeze %dma_start3A_322 : memref<1x16x64xf32, #tpu.memory_space<vmem>> -> memref<16x64xf32, #tpu.memory_space<vmem>>
        %dma_start3A_324 = arith.constant 0 : i32
        %dma_start3A_325 = arith.constant 999936 : i32
        %dma_start3A_326 = tpu.memref_slice %arg7[%dma_start3A_324, %dma_start3A_325] : memref<16x1000000xf32, #tpu.memory_space<hbm>> -> memref<16x64xf32, #tpu.memory_space<hbm>>
        %dma_start3A_327 = arith.constant 0 : i32
        %dma_start3A_328 = arith.constant 999936 : i32
        %dma_start3A_329 = tpu.memref_slice %arg7[%dma_start3A_327, %dma_start3A_328] : memref<16x1000000xf32, #tpu.memory_space<hbm>> -> memref<16x64xf32, #tpu.memory_space<hbm>>
        %dma_start3A_330 = arith.constant 0 : i32
        %dma_start3A_331 = arith.constant 0 : i32
        %dma_start3A_332 = tpu.memref_slice %arg16[%run_scoped3A_317, %dma_start3A_330, %dma_start3A_331] : memref<2x16x64xf32, #tpu.memory_space<vmem>> -> memref<1x16x64xf32, #tpu.memory_space<vmem>>
        %dma_start3A_333 = tpu.memref_squeeze %dma_start3A_332 : memref<1x16x64xf32, #tpu.memory_space<vmem>> -> memref<16x64xf32, #tpu.memory_space<vmem>>
        tpu.enqueue_dma source(%dma_start3A_333 : memref<16x64xf32, #tpu.memory_space<vmem>>) target(%dma_start3A_329 : memref<16x64xf32, #tpu.memory_space<hbm>>) target_semaphore(%run_scoped3A_319 : memref<!tpu.dma_semaphore, #tpu.memory_space<semaphore_mem>>)
        %dma_wait3A_334 = arith.constant 0 : i32
        %dma_wait3A_335 = arith.constant 0 : i32
        %dma_wait3A_336 = tpu.memref_slice %arg16[%run_scoped3A_317, %dma_wait3A_334, %dma_wait3A_335] : memref<2x16x64xf32, #tpu.memory_space<vmem>> -> memref<1x16x64xf32, #tpu.memory_space<vmem>>
        %dma_wait3A_337 = tpu.memref_squeeze %dma_wait3A_336 : memref<1x16x64xf32, #tpu.memory_space<vmem>> -> memref<16x64xf32, #tpu.memory_space<vmem>>
        %dma_wait3A_338 = arith.constant 0 : i32
        %dma_wait3A_339 = arith.constant 999936 : i32
        %dma_wait3A_340 = tpu.memref_slice %arg7[%dma_wait3A_338, %dma_wait3A_339] : memref<16x1000000xf32, #tpu.memory_space<hbm>> -> memref<16x64xf32, #tpu.memory_space<hbm>>
        %dma_wait3A_341 = arith.constant 0 : i32
        %dma_wait3A_342 = arith.constant 999936 : i32
        %dma_wait3A_343 = tpu.memref_slice %arg7[%dma_wait3A_341, %dma_wait3A_342] : memref<16x1000000xf32, #tpu.memory_space<hbm>> -> memref<16x64xf32, #tpu.memory_space<hbm>>
        %dma_wait3A_344 = arith.constant 0 : i32
        %dma_wait3A_345 = arith.constant 0 : i32
        %dma_wait3A_346 = tpu.memref_slice %arg16[%run_scoped3A_317, %dma_wait3A_344, %dma_wait3A_345] : memref<2x16x64xf32, #tpu.memory_space<vmem>> -> memref<1x16x64xf32, #tpu.memory_space<vmem>>
        %dma_wait3A_347 = tpu.memref_squeeze %dma_wait3A_346 : memref<1x16x64xf32, #tpu.memory_space<vmem>> -> memref<16x64xf32, #tpu.memory_space<vmem>>
        tpu.wait_dma2 semaphore(%run_scoped3A_319 : memref<!tpu.dma_semaphore, #tpu.memory_space<semaphore_mem>>) src(%dma_wait3A_347 : memref<16x64xf32, #tpu.memory_space<vmem>>) dst(%dma_wait3A_343 : memref<16x64xf32, #tpu.memory_space<hbm>>)
        tpu.yield
      }) : () -> ()
      %run_scoped3A_318 = arith.constant 1 : i32
      "tpu.region"() ({
        %run_scoped3A_319 = tpu.sem_alloc : memref<!tpu.dma_semaphore, #tpu.memory_space<semaphore_mem>>
        %dma_start3A_320 = arith.constant 0 : i32
        %dma_start3A_321 = arith.constant 0 : i32
        %dma_start3A_322 = tpu.memref_slice %arg16[%run_scoped3A_318, %dma_start3A_320, %dma_start3A_321] : memref<2x16x64xf32, #tpu.memory_space<vmem>> -> memref<1x16x64xf32, #tpu.memory_space<vmem>>
        %dma_start3A_323 = tpu.memref_squeeze %dma_start3A_322 : memref<1x16x64xf32, #tpu.memory_space<vmem>> -> memref<16x64xf32, #tpu.memory_space<vmem>>
        %dma_start3A_324 = arith.constant 0 : i32
        %dma_start3A_325 = arith.constant 999936 : i32
        %dma_start3A_326 = tpu.memref_slice %arg8[%dma_start3A_324, %dma_start3A_325] : memref<16x1000000xf32, #tpu.memory_space<hbm>> -> memref<16x64xf32, #tpu.memory_space<hbm>>
        %dma_start3A_327 = arith.constant 0 : i32
        %dma_start3A_328 = arith.constant 999936 : i32
        %dma_start3A_329 = tpu.memref_slice %arg8[%dma_start3A_327, %dma_start3A_328] : memref<16x1000000xf32, #tpu.memory_space<hbm>> -> memref<16x64xf32, #tpu.memory_space<hbm>>
        %dma_start3A_330 = arith.constant 0 : i32
        %dma_start3A_331 = arith.constant 0 : i32
        %dma_start3A_332 = tpu.memref_slice %arg16[%run_scoped3A_318, %dma_start3A_330, %dma_start3A_331] : memref<2x16x64xf32, #tpu.memory_space<vmem>> -> memref<1x16x64xf32, #tpu.memory_space<vmem>>
        %dma_start3A_333 = tpu.memref_squeeze %dma_start3A_332 : memref<1x16x64xf32, #tpu.memory_space<vmem>> -> memref<16x64xf32, #tpu.memory_space<vmem>>
        tpu.enqueue_dma source(%dma_start3A_333 : memref<16x64xf32, #tpu.memory_space<vmem>>) target(%dma_start3A_329 : memref<16x64xf32, #tpu.memory_space<hbm>>) target_semaphore(%run_scoped3A_319 : memref<!tpu.dma_semaphore, #tpu.memory_space<semaphore_mem>>)
        %dma_wait3A_334 = arith.constant 0 : i32
        %dma_wait3A_335 = arith.constant 0 : i32
        %dma_wait3A_336 = tpu.memref_slice %arg16[%run_scoped3A_318, %dma_wait3A_334, %dma_wait3A_335] : memref<2x16x64xf32, #tpu.memory_space<vmem>> -> memref<1x16x64xf32, #tpu.memory_space<vmem>>
        %dma_wait3A_337 = tpu.memref_squeeze %dma_wait3A_336 : memref<1x16x64xf32, #tpu.memory_space<vmem>> -> memref<16x64xf32, #tpu.memory_space<vmem>>
        %dma_wait3A_338 = arith.constant 0 : i32
        %dma_wait3A_339 = arith.constant 999936 : i32
        %dma_wait3A_340 = tpu.memref_slice %arg8[%dma_wait3A_338, %dma_wait3A_339] : memref<16x1000000xf32, #tpu.memory_space<hbm>> -> memref<16x64xf32, #tpu.memory_space<hbm>>
        %dma_wait3A_341 = arith.constant 0 : i32
        %dma_wait3A_342 = arith.constant 999936 : i32
        %dma_wait3A_343 = tpu.memref_slice %arg8[%dma_wait3A_341, %dma_wait3A_342] : memref<16x1000000xf32, #tpu.memory_space<hbm>> -> memref<16x64xf32, #tpu.memory_space<hbm>>
        %dma_wait3A_344 = arith.constant 0 : i32
        %dma_wait3A_345 = arith.constant 0 : i32
        %dma_wait3A_346 = tpu.memref_slice %arg16[%run_scoped3A_318, %dma_wait3A_344, %dma_wait3A_345] : memref<2x16x64xf32, #tpu.memory_space<vmem>> -> memref<1x16x64xf32, #tpu.memory_space<vmem>>
        %dma_wait3A_347 = tpu.memref_squeeze %dma_wait3A_346 : memref<1x16x64xf32, #tpu.memory_space<vmem>> -> memref<16x64xf32, #tpu.memory_space<vmem>>
        tpu.wait_dma2 semaphore(%run_scoped3A_319 : memref<!tpu.dma_semaphore, #tpu.memory_space<semaphore_mem>>) src(%dma_wait3A_347 : memref<16x64xf32, #tpu.memory_space<vmem>>) dst(%dma_wait3A_343 : memref<16x64xf32, #tpu.memory_space<hbm>>)
        tpu.yield
      }) : () -> ()
    } else {
    }
    return
  }
}

#map = affine_map<(d0, d1) -> (0, 0)>
#map1 = affine_map<(d0, d1) -> (0)>
module attributes {stable_mosaic.version = 14 : i64} {
  func.func @_prep_body(%arg0: i32, %arg1: i32, %arg2: memref<16x16384xf32, #tpu.memory_space<hbm>>, %arg3: memref<16x16384xf32, #tpu.memory_space<hbm>>, %arg4: memref<16xf32, #tpu.memory_space<hbm>>, %arg5: memref<16384x128xf32, #tpu.memory_space<hbm>>, %arg6: memref<16x512xf32, #tpu.memory_space<vmem>>, %arg7: memref<512x128xf32, #tpu.memory_space<vmem>>, %arg8: memref<16xf32, #tpu.memory_space<vmem>>) attributes {dimension_semantics = [#tpu.dimension_semantics<core_parallel>, #tpu.dimension_semantics<subcore_parallel>], iteration_bounds = array<i64: 2, 16>, scalar_prefetch = 0 : i64, scratch_operands = 3 : i64, tpu.core_type = #tpu.core_type<sc_vector_subcore>, window_params = [{transform_indices = #map}, {transform_indices = #map}, {transform_indices = #map1}, {transform_indices = #map}]} {
    %mul3A = arith.constant 2 : i32
    %mul3A_0 = arith.muli %arg1, %mul3A : i32
    %add3A = arith.addi %mul3A_0, %arg0 : i32
    %mul3A_1 = arith.constant 512 : i32
    %mul3A_2 = arith.muli %add3A, %mul3A_1 : i32
    "tpu.region"() ({
      %run_scoped3A = tpu.sem_alloc : memref<!tpu.dma_semaphore, #tpu.memory_space<semaphore_mem>>
      tpu.enqueue_dma source(%arg4 : memref<16xf32, #tpu.memory_space<hbm>>) target(%arg8 : memref<16xf32, #tpu.memory_space<vmem>>) target_semaphore(%run_scoped3A : memref<!tpu.dma_semaphore, #tpu.memory_space<semaphore_mem>>)
      tpu.wait_dma2 semaphore(%run_scoped3A : memref<!tpu.dma_semaphore, #tpu.memory_space<semaphore_mem>>) src(%arg4 : memref<16xf32, #tpu.memory_space<hbm>>) dst(%arg8 : memref<16xf32, #tpu.memory_space<vmem>>)
      tpu.yield
    }) : () -> ()
    %get3A = arith.constant 0 : index
    %get3A_3 = tpu.vector_load %arg8[%get3A] {strides = array<i32>} : memref<16xf32, #tpu.memory_space<vmem>>, vector<16xf32>,
    %sub3A = arith.constant 1.000000e+00 : f32
    %sub3A_4 = vector.broadcast %sub3A : f32 to vector<16xf32>
    %sub3A_5 = arith.subf %sub3A_4, %get3A_3 : vector<16xf32>
    %broadcast_in_dim3A = arith.constant 1.000000e-24 : f32
    %broadcast_in_dim3A_6 = vector.broadcast %broadcast_in_dim3A : f32 to vector<16xf32>
    %iota3A = tpu.iota {dimensions = array<i32: 0>} : vector<16xi32>
    "tpu.region"() ({
      %run_scoped3A = tpu.sem_alloc : memref<!tpu.dma_semaphore, #tpu.memory_space<semaphore_mem>>
      %dma_start3A = arith.constant 0 : i32
      %dma_start3A_18 = tpu.memref_slice %arg2[%dma_start3A, %mul3A_2] : memref<16x16384xf32, #tpu.memory_space<hbm>> -> memref<16x512xf32, #tpu.memory_space<hbm>>
      %dma_start3A_19 = arith.constant 0 : i32
      %dma_start3A_20 = tpu.memref_slice %arg2[%dma_start3A_19, %mul3A_2] : memref<16x16384xf32, #tpu.memory_space<hbm>> -> memref<16x512xf32, #tpu.memory_space<hbm>>
      tpu.enqueue_dma source(%dma_start3A_20 : memref<16x512xf32, #tpu.memory_space<hbm>>) target(%arg6 : memref<16x512xf32, #tpu.memory_space<vmem>>) target_semaphore(%run_scoped3A : memref<!tpu.dma_semaphore, #tpu.memory_space<semaphore_mem>>)
      %dma_wait3A = arith.constant 0 : i32
      %dma_wait3A_21 = tpu.memref_slice %arg2[%dma_wait3A, %mul3A_2] : memref<16x16384xf32, #tpu.memory_space<hbm>> -> memref<16x512xf32, #tpu.memory_space<hbm>>
      %dma_wait3A_22 = arith.constant 0 : i32
      %dma_wait3A_23 = tpu.memref_slice %arg2[%dma_wait3A_22, %mul3A_2] : memref<16x16384xf32, #tpu.memory_space<hbm>> -> memref<16x512xf32, #tpu.memory_space<hbm>>
      tpu.wait_dma2 semaphore(%run_scoped3A : memref<!tpu.dma_semaphore, #tpu.memory_space<semaphore_mem>>) src(%dma_wait3A_23 : memref<16x512xf32, #tpu.memory_space<hbm>>) dst(%arg6 : memref<16x512xf32, #tpu.memory_space<vmem>>)
      tpu.yield
    }) : () -> ()
    %scan3A = arith.constant 0 : i32
    %scan3A_7 = arith.constant 0 : i32
    %scan3A_8 = arith.constant 32 : i32
    %scan3A_9 = arith.addi %scan3A_7, %scan3A_8 : i32
    %scan3A_10 = arith.constant 1 : i32
    scf.for %scan3A_18 = %scan3A_7 to %scan3A_9 step %scan3A_10  : i32 {
      %broadcast_in_dim3A_19 = arith.constant 0.000000e+00 : f32
      %broadcast_in_dim3A_20 = vector.broadcast %broadcast_in_dim3A_19 : f32 to vector<16xf32>
      %mul3A_21 = arith.constant 16 : i32
      %mul3A_22 = arith.muli %scan3A_18, %mul3A_21 : i32
      %get3A_23 = arith.constant 0 : i32
      %get3A_24 = arith.index_cast %get3A_23 : i32 to index
      %get3A_25 = arith.index_cast %mul3A_22 : i32 to index
      %get3A_26 = tpu.vector_load %arg6[%get3A_24, %get3A_25] {strides = array<i32>} : memref<16x512xf32, #tpu.memory_space<vmem>>, vector<16xf32>,
      %mul3A_27 = arith.mulf %get3A_26, %get3A_26 : vector<16xf32>
      %add3A_28 = arith.addf %broadcast_in_dim3A_20, %mul3A_27 : vector<16xf32>
      %mul3A_29 = arith.constant 16 : i32
      %mul3A_30 = arith.muli %scan3A_18, %mul3A_29 : i32
      %get3A_31 = arith.constant 1 : i32
      %get3A_32 = arith.index_cast %get3A_31 : i32 to index
      %get3A_33 = arith.index_cast %mul3A_30 : i32 to index
      %get3A_34 = tpu.vector_load %arg6[%get3A_32, %get3A_33] {strides = array<i32>} : memref<16x512xf32, #tpu.memory_space<vmem>>, vector<16xf32>,
      %mul3A_35 = arith.mulf %get3A_34, %get3A_34 : vector<16xf32>
      %add3A_36 = arith.addf %add3A_28, %mul3A_35 : vector<16xf32>
      %mul3A_37 = arith.constant 16 : i32
      %mul3A_38 = arith.muli %scan3A_18, %mul3A_37 : i32
      %get3A_39 = arith.constant 2 : i32
      %get3A_40 = arith.index_cast %get3A_39 : i32 to index
      %get3A_41 = arith.index_cast %mul3A_38 : i32 to index
      %get3A_42 = tpu.vector_load %arg6[%get3A_40, %get3A_41] {strides = array<i32>} : memref<16x512xf32, #tpu.memory_space<vmem>>, vector<16xf32>,
      %mul3A_43 = arith.mulf %get3A_42, %get3A_42 : vector<16xf32>
      %add3A_44 = arith.addf %add3A_36, %mul3A_43 : vector<16xf32>
      %mul3A_45 = arith.constant 16 : i32
      %mul3A_46 = arith.muli %scan3A_18, %mul3A_45 : i32
      %get3A_47 = arith.constant 3 : i32
      %get3A_48 = arith.index_cast %get3A_47 : i32 to index
      %get3A_49 = arith.index_cast %mul3A_46 : i32 to index
      %get3A_50 = tpu.vector_load %arg6[%get3A_48, %get3A_49] {strides = array<i32>} : memref<16x512xf32, #tpu.memory_space<vmem>>, vector<16xf32>,
      %mul3A_51 = arith.mulf %get3A_50, %get3A_50 : vector<16xf32>
      %add3A_52 = arith.addf %add3A_44, %mul3A_51 : vector<16xf32>
      %mul3A_53 = arith.constant 16 : i32
      %mul3A_54 = arith.muli %scan3A_18, %mul3A_53 : i32
      %get3A_55 = arith.constant 4 : i32
      %get3A_56 = arith.index_cast %get3A_55 : i32 to index
      %get3A_57 = arith.index_cast %mul3A_54 : i32 to index
      %get3A_58 = tpu.vector_load %arg6[%get3A_56, %get3A_57] {strides = array<i32>} : memref<16x512xf32, #tpu.memory_space<vmem>>, vector<16xf32>,
      %mul3A_59 = arith.mulf %get3A_58, %get3A_58 : vector<16xf32>
      %add3A_60 = arith.addf %add3A_52, %mul3A_59 : vector<16xf32>
      %mul3A_61 = arith.constant 16 : i32
      %mul3A_62 = arith.muli %scan3A_18, %mul3A_61 : i32
      %get3A_63 = arith.constant 5 : i32
      %get3A_64 = arith.index_cast %get3A_63 : i32 to index
      %get3A_65 = arith.index_cast %mul3A_62 : i32 to index
      %get3A_66 = tpu.vector_load %arg6[%get3A_64, %get3A_65] {strides = array<i32>} : memref<16x512xf32, #tpu.memory_space<vmem>>, vector<16xf32>,
      %mul3A_67 = arith.mulf %get3A_66, %get3A_66 : vector<16xf32>
      %add3A_68 = arith.addf %add3A_60, %mul3A_67 : vector<16xf32>
      %mul3A_69 = arith.constant 16 : i32
      %mul3A_70 = arith.muli %scan3A_18, %mul3A_69 : i32
      %get3A_71 = arith.constant 6 : i32
      %get3A_72 = arith.index_cast %get3A_71 : i32 to index
      %get3A_73 = arith.index_cast %mul3A_70 : i32 to index
      %get3A_74 = tpu.vector_load %arg6[%get3A_72, %get3A_73] {strides = array<i32>} : memref<16x512xf32, #tpu.memory_space<vmem>>, vector<16xf32>,
      %mul3A_75 = arith.mulf %get3A_74, %get3A_74 : vector<16xf32>
      %add3A_76 = arith.addf %add3A_68, %mul3A_75 : vector<16xf32>
      %mul3A_77 = arith.constant 16 : i32
      %mul3A_78 = arith.muli %scan3A_18, %mul3A_77 : i32
      %get3A_79 = arith.constant 7 : i32
      %get3A_80 = arith.index_cast %get3A_79 : i32 to index
      %get3A_81 = arith.index_cast %mul3A_78 : i32 to index
      %get3A_82 = tpu.vector_load %arg6[%get3A_80, %get3A_81] {strides = array<i32>} : memref<16x512xf32, #tpu.memory_space<vmem>>, vector<16xf32>,
      %mul3A_83 = arith.mulf %get3A_82, %get3A_82 : vector<16xf32>
      %add3A_84 = arith.addf %add3A_76, %mul3A_83 : vector<16xf32>
      %mul3A_85 = arith.constant 16 : i32
      %mul3A_86 = arith.muli %scan3A_18, %mul3A_85 : i32
      %get3A_87 = arith.constant 8 : i32
      %get3A_88 = arith.index_cast %get3A_87 : i32 to index
      %get3A_89 = arith.index_cast %mul3A_86 : i32 to index
      %get3A_90 = tpu.vector_load %arg6[%get3A_88, %get3A_89] {strides = array<i32>} : memref<16x512xf32, #tpu.memory_space<vmem>>, vector<16xf32>,
      %mul3A_91 = arith.mulf %get3A_90, %get3A_90 : vector<16xf32>
      %add3A_92 = arith.addf %add3A_84, %mul3A_91 : vector<16xf32>
      %mul3A_93 = arith.constant 16 : i32
      %mul3A_94 = arith.muli %scan3A_18, %mul3A_93 : i32
      %get3A_95 = arith.constant 9 : i32
      %get3A_96 = arith.index_cast %get3A_95 : i32 to index
      %get3A_97 = arith.index_cast %mul3A_94 : i32 to index
      %get3A_98 = tpu.vector_load %arg6[%get3A_96, %get3A_97] {strides = array<i32>} : memref<16x512xf32, #tpu.memory_space<vmem>>, vector<16xf32>,
      %mul3A_99 = arith.mulf %get3A_98, %get3A_98 : vector<16xf32>
      %add3A_100 = arith.addf %add3A_92, %mul3A_99 : vector<16xf32>
      %mul3A_101 = arith.constant 16 : i32
      %mul3A_102 = arith.muli %scan3A_18, %mul3A_101 : i32
      %get3A_103 = arith.constant 10 : i32
      %get3A_104 = arith.index_cast %get3A_103 : i32 to index
      %get3A_105 = arith.index_cast %mul3A_102 : i32 to index
      %get3A_106 = tpu.vector_load %arg6[%get3A_104, %get3A_105] {strides = array<i32>} : memref<16x512xf32, #tpu.memory_space<vmem>>, vector<16xf32>,
      %mul3A_107 = arith.mulf %get3A_106, %get3A_106 : vector<16xf32>
      %add3A_108 = arith.addf %add3A_100, %mul3A_107 : vector<16xf32>
      %mul3A_109 = arith.constant 16 : i32
      %mul3A_110 = arith.muli %scan3A_18, %mul3A_109 : i32
      %get3A_111 = arith.constant 11 : i32
      %get3A_112 = arith.index_cast %get3A_111 : i32 to index
      %get3A_113 = arith.index_cast %mul3A_110 : i32 to index
      %get3A_114 = tpu.vector_load %arg6[%get3A_112, %get3A_113] {strides = array<i32>} : memref<16x512xf32, #tpu.memory_space<vmem>>, vector<16xf32>,
      %mul3A_115 = arith.mulf %get3A_114, %get3A_114 : vector<16xf32>
      %add3A_116 = arith.addf %add3A_108, %mul3A_115 : vector<16xf32>
      %mul3A_117 = arith.constant 16 : i32
      %mul3A_118 = arith.muli %scan3A_18, %mul3A_117 : i32
      %get3A_119 = arith.constant 12 : i32
      %get3A_120 = arith.index_cast %get3A_119 : i32 to index
      %get3A_121 = arith.index_cast %mul3A_118 : i32 to index
      %get3A_122 = tpu.vector_load %arg6[%get3A_120, %get3A_121] {strides = array<i32>} : memref<16x512xf32, #tpu.memory_space<vmem>>, vector<16xf32>,
      %mul3A_123 = arith.mulf %get3A_122, %get3A_122 : vector<16xf32>
      %add3A_124 = arith.addf %add3A_116, %mul3A_123 : vector<16xf32>
      %mul3A_125 = arith.constant 16 : i32
      %mul3A_126 = arith.muli %scan3A_18, %mul3A_125 : i32
      %get3A_127 = arith.constant 13 : i32
      %get3A_128 = arith.index_cast %get3A_127 : i32 to index
      %get3A_129 = arith.index_cast %mul3A_126 : i32 to index
      %get3A_130 = tpu.vector_load %arg6[%get3A_128, %get3A_129] {strides = array<i32>} : memref<16x512xf32, #tpu.memory_space<vmem>>, vector<16xf32>,
      %mul3A_131 = arith.mulf %get3A_130, %get3A_130 : vector<16xf32>
      %add3A_132 = arith.addf %add3A_124, %mul3A_131 : vector<16xf32>
      %mul3A_133 = arith.constant 16 : i32
      %mul3A_134 = arith.muli %scan3A_18, %mul3A_133 : i32
      %get3A_135 = arith.constant 14 : i32
      %get3A_136 = arith.index_cast %get3A_135 : i32 to index
      %get3A_137 = arith.index_cast %mul3A_134 : i32 to index
      %get3A_138 = tpu.vector_load %arg6[%get3A_136, %get3A_137] {strides = array<i32>} : memref<16x512xf32, #tpu.memory_space<vmem>>, vector<16xf32>,
      %mul3A_139 = arith.mulf %get3A_138, %get3A_138 : vector<16xf32>
      %add3A_140 = arith.addf %add3A_132, %mul3A_139 : vector<16xf32>
      %mul3A_141 = arith.constant 16 : i32
      %mul3A_142 = arith.muli %scan3A_18, %mul3A_141 : i32
      %get3A_143 = arith.constant 15 : i32
      %get3A_144 = arith.index_cast %get3A_143 : i32 to index
      %get3A_145 = arith.index_cast %mul3A_142 : i32 to index
      %get3A_146 = tpu.vector_load %arg6[%get3A_144, %get3A_145] {strides = array<i32>} : memref<16x512xf32, #tpu.memory_space<vmem>>, vector<16xf32>,
      %mul3A_147 = arith.mulf %get3A_146, %get3A_146 : vector<16xf32>
      %add3A_148 = arith.addf %add3A_140, %mul3A_147 : vector<16xf32>
      %max3A = arith.maximumf %add3A_148, %broadcast_in_dim3A_6 : vector<16xf32>
      %bitcast3A = vector.bitcast %max3A : vector<16xf32> to vector<16xi32>
      %shift_right_arithmetic3A = arith.constant 1 : i32
      %shift_right_arithmetic3A_149 = vector.broadcast %shift_right_arithmetic3A : i32 to vector<16xi32>
      %shift_right_arithmetic3A_150 = arith.shrsi %bitcast3A, %shift_right_arithmetic3A_149 : vector<16xi32>
      %sub3A_151 = arith.constant 1597463007 : i32
      %sub3A_152 = vector.broadcast %sub3A_151 : i32 to vector<16xi32>
      %sub3A_153 = arith.subi %sub3A_152, %shift_right_arithmetic3A_150 : vector<16xi32>
      %bitcast3A_154 = vector.bitcast %sub3A_153 : vector<16xi32> to vector<16xf32>
      %mul3A_155 = arith.constant 5.000000e-01 : f32
      %mul3A_156 = vector.broadcast %mul3A_155 : f32 to vector<16xf32>
      %mul3A_157 = arith.mulf %mul3A_156, %max3A : vector<16xf32>
      %mul3A_158 = arith.mulf %mul3A_157, %bitcast3A_154 : vector<16xf32>
      %mul3A_159 = arith.mulf %mul3A_158, %bitcast3A_154 : vector<16xf32>
      %sub3A_160 = arith.constant 1.500000e+00 : f32
      %sub3A_161 = vector.broadcast %sub3A_160 : f32 to vector<16xf32>
      %sub3A_162 = arith.subf %sub3A_161, %mul3A_159 : vector<16xf32>
      %mul3A_163 = arith.mulf %bitcast3A_154, %sub3A_162 : vector<16xf32>
      %mul3A_164 = arith.constant 5.000000e-01 : f32
      %mul3A_165 = vector.broadcast %mul3A_164 : f32 to vector<16xf32>
      %mul3A_166 = arith.mulf %mul3A_165, %max3A : vector<16xf32>
      %mul3A_167 = arith.mulf %mul3A_166, %mul3A_163 : vector<16xf32>
      %mul3A_168 = arith.mulf %mul3A_167, %mul3A_163 : vector<16xf32>
      %sub3A_169 = arith.constant 1.500000e+00 : f32
      %sub3A_170 = vector.broadcast %sub3A_169 : f32 to vector<16xf32>
      %sub3A_171 = arith.subf %sub3A_170, %mul3A_168 : vector<16xf32>
      %mul3A_172 = arith.mulf %mul3A_163, %sub3A_171 : vector<16xf32>
      %mul3A_173 = arith.constant 5.000000e-01 : f32
      %mul3A_174 = vector.broadcast %mul3A_173 : f32 to vector<16xf32>
      %mul3A_175 = arith.mulf %mul3A_174, %max3A : vector<16xf32>
      %mul3A_176 = arith.mulf %mul3A_175, %mul3A_172 : vector<16xf32>
      %mul3A_177 = arith.mulf %mul3A_176, %mul3A_172 : vector<16xf32>
      %sub3A_178 = arith.constant 1.500000e+00 : f32
      %sub3A_179 = vector.broadcast %sub3A_178 : f32 to vector<16xf32>
      %sub3A_180 = arith.subf %sub3A_179, %mul3A_177 : vector<16xf32>
      %mul3A_181 = arith.mulf %mul3A_172, %sub3A_180 : vector<16xf32>
      %mul3A_182 = arith.mulf %sub3A_5, %mul3A_181 : vector<16xf32>
      %mul3A_183 = arith.constant 16 : i32
      %mul3A_184 = arith.muli %scan3A_18, %mul3A_183 : i32
      %add3A_185 = vector.broadcast %mul3A_184 : i32 to vector<16xi32>
      %add3A_186 = arith.addi %add3A_185, %iota3A : vector<16xi32>
      %broadcast_in_dim3A_187 = arith.constant 0 : i32
      %broadcast_in_dim3A_188 = vector.broadcast %broadcast_in_dim3A_187 : i32 to vector<16xi32>
      %mul3A_189 = arith.mulf %get3A_26, %mul3A_182 : vector<16xf32>
      tpu.vector_store_idx %arg7[%add3A_186, %broadcast_in_dim3A_188], %mul3A_189 : memref<512x128xf32, #tpu.memory_space<vmem>>[vector<16xi32>, vector<16xi32>], vector<16xf32>,
      %mul3A_190 = arith.constant 16 : i32
      %mul3A_191 = arith.muli %scan3A_18, %mul3A_190 : i32
      %add3A_192 = vector.broadcast %mul3A_191 : i32 to vector<16xi32>
      %add3A_193 = arith.addi %add3A_192, %iota3A : vector<16xi32>
      %broadcast_in_dim3A_194 = arith.constant 1 : i32
      %broadcast_in_dim3A_195 = vector.broadcast %broadcast_in_dim3A_194 : i32 to vector<16xi32>
      %mul3A_196 = arith.mulf %get3A_34, %mul3A_182 : vector<16xf32>
      tpu.vector_store_idx %arg7[%add3A_193, %broadcast_in_dim3A_195], %mul3A_196 : memref<512x128xf32, #tpu.memory_space<vmem>>[vector<16xi32>, vector<16xi32>], vector<16xf32>,
      %mul3A_197 = arith.constant 16 : i32
      %mul3A_198 = arith.muli %scan3A_18, %mul3A_197 : i32
      %add3A_199 = vector.broadcast %mul3A_198 : i32 to vector<16xi32>
      %add3A_200 = arith.addi %add3A_199, %iota3A : vector<16xi32>
      %broadcast_in_dim3A_201 = arith.constant 2 : i32
      %broadcast_in_dim3A_202 = vector.broadcast %broadcast_in_dim3A_201 : i32 to vector<16xi32>
      %mul3A_203 = arith.mulf %get3A_42, %mul3A_182 : vector<16xf32>
      tpu.vector_store_idx %arg7[%add3A_200, %broadcast_in_dim3A_202], %mul3A_203 : memref<512x128xf32, #tpu.memory_space<vmem>>[vector<16xi32>, vector<16xi32>], vector<16xf32>,
      %mul3A_204 = arith.constant 16 : i32
      %mul3A_205 = arith.muli %scan3A_18, %mul3A_204 : i32
      %add3A_206 = vector.broadcast %mul3A_205 : i32 to vector<16xi32>
      %add3A_207 = arith.addi %add3A_206, %iota3A : vector<16xi32>
      %broadcast_in_dim3A_208 = arith.constant 3 : i32
      %broadcast_in_dim3A_209 = vector.broadcast %broadcast_in_dim3A_208 : i32 to vector<16xi32>
      %mul3A_210 = arith.mulf %get3A_50, %mul3A_182 : vector<16xf32>
      tpu.vector_store_idx %arg7[%add3A_207, %broadcast_in_dim3A_209], %mul3A_210 : memref<512x128xf32, #tpu.memory_space<vmem>>[vector<16xi32>, vector<16xi32>], vector<16xf32>,
      %mul3A_211 = arith.constant 16 : i32
      %mul3A_212 = arith.muli %scan3A_18, %mul3A_211 : i32
      %add3A_213 = vector.broadcast %mul3A_212 : i32 to vector<16xi32>
      %add3A_214 = arith.addi %add3A_213, %iota3A : vector<16xi32>
      %broadcast_in_dim3A_215 = arith.constant 4 : i32
      %broadcast_in_dim3A_216 = vector.broadcast %broadcast_in_dim3A_215 : i32 to vector<16xi32>
      %mul3A_217 = arith.mulf %get3A_58, %mul3A_182 : vector<16xf32>
      tpu.vector_store_idx %arg7[%add3A_214, %broadcast_in_dim3A_216], %mul3A_217 : memref<512x128xf32, #tpu.memory_space<vmem>>[vector<16xi32>, vector<16xi32>], vector<16xf32>,
      %mul3A_218 = arith.constant 16 : i32
      %mul3A_219 = arith.muli %scan3A_18, %mul3A_218 : i32
      %add3A_220 = vector.broadcast %mul3A_219 : i32 to vector<16xi32>
      %add3A_221 = arith.addi %add3A_220, %iota3A : vector<16xi32>
      %broadcast_in_dim3A_222 = arith.constant 5 : i32
      %broadcast_in_dim3A_223 = vector.broadcast %broadcast_in_dim3A_222 : i32 to vector<16xi32>
      %mul3A_224 = arith.mulf %get3A_66, %mul3A_182 : vector<16xf32>
      tpu.vector_store_idx %arg7[%add3A_221, %broadcast_in_dim3A_223], %mul3A_224 : memref<512x128xf32, #tpu.memory_space<vmem>>[vector<16xi32>, vector<16xi32>], vector<16xf32>,
      %mul3A_225 = arith.constant 16 : i32
      %mul3A_226 = arith.muli %scan3A_18, %mul3A_225 : i32
      %add3A_227 = vector.broadcast %mul3A_226 : i32 to vector<16xi32>
      %add3A_228 = arith.addi %add3A_227, %iota3A : vector<16xi32>
      %broadcast_in_dim3A_229 = arith.constant 6 : i32
      %broadcast_in_dim3A_230 = vector.broadcast %broadcast_in_dim3A_229 : i32 to vector<16xi32>
      %mul3A_231 = arith.mulf %get3A_74, %mul3A_182 : vector<16xf32>
      tpu.vector_store_idx %arg7[%add3A_228, %broadcast_in_dim3A_230], %mul3A_231 : memref<512x128xf32, #tpu.memory_space<vmem>>[vector<16xi32>, vector<16xi32>], vector<16xf32>,
      %mul3A_232 = arith.constant 16 : i32
      %mul3A_233 = arith.muli %scan3A_18, %mul3A_232 : i32
      %add3A_234 = vector.broadcast %mul3A_233 : i32 to vector<16xi32>
      %add3A_235 = arith.addi %add3A_234, %iota3A : vector<16xi32>
      %broadcast_in_dim3A_236 = arith.constant 7 : i32
      %broadcast_in_dim3A_237 = vector.broadcast %broadcast_in_dim3A_236 : i32 to vector<16xi32>
      %mul3A_238 = arith.mulf %get3A_82, %mul3A_182 : vector<16xf32>
      tpu.vector_store_idx %arg7[%add3A_235, %broadcast_in_dim3A_237], %mul3A_238 : memref<512x128xf32, #tpu.memory_space<vmem>>[vector<16xi32>, vector<16xi32>], vector<16xf32>,
      %mul3A_239 = arith.constant 16 : i32
      %mul3A_240 = arith.muli %scan3A_18, %mul3A_239 : i32
      %add3A_241 = vector.broadcast %mul3A_240 : i32 to vector<16xi32>
      %add3A_242 = arith.addi %add3A_241, %iota3A : vector<16xi32>
      %broadcast_in_dim3A_243 = arith.constant 8 : i32
      %broadcast_in_dim3A_244 = vector.broadcast %broadcast_in_dim3A_243 : i32 to vector<16xi32>
      %mul3A_245 = arith.mulf %get3A_90, %mul3A_182 : vector<16xf32>
      tpu.vector_store_idx %arg7[%add3A_242, %broadcast_in_dim3A_244], %mul3A_245 : memref<512x128xf32, #tpu.memory_space<vmem>>[vector<16xi32>, vector<16xi32>], vector<16xf32>,
      %mul3A_246 = arith.constant 16 : i32
      %mul3A_247 = arith.muli %scan3A_18, %mul3A_246 : i32
      %add3A_248 = vector.broadcast %mul3A_247 : i32 to vector<16xi32>
      %add3A_249 = arith.addi %add3A_248, %iota3A : vector<16xi32>
      %broadcast_in_dim3A_250 = arith.constant 9 : i32
      %broadcast_in_dim3A_251 = vector.broadcast %broadcast_in_dim3A_250 : i32 to vector<16xi32>
      %mul3A_252 = arith.mulf %get3A_98, %mul3A_182 : vector<16xf32>
      tpu.vector_store_idx %arg7[%add3A_249, %broadcast_in_dim3A_251], %mul3A_252 : memref<512x128xf32, #tpu.memory_space<vmem>>[vector<16xi32>, vector<16xi32>], vector<16xf32>,
      %mul3A_253 = arith.constant 16 : i32
      %mul3A_254 = arith.muli %scan3A_18, %mul3A_253 : i32
      %add3A_255 = vector.broadcast %mul3A_254 : i32 to vector<16xi32>
      %add3A_256 = arith.addi %add3A_255, %iota3A : vector<16xi32>
      %broadcast_in_dim3A_257 = arith.constant 10 : i32
      %broadcast_in_dim3A_258 = vector.broadcast %broadcast_in_dim3A_257 : i32 to vector<16xi32>
      %mul3A_259 = arith.mulf %get3A_106, %mul3A_182 : vector<16xf32>
      tpu.vector_store_idx %arg7[%add3A_256, %broadcast_in_dim3A_258], %mul3A_259 : memref<512x128xf32, #tpu.memory_space<vmem>>[vector<16xi32>, vector<16xi32>], vector<16xf32>,
      %mul3A_260 = arith.constant 16 : i32
      %mul3A_261 = arith.muli %scan3A_18, %mul3A_260 : i32
      %add3A_262 = vector.broadcast %mul3A_261 : i32 to vector<16xi32>
      %add3A_263 = arith.addi %add3A_262, %iota3A : vector<16xi32>
      %broadcast_in_dim3A_264 = arith.constant 11 : i32
      %broadcast_in_dim3A_265 = vector.broadcast %broadcast_in_dim3A_264 : i32 to vector<16xi32>
      %mul3A_266 = arith.mulf %get3A_114, %mul3A_182 : vector<16xf32>
      tpu.vector_store_idx %arg7[%add3A_263, %broadcast_in_dim3A_265], %mul3A_266 : memref<512x128xf32, #tpu.memory_space<vmem>>[vector<16xi32>, vector<16xi32>], vector<16xf32>,
      %mul3A_267 = arith.constant 16 : i32
      %mul3A_268 = arith.muli %scan3A_18, %mul3A_267 : i32
      %add3A_269 = vector.broadcast %mul3A_268 : i32 to vector<16xi32>
      %add3A_270 = arith.addi %add3A_269, %iota3A : vector<16xi32>
      %broadcast_in_dim3A_271 = arith.constant 12 : i32
      %broadcast_in_dim3A_272 = vector.broadcast %broadcast_in_dim3A_271 : i32 to vector<16xi32>
      %mul3A_273 = arith.mulf %get3A_122, %mul3A_182 : vector<16xf32>
      tpu.vector_store_idx %arg7[%add3A_270, %broadcast_in_dim3A_272], %mul3A_273 : memref<512x128xf32, #tpu.memory_space<vmem>>[vector<16xi32>, vector<16xi32>], vector<16xf32>,
      %mul3A_274 = arith.constant 16 : i32
      %mul3A_275 = arith.muli %scan3A_18, %mul3A_274 : i32
      %add3A_276 = vector.broadcast %mul3A_275 : i32 to vector<16xi32>
      %add3A_277 = arith.addi %add3A_276, %iota3A : vector<16xi32>
      %broadcast_in_dim3A_278 = arith.constant 13 : i32
      %broadcast_in_dim3A_279 = vector.broadcast %broadcast_in_dim3A_278 : i32 to vector<16xi32>
      %mul3A_280 = arith.mulf %get3A_130, %mul3A_182 : vector<16xf32>
      tpu.vector_store_idx %arg7[%add3A_277, %broadcast_in_dim3A_279], %mul3A_280 : memref<512x128xf32, #tpu.memory_space<vmem>>[vector<16xi32>, vector<16xi32>], vector<16xf32>,
      %mul3A_281 = arith.constant 16 : i32
      %mul3A_282 = arith.muli %scan3A_18, %mul3A_281 : i32
      %add3A_283 = vector.broadcast %mul3A_282 : i32 to vector<16xi32>
      %add3A_284 = arith.addi %add3A_283, %iota3A : vector<16xi32>
      %broadcast_in_dim3A_285 = arith.constant 14 : i32
      %broadcast_in_dim3A_286 = vector.broadcast %broadcast_in_dim3A_285 : i32 to vector<16xi32>
      %mul3A_287 = arith.mulf %get3A_138, %mul3A_182 : vector<16xf32>
      tpu.vector_store_idx %arg7[%add3A_284, %broadcast_in_dim3A_286], %mul3A_287 : memref<512x128xf32, #tpu.memory_space<vmem>>[vector<16xi32>, vector<16xi32>], vector<16xf32>,
      %mul3A_288 = arith.constant 16 : i32
      %mul3A_289 = arith.muli %scan3A_18, %mul3A_288 : i32
      %add3A_290 = vector.broadcast %mul3A_289 : i32 to vector<16xi32>
      %add3A_291 = arith.addi %add3A_290, %iota3A : vector<16xi32>
      %broadcast_in_dim3A_292 = arith.constant 15 : i32
      %broadcast_in_dim3A_293 = vector.broadcast %broadcast_in_dim3A_292 : i32 to vector<16xi32>
      %mul3A_294 = arith.mulf %get3A_146, %mul3A_182 : vector<16xf32>
      tpu.vector_store_idx %arg7[%add3A_291, %broadcast_in_dim3A_293], %mul3A_294 : memref<512x128xf32, #tpu.memory_space<vmem>>[vector<16xi32>, vector<16xi32>], vector<16xf32>,
    }
    %scan3A_11 = arith.constant 32 : i32
    "tpu.region"() ({
      %run_scoped3A = tpu.sem_alloc : memref<!tpu.dma_semaphore, #tpu.memory_space<semaphore_mem>>
      %dma_start3A = arith.constant 0 : i32
      %dma_start3A_18 = tpu.memref_slice %arg3[%dma_start3A, %mul3A_2] : memref<16x16384xf32, #tpu.memory_space<hbm>> -> memref<16x512xf32, #tpu.memory_space<hbm>>
      %dma_start3A_19 = arith.constant 0 : i32
      %dma_start3A_20 = tpu.memref_slice %arg3[%dma_start3A_19, %mul3A_2] : memref<16x16384xf32, #tpu.memory_space<hbm>> -> memref<16x512xf32, #tpu.memory_space<hbm>>
      tpu.enqueue_dma source(%dma_start3A_20 : memref<16x512xf32, #tpu.memory_space<hbm>>) target(%arg6 : memref<16x512xf32, #tpu.memory_space<vmem>>) target_semaphore(%run_scoped3A : memref<!tpu.dma_semaphore, #tpu.memory_space<semaphore_mem>>)
      %dma_wait3A = arith.constant 0 : i32
      %dma_wait3A_21 = tpu.memref_slice %arg3[%dma_wait3A, %mul3A_2] : memref<16x16384xf32, #tpu.memory_space<hbm>> -> memref<16x512xf32, #tpu.memory_space<hbm>>
      %dma_wait3A_22 = arith.constant 0 : i32
      %dma_wait3A_23 = tpu.memref_slice %arg3[%dma_wait3A_22, %mul3A_2] : memref<16x16384xf32, #tpu.memory_space<hbm>> -> memref<16x512xf32, #tpu.memory_space<hbm>>
      tpu.wait_dma2 semaphore(%run_scoped3A : memref<!tpu.dma_semaphore, #tpu.memory_space<semaphore_mem>>) src(%dma_wait3A_23 : memref<16x512xf32, #tpu.memory_space<hbm>>) dst(%arg6 : memref<16x512xf32, #tpu.memory_space<vmem>>)
      tpu.yield
    }) : () -> ()
    %scan3A_12 = arith.constant 0 : i32
    %scan3A_13 = arith.constant 0 : i32
    %scan3A_14 = arith.constant 32 : i32
    %scan3A_15 = arith.addi %scan3A_13, %scan3A_14 : i32
    %scan3A_16 = arith.constant 1 : i32
    scf.for %scan3A_18 = %scan3A_13 to %scan3A_15 step %scan3A_16  : i32 {
      %broadcast_in_dim3A_19 = arith.constant 0.000000e+00 : f32
      %broadcast_in_dim3A_20 = vector.broadcast %broadcast_in_dim3A_19 : f32 to vector<16xf32>
      %mul3A_21 = arith.constant 16 : i32
      %mul3A_22 = arith.muli %scan3A_18, %mul3A_21 : i32
      %get3A_23 = arith.constant 0 : i32
      %get3A_24 = arith.index_cast %get3A_23 : i32 to index
      %get3A_25 = arith.index_cast %mul3A_22 : i32 to index
      %get3A_26 = tpu.vector_load %arg6[%get3A_24, %get3A_25] {strides = array<i32>} : memref<16x512xf32, #tpu.memory_space<vmem>>, vector<16xf32>,
      %mul3A_27 = arith.mulf %get3A_26, %get3A_26 : vector<16xf32>
      %add3A_28 = arith.addf %broadcast_in_dim3A_20, %mul3A_27 : vector<16xf32>
      %mul3A_29 = arith.constant 16 : i32
      %mul3A_30 = arith.muli %scan3A_18, %mul3A_29 : i32
      %get3A_31 = arith.constant 1 : i32
      %get3A_32 = arith.index_cast %get3A_31 : i32 to index
      %get3A_33 = arith.index_cast %mul3A_30 : i32 to index
      %get3A_34 = tpu.vector_load %arg6[%get3A_32, %get3A_33] {strides = array<i32>} : memref<16x512xf32, #tpu.memory_space<vmem>>, vector<16xf32>,
      %mul3A_35 = arith.mulf %get3A_34, %get3A_34 : vector<16xf32>
      %add3A_36 = arith.addf %add3A_28, %mul3A_35 : vector<16xf32>
      %mul3A_37 = arith.constant 16 : i32
      %mul3A_38 = arith.muli %scan3A_18, %mul3A_37 : i32
      %get3A_39 = arith.constant 2 : i32
      %get3A_40 = arith.index_cast %get3A_39 : i32 to index
      %get3A_41 = arith.index_cast %mul3A_38 : i32 to index
      %get3A_42 = tpu.vector_load %arg6[%get3A_40, %get3A_41] {strides = array<i32>} : memref<16x512xf32, #tpu.memory_space<vmem>>, vector<16xf32>,
      %mul3A_43 = arith.mulf %get3A_42, %get3A_42 : vector<16xf32>
      %add3A_44 = arith.addf %add3A_36, %mul3A_43 : vector<16xf32>
      %mul3A_45 = arith.constant 16 : i32
      %mul3A_46 = arith.muli %scan3A_18, %mul3A_45 : i32
      %get3A_47 = arith.constant 3 : i32
      %get3A_48 = arith.index_cast %get3A_47 : i32 to index
      %get3A_49 = arith.index_cast %mul3A_46 : i32 to index
      %get3A_50 = tpu.vector_load %arg6[%get3A_48, %get3A_49] {strides = array<i32>} : memref<16x512xf32, #tpu.memory_space<vmem>>, vector<16xf32>,
      %mul3A_51 = arith.mulf %get3A_50, %get3A_50 : vector<16xf32>
      %add3A_52 = arith.addf %add3A_44, %mul3A_51 : vector<16xf32>
      %mul3A_53 = arith.constant 16 : i32
      %mul3A_54 = arith.muli %scan3A_18, %mul3A_53 : i32
      %get3A_55 = arith.constant 4 : i32
      %get3A_56 = arith.index_cast %get3A_55 : i32 to index
      %get3A_57 = arith.index_cast %mul3A_54 : i32 to index
      %get3A_58 = tpu.vector_load %arg6[%get3A_56, %get3A_57] {strides = array<i32>} : memref<16x512xf32, #tpu.memory_space<vmem>>, vector<16xf32>,
      %mul3A_59 = arith.mulf %get3A_58, %get3A_58 : vector<16xf32>
      %add3A_60 = arith.addf %add3A_52, %mul3A_59 : vector<16xf32>
      %mul3A_61 = arith.constant 16 : i32
      %mul3A_62 = arith.muli %scan3A_18, %mul3A_61 : i32
      %get3A_63 = arith.constant 5 : i32
      %get3A_64 = arith.index_cast %get3A_63 : i32 to index
      %get3A_65 = arith.index_cast %mul3A_62 : i32 to index
      %get3A_66 = tpu.vector_load %arg6[%get3A_64, %get3A_65] {strides = array<i32>} : memref<16x512xf32, #tpu.memory_space<vmem>>, vector<16xf32>,
      %mul3A_67 = arith.mulf %get3A_66, %get3A_66 : vector<16xf32>
      %add3A_68 = arith.addf %add3A_60, %mul3A_67 : vector<16xf32>
      %mul3A_69 = arith.constant 16 : i32
      %mul3A_70 = arith.muli %scan3A_18, %mul3A_69 : i32
      %get3A_71 = arith.constant 6 : i32
      %get3A_72 = arith.index_cast %get3A_71 : i32 to index
      %get3A_73 = arith.index_cast %mul3A_70 : i32 to index
      %get3A_74 = tpu.vector_load %arg6[%get3A_72, %get3A_73] {strides = array<i32>} : memref<16x512xf32, #tpu.memory_space<vmem>>, vector<16xf32>,
      %mul3A_75 = arith.mulf %get3A_74, %get3A_74 : vector<16xf32>
      %add3A_76 = arith.addf %add3A_68, %mul3A_75 : vector<16xf32>
      %mul3A_77 = arith.constant 16 : i32
      %mul3A_78 = arith.muli %scan3A_18, %mul3A_77 : i32
      %get3A_79 = arith.constant 7 : i32
      %get3A_80 = arith.index_cast %get3A_79 : i32 to index
      %get3A_81 = arith.index_cast %mul3A_78 : i32 to index
      %get3A_82 = tpu.vector_load %arg6[%get3A_80, %get3A_81] {strides = array<i32>} : memref<16x512xf32, #tpu.memory_space<vmem>>, vector<16xf32>,
      %mul3A_83 = arith.mulf %get3A_82, %get3A_82 : vector<16xf32>
      %add3A_84 = arith.addf %add3A_76, %mul3A_83 : vector<16xf32>
      %mul3A_85 = arith.constant 16 : i32
      %mul3A_86 = arith.muli %scan3A_18, %mul3A_85 : i32
      %get3A_87 = arith.constant 8 : i32
      %get3A_88 = arith.index_cast %get3A_87 : i32 to index
      %get3A_89 = arith.index_cast %mul3A_86 : i32 to index
      %get3A_90 = tpu.vector_load %arg6[%get3A_88, %get3A_89] {strides = array<i32>} : memref<16x512xf32, #tpu.memory_space<vmem>>, vector<16xf32>,
      %mul3A_91 = arith.mulf %get3A_90, %get3A_90 : vector<16xf32>
      %add3A_92 = arith.addf %add3A_84, %mul3A_91 : vector<16xf32>
      %mul3A_93 = arith.constant 16 : i32
      %mul3A_94 = arith.muli %scan3A_18, %mul3A_93 : i32
      %get3A_95 = arith.constant 9 : i32
      %get3A_96 = arith.index_cast %get3A_95 : i32 to index
      %get3A_97 = arith.index_cast %mul3A_94 : i32 to index
      %get3A_98 = tpu.vector_load %arg6[%get3A_96, %get3A_97] {strides = array<i32>} : memref<16x512xf32, #tpu.memory_space<vmem>>, vector<16xf32>,
      %mul3A_99 = arith.mulf %get3A_98, %get3A_98 : vector<16xf32>
      %add3A_100 = arith.addf %add3A_92, %mul3A_99 : vector<16xf32>
      %mul3A_101 = arith.constant 16 : i32
      %mul3A_102 = arith.muli %scan3A_18, %mul3A_101 : i32
      %get3A_103 = arith.constant 10 : i32
      %get3A_104 = arith.index_cast %get3A_103 : i32 to index
      %get3A_105 = arith.index_cast %mul3A_102 : i32 to index
      %get3A_106 = tpu.vector_load %arg6[%get3A_104, %get3A_105] {strides = array<i32>} : memref<16x512xf32, #tpu.memory_space<vmem>>, vector<16xf32>,
      %mul3A_107 = arith.mulf %get3A_106, %get3A_106 : vector<16xf32>
      %add3A_108 = arith.addf %add3A_100, %mul3A_107 : vector<16xf32>
      %mul3A_109 = arith.constant 16 : i32
      %mul3A_110 = arith.muli %scan3A_18, %mul3A_109 : i32
      %get3A_111 = arith.constant 11 : i32
      %get3A_112 = arith.index_cast %get3A_111 : i32 to index
      %get3A_113 = arith.index_cast %mul3A_110 : i32 to index
      %get3A_114 = tpu.vector_load %arg6[%get3A_112, %get3A_113] {strides = array<i32>} : memref<16x512xf32, #tpu.memory_space<vmem>>, vector<16xf32>,
      %mul3A_115 = arith.mulf %get3A_114, %get3A_114 : vector<16xf32>
      %add3A_116 = arith.addf %add3A_108, %mul3A_115 : vector<16xf32>
      %mul3A_117 = arith.constant 16 : i32
      %mul3A_118 = arith.muli %scan3A_18, %mul3A_117 : i32
      %get3A_119 = arith.constant 12 : i32
      %get3A_120 = arith.index_cast %get3A_119 : i32 to index
      %get3A_121 = arith.index_cast %mul3A_118 : i32 to index
      %get3A_122 = tpu.vector_load %arg6[%get3A_120, %get3A_121] {strides = array<i32>} : memref<16x512xf32, #tpu.memory_space<vmem>>, vector<16xf32>,
      %mul3A_123 = arith.mulf %get3A_122, %get3A_122 : vector<16xf32>
      %add3A_124 = arith.addf %add3A_116, %mul3A_123 : vector<16xf32>
      %mul3A_125 = arith.constant 16 : i32
      %mul3A_126 = arith.muli %scan3A_18, %mul3A_125 : i32
      %get3A_127 = arith.constant 13 : i32
      %get3A_128 = arith.index_cast %get3A_127 : i32 to index
      %get3A_129 = arith.index_cast %mul3A_126 : i32 to index
      %get3A_130 = tpu.vector_load %arg6[%get3A_128, %get3A_129] {strides = array<i32>} : memref<16x512xf32, #tpu.memory_space<vmem>>, vector<16xf32>,
      %mul3A_131 = arith.mulf %get3A_130, %get3A_130 : vector<16xf32>
      %add3A_132 = arith.addf %add3A_124, %mul3A_131 : vector<16xf32>
      %mul3A_133 = arith.constant 16 : i32
      %mul3A_134 = arith.muli %scan3A_18, %mul3A_133 : i32
      %get3A_135 = arith.constant 14 : i32
      %get3A_136 = arith.index_cast %get3A_135 : i32 to index
      %get3A_137 = arith.index_cast %mul3A_134 : i32 to index
      %get3A_138 = tpu.vector_load %arg6[%get3A_136, %get3A_137] {strides = array<i32>} : memref<16x512xf32, #tpu.memory_space<vmem>>, vector<16xf32>,
      %mul3A_139 = arith.mulf %get3A_138, %get3A_138 : vector<16xf32>
      %add3A_140 = arith.addf %add3A_132, %mul3A_139 : vector<16xf32>
      %mul3A_141 = arith.constant 16 : i32
      %mul3A_142 = arith.muli %scan3A_18, %mul3A_141 : i32
      %get3A_143 = arith.constant 15 : i32
      %get3A_144 = arith.index_cast %get3A_143 : i32 to index
      %get3A_145 = arith.index_cast %mul3A_142 : i32 to index
      %get3A_146 = tpu.vector_load %arg6[%get3A_144, %get3A_145] {strides = array<i32>} : memref<16x512xf32, #tpu.memory_space<vmem>>, vector<16xf32>,
      %mul3A_147 = arith.mulf %get3A_146, %get3A_146 : vector<16xf32>
      %add3A_148 = arith.addf %add3A_140, %mul3A_147 : vector<16xf32>
      %max3A = arith.maximumf %add3A_148, %broadcast_in_dim3A_6 : vector<16xf32>
      %bitcast3A = vector.bitcast %max3A : vector<16xf32> to vector<16xi32>
      %shift_right_arithmetic3A = arith.constant 1 : i32
      %shift_right_arithmetic3A_149 = vector.broadcast %shift_right_arithmetic3A : i32 to vector<16xi32>
      %shift_right_arithmetic3A_150 = arith.shrsi %bitcast3A, %shift_right_arithmetic3A_149 : vector<16xi32>
      %sub3A_151 = arith.constant 1597463007 : i32
      %sub3A_152 = vector.broadcast %sub3A_151 : i32 to vector<16xi32>
      %sub3A_153 = arith.subi %sub3A_152, %shift_right_arithmetic3A_150 : vector<16xi32>
      %bitcast3A_154 = vector.bitcast %sub3A_153 : vector<16xi32> to vector<16xf32>
      %mul3A_155 = arith.constant 5.000000e-01 : f32
      %mul3A_156 = vector.broadcast %mul3A_155 : f32 to vector<16xf32>
      %mul3A_157 = arith.mulf %mul3A_156, %max3A : vector<16xf32>
      %mul3A_158 = arith.mulf %mul3A_157, %bitcast3A_154 : vector<16xf32>
      %mul3A_159 = arith.mulf %mul3A_158, %bitcast3A_154 : vector<16xf32>
      %sub3A_160 = arith.constant 1.500000e+00 : f32
      %sub3A_161 = vector.broadcast %sub3A_160 : f32 to vector<16xf32>
      %sub3A_162 = arith.subf %sub3A_161, %mul3A_159 : vector<16xf32>
      %mul3A_163 = arith.mulf %bitcast3A_154, %sub3A_162 : vector<16xf32>
      %mul3A_164 = arith.constant 5.000000e-01 : f32
      %mul3A_165 = vector.broadcast %mul3A_164 : f32 to vector<16xf32>
      %mul3A_166 = arith.mulf %mul3A_165, %max3A : vector<16xf32>
      %mul3A_167 = arith.mulf %mul3A_166, %mul3A_163 : vector<16xf32>
      %mul3A_168 = arith.mulf %mul3A_167, %mul3A_163 : vector<16xf32>
      %sub3A_169 = arith.constant 1.500000e+00 : f32
      %sub3A_170 = vector.broadcast %sub3A_169 : f32 to vector<16xf32>
      %sub3A_171 = arith.subf %sub3A_170, %mul3A_168 : vector<16xf32>
      %mul3A_172 = arith.mulf %mul3A_163, %sub3A_171 : vector<16xf32>
      %mul3A_173 = arith.constant 5.000000e-01 : f32
      %mul3A_174 = vector.broadcast %mul3A_173 : f32 to vector<16xf32>
      %mul3A_175 = arith.mulf %mul3A_174, %max3A : vector<16xf32>
      %mul3A_176 = arith.mulf %mul3A_175, %mul3A_172 : vector<16xf32>
      %mul3A_177 = arith.mulf %mul3A_176, %mul3A_172 : vector<16xf32>
      %sub3A_178 = arith.constant 1.500000e+00 : f32
      %sub3A_179 = vector.broadcast %sub3A_178 : f32 to vector<16xf32>
      %sub3A_180 = arith.subf %sub3A_179, %mul3A_177 : vector<16xf32>
      %mul3A_181 = arith.mulf %mul3A_172, %sub3A_180 : vector<16xf32>
      %mul3A_182 = arith.mulf %sub3A_5, %mul3A_181 : vector<16xf32>
      %mul3A_183 = arith.constant 16 : i32
      %mul3A_184 = arith.muli %scan3A_18, %mul3A_183 : i32
      %add3A_185 = vector.broadcast %mul3A_184 : i32 to vector<16xi32>
      %add3A_186 = arith.addi %add3A_185, %iota3A : vector<16xi32>
      %broadcast_in_dim3A_187 = arith.constant 16 : i32
      %broadcast_in_dim3A_188 = vector.broadcast %broadcast_in_dim3A_187 : i32 to vector<16xi32>
      %mul3A_189 = arith.mulf %get3A_26, %mul3A_182 : vector<16xf32>
      tpu.vector_store_idx %arg7[%add3A_186, %broadcast_in_dim3A_188], %mul3A_189 : memref<512x128xf32, #tpu.memory_space<vmem>>[vector<16xi32>, vector<16xi32>], vector<16xf32>,
      %mul3A_190 = arith.constant 16 : i32
      %mul3A_191 = arith.muli %scan3A_18, %mul3A_190 : i32
      %add3A_192 = vector.broadcast %mul3A_191 : i32 to vector<16xi32>
      %add3A_193 = arith.addi %add3A_192, %iota3A : vector<16xi32>
      %broadcast_in_dim3A_194 = arith.constant 17 : i32
      %broadcast_in_dim3A_195 = vector.broadcast %broadcast_in_dim3A_194 : i32 to vector<16xi32>
      %mul3A_196 = arith.mulf %get3A_34, %mul3A_182 : vector<16xf32>
      tpu.vector_store_idx %arg7[%add3A_193, %broadcast_in_dim3A_195], %mul3A_196 : memref<512x128xf32, #tpu.memory_space<vmem>>[vector<16xi32>, vector<16xi32>], vector<16xf32>,
      %mul3A_197 = arith.constant 16 : i32
      %mul3A_198 = arith.muli %scan3A_18, %mul3A_197 : i32
      %add3A_199 = vector.broadcast %mul3A_198 : i32 to vector<16xi32>
      %add3A_200 = arith.addi %add3A_199, %iota3A : vector<16xi32>
      %broadcast_in_dim3A_201 = arith.constant 18 : i32
      %broadcast_in_dim3A_202 = vector.broadcast %broadcast_in_dim3A_201 : i32 to vector<16xi32>
      %mul3A_203 = arith.mulf %get3A_42, %mul3A_182 : vector<16xf32>
      tpu.vector_store_idx %arg7[%add3A_200, %broadcast_in_dim3A_202], %mul3A_203 : memref<512x128xf32, #tpu.memory_space<vmem>>[vector<16xi32>, vector<16xi32>], vector<16xf32>,
      %mul3A_204 = arith.constant 16 : i32
      %mul3A_205 = arith.muli %scan3A_18, %mul3A_204 : i32
      %add3A_206 = vector.broadcast %mul3A_205 : i32 to vector<16xi32>
      %add3A_207 = arith.addi %add3A_206, %iota3A : vector<16xi32>
      %broadcast_in_dim3A_208 = arith.constant 19 : i32
      %broadcast_in_dim3A_209 = vector.broadcast %broadcast_in_dim3A_208 : i32 to vector<16xi32>
      %mul3A_210 = arith.mulf %get3A_50, %mul3A_182 : vector<16xf32>
      tpu.vector_store_idx %arg7[%add3A_207, %broadcast_in_dim3A_209], %mul3A_210 : memref<512x128xf32, #tpu.memory_space<vmem>>[vector<16xi32>, vector<16xi32>], vector<16xf32>,
      %mul3A_211 = arith.constant 16 : i32
      %mul3A_212 = arith.muli %scan3A_18, %mul3A_211 : i32
      %add3A_213 = vector.broadcast %mul3A_212 : i32 to vector<16xi32>
      %add3A_214 = arith.addi %add3A_213, %iota3A : vector<16xi32>
      %broadcast_in_dim3A_215 = arith.constant 20 : i32
      %broadcast_in_dim3A_216 = vector.broadcast %broadcast_in_dim3A_215 : i32 to vector<16xi32>
      %mul3A_217 = arith.mulf %get3A_58, %mul3A_182 : vector<16xf32>
      tpu.vector_store_idx %arg7[%add3A_214, %broadcast_in_dim3A_216], %mul3A_217 : memref<512x128xf32, #tpu.memory_space<vmem>>[vector<16xi32>, vector<16xi32>], vector<16xf32>,
      %mul3A_218 = arith.constant 16 : i32
      %mul3A_219 = arith.muli %scan3A_18, %mul3A_218 : i32
      %add3A_220 = vector.broadcast %mul3A_219 : i32 to vector<16xi32>
      %add3A_221 = arith.addi %add3A_220, %iota3A : vector<16xi32>
      %broadcast_in_dim3A_222 = arith.constant 21 : i32
      %broadcast_in_dim3A_223 = vector.broadcast %broadcast_in_dim3A_222 : i32 to vector<16xi32>
      %mul3A_224 = arith.mulf %get3A_66, %mul3A_182 : vector<16xf32>
      tpu.vector_store_idx %arg7[%add3A_221, %broadcast_in_dim3A_223], %mul3A_224 : memref<512x128xf32, #tpu.memory_space<vmem>>[vector<16xi32>, vector<16xi32>], vector<16xf32>,
      %mul3A_225 = arith.constant 16 : i32
      %mul3A_226 = arith.muli %scan3A_18, %mul3A_225 : i32
      %add3A_227 = vector.broadcast %mul3A_226 : i32 to vector<16xi32>
      %add3A_228 = arith.addi %add3A_227, %iota3A : vector<16xi32>
      %broadcast_in_dim3A_229 = arith.constant 22 : i32
      %broadcast_in_dim3A_230 = vector.broadcast %broadcast_in_dim3A_229 : i32 to vector<16xi32>
      %mul3A_231 = arith.mulf %get3A_74, %mul3A_182 : vector<16xf32>
      tpu.vector_store_idx %arg7[%add3A_228, %broadcast_in_dim3A_230], %mul3A_231 : memref<512x128xf32, #tpu.memory_space<vmem>>[vector<16xi32>, vector<16xi32>], vector<16xf32>,
      %mul3A_232 = arith.constant 16 : i32
      %mul3A_233 = arith.muli %scan3A_18, %mul3A_232 : i32
      %add3A_234 = vector.broadcast %mul3A_233 : i32 to vector<16xi32>
      %add3A_235 = arith.addi %add3A_234, %iota3A : vector<16xi32>
      %broadcast_in_dim3A_236 = arith.constant 23 : i32
      %broadcast_in_dim3A_237 = vector.broadcast %broadcast_in_dim3A_236 : i32 to vector<16xi32>
      %mul3A_238 = arith.mulf %get3A_82, %mul3A_182 : vector<16xf32>
      tpu.vector_store_idx %arg7[%add3A_235, %broadcast_in_dim3A_237], %mul3A_238 : memref<512x128xf32, #tpu.memory_space<vmem>>[vector<16xi32>, vector<16xi32>], vector<16xf32>,
      %mul3A_239 = arith.constant 16 : i32
      %mul3A_240 = arith.muli %scan3A_18, %mul3A_239 : i32
      %add3A_241 = vector.broadcast %mul3A_240 : i32 to vector<16xi32>
      %add3A_242 = arith.addi %add3A_241, %iota3A : vector<16xi32>
      %broadcast_in_dim3A_243 = arith.constant 24 : i32
      %broadcast_in_dim3A_244 = vector.broadcast %broadcast_in_dim3A_243 : i32 to vector<16xi32>
      %mul3A_245 = arith.mulf %get3A_90, %mul3A_182 : vector<16xf32>
      tpu.vector_store_idx %arg7[%add3A_242, %broadcast_in_dim3A_244], %mul3A_245 : memref<512x128xf32, #tpu.memory_space<vmem>>[vector<16xi32>, vector<16xi32>], vector<16xf32>,
      %mul3A_246 = arith.constant 16 : i32
      %mul3A_247 = arith.muli %scan3A_18, %mul3A_246 : i32
      %add3A_248 = vector.broadcast %mul3A_247 : i32 to vector<16xi32>
      %add3A_249 = arith.addi %add3A_248, %iota3A : vector<16xi32>
      %broadcast_in_dim3A_250 = arith.constant 25 : i32
      %broadcast_in_dim3A_251 = vector.broadcast %broadcast_in_dim3A_250 : i32 to vector<16xi32>
      %mul3A_252 = arith.mulf %get3A_98, %mul3A_182 : vector<16xf32>
      tpu.vector_store_idx %arg7[%add3A_249, %broadcast_in_dim3A_251], %mul3A_252 : memref<512x128xf32, #tpu.memory_space<vmem>>[vector<16xi32>, vector<16xi32>], vector<16xf32>,
      %mul3A_253 = arith.constant 16 : i32
      %mul3A_254 = arith.muli %scan3A_18, %mul3A_253 : i32
      %add3A_255 = vector.broadcast %mul3A_254 : i32 to vector<16xi32>
      %add3A_256 = arith.addi %add3A_255, %iota3A : vector<16xi32>
      %broadcast_in_dim3A_257 = arith.constant 26 : i32
      %broadcast_in_dim3A_258 = vector.broadcast %broadcast_in_dim3A_257 : i32 to vector<16xi32>
      %mul3A_259 = arith.mulf %get3A_106, %mul3A_182 : vector<16xf32>
      tpu.vector_store_idx %arg7[%add3A_256, %broadcast_in_dim3A_258], %mul3A_259 : memref<512x128xf32, #tpu.memory_space<vmem>>[vector<16xi32>, vector<16xi32>], vector<16xf32>,
      %mul3A_260 = arith.constant 16 : i32
      %mul3A_261 = arith.muli %scan3A_18, %mul3A_260 : i32
      %add3A_262 = vector.broadcast %mul3A_261 : i32 to vector<16xi32>
      %add3A_263 = arith.addi %add3A_262, %iota3A : vector<16xi32>
      %broadcast_in_dim3A_264 = arith.constant 27 : i32
      %broadcast_in_dim3A_265 = vector.broadcast %broadcast_in_dim3A_264 : i32 to vector<16xi32>
      %mul3A_266 = arith.mulf %get3A_114, %mul3A_182 : vector<16xf32>
      tpu.vector_store_idx %arg7[%add3A_263, %broadcast_in_dim3A_265], %mul3A_266 : memref<512x128xf32, #tpu.memory_space<vmem>>[vector<16xi32>, vector<16xi32>], vector<16xf32>,
      %mul3A_267 = arith.constant 16 : i32
      %mul3A_268 = arith.muli %scan3A_18, %mul3A_267 : i32
      %add3A_269 = vector.broadcast %mul3A_268 : i32 to vector<16xi32>
      %add3A_270 = arith.addi %add3A_269, %iota3A : vector<16xi32>
      %broadcast_in_dim3A_271 = arith.constant 28 : i32
      %broadcast_in_dim3A_272 = vector.broadcast %broadcast_in_dim3A_271 : i32 to vector<16xi32>
      %mul3A_273 = arith.mulf %get3A_122, %mul3A_182 : vector<16xf32>
      tpu.vector_store_idx %arg7[%add3A_270, %broadcast_in_dim3A_272], %mul3A_273 : memref<512x128xf32, #tpu.memory_space<vmem>>[vector<16xi32>, vector<16xi32>], vector<16xf32>,
      %mul3A_274 = arith.constant 16 : i32
      %mul3A_275 = arith.muli %scan3A_18, %mul3A_274 : i32
      %add3A_276 = vector.broadcast %mul3A_275 : i32 to vector<16xi32>
      %add3A_277 = arith.addi %add3A_276, %iota3A : vector<16xi32>
      %broadcast_in_dim3A_278 = arith.constant 29 : i32
      %broadcast_in_dim3A_279 = vector.broadcast %broadcast_in_dim3A_278 : i32 to vector<16xi32>
      %mul3A_280 = arith.mulf %get3A_130, %mul3A_182 : vector<16xf32>
      tpu.vector_store_idx %arg7[%add3A_277, %broadcast_in_dim3A_279], %mul3A_280 : memref<512x128xf32, #tpu.memory_space<vmem>>[vector<16xi32>, vector<16xi32>], vector<16xf32>,
      %mul3A_281 = arith.constant 16 : i32
      %mul3A_282 = arith.muli %scan3A_18, %mul3A_281 : i32
      %add3A_283 = vector.broadcast %mul3A_282 : i32 to vector<16xi32>
      %add3A_284 = arith.addi %add3A_283, %iota3A : vector<16xi32>
      %broadcast_in_dim3A_285 = arith.constant 30 : i32
      %broadcast_in_dim3A_286 = vector.broadcast %broadcast_in_dim3A_285 : i32 to vector<16xi32>
      %mul3A_287 = arith.mulf %get3A_138, %mul3A_182 : vector<16xf32>
      tpu.vector_store_idx %arg7[%add3A_284, %broadcast_in_dim3A_286], %mul3A_287 : memref<512x128xf32, #tpu.memory_space<vmem>>[vector<16xi32>, vector<16xi32>], vector<16xf32>,
      %mul3A_288 = arith.constant 16 : i32
      %mul3A_289 = arith.muli %scan3A_18, %mul3A_288 : i32
      %add3A_290 = vector.broadcast %mul3A_289 : i32 to vector<16xi32>
      %add3A_291 = arith.addi %add3A_290, %iota3A : vector<16xi32>
      %broadcast_in_dim3A_292 = arith.constant 31 : i32
      %broadcast_in_dim3A_293 = vector.broadcast %broadcast_in_dim3A_292 : i32 to vector<16xi32>
      %mul3A_294 = arith.mulf %get3A_146, %mul3A_182 : vector<16xf32>
      tpu.vector_store_idx %arg7[%add3A_291, %broadcast_in_dim3A_293], %mul3A_294 : memref<512x128xf32, #tpu.memory_space<vmem>>[vector<16xi32>, vector<16xi32>], vector<16xf32>,
    }
    %scan3A_17 = arith.constant 32 : i32
    "tpu.region"() ({
      %run_scoped3A = tpu.sem_alloc : memref<!tpu.dma_semaphore, #tpu.memory_space<semaphore_mem>>
      %dma_start3A = arith.constant 0 : i32
      %dma_start3A_18 = tpu.memref_slice %arg5[%mul3A_2, %dma_start3A] : memref<16384x128xf32, #tpu.memory_space<hbm>> -> memref<512x128xf32, #tpu.memory_space<hbm>>
      %dma_start3A_19 = arith.constant 0 : i32
      %dma_start3A_20 = tpu.memref_slice %arg5[%mul3A_2, %dma_start3A_19] : memref<16384x128xf32, #tpu.memory_space<hbm>> -> memref<512x128xf32, #tpu.memory_space<hbm>>
      tpu.enqueue_dma source(%arg7 : memref<512x128xf32, #tpu.memory_space<vmem>>) target(%dma_start3A_20 : memref<512x128xf32, #tpu.memory_space<hbm>>) target_semaphore(%run_scoped3A : memref<!tpu.dma_semaphore, #tpu.memory_space<semaphore_mem>>)
      %dma_wait3A = arith.constant 0 : i32
      %dma_wait3A_21 = tpu.memref_slice %arg5[%mul3A_2, %dma_wait3A] : memref<16384x128xf32, #tpu.memory_space<hbm>> -> memref<512x128xf32, #tpu.memory_space<hbm>>
      %dma_wait3A_22 = arith.constant 0 : i32
      %dma_wait3A_23 = tpu.memref_slice %arg5[%mul3A_2, %dma_wait3A_22] : memref<16384x128xf32, #tpu.memory_space<hbm>> -> memref<512x128xf32, #tpu.memory_space<hbm>>
      tpu.wait_dma2 semaphore(%run_scoped3A : memref<!tpu.dma_semaphore, #tpu.memory_space<semaphore_mem>>) src(%arg7 : memref<512x128xf32, #tpu.memory_space<vmem>>) dst(%dma_wait3A_23 : memref<512x128xf32, #tpu.memory_space<hbm>>)
      tpu.yield
    }) : () -> ()
    return
  }
}

</mosaic_0001>

<sc_bundles>
// kernel: kernel.4.cloned.1.call-start
scs
__scs_entry_jumppad:
0x0: {  	(pc) =	sbr.rel $0x88, $3  }
0x1: {  	(tag) =	ssettag $0x0;
	lr =	simm.s32 $0x1  }
0x2: {  	[smem:$0x3F9B] =	sst lr;
	_ =	strace $0xD0000000  }
0x3: {  	_ = 	snop  }
0x4: {  	_ = 	snop  }
0x5: {  	_ = 	snop  }
0x6: {  	_ = 	snop  }
0x7: {  	_ = 	snop  }
__scs_overlays_trampoline_lowered:
0x8: {  	[smem:$0x3FAA] =	sst s0  }
0x9: {  	[smem:$0x3FAB] =	sst s1  }
0xa: {  	[smem:$0x3FAC] =	sst s2  }
0xb: {  	[smem:$0x3FAD] =	sst s3  }
0xc: {  	[smem:$0x3FAE] =	sst s4  }
0xd: {  	[smem:$0x3FAF] =	sst s5  }
0xe: {  	[smem:$0x3FB0] =	sst s6  }
0xf: {  	[smem:$0x3FB1] =	sst s7  }
0x10: {  	[smem:$0x3FB2] =	sst s8  }
0x11: {  	[smem:$0x3FB3] =	sst s9;
	s0 =	simm.s32 @!p0 $0x0  }
0x12: {  	s1 =	sld [smem:$0x3F99];
	s0 =	simm.s32 @p0 $0x1  }
0x13: {  	[smem:$0x3FB4] =	sst s0;
	s0 =	simm.s32 @!p1 $0x0  }
0x14: {  	s2 =	sld [smem:$0x3F98];
	s0 =	simm.s32 @p1 $0x1  }
0x15: {  	[smem:$0x3FB5] =	sst s0;
	s0 =	simm.s32 @!p2 $0x0  }
0x16: {  	s3 =	sld [smem:$0x3FDB];
	s0 =	simm.s32 @p2 $0x1  }
0x17: {  	s4 =	simm.s32 $0x1BF5;
	[smem:$0x3FB7] =	sst s0  }
0x18: {  	s0 =	sld [smem:$0x3F9A];
	_ =	swait.ge [sflag:s4], $0x0  }
0x19: {  	s7 =	sld [smem:$0x3F9B]  }
0x1a: {  	s8 =	sadd.s32 $0xFFFFE003, lr  }
0x1b: {  	s9 =	sadd.s32 $0xFFFFFEF7, lr;
	s5 =	simm.s32 $0xFFFFFFFF;
	p2 =	slt.u32 s8, $0xFFFFF086  }
0x1c: {  	p1 =	slt.u32 s9, $0xF7A;
	s5 =	simm.s32 @!p2 $0x0  }
0x1d: {  	s5 =	simm.s32 @p1 $0x1;
	p0 =	seq.s32 s7, s2  }
0x1e: {  	s7 =	smul.u32 @!p0 $0xF7A, s2;
	p2 =	seq.s32 @!p0 s5, $0x0  }
0x1f: {  	s9 =	smul.u32 $0xF7A, s1;
	s8 =	simm.s32 @!p0 $0x1BF5;
	p2 =	por !p2, p0  }
0x20: {  	[sflag:s8] =	ssyncset.s32 @!p0 $0xFFFFF086;
	s6 =	sadd.s32 @!p0 s3, s7;
	s7 =	simm.s32 @!p0 $0x108  }
0x21: {  	s3 =	sadd.s32 s3, s9;
	s6 =	sadd.s32 @!p0 $0x88, s6;
	s7 =	simm.s32 @p2 $0x1082  }
0x22: {  	[simem:s7], [sflag:s8] =	dma.local @!p0 [hbm:s6], $0xF7A  }
0x23: {  	s9 =	sor.u32 $0xD0000000, s2;
	s6 =	simm.s32 $0x108;
	_ =	swait.ge @!p0 [sflag:s8], $0x0  }
0x24: {  	s3 =	sadd.s32 $0x88, s3;
	s6 =	simm.s32 @!p1 $0x1082;
	[sflag:s4] =	ssyncset.s32 $0xFFFFF086  }
0x25: {  	[simem:s6], [sflag:s4] =	dma.local [hbm:s3], $0xF7A  }
0x26: {  	[smem:$0x3F9B] =	sst s1;
	(tag) =	ssettag s2;
	_ =	strace s9  }
0x27: {  	s1 =	sld [smem:$0x3FAB]  }
0x28: {  	s2 =	sld [smem:$0x3FAC]  }
0x29: {  	s4 =	sld [smem:$0x3FAE]  }
0x2a: {  	p0 =	seq.s32 s5, $0x0;
	s5 =	sld [smem:$0x3FAF]  }
0x2b: {  	s6 =	sld [smem:$0x3FB0]  }
0x2c: {  	s7 =	sld [smem:$0x3FB1]  }
0x2d: {  	s3 =	simm.s32 $0x108;
	s8 =	sld [smem:$0x3FB2]  }
0x2e: {  	s3 =	simm.s32 @!p0 $0x1082;
	s9 =	sld [smem:$0x3FB3]  }
0x2f: {  	lr =	sadd.s32 s0, s3;
	s0 =	sld [smem:$0x3FAA]  }
0x30: {  	s3 =	sld [smem:$0x3FAD]  }
0x31: {  	[smem:$0x3FB6] =	sst s10  }
0x32: {  	s10 =	sld [smem:$0x3FB4];
	_ =	sdelay $0x3  }
0x33: {  	p0 =	seq.s32 s10, $0x1;
	s10 =	sld [smem:$0x3FB6];
	_ =	sdelay $0x3  }
0x34: {  	[smem:$0x3FB6] =	sst s10  }
0x35: {  	s10 =	sld [smem:$0x3FB5];
	_ =	sdelay $0x3  }
0x36: {  	p1 =	seq.s32 s10, $0x1;
	s10 =	sld [smem:$0x3FB6];
	_ =	sdelay $0x3  }
0x37: {  	[smem:$0x3FB6] =	sst s10  }
0x38: {  	s10 =	sld [smem:$0x3FB7]  }
0x39: {  	_ = 	snop;
	(pc) =	sbr.ind lr, $3  }
0x3a: {  	_ = 	snop  }
0x3b: {  	_ = 	snop  }
0x3c: {  	p2 =	seq.s32 s10, $0x1;
	s10 =	sld [smem:$0x3FB6]  }
0x3d: {  	_ =	shalt  }
0x3e: {  	_ =	shalt  }
0x3f: {  	_ =	shalt  }
0x40: {  	_ =	shalt  }
0x41: {  	_ =	shalt  }
0x42: {  	_ =	shalt  }
0x43: {  	_ =	shalt  }
0x44: {  	_ =	shalt  }
0x45: {  	_ =	shalt  }
0x46: {  	_ =	shalt  }
0x47: {  	_ =	shalt  }
0x48: {  	_ =	shalt  }
0x49: {  	_ =	shalt  }
0x4a: {  	_ =	shalt  }
0x4b: {  	_ =	shalt  }
0x4c: {  	_ =	shalt  }
0x4d: {  	_ =	shalt  }
0x4e: {  	_ =	shalt  }
0x4f: {  	_ =	shalt  }
0x50: {  	_ =	shalt  }
0x51: {  	_ =	shalt  }
0x52: {  	_ =	shalt  }
0x53: {  	_ =	shalt  }
0x54: {  	_ =	shalt  }
0x55: {  	_ =	shalt  }
0x56: {  	_ =	shalt  }
0x57: {  	_ =	shalt  }
0x58: {  	_ =	shalt  }
0x59: {  	_ =	shalt  }
0x5a: {  	_ =	shalt  }
0x5b: {  	_ =	shalt  }
0x5c: {  	_ =	shalt  }
0x5d: {  	_ =	shalt  }
0x5e: {  	_ =	shalt  }
0x5f: {  	_ =	shalt  }
0x60: {  	_ =	shalt  }
0x61: {  	_ =	shalt  }
0x62: {  	_ =	shalt  }
0x63: {  	_ =	shalt  }
0x64: {  	_ =	shalt  }
0x65: {  	_ =	shalt  }
0x66: {  	_ =	shalt  }
0x67: {  	_ =	shalt  }
0x68: {  	_ =	shalt  }
0x69: {  	_ =	shalt  }
0x6a: {  	_ =	shalt  }
0x6b: {  	_ =	shalt  }
0x6c: {  	_ =	shalt  }
0x6d: {  	_ =	shalt  }
0x6e: {  	_ =	shalt  }
0x6f: {  	_ =	shalt  }
0x70: {  	_ =	shalt  }
0x71: {  	_ =	shalt  }
0x72: {  	_ =	shalt  }
0x73: {  	_ =	shalt  }
0x74: {  	_ =	shalt  }
0x75: {  	_ =	shalt  }
0x76: {  	_ =	shalt  }
0x77: {  	_ =	shalt  }
0x78: {  	_ =	shalt  }
0x79: {  	_ =	shalt  }
0x7a: {  	_ =	shalt  }
0x7b: {  	_ =	shalt  }
0x7c: {  	_ =	shalt  }
0x7d: {  	_ =	shalt  }
0x7e: {  	_ =	shalt  }
0x7f: {  	_ =	shalt  }
0x80: {  	_ =	shalt  }
0x81: {  	_ =	shalt  }
0x82: {  	_ =	shalt  }
0x83: {  	_ =	shalt  }
0x84: {  	_ =	shalt  }
0x85: {  	_ =	shalt  }
0x86: {  	_ =	shalt  }
0x87: {  	_ =	shalt  }
.Lfunc_end0:
.L_simem_size_0:
called_computation_lowered:
.L_overlay_start_0:
0x88: {  	s2 =	sld [smem:$0x3FD9]  }
0x89: {  	s3 =	sld [smem:$0x3FFE];
	_ =	sdelay $0x1  }
0x8a: {  	s1 =	srdreg.scid  }
0x8b: {  	s0 =	sand.u32 $0x1, s1  }
0x8c: {  	s17 =	sshll.u32 s0, $0xA;
	s2 =	sadd.s32 s3, s2  }
0x8d: {  	s2 =	sadd.s32 s2, s17  }
0x8e: {  	[smem:$0x3FC2] =	sst s2  }
0x8f: {  	_ = 	snop  }
0x90: {  	s2 =	sld [smem:$0x3FC6]  }
0x91: {  	s18 =	sld [smem:$0x3FC5];
	(tm) =	ssettm $0x1  }
0x92: {  	s4 =	sld [smem:$0x3FFB];
	_ =	sdelay $0x3  }
0x93: {  	_ =	strace s4  }
0x94: {  	s4 =	sld [smem:$0x3FFC];
	_ =	sdelay $0x3  }
0x95: {  	_ =	strace s4  }
0x96: {  	s4 =	sld [smem:$0x3FFD];
	_ =	sdelay $0x3  }
0x97: {  	_ =	strace s4  }
0x98: {  	_ =	strace $0x8FFFFFFF  }
0x99: {  	s19 =	sld [smem:$0x3FDB];
	_ =	sdelay $0x1  }
0x9a: {  	s5 =	simm.s32 $_scs_section_size  }
0x9b: {  	s6 =	simm.s32 $_size__tile_overlayer_lowered;
	s7 =	simm.s32 $_tile_overlayer_lowered  }
0x9c: {  	s22 =	simm.s32 $0x1BFF;
	s21 =	sshll.u32 s7, $0x1;
	s4 =	sadd.s32 s5, s19  }
0x9d: {  	s8 =	simm.s32 $0x0;
	s20 =	sshll.u32 s6, $0x1;
	s6 =	sadd.s32 s21, s4  }
0x9e: {  	[timem:s8], [sflag:s22] =	dma.local [hbm:s6], s20  }
0x9f: {  	_ =	swait.ge [sflag:s22], s20  }
0xa0: {  	s5 =	ssub.s32 $0x0, s20;
	[sflag:s22] =	ssyncset.done $0x0  }
0xa1: {  	[sflag:s22] =	ssyncadd.s32 s5;
	_ =	sdelay $0x1  }
0xa2: {  	s23 =	simm.s32 $0x1B8B  }
0xa3: {  	_ =	swait.ge [sflag:s23], $0x1  }
0xa4: {  	[sflag:s23] =	ssyncset.done $0x0  }
0xa5: {  	s25 =	simm.s32 $0x1B8E;
	s24 =	sld [smem:$0x3FFE];
	[sflag:s23] =	ssyncadd.s32 $0xFFFFFFFF  }
0xa6: {  	s26 =	simm.s32 $execute0_lowered;
	[smem:$0x3FD2] =	sst s25  }
0xa7: {  	s6 =	sshll.u32 s26, $0x1;
	_ =	strace $0x80000046;
	[dreg:$0x1] =	wrdreg $0xFFFFFFFF  }
0xa8: {  	s28 =	simm.s32 $_size_execute0_lowered;
	s4 =	sadd.s32 s4, s6;
	[dreg:$0x0] =	wrdreg $0x0  }
0xa9: {  	s6 =	sshll.u32 s28, $0x1;
	[dreg:$0x2] =	wrdreg s4  }
0xaa: {  	[dreg:$0x3] =	wrdreg s6  }
0xab: {  	[dreg:$0x4] =	wrdreg $0xC0  }
0xac: {  	_ =	task [dreg:s8], $0x5FFFF  }
0xad: {  	[dreg:$0x1] =	wrdreg $0xFFFFFFFF  }
0xae: {  	[dreg:$0x0] =	wrdreg $0x60  }
0xaf: {  	[dreg:$0x2] =	wrdreg s2  }
0xb0: {  	[dreg:$0x3] =	wrdreg s18  }
0xb1: {  	[dreg:$0x4] =	wrdreg s24  }
0xb2: {  	[dreg:$0x5] =	wrdreg $0x9  }
0xb3: {  	_ =	task.clear_ibuf [dreg:s8], $0x6FFFF;
	_ =	strace $0x90000046  }
0xb4: {  	s29 =	simm.s32 $0x9;
	_ =	strace $0x80000048  }
0xb5: {  	_ =	swait.ge [sflag:s29], $0x1  }
0xb6: {  	[sflag:s29] =	ssyncadd.s32 $0xFFFFFFFF  }
0xb7: {  	_ =	strace $0x90000048  }
0xb8: {  	_ =	sfence  }
0xb9: {  	s30 =	sld [smem:$0x0];
	_ =	sdelay $0x2  }
0xba: {  	s31 =	sshll.u32 s1, $0xD;
	s1 =	sshrl.u32 s1, $0x2  }
0xbb: {  	s3 =	sand.u32 $0x4000, s31;
	s1 =	sadd.s32 s1, s30  }
0xbc: {  	s0 =	sor.u32 s3, s0;
	s1 =	sshll.u32 s1, $0x11  }
0xbd: {  	s0 =	sor.u32 s1, s0  }
0xbe: {  	s0 =	sadd.s32 $0x8F2B, s0  }
0xbf: {  	[sflag:s0] =	ssyncadd.remote.s32 $0x1  }
0xc0: {  	_ =	sfence.sel $0xFFFF  }
0xc1: {  	[dreg:$0x0] =	wrdreg $0xFFFFFFFF;
	(pc) =	sbr.abs _section_cstart, $3  }
0xc2: {  	[dreg:$0x1] =	wrdreg $0xFFFFFFFF  }
0xc3: {  	_ =	task.clear_ibuf [dreg:s8], $0x2FFFF;
	_ =	strace $0x9FFFFFFF  }
0xc4: {  	(tm) =	ssettm $0x7FFFFFFF  }
0xc5: {  	_ =	shalt  }
tec
execute0_lowered:
.L_overlay_start_1:
0x0: {  	(tag) =	ssettag $0x1  }
0x1: {  	s4 =	rddreg [dreg:$0x0]  }
0x2: {  	s5 =	rddreg [dreg:$0x1]  }
0x3: {  	s6 =	rddreg [dreg:$0x2]  }
0x4: {  	s0 =	rddreg [dreg:$0x3];
	s3 =	srdreg.scid  }
0x5: {  	s2 =	simm.s32 $0x0;
	s1 =	stileid.u32;
	s11 =	simm.s32 $0x20000  }
0x6: {  	s12 =	simm.s32 $0x2000;
	s13 =	simm.s32 $0x0;
	s3 =	sand.u32 $0x1, s3  }
0x7: {  	[smem:$0x7FF] =	sst s2;
	s7 =	sshll.u32 s1, $0xA;
	s8 =	sshll.u32 s3, $0x9  }
0x8: {  	_ =	strace $0x80000047;
	s31 =	ssub.s32 $0x2, s3;
	s7 =	sor.u32 s8, s7  }
0x9: {  	s3 =	sadd.s32 $0xC00, s6;
	s10 =	sshrl.u32 s31, $0x1;
	s9 =	sshll.u32 s7, $0x4  }
0xa: {  	s8 =	ssub.s32 s31, s10;
	s4 =	sadd.s32 s4, s7;
	s5 =	sadd.s32 s5, s7  }
0xb: {  	v0 =	vlaneseq.u32;
	s10 =	simm.s32 $0x1000;
	s6 =	sadd.s32 s9, s6;
	s7 =	smax.u32 s8, $0x1  }
0xc: {  	v0 =	vmul.u32 $0x80, v0;
	s8 =	simm.s32 $0x12000;
	s9 =	simm.s32 $0x1;
	s6 =	sadd.s32 $0xE00, s6  }
.LBB2_1:
0xd: {  	[tilespmem:s8], [sflag:$0x1] =	stream.linear.gather [hbm4b:s3+s2], $0x80, $0x38;
	[tilespmem:$0x12080] =	vst v63  }
0xe: {  	_ =	swait.ge [sflag:s9], $0x80  }
0xf: {  	[sflag:s9] =	ssyncset.done $0x0  }
0x10: {  	[sflag:s9] =	ssyncadd.s32 $0xFFFFFF80  }
0x11: {  	v1 =	vld [tilespmem:$0x12000];
	[tilespmem:s2], [sflag:$0x1] =	stream.strided.gather [hbm4b:s4+s10], $0x2000, s11, s10, $0x38  }
0x12: {  	_ =	swait.ge [sflag:s9], $0x2000  }
0x13: {  	s14 =	sand.u32 $0x70, s2;
	s15 =	sand.u32 $0xC00, s2;
	[sflag:s9] =	ssyncset.done $0x0  }
0x14: {  	s14 =	sor.u32 s14, s15;
	[sflag:s9] =	ssyncadd.s32 $0xFFFFE000  }
0x15: {  	v2 =	vld [tilespmem:s14+$0x80]  }
0x16: {  	v3 =	vld [tilespmem:s14+$0x0];
	_ =	sdelay $0x1  }
0x17: {  	v4 =	vld [tilespmem:s14+$0x100];
	_ =	sdelay $0x1  }
0x18: {  	v5 =	vld [tilespmem:s14+$0x180]  }
0x19: {  	v6 =	vmul.f32 v2, v2;
	v7 =	vmul.f32 v3, v3  }
0x1a: {  	v8 =	vld [tilespmem:s14+$0x200]  }
0x1b: {  	v9 =	vmul.f32 v4, v4;
	v6 =	vadd.f32 v6, v7  }
0x1c: {  	v7 =	vld [tilespmem:s14+$0x280]  }
0x1d: {  	v10 =	vmul.f32 v5, v5;
	v6 =	vadd.f32 v9, v6  }
0x1e: {  	s31 =	sor.u32 s2, s2;
	v42 =	vld [tilespmem:s14+$0x300]  }
0x1f: {  	s15 =	sor.u32 $0x380, s31;
	v11 =	vmul.f32 v8, v8;
	v6 =	vadd.f32 v10, v6  }
0x20: {  	v43 =	vld [tilespmem:s15+$0x0]  }
0x21: {  	v12 =	vmul.f32 v7, v7;
	v6 =	vadd.f32 v11, v6  }
0x22: {  	v44 =	vld [tilespmem:s14+$0x1000]  }
0x23: {  	v13 =	vmul.f32 v42, v42;
	v6 =	vadd.f32 v12, v6  }
0x24: {  	v45 =	vld [tilespmem:s14+$0x1080]  }
0x25: {  	v14 =	vmul.f32 v43, v43;
	v6 =	vadd.f32 v13, v6  }
0x26: {  	v46 =	vld [tilespmem:s14+$0x1100]  }
0x27: {  	v15 =	vmul.f32 v44, v44;
	v6 =	vadd.f32 v14, v6  }
0x28: {  	v47 =	vld [tilespmem:s14+$0x1180]  }
0x29: {  	v16 =	vmul.f32 v45, v45;
	v6 =	vadd.f32 v15, v6  }
0x2a: {  	v48 =	vld [tilespmem:s14+$0x1200]  }
0x2b: {  	v17 =	vmul.f32 v46, v46;
	v6 =	vadd.f32 v16, v6  }
0x2c: {  	v49 =	vld [tilespmem:s14+$0x1280]  }
0x2d: {  	v18 =	vmul.f32 v47, v47;
	v6 =	vadd.f32 v17, v6  }
0x2e: {  	v50 =	vld [tilespmem:s14+$0x1300]  }
0x2f: {  	v19 =	vmul.f32 v48, v48;
	v6 =	vadd.f32 v18, v6  }
0x30: {  	v51 =	vld [tilespmem:s14+$0x1380]  }
0x31: {  	v20 =	vmul.f32 v49, v49;
	v6 =	vadd.f32 v19, v6;
	_ =	sdelay $0x1  }
0x32: {  	v52 =	vmul.f32 v50, v50;
	v6 =	vadd.f32 v20, v6;
	_ =	sdelay $0x1  }
0x33: {  	v53 =	vmul.f32 v51, v51;
	v6 =	vadd.f32 v52, v6;
	_ =	sdelay $0x1  }
0x34: {  	v6 =	vadd.f32 v53, v6;
	_ =	sdelay $0x1  }
0x35: {  	v6 =	vmax.f32 v6, $1.000000020e-24  }
0x36: {  	v54 =	vshra.s32 v6, $0x1;
	v6 =	vmul.f32 $5.000000000e-01, v6  }
0x37: {  	v19 =	vsub.s32 $0x5F3759DF, v54  }
0x38: {  	v55 =	vmul.f32 v19, v6;
	_ =	sdelay $0x1  }
0x39: {  	v20 =	vmul.f32 v19, v55;
	_ =	sdelay $0x1  }
0x3a: {  	v20 =	vsub.f32 $1.500000000e+00, v20;
	_ =	sdelay $0x1  }
0x3b: {  	v19 =	vmul.f32 v19, v20;
	_ =	sdelay $0x1  }
0x3c: {  	v20 =	vmul.f32 v19, v6;
	_ =	sdelay $0x1  }
0x3d: {  	v20 =	vmul.f32 v20, v19;
	_ =	sdelay $0x1  }
0x3e: {  	v20 =	vsub.f32 $1.500000000e+00, v20;
	_ =	sdelay $0x1  }
0x3f: {  	v19 =	vmul.f32 v20, v19;
	_ =	sdelay $0x1  }
0x40: {  	v6 =	vmul.f32 v19, v6;
	_ =	sdelay $0x1  }
0x41: {  	v6 =	vmul.f32 v6, v19;
	_ =	sdelay $0x1  }
0x42: {  	v6 =	vsub.f32 $1.500000000e+00, v6  }
0x43: {  	v56 =	vmov s2  }
0x44: {  	v1 =	vsub.f32 $1.000000000e+00, v1;
	v20 =	vshll.u32 v56, $0x7;
	v6 =	vmul.f32 v6, v19  }
0x45: {  	v57 =	vor.u32 v0, v20  }
0x46: {  	v20 =	vor.u32 $0x1, v57;
	v6 =	vmul.f32 v6, v1  }
0x47: {  	v21 =	vor.u32 $0x2, v57  }
0x48: {  	v22 =	vor.u32 $0x3, v57;
	v3 =	vmul.f32 v6, v3  }
0x49: {  	v23 =	vor.u32 $0x4, v57;
	v2 =	vmul.f32 v6, v2  }
0x4a: {  	v24 =	vor.u32 $0x5, v57;
	v4 =	vmul.f32 v6, v4;
	[tilespmem:v57+s12+$0x0] =	vst.idx.msk $0xffff, v3  }
0x4b: {  	v3 =	vmul.f32 v6, v5;
	v5 =	vor.u32 $0x6, v57;
	[tilespmem:v20+s12+$0x0] =	vst.idx.msk $0xffff, v2  }
0x4c: {  	v58 =	vor.u32 $0x7, v57;
	v2 =	vmul.f32 v6, v8;
	[tilespmem:v21+s12+$0x0] =	vst.idx.msk $0xffff, v4  }
0x4d: {  	v4 =	vmul.f32 v6, v7;
	v7 =	vor.u32 $0x8, v57;
	[tilespmem:v22+s12+$0x0] =	vst.idx.msk $0xffff, v3  }
0x4e: {  	v59 =	vor.u32 $0x9, v57;
	v3 =	vmul.f32 v6, v42;
	[tilespmem:v23+s12+$0x0] =	vst.idx.msk $0xffff, v2  }
0x4f: {  	v60 =	vor.u32 $0xA, v57;
	v2 =	vmul.f32 v6, v43;
	[tilespmem:v24+s12+$0x0] =	vst.idx.msk $0xffff, v4  }
0x50: {  	v61 =	vor.u32 $0xB, v57;
	v4 =	vmul.f32 v6, v44;
	[tilespmem:v5+s12+$0x0] =	vst.idx.msk $0xffff, v3  }
0x51: {  	v3 =	vmul.f32 v6, v45;
	v5 =	vor.u32 $0xC, v57;
	[tilespmem:v58+s12+$0x0] =	vst.idx.msk $0xffff, v2  }
0x52: {  	v2 =	vmul.f32 v6, v46;
	[tilespmem:v7+s12+$0x0] =	vst.idx.msk $0xffff, v4  }
0x53: {  	v4 =	vmul.f32 v6, v47;
	[tilespmem:v59+s12+$0x0] =	vst.idx.msk $0xffff, v3  }
0x54: {  	v62 =	vor.u32 $0xD, v57;
	v7 =	vmul.f32 v6, v48;
	[tilespmem:v60+s12+$0x0] =	vst.idx.msk $0xffff, v2  }
0x55: {  	[tilespmem:v61+s12+$0x0] =	vst.idx.msk $0xffff, v4  }
0x56: {  	[tilespmem:v5+s12+$0x0] =	vst.idx.msk $0xffff, v7;
	v5 =	vor.u32 $0xE, v57  }
0x57: {  	v63 =	vmul.f32 v6, v49;
	v4 =	vor.u32 $0xF, v57  }
0x58: {  	s14 =	simm.s32 $0x10  }
0x59: {  	s19 =	simm.s32 $0x20;
	s15 =	simm.s32 $0x80;
	s16 =	sand.u32 $0x70, s14;
	v3 =	vmul.f32 v6, v50;
	v2 =	vmul.f32 v6, v51;
	[tilespmem:v62+s12+$0x0] =	vst.idx.msk $0xffff, v63  }
.LBB2_2:
0x5a: {  	s20 =	sand.u32 $0x70, s19  }
0x5b: {  	s21 =	sand.u32 $0xC00, s15;
	[tilespmem:v5+s12+$0x0] =	vst.idx.msk $0xffff, v3;
	s18 =	smov.u32 s19;
	s17 =	sadd.s32 $0x10, s19  }
0x5c: {  	p0 =	sne.s32 s19, $0x1F0;
	s19 =	sor.u32 s16, s21;
	[tilespmem:v4+s12+$0x0] =	vst.idx.msk $0xffff, v2;
	s16 =	smov.u32 s20  }
0x5d: {  	v2 =	vld [tilespmem:s19+$0x80]  }
0x5e: {  	v4 =	vld [tilespmem:s19+$0x0]  }
0x5f: {  	v3 =	vld [tilespmem:s19+$0x100];
	_ =	sdelay $0x1  }
0x60: {  	v5 =	vld [tilespmem:s19+$0x180]  }
0x61: {  	v6 =	vmul.f32 v2, v2  }
0x62: {  	v8 =	vmul.f32 v4, v4;
	v7 =	vld [tilespmem:s19+$0x200]  }
0x63: {  	v10 =	vmul.f32 v3, v3  }
0x64: {  	v6 =	vadd.f32 v6, v8;
	v9 =	vld [tilespmem:s19+$0x280]  }
0x65: {  	v8 =	vmul.f32 v5, v5  }
0x66: {  	s20 =	sor.u32 s15, s14;
	v6 =	vadd.f32 v10, v6;
	v10 =	vld [tilespmem:s19+$0x300]  }
0x67: {  	s20 =	sor.u32 $0x380, s20;
	v11 =	vmul.f32 v7, v7  }
0x68: {  	v6 =	vadd.f32 v8, v6;
	v12 =	vld [tilespmem:s20+$0x0]  }
0x69: {  	v8 =	vmul.f32 v9, v9  }
0x6a: {  	v6 =	vadd.f32 v11, v6;
	v11 =	vld [tilespmem:s19+$0x1000]  }
0x6b: {  	v13 =	vmul.f32 v10, v10  }
0x6c: {  	v8 =	vadd.f32 v8, v6;
	v6 =	vld [tilespmem:s19+$0x1080]  }
0x6d: {  	v14 =	vmul.f32 v12, v12  }
0x6e: {  	v13 =	vadd.f32 v13, v8;
	v8 =	vld [tilespmem:s19+$0x1100]  }
0x6f: {  	v15 =	vmul.f32 v11, v11  }
0x70: {  	v13 =	vadd.f32 v14, v13;
	v14 =	vld [tilespmem:s19+$0x1180]  }
0x71: {  	v16 =	vmul.f32 v6, v6  }
0x72: {  	v13 =	vadd.f32 v15, v13;
	v15 =	vld [tilespmem:s19+$0x1200]  }
0x73: {  	v17 =	vmul.f32 v8, v8  }
0x74: {  	v13 =	vadd.f32 v16, v13;
	v16 =	vld [tilespmem:s19+$0x1280]  }
0x75: {  	v18 =	vmul.f32 v14, v14  }
0x76: {  	v13 =	vadd.f32 v17, v13;
	v17 =	vld [tilespmem:s19+$0x1300]  }
0x77: {  	v19 =	vmul.f32 v15, v15  }
0x78: {  	v13 =	vadd.f32 v18, v13;
	v18 =	vld [tilespmem:s19+$0x1380]  }
0x79: {  	v20 =	vmul.f32 v16, v16  }
0x7a: {  	v13 =	vadd.f32 v19, v13  }
0x7b: {  	v19 =	vmul.f32 v17, v17  }
0x7c: {  	v13 =	vadd.f32 v20, v13  }
0x7d: {  	v20 =	vmul.f32 v18, v18  }
0x7e: {  	v13 =	vadd.f32 v19, v13;
	_ =	sdelay $0x1  }
0x7f: {  	v13 =	vadd.f32 v20, v13;
	_ =	sdelay $0x1  }
0x80: {  	v13 =	vmax.f32 v13, $1.000000020e-24  }
0x81: {  	v19 =	vshra.s32 v13, $0x1;
	v13 =	vmul.f32 $5.000000000e-01, v13  }
0x82: {  	v19 =	vsub.s32 $0x5F3759DF, v19  }
0x83: {  	v20 =	vmul.f32 v19, v13;
	_ =	sdelay $0x1  }
0x84: {  	v20 =	vmul.f32 v19, v20;
	_ =	sdelay $0x1  }
0x85: {  	v20 =	vsub.f32 $1.500000000e+00, v20;
	_ =	sdelay $0x1  }
0x86: {  	v19 =	vmul.f32 v19, v20;
	_ =	sdelay $0x1  }
0x87: {  	v20 =	vmul.f32 v19, v13;
	_ =	sdelay $0x1  }
0x88: {  	v20 =	vmul.f32 v20, v19;
	_ =	sdelay $0x1  }
0x89: {  	v20 =	vsub.f32 $1.500000000e+00, v20;
	_ =	sdelay $0x1  }
0x8a: {  	v19 =	vmul.f32 v20, v19;
	_ =	sdelay $0x1  }
0x8b: {  	v13 =	vmul.f32 v19, v13;
	_ =	sdelay $0x1  }
0x8c: {  	v13 =	vmul.f32 v13, v19;
	_ =	sdelay $0x1  }
0x8d: {  	v20 =	vmov s14;
	s14 =	smov.u32 s18;
	v13 =	vsub.f32 $1.500000000e+00, v13  }
0x8e: {  	v20 =	vshll.u32 v20, $0x7  }
0x8f: {  	v13 =	vmul.f32 v13, v19;
	v19 =	vor.u32 v0, v20  }
0x90: {  	v20 =	vor.u32 $0x1, v19  }
0x91: {  	v21 =	vor.u32 $0x2, v19;
	v13 =	vmul.f32 v13, v1  }
0x92: {  	v22 =	vor.u32 $0x3, v19  }
0x93: {  	v23 =	vor.u32 $0x4, v19;
	v4 =	vmul.f32 v13, v4;
	v2 =	vmul.f32 v13, v2  }
0x94: {  	v24 =	vor.u32 $0x5, v19;
	v3 =	vmul.f32 v13, v3;
	v5 =	vmul.f32 v13, v5  }
0x95: {  	[tilespmem:v19+s12+$0x0] =	vst.idx.msk $0xffff, v4;
	v4 =	vmul.f32 v13, v7;
	v7 =	vmul.f32 v13, v9;
	v9 =	vor.u32 $0x6, v19  }
0x96: {  	v10 =	vmul.f32 v13, v10;
	v12 =	vmul.f32 v13, v12;
	[tilespmem:v20+s12+$0x0] =	vst.idx.msk $0xffff, v2;
	v20 =	vor.u32 $0x7, v19  }
0x97: {  	v11 =	vmul.f32 v13, v11;
	v14 =	vmul.f32 v13, v14;
	[tilespmem:v21+s12+$0x0] =	vst.idx.msk $0xffff, v3;
	v21 =	vor.u32 $0x8, v19  }
0x98: {  	v15 =	vmul.f32 v13, v15;
	v16 =	vmul.f32 v13, v16;
	[tilespmem:v22+s12+$0x0] =	vst.idx.msk $0xffff, v5;
	v22 =	vor.u32 $0x9, v19  }
0x99: {  	v2 =	vmul.f32 v13, v18;
	v3 =	vmul.f32 v13, v17;
	[tilespmem:v23+s12+$0x0] =	vst.idx.msk $0xffff, v4;
	v23 =	vor.u32 $0xA, v19  }
0x9a: {  	[tilespmem:v24+s12+$0x0] =	vst.idx.msk $0xffff, v7;
	v7 =	vor.u32 $0xB, v19  }
0x9b: {  	v4 =	vmul.f32 v13, v6;
	v6 =	vor.u32 $0xC, v19;
	[tilespmem:v9+s12+$0x0] =	vst.idx.msk $0xffff, v10  }
0x9c: {  	v8 =	vmul.f32 v13, v8;
	v9 =	vor.u32 $0xD, v19;
	[tilespmem:v20+s12+$0x0] =	vst.idx.msk $0xffff, v12  }
0x9d: {  	v5 =	vor.u32 $0xE, v19;
	[tilespmem:v21+s12+$0x0] =	vst.idx.msk $0xffff, v11  }
.Ltmp0:
0x9e: {  	[tilespmem:v22+s12+$0x0] =	vst.idx.msk $0xffff, v4;
	v4 =	vor.u32 $0xF, v19;
	(pc) =	sbr.rel @p0 .LBB2_2-.Ltmp0, $4  }
0x9f: {  	[tilespmem:v23+s12+$0x0] =	vst.idx.msk $0xffff, v8  }
0xa0: {  	[tilespmem:v7+s12+$0x0] =	vst.idx.msk $0xffff, v14  }
0xa1: {  	[tilespmem:v6+s12+$0x0] =	vst.idx.msk $0xffff, v15  }
0xa2: {  	s15 =	sadd.s32 $0x80, s15;
	s19 =	smov.u32 s17;
	[tilespmem:v9+s12+$0x0] =	vst.idx.msk $0xffff, v16  }
0xa3: {  	_ =	sdelay $0x3  }
0xa4: {  	s17 =	sand.u32 $0xC00, s15;
	[tilespmem:v5+s12+$0x0] =	vst.idx.msk $0xffff, v3  }
0xa5: {  	s16 =	sor.u32 s16, s17;
	[tilespmem:v4+s12+$0x0] =	vst.idx.msk $0xffff, v2  }
0xa6: {  	v2 =	vld [tilespmem:s16+$0x80]  }
0xa7: {  	v3 =	vld [tilespmem:s16+$0x0];
	_ =	sdelay $0x1  }
0xa8: {  	v4 =	vld [tilespmem:s16+$0x100];
	_ =	sdelay $0x1  }
0xa9: {  	v5 =	vld [tilespmem:s16+$0x180]  }
0xaa: {  	v6 =	vmul.f32 v2, v2;
	v7 =	vmul.f32 v3, v3  }
0xab: {  	v8 =	vld [tilespmem:s16+$0x200]  }
0xac: {  	v9 =	vmul.f32 v4, v4;
	v6 =	vadd.f32 v6, v7  }
0xad: {  	v7 =	vld [tilespmem:s16+$0x280]  }
0xae: {  	v10 =	vmul.f32 v5, v5;
	v6 =	vadd.f32 v9, v6  }
0xaf: {  	s26 =	sor.u32 s15, s14;
	v41 =	vld [tilespmem:s16+$0x300]  }
0xb0: {  	s15 =	sor.u32 $0x380, s26;
	v11 =	vmul.f32 v8, v8;
	v6 =	vadd.f32 v10, v6  }
0xb1: {  	v42 =	vld [tilespmem:s15+$0x0]  }
0xb2: {  	v12 =	vmul.f32 v7, v7;
	v6 =	vadd.f32 v11, v6  }
0xb3: {  	v43 =	vld [tilespmem:s16+$0x1000]  }
0xb4: {  	v13 =	vmul.f32 v41, v41;
	v6 =	vadd.f32 v12, v6  }
0xb5: {  	v44 =	vld [tilespmem:s16+$0x1080]  }
0xb6: {  	v14 =	vmul.f32 v42, v42;
	v6 =	vadd.f32 v13, v6  }
0xb7: {  	v45 =	vld [tilespmem:s16+$0x1100]  }
0xb8: {  	v15 =	vmul.f32 v43, v43;
	v6 =	vadd.f32 v14, v6  }
0xb9: {  	v46 =	vld [tilespmem:s16+$0x1180]  }
0xba: {  	v16 =	vmul.f32 v44, v44;
	v6 =	vadd.f32 v15, v6  }
0xbb: {  	v47 =	vld [tilespmem:s16+$0x1200]  }
0xbc: {  	v17 =	vmul.f32 v45, v45;
	v6 =	vadd.f32 v16, v6  }
0xbd: {  	v48 =	vld [tilespmem:s16+$0x1280]  }
0xbe: {  	v18 =	vmul.f32 v46, v46;
	v6 =	vadd.f32 v17, v6  }
0xbf: {  	v49 =	vld [tilespmem:s16+$0x1300]  }
0xc0: {  	v19 =	vmul.f32 v47, v47;
	v6 =	vadd.f32 v18, v6  }
0xc1: {  	v50 =	vld [tilespmem:s16+$0x1380]  }
0xc2: {  	v20 =	vmul.f32 v48, v48;
	v6 =	vadd.f32 v19, v6;
	_ =	sdelay $0x1  }
0xc3: {  	v51 =	vmul.f32 v49, v49;
	v6 =	vadd.f32 v20, v6;
	_ =	sdelay $0x1  }
0xc4: {  	v52 =	vmul.f32 v50, v50;
	v6 =	vadd.f32 v51, v6;
	_ =	sdelay $0x1  }
0xc5: {  	v6 =	vadd.f32 v52, v6;
	_ =	sdelay $0x1  }
0xc6: {  	v6 =	vmax.f32 v6, $1.000000020e-24  }
0xc7: {  	v53 =	vshra.s32 v6, $0x1;
	v6 =	vmul.f32 $5.000000000e-01, v6  }
0xc8: {  	v19 =	vsub.s32 $0x5F3759DF, v53  }
0xc9: {  	v54 =	vmul.f32 v19, v6;
	_ =	sdelay $0x1  }
0xca: {  	v20 =	vmul.f32 v19, v54;
	_ =	sdelay $0x1  }
0xcb: {  	v20 =	vsub.f32 $1.500000000e+00, v20;
	_ =	sdelay $0x1  }
0xcc: {  	v19 =	vmul.f32 v19, v20;
	_ =	sdelay $0x1  }
0xcd: {  	v20 =	vmul.f32 v19, v6;
	_ =	sdelay $0x1  }
0xce: {  	v20 =	vmul.f32 v20, v19;
	_ =	sdelay $0x1  }
0xcf: {  	v20 =	vsub.f32 $1.500000000e+00, v20;
	_ =	sdelay $0x1  }
0xd0: {  	v19 =	vmul.f32 v20, v19;
	_ =	sdelay $0x1  }
0xd1: {  	v6 =	vmul.f32 v19, v6;
	_ =	sdelay $0x1  }
0xd2: {  	v6 =	vmul.f32 v6, v19;
	_ =	sdelay $0x1  }
0xd3: {  	v6 =	vsub.f32 $1.500000000e+00, v6  }
0xd4: {  	v55 =	vmov s14  }
0xd5: {  	v20 =	vshll.u32 v55, $0x7;
	v6 =	vmul.f32 v6, v19  }
0xd6: {  	v56 =	vor.u32 v0, v20  }
0xd7: {  	v20 =	vor.u32 $0x1, v56;
	v6 =	vmul.f32 v6, v1  }
0xd8: {  	v21 =	vor.u32 $0x2, v56  }
0xd9: {  	v22 =	vor.u32 $0x3, v56;
	v3 =	vmul.f32 v6, v3  }
0xda: {  	v23 =	vor.u32 $0x4, v56;
	v2 =	vmul.f32 v6, v2  }
0xdb: {  	v24 =	vor.u32 $0x5, v56;
	v4 =	vmul.f32 v6, v4;
	[tilespmem:v56+s12+$0x0] =	vst.idx.msk $0xffff, v3  }
0xdc: {  	v3 =	vmul.f32 v6, v5;
	v5 =	vor.u32 $0x6, v56;
	[tilespmem:v20+s12+$0x0] =	vst.idx.msk $0xffff, v2  }
0xdd: {  	v57 =	vor.u32 $0x7, v56;
	v2 =	vmul.f32 v6, v8;
	[tilespmem:v21+s12+$0x0] =	vst.idx.msk $0xffff, v4  }
0xde: {  	v4 =	vmul.f32 v6, v7;
	v7 =	vor.u32 $0x8, v56;
	[tilespmem:v22+s12+$0x0] =	vst.idx.msk $0xffff, v3  }
0xdf: {  	v58 =	vor.u32 $0x9, v56;
	v3 =	vmul.f32 v6, v41;
	[tilespmem:v23+s12+$0x0] =	vst.idx.msk $0xffff, v2  }
0xe0: {  	v59 =	vor.u32 $0xA, v56;
	v2 =	vmul.f32 v6, v42;
	[tilespmem:v24+s12+$0x0] =	vst.idx.msk $0xffff, v4  }
0xe1: {  	v60 =	vor.u32 $0xB, v56;
	v4 =	vmul.f32 v6, v43;
	[tilespmem:v5+s12+$0x0] =	vst.idx.msk $0xffff, v3  }
0xe2: {  	v3 =	vmul.f32 v6, v44;
	v5 =	vor.u32 $0xC, v56;
	[tilespmem:v57+s12+$0x0] =	vst.idx.msk $0xffff, v2  }
0xe3: {  	v61 =	vor.u32 $0xD, v56;
	v2 =	vmul.f32 v6, v45;
	[tilespmem:v7+s12+$0x0] =	vst.idx.msk $0xffff, v4  }
0xe4: {  	v4 =	vmul.f32 v6, v46;
	v7 =	vor.u32 $0xE, v56;
	[tilespmem:v58+s12+$0x0] =	vst.idx.msk $0xffff, v3  }
0xe5: {  	v62 =	vor.u32 $0xF, v56;
	v3 =	vmul.f32 v6, v47;
	[tilespmem:v59+s12+$0x0] =	vst.idx.msk $0xffff, v2  }
0xe6: {  	v2 =	vmul.f32 v6, v48;
	[tilespmem:v60+s12+$0x0] =	vst.idx.msk $0xffff, v4  }
0xe7: {  	v4 =	vmul.f32 v6, v49;
	[tilespmem:v5+s12+$0x0] =	vst.idx.msk $0xffff, v3  }
0xe8: {  	v3 =	vmul.f32 v6, v50;
	[tilespmem:v61+s12+$0x0] =	vst.idx.msk $0xffff, v2  }
0xe9: {  	[tilespmem:v7+s12+$0x0] =	vst.idx.msk $0xffff, v4  }
0xea: {  	s28 =	simm.s32 $0x0;
	[tilespmem:v62+s12+$0x0] =	vst.idx.msk $0xffff, v3  }
0xeb: {  	[tilespmem:s28], [sflag:$0x1] =	stream.strided.gather [hbm4b:s5+s10], $0x2000, s11, s10, $0x38;
	[tilespmem:$0x12080] =	vst v63  }
0xec: {  	_ =	swait.ge [sflag:s9], $0x2000  }
0xed: {  	s29 =	sand.u32 $0x70, s28;
	s30 =	sand.u32 $0xC00, s28;
	[sflag:s9] =	ssyncset.done $0x0  }
0xee: {  	s15 =	sor.u32 s29, s30;
	[sflag:s9] =	ssyncadd.s32 $0xFFFFE000  }
0xef: {  	v2 =	vld [tilespmem:s15+$0x80]  }
0xf0: {  	v3 =	vld [tilespmem:s15+$0x0];
	_ =	sdelay $0x1  }
0xf1: {  	v4 =	vld [tilespmem:s15+$0x100];
	_ =	sdelay $0x1  }
0xf2: {  	v5 =	vld [tilespmem:s15+$0x180]  }
0xf3: {  	v6 =	vmul.f32 v2, v2;
	v7 =	vmul.f32 v3, v3  }
0xf4: {  	v63 =	vld [tilespmem:s15+$0x200]  }
0xf5: {  	v27 =	vmul.f32 v4, v4;
	v6 =	vadd.f32 v6, v7  }
0xf6: {  	v7 =	vld [tilespmem:s15+$0x280]  }
0xf7: {  	v28 =	vmul.f32 v5, v5;
	v6 =	vadd.f32 v27, v6  }
0xf8: {  	s31 =	sor.u32 s28, s28;
	v29 =	vld [tilespmem:s15+$0x300]  }
0xf9: {  	s16 =	sor.u32 $0x380, s31;
	v30 =	vmul.f32 v63, v63;
	v6 =	vadd.f32 v28, v6  }
0xfa: {  	v31 =	vld [tilespmem:s16+$0x0]  }
0xfb: {  	v32 =	vmul.f32 v7, v7;
	v6 =	vadd.f32 v30, v6  }
0xfc: {  	v33 =	vld [tilespmem:s15+$0x1000]  }
0xfd: {  	v34 =	vmul.f32 v29, v29;
	v6 =	vadd.f32 v32, v6  }
0xfe: {  	v35 =	vld [tilespmem:s15+$0x1080]  }
0xff: {  	v36 =	vmul.f32 v31, v31;
	v6 =	vadd.f32 v34, v6  }
0x100: {  	v37 =	vld [tilespmem:s15+$0x1100]  }
0x101: {  	v38 =	vmul.f32 v33, v33;
	v6 =	vadd.f32 v36, v6  }
0x102: {  	v39 =	vld [tilespmem:s15+$0x1180]  }
0x103: {  	v40 =	vmul.f32 v35, v35;
	v6 =	vadd.f32 v38, v6  }
0x104: {  	v41 =	vld [tilespmem:s15+$0x1200]  }
0x105: {  	v42 =	vmul.f32 v37, v37;
	v6 =	vadd.f32 v40, v6  }
0x106: {  	v43 =	vld [tilespmem:s15+$0x1280]  }
0x107: {  	v44 =	vmul.f32 v39, v39;
	v6 =	vadd.f32 v42, v6  }
0x108: {  	v45 =	vld [tilespmem:s15+$0x1300]  }
0x109: {  	v46 =	vmul.f32 v41, v41;
	v6 =	vadd.f32 v44, v6  }
0x10a: {  	v47 =	vld [tilespmem:s15+$0x1380]  }
0x10b: {  	v48 =	vmul.f32 v43, v43;
	v6 =	vadd.f32 v46, v6;
	_ =	sdelay $0x1  }
0x10c: {  	v49 =	vmul.f32 v45, v45;
	v6 =	vadd.f32 v48, v6;
	_ =	sdelay $0x1  }
0x10d: {  	v50 =	vmul.f32 v47, v47;
	v6 =	vadd.f32 v49, v6;
	_ =	sdelay $0x1  }
0x10e: {  	v6 =	vadd.f32 v50, v6;
	_ =	sdelay $0x1  }
0x10f: {  	v6 =	vmax.f32 v6, $1.000000020e-24  }
0x110: {  	v51 =	vshra.s32 v6, $0x1;
	v6 =	vmul.f32 $5.000000000e-01, v6  }
0x111: {  	v19 =	vsub.s32 $0x5F3759DF, v51  }
0x112: {  	v52 =	vmul.f32 v19, v6;
	_ =	sdelay $0x1  }
0x113: {  	v20 =	vmul.f32 v19, v52;
	_ =	sdelay $0x1  }
0x114: {  	v20 =	vsub.f32 $1.500000000e+00, v20;
	_ =	sdelay $0x1  }
0x115: {  	v19 =	vmul.f32 v19, v20;
	_ =	sdelay $0x1  }
0x116: {  	v20 =	vmul.f32 v19, v6;
	_ =	sdelay $0x1  }
0x117: {  	v20 =	vmul.f32 v20, v19;
	_ =	sdelay $0x1  }
0x118: {  	v20 =	vsub.f32 $1.500000000e+00, v20;
	_ =	sdelay $0x1  }
0x119: {  	v19 =	vmul.f32 v20, v19;
	_ =	sdelay $0x1  }
0x11a: {  	v6 =	vmul.f32 v19, v6;
	_ =	sdelay $0x1  }
0x11b: {  	v6 =	vmul.f32 v6, v19;
	_ =	sdelay $0x1  }
0x11c: {  	v53 =	vmov s28;
	v6 =	vsub.f32 $1.500000000e+00, v6  }
0x11d: {  	v20 =	vshll.u32 v53, $0x7  }
0x11e: {  	v20 =	vor.u32 v0, v20;
	v6 =	vmul.f32 v6, v19  }
0x11f: {  	v54 =	vor.u32 $0x10, v20  }
0x120: {  	v55 =	vor.u32 $0x11, v20;
	v6 =	vmul.f32 v6, v1  }
0x121: {  	v56 =	vor.u32 $0x12, v20  }
0x122: {  	v57 =	vor.u32 $0x13, v20;
	v3 =	vmul.f32 v6, v3  }
0x123: {  	v58 =	vor.u32 $0x14, v20;
	v2 =	vmul.f32 v6, v2  }
0x124: {  	v25 =	vor.u32 $0x15, v20;
	v4 =	vmul.f32 v6, v4;
	[tilespmem:v54+s12+$0x0] =	vst.idx.msk $0xffff, v3  }
0x125: {  	v3 =	vmul.f32 v6, v5;
	v5 =	vor.u32 $0x16, v20;
	[tilespmem:v55+s12+$0x0] =	vst.idx.msk $0xffff, v2  }
0x126: {  	v59 =	vor.u32 $0x17, v20;
	v2 =	vmul.f32 v6, v63;
	[tilespmem:v56+s12+$0x0] =	vst.idx.msk $0xffff, v4  }
0x127: {  	v4 =	vmul.f32 v6, v7;
	v7 =	vor.u32 $0x18, v20;
	[tilespmem:v57+s12+$0x0] =	vst.idx.msk $0xffff, v3  }
0x128: {  	v60 =	vor.u32 $0x19, v20;
	v3 =	vmul.f32 v6, v29;
	[tilespmem:v58+s12+$0x0] =	vst.idx.msk $0xffff, v2  }
0x129: {  	v61 =	vor.u32 $0x1A, v20;
	v2 =	vmul.f32 v6, v31;
	[tilespmem:v25+s12+$0x0] =	vst.idx.msk $0xffff, v4  }
0x12a: {  	v62 =	vor.u32 $0x1B, v20;
	v4 =	vmul.f32 v6, v33;
	[tilespmem:v5+s12+$0x0] =	vst.idx.msk $0xffff, v3  }
0x12b: {  	v3 =	vmul.f32 v6, v35;
	v5 =	vor.u32 $0x1C, v20;
	[tilespmem:v59+s12+$0x0] =	vst.idx.msk $0xffff, v2  }
0x12c: {  	v2 =	vmul.f32 v6, v37;
	[tilespmem:v7+s12+$0x0] =	vst.idx.msk $0xffff, v4  }
0x12d: {  	v4 =	vmul.f32 v6, v39;
	[tilespmem:v60+s12+$0x0] =	vst.idx.msk $0xffff, v3  }
0x12e: {  	v63 =	vor.u32 $0x1D, v20;
	v3 =	vmul.f32 v6, v41;
	[tilespmem:v61+s12+$0x0] =	vst.idx.msk $0xffff, v2  }
0x12f: {  	[tilespmem:v62+s12+$0x0] =	vst.idx.msk $0xffff, v4  }
0x130: {  	[tilespmem:v5+s12+$0x0] =	vst.idx.msk $0xffff, v3;
	v5 =	vor.u32 $0x1E, v20  }
0x131: {  	v7 =	vmul.f32 v6, v43;
	v4 =	vor.u32 $0x1F, v20  }
0x132: {  	s14 =	simm.s32 $0x10  }
0x133: {  	s19 =	simm.s32 $0x20;
	s16 =	sand.u32 $0x70, s14;
	s15 =	simm.s32 $0x80;
	v2 =	vmul.f32 v6, v45;
	v3 =	vmul.f32 v6, v47;
	[tilespmem:v63+s12+$0x0] =	vst.idx.msk $0xffff, v7  }
.LBB2_4:
0x134: {  	s20 =	sand.u32 $0x70, s19  }
0x135: {  	s21 =	sand.u32 $0xC00, s15;
	[tilespmem:v5+s12+$0x0] =	vst.idx.msk $0xffff, v2;
	s18 =	smov.u32 s19;
	s17 =	sadd.s32 $0x10, s19  }
0x136: {  	p0 =	sne.s32 s19, $0x1F0;
	s19 =	sor.u32 s16, s21;
	[tilespmem:v4+s12+$0x0] =	vst.idx.msk $0xffff, v3;
	s16 =	smov.u32 s20  }
0x137: {  	v2 =	vld [tilespmem:s19+$0x80]  }
0x138: {  	v4 =	vld [tilespmem:s19+$0x0]  }
0x139: {  	v3 =	vld [tilespmem:s19+$0x100];
	_ =	sdelay $0x1  }
0x13a: {  	v5 =	vld [tilespmem:s19+$0x180]  }
0x13b: {  	v7 =	vmul.f32 v2, v2  }
0x13c: {  	v8 =	vmul.f32 v4, v4;
	v6 =	vld [tilespmem:s19+$0x200]  }
0x13d: {  	v9 =	vmul.f32 v3, v3  }
0x13e: {  	v7 =	vadd.f32 v7, v8;
	v8 =	vld [tilespmem:s19+$0x280]  }
0x13f: {  	v10 =	vmul.f32 v5, v5  }
0x140: {  	s20 =	sor.u32 s15, s14;
	v7 =	vadd.f32 v9, v7;
	v9 =	vld [tilespmem:s19+$0x300]  }
0x141: {  	s20 =	sor.u32 $0x380, s20;
	v11 =	vmul.f32 v6, v6  }
0x142: {  	v7 =	vadd.f32 v10, v7;
	v10 =	vld [tilespmem:s20+$0x0]  }
0x143: {  	v12 =	vmul.f32 v8, v8  }
0x144: {  	v7 =	vadd.f32 v11, v7;
	v11 =	vld [tilespmem:s19+$0x1000]  }
0x145: {  	v13 =	vmul.f32 v9, v9  }
0x146: {  	v7 =	vadd.f32 v12, v7;
	v12 =	vld [tilespmem:s19+$0x1080]  }
0x147: {  	v14 =	vmul.f32 v10, v10  }
0x148: {  	v13 =	vadd.f32 v13, v7;
	v7 =	vld [tilespmem:s19+$0x1100]  }
0x149: {  	v15 =	vmul.f32 v11, v11  }
0x14a: {  	v13 =	vadd.f32 v14, v13;
	v14 =	vld [tilespmem:s19+$0x1180]  }
0x14b: {  	v16 =	vmul.f32 v12, v12  }
0x14c: {  	v13 =	vadd.f32 v15, v13;
	v15 =	vld [tilespmem:s19+$0x1200]  }
0x14d: {  	v17 =	vmul.f32 v7, v7  }
0x14e: {  	v13 =	vadd.f32 v16, v13;
	v16 =	vld [tilespmem:s19+$0x1280]  }
0x14f: {  	v18 =	vmul.f32 v14, v14  }
0x150: {  	v13 =	vadd.f32 v17, v13;
	v17 =	vld [tilespmem:s19+$0x1300]  }
0x151: {  	v19 =	vmul.f32 v15, v15  }
0x152: {  	v13 =	vadd.f32 v18, v13;
	v18 =	vld [tilespmem:s19+$0x1380]  }
0x153: {  	v20 =	vmul.f32 v16, v16  }
0x154: {  	v13 =	vadd.f32 v19, v13  }
0x155: {  	v19 =	vmul.f32 v17, v17  }
0x156: {  	v13 =	vadd.f32 v20, v13  }
0x157: {  	v20 =	vmul.f32 v18, v18  }
0x158: {  	v13 =	vadd.f32 v19, v13;
	_ =	sdelay $0x1  }
0x159: {  	v13 =	vadd.f32 v20, v13;
	_ =	sdelay $0x1  }
0x15a: {  	v13 =	vmax.f32 v13, $1.000000020e-24  }
0x15b: {  	v19 =	vshra.s32 v13, $0x1;
	v13 =	vmul.f32 $5.000000000e-01, v13  }
0x15c: {  	v19 =	vsub.s32 $0x5F3759DF, v19  }
0x15d: {  	v20 =	vmul.f32 v19, v13;
	_ =	sdelay $0x1  }
0x15e: {  	v20 =	vmul.f32 v19, v20;
	_ =	sdelay $0x1  }
0x15f: {  	v20 =	vsub.f32 $1.500000000e+00, v20;
	_ =	sdelay $0x1  }
0x160: {  	v19 =	vmul.f32 v19, v20;
	_ =	sdelay $0x1  }
0x161: {  	v20 =	vmul.f32 v19, v13;
	_ =	sdelay $0x1  }
0x162: {  	v20 =	vmul.f32 v20, v19;
	_ =	sdelay $0x1  }
0x163: {  	v20 =	vsub.f32 $1.500000000e+00, v20;
	_ =	sdelay $0x1  }
0x164: {  	v19 =	vmul.f32 v20, v19;
	_ =	sdelay $0x1  }
0x165: {  	v13 =	vmul.f32 v19, v13;
	_ =	sdelay $0x1  }
0x166: {  	v13 =	vmul.f32 v13, v19  }
0x167: {  	v20 =	vmov s14;
	s14 =	smov.u32 s18  }
0x168: {  	v20 =	vshll.u32 v20, $0x7;
	v13 =	vsub.f32 $1.500000000e+00, v13  }
0x169: {  	v20 =	vor.u32 v0, v20  }
0x16a: {  	v13 =	vmul.f32 v13, v19;
	v19 =	vor.u32 $0x10, v20  }
0x16b: {  	v21 =	vor.u32 $0x11, v20  }
0x16c: {  	v22 =	vor.u32 $0x12, v20;
	v13 =	vmul.f32 v13, v1  }
0x16d: {  	v23 =	vor.u32 $0x13, v20  }
0x16e: {  	v24 =	vor.u32 $0x14, v20;
	v4 =	vmul.f32 v13, v4;
	v2 =	vmul.f32 v13, v2  }
0x16f: {  	v25 =	vor.u32 $0x15, v20;
	v3 =	vmul.f32 v13, v3;
	v5 =	vmul.f32 v13, v5  }
0x170: {  	[tilespmem:v19+s12+$0x0] =	vst.idx.msk $0xffff, v4;
	v4 =	vmul.f32 v13, v6;
	v6 =	vmul.f32 v13, v8;
	v8 =	vor.u32 $0x16, v20  }
0x171: {  	v9 =	vmul.f32 v13, v9;
	v10 =	vmul.f32 v13, v10;
	v19 =	vor.u32 $0x17, v20;
	[tilespmem:v21+s12+$0x0] =	vst.idx.msk $0xffff, v2  }
0x172: {  	v11 =	vmul.f32 v13, v11;
	v12 =	vmul.f32 v13, v12;
	v21 =	vor.u32 $0x18, v20;
	[tilespmem:v22+s12+$0x0] =	vst.idx.msk $0xffff, v3  }
0x173: {  	v14 =	vmul.f32 v13, v14;
	v15 =	vmul.f32 v13, v15;
	v22 =	vor.u32 $0x19, v20;
	[tilespmem:v23+s12+$0x0] =	vst.idx.msk $0xffff, v5  }
0x174: {  	v16 =	vmul.f32 v13, v16;
	v2 =	vmul.f32 v13, v17;
	v23 =	vor.u32 $0x1A, v20;
	[tilespmem:v24+s12+$0x0] =	vst.idx.msk $0xffff, v4  }
0x175: {  	v3 =	vmul.f32 v13, v18;
	[tilespmem:v25+s12+$0x0] =	vst.idx.msk $0xffff, v6;
	v6 =	vor.u32 $0x1B, v20  }
0x176: {  	[tilespmem:v8+s12+$0x0] =	vst.idx.msk $0xffff, v9;
	v8 =	vor.u32 $0x1C, v20  }
0x177: {  	v7 =	vmul.f32 v13, v7;
	v9 =	vor.u32 $0x1D, v20;
	[tilespmem:v19+s12+$0x0] =	vst.idx.msk $0xffff, v10  }
0x178: {  	v5 =	vor.u32 $0x1E, v20;
	[tilespmem:v21+s12+$0x0] =	vst.idx.msk $0xffff, v11  }
.Ltmp1:
0x179: {  	v4 =	vor.u32 $0x1F, v20;
	[tilespmem:v22+s12+$0x0] =	vst.idx.msk $0xffff, v12;
	(pc) =	sbr.rel @p0 .LBB2_4-.Ltmp1, $4  }
0x17a: {  	[tilespmem:v23+s12+$0x0] =	vst.idx.msk $0xffff, v7  }
0x17b: {  	[tilespmem:v6+s12+$0x0] =	vst.idx.msk $0xffff, v14  }
0x17c: {  	[tilespmem:v8+s12+$0x0] =	vst.idx.msk $0xffff, v15  }
0x17d: {  	s15 =	sadd.s32 $0x80, s15;
	s19 =	smov.u32 s17;
	[tilespmem:v9+s12+$0x0] =	vst.idx.msk $0xffff, v16  }
0x17e: {  	_ =	sdelay $0x3  }
0x17f: {  	s17 =	sand.u32 $0xC00, s15;
	[tilespmem:v5+s12+$0x0] =	vst.idx.msk $0xffff, v2  }
0x180: {  	s16 =	sor.u32 s16, s17;
	[tilespmem:v4+s12+$0x0] =	vst.idx.msk $0xffff, v3  }
0x181: {  	v2 =	vld [tilespmem:s16+$0x80]  }
0x182: {  	v3 =	vld [tilespmem:s16+$0x0];
	_ =	sdelay $0x1  }
0x183: {  	v4 =	vld [tilespmem:s16+$0x100];
	_ =	sdelay $0x1  }
0x184: {  	v5 =	vld [tilespmem:s16+$0x180]  }
0x185: {  	v6 =	vmul.f32 v2, v2;
	v7 =	vmul.f32 v3, v3  }
0x186: {  	v8 =	vld [tilespmem:s16+$0x200]  }
0x187: {  	v9 =	vmul.f32 v4, v4;
	v6 =	vadd.f32 v6, v7  }
0x188: {  	v32 =	vld [tilespmem:s16+$0x280]  }
0x189: {  	v10 =	vmul.f32 v5, v5;
	v6 =	vadd.f32 v9, v6  }
0x18a: {  	s31 =	sor.u32 s15, s14;
	v33 =	vld [tilespmem:s16+$0x300]  }
0x18b: {  	s15 =	sor.u32 $0x380, s31;
	v11 =	vmul.f32 v8, v8;
	v6 =	vadd.f32 v10, v6  }
0x18c: {  	v34 =	vld [tilespmem:s15+$0x0]  }
0x18d: {  	v12 =	vmul.f32 v32, v32;
	v6 =	vadd.f32 v11, v6  }
0x18e: {  	v35 =	vld [tilespmem:s16+$0x1000]  }
0x18f: {  	v13 =	vmul.f32 v33, v33;
	v6 =	vadd.f32 v12, v6  }
0x190: {  	v36 =	vld [tilespmem:s16+$0x1080]  }
0x191: {  	v14 =	vmul.f32 v34, v34;
	v6 =	vadd.f32 v13, v6  }
0x192: {  	v37 =	vld [tilespmem:s16+$0x1100]  }
0x193: {  	v15 =	vmul.f32 v35, v35;
	v6 =	vadd.f32 v14, v6  }
0x194: {  	v38 =	vld [tilespmem:s16+$0x1180]  }
0x195: {  	v16 =	vmul.f32 v36, v36;
	v6 =	vadd.f32 v15, v6  }
0x196: {  	v39 =	vld [tilespmem:s16+$0x1200]  }
0x197: {  	v17 =	vmul.f32 v37, v37;
	v6 =	vadd.f32 v16, v6  }
0x198: {  	v40 =	vld [tilespmem:s16+$0x1280]  }
0x199: {  	v18 =	vmul.f32 v38, v38;
	v6 =	vadd.f32 v17, v6  }
0x19a: {  	v41 =	vld [tilespmem:s16+$0x1300]  }
0x19b: {  	v19 =	vmul.f32 v39, v39;
	v6 =	vadd.f32 v18, v6  }
0x19c: {  	v42 =	vld [tilespmem:s16+$0x1380]  }
0x19d: {  	v20 =	vmul.f32 v40, v40;
	v6 =	vadd.f32 v19, v6;
	_ =	sdelay $0x1  }
0x19e: {  	v43 =	vmul.f32 v41, v41;
	v6 =	vadd.f32 v20, v6;
	_ =	sdelay $0x1  }
0x19f: {  	v44 =	vmul.f32 v42, v42;
	v6 =	vadd.f32 v43, v6;
	_ =	sdelay $0x1  }
0x1a0: {  	v6 =	vadd.f32 v44, v6;
	_ =	sdelay $0x1  }
0x1a1: {  	v6 =	vmax.f32 v6, $1.000000020e-24  }
0x1a2: {  	v45 =	vshra.s32 v6, $0x1;
	v6 =	vmul.f32 $5.000000000e-01, v6  }
0x1a3: {  	v19 =	vsub.s32 $0x5F3759DF, v45  }
0x1a4: {  	v46 =	vmul.f32 v19, v6;
	_ =	sdelay $0x1  }
0x1a5: {  	v20 =	vmul.f32 v19, v46;
	_ =	sdelay $0x1  }
0x1a6: {  	v20 =	vsub.f32 $1.500000000e+00, v20;
	_ =	sdelay $0x1  }
0x1a7: {  	v19 =	vmul.f32 v19, v20;
	_ =	sdelay $0x1  }
0x1a8: {  	v20 =	vmul.f32 v19, v6;
	_ =	sdelay $0x1  }
0x1a9: {  	v20 =	vmul.f32 v20, v19;
	_ =	sdelay $0x1  }
0x1aa: {  	v20 =	vsub.f32 $1.500000000e+00, v20;
	_ =	sdelay $0x1  }
0x1ab: {  	v19 =	vmul.f32 v20, v19;
	_ =	sdelay $0x1  }
0x1ac: {  	v6 =	vmul.f32 v19, v6;
	_ =	sdelay $0x1  }
0x1ad: {  	v6 =	vmul.f32 v6, v19;
	_ =	sdelay $0x1  }
0x1ae: {  	v47 =	vmov s14;
	v6 =	vsub.f32 $1.500000000e+00, v6  }
0x1af: {  	v20 =	vshll.u32 v47, $0x7  }
0x1b0: {  	v20 =	vor.u32 v0, v20;
	v6 =	vmul.f32 v6, v19  }
0x1b1: {  	v48 =	vor.u32 $0x10, v20  }
0x1b2: {  	v21 =	vor.u32 $0x11, v20;
	v1 =	vmul.f32 v6, v1  }
0x1b3: {  	v49 =	vor.u32 $0x12, v20  }
0x1b4: {  	v22 =	vor.u32 $0x13, v20;
	v3 =	vmul.f32 v1, v3  }
0x1b5: {  	v23 =	vor.u32 $0x14, v20;
	v2 =	vmul.f32 v1, v2  }
0x1b6: {  	v24 =	vor.u32 $0x15, v20;
	v4 =	vmul.f32 v1, v4;
	[tilespmem:v48+s12+$0x0] =	vst.idx.msk $0xffff, v3  }
0x1b7: {  	v50 =	vor.u32 $0x16, v20;
	v3 =	vmul.f32 v1, v5;
	[tilespmem:v21+s12+$0x0] =	vst.idx.msk $0xffff, v2  }
0x1b8: {  	v51 =	vor.u32 $0x17, v20;
	v2 =	vmul.f32 v1, v8;
	[tilespmem:v49+s12+$0x0] =	vst.idx.msk $0xffff, v4  }
0x1b9: {  	v53 =	vor.u32 $0x18, v20;
	v52 =	vmul.f32 v1, v32;
	[tilespmem:v22+s12+$0x0] =	vst.idx.msk $0xffff, v3  }
0x1ba: {  	v54 =	vor.u32 $0x19, v20;
	v3 =	vmul.f32 v1, v33;
	[tilespmem:v23+s12+$0x0] =	vst.idx.msk $0xffff, v2  }
0x1bb: {  	v55 =	vor.u32 $0x1A, v20;
	v2 =	vmul.f32 v1, v34;
	[tilespmem:v24+s12+$0x0] =	vst.idx.msk $0xffff, v52  }
0x1bc: {  	v57 =	vor.u32 $0x1B, v20;
	v56 =	vmul.f32 v1, v35;
	[tilespmem:v50+s12+$0x0] =	vst.idx.msk $0xffff, v3  }
0x1bd: {  	v58 =	vor.u32 $0x1C, v20;
	v3 =	vmul.f32 v1, v36;
	[tilespmem:v51+s12+$0x0] =	vst.idx.msk $0xffff, v2  }
0x1be: {  	v59 =	vor.u32 $0x1D, v20;
	v2 =	vmul.f32 v1, v37;
	[tilespmem:v53+s12+$0x0] =	vst.idx.msk $0xffff, v56  }
0x1bf: {  	v61 =	vor.u32 $0x1E, v20;
	v60 =	vmul.f32 v1, v38;
	[tilespmem:v54+s12+$0x0] =	vst.idx.msk $0xffff, v3  }
0x1c0: {  	v62 =	vor.u32 $0x1F, v20;
	v3 =	vmul.f32 v1, v39;
	[tilespmem:v55+s12+$0x0] =	vst.idx.msk $0xffff, v2  }
0x1c1: {  	v2 =	vmul.f32 v1, v40;
	[tilespmem:v57+s12+$0x0] =	vst.idx.msk $0xffff, v60  }
0x1c2: {  	v63 =	vmul.f32 v1, v41;
	[tilespmem:v58+s12+$0x0] =	vst.idx.msk $0xffff, v3  }
0x1c3: {  	s13 =	sadd.s32 $0x1, s13;
	v1 =	vmul.f32 v1, v42;
	[tilespmem:v59+s12+$0x0] =	vst.idx.msk $0xffff, v2  }
0x1c4: {  	p0 =	sne.s32 s13, s7;
	[tilespmem:v61+s12+$0x0] =	vst.idx.msk $0xffff, v63  }
.Ltmp2:
0x1c5: {  	[tilespmem:v62+s12+$0x0] =	vst.idx.msk $0xffff, v1;
	(pc) =	sbr.rel @p0 .LBB2_1-.Ltmp2, $4  }
0x1c6: {  	[hbm4b:s6+s2] =	stream.linear.scatter [tilespmem:s12], [sflag:$0x1], $0x10000, $0x38;
	[tilespmem:$0x12080] =	vst v63  }
0x1c7: {  	_ =	swait.ge [sflag:s9], $0x10000  }
0x1c8: {  	[sflag:s9] =	ssyncset.done $0x0  }
0x1c9: {  	[sflag:s9] =	ssyncadd.s32 $0xFFFF0000  }
0x1ca: {  	_ =	sfence.sel $0x180000  }
0x1cb: {  	[bflag:$0x0] =	sbarrier.arrive $0xFFFF  }
0x1cc: {  	p0 =	sne.s32 s1, $0x0;
	_ =	strace $0x90000047  }
0x1cd: {  	s0 =	sadd.s32 @!p0 $0x100000, s0;
	[bflag:$0x2] =	sbarrier.arrive $0xFFFF  }
0x1ce: {  	[sflag:s0] =	ssyncadd.tile.s32 @!p0 $0x1;
	_ =	shalt  }
.Lfunc_end2:
_tile_overlayer_lowered:
.L_overlay_start_2:
0x1cf: {  	(tag) =	ssettag $0x2  }
0x1d0: {  	s0 =	rddreg [dreg:$0x0];
	s2 =	stileid.u32  }
0x1d1: {  	s1 =	rddreg [dreg:$0x1];
	p0 =	sne.s32 s2, $0x0  }
0x1d2: {  	s3 =	rddreg [dreg:$0x2];
	[bflag:$0x3] =	sbarrier.arrive $0xFFFF;
	s2 =	simm.s32 @!p0 $0x1C01  }
0x1d3: {  	[timem:s3], [sflag:s2] =	dma.local @!p0 [hbm:s0], s1  }
0x1d4: {  	s0 =	simm.s32 @!p0 $0x1  }
0x1d5: {  	_ =	swait.ge @!p0 [sflag:s0], s1  }
0x1d6: {  	s1 =	ssub.s32 @!p0 $0x0, s1;
	[sflag:s0] =	ssyncset.done @!p0 $0x0  }
0x1d7: {  	[sflag:s0] =	ssyncadd.s32 @!p0 s1  }
0x1d8: {  	[bflag:$0x3] =	sbarrier.arrive $0xFFFF  }
0x1d9: {  	_ =	shalt  }

// kernel: kernel.7.cloned.1.call-start
scs
__scs_entry_jumppad:
0x0: {  	(pc) =	sbr.rel $0x88, $3  }
0x1: {  	(tag) =	ssettag $0x0;
	lr =	simm.s32 $0x1  }
0x2: {  	[smem:$0x3F9B] =	sst lr;
	_ =	strace $0xD0000000  }
0x3: {  	_ = 	snop  }
0x4: {  	_ = 	snop  }
0x5: {  	_ = 	snop  }
0x6: {  	_ = 	snop  }
0x7: {  	_ = 	snop  }
__scs_overlays_trampoline_lowered:
0x8: {  	[smem:$0x3FAA] =	sst s0  }
0x9: {  	[smem:$0x3FAB] =	sst s1  }
0xa: {  	[smem:$0x3FAC] =	sst s2  }
0xb: {  	[smem:$0x3FAD] =	sst s3  }
0xc: {  	[smem:$0x3FAE] =	sst s4  }
0xd: {  	[smem:$0x3FAF] =	sst s5  }
0xe: {  	[smem:$0x3FB0] =	sst s6  }
0xf: {  	[smem:$0x3FB1] =	sst s7  }
0x10: {  	[smem:$0x3FB2] =	sst s8  }
0x11: {  	[smem:$0x3FB3] =	sst s9;
	s0 =	simm.s32 @!p0 $0x0  }
0x12: {  	s1 =	sld [smem:$0x3F99];
	s0 =	simm.s32 @p0 $0x1  }
0x13: {  	[smem:$0x3FB4] =	sst s0;
	s0 =	simm.s32 @!p1 $0x0  }
0x14: {  	s2 =	sld [smem:$0x3F98];
	s0 =	simm.s32 @p1 $0x1  }
0x15: {  	[smem:$0x3FB5] =	sst s0;
	s0 =	simm.s32 @!p2 $0x0  }
0x16: {  	s3 =	sld [smem:$0x3FDB];
	s0 =	simm.s32 @p2 $0x1  }
0x17: {  	s4 =	simm.s32 $0x1BF5;
	[smem:$0x3FB7] =	sst s0  }
0x18: {  	s0 =	sld [smem:$0x3F9A];
	_ =	swait.ge [sflag:s4], $0x0  }
0x19: {  	s7 =	sld [smem:$0x3F9B]  }
0x1a: {  	s8 =	sadd.s32 $0xFFFFE003, lr  }
0x1b: {  	s9 =	sadd.s32 $0xFFFFFEF7, lr;
	s5 =	simm.s32 $0xFFFFFFFF;
	p2 =	slt.u32 s8, $0xFFFFF086  }
0x1c: {  	p1 =	slt.u32 s9, $0xF7A;
	s5 =	simm.s32 @!p2 $0x0  }
0x1d: {  	s5 =	simm.s32 @p1 $0x1;
	p0 =	seq.s32 s7, s2  }
0x1e: {  	s7 =	smul.u32 @!p0 $0xF7A, s2;
	p2 =	seq.s32 @!p0 s5, $0x0  }
0x1f: {  	s9 =	smul.u32 $0xF7A, s1;
	s8 =	simm.s32 @!p0 $0x1BF5;
	p2 =	por !p2, p0  }
0x20: {  	[sflag:s8] =	ssyncset.s32 @!p0 $0xFFFFF086;
	s6 =	sadd.s32 @!p0 s3, s7;
	s7 =	simm.s32 @!p0 $0x108  }
0x21: {  	s3 =	sadd.s32 s3, s9;
	s6 =	sadd.s32 @!p0 $0x88, s6;
	s7 =	simm.s32 @p2 $0x1082  }
0x22: {  	[simem:s7], [sflag:s8] =	dma.local @!p0 [hbm:s6], $0xF7A  }
0x23: {  	s9 =	sor.u32 $0xD0000000, s2;
	s6 =	simm.s32 $0x108;
	_ =	swait.ge @!p0 [sflag:s8], $0x0  }
0x24: {  	s3 =	sadd.s32 $0x88, s3;
	s6 =	simm.s32 @!p1 $0x1082;
	[sflag:s4] =	ssyncset.s32 $0xFFFFF086  }
0x25: {  	[simem:s6], [sflag:s4] =	dma.local [hbm:s3], $0xF7A  }
0x26: {  	[smem:$0x3F9B] =	sst s1;
	(tag) =	ssettag s2;
	_ =	strace s9  }
0x27: {  	s1 =	sld [smem:$0x3FAB]  }
0x28: {  	s2 =	sld [smem:$0x3FAC]  }
0x29: {  	s4 =	sld [smem:$0x3FAE]  }
0x2a: {  	p0 =	seq.s32 s5, $0x0;
	s5 =	sld [smem:$0x3FAF]  }
0x2b: {  	s6 =	sld [smem:$0x3FB0]  }
0x2c: {  	s7 =	sld [smem:$0x3FB1]  }
0x2d: {  	s3 =	simm.s32 $0x108;
	s8 =	sld [smem:$0x3FB2]  }
0x2e: {  	s3 =	simm.s32 @!p0 $0x1082;
	s9 =	sld [smem:$0x3FB3]  }
0x2f: {  	lr =	sadd.s32 s0, s3;
	s0 =	sld [smem:$0x3FAA]  }
0x30: {  	s3 =	sld [smem:$0x3FAD]  }
0x31: {  	[smem:$0x3FB6] =	sst s10  }
0x32: {  	s10 =	sld [smem:$0x3FB4];
	_ =	sdelay $0x3  }
0x33: {  	p0 =	seq.s32 s10, $0x1;
	s10 =	sld [smem:$0x3FB6];
	_ =	sdelay $0x3  }
0x34: {  	[smem:$0x3FB6] =	sst s10  }
0x35: {  	s10 =	sld [smem:$0x3FB5];
	_ =	sdelay $0x3  }
0x36: {  	p1 =	seq.s32 s10, $0x1;
	s10 =	sld [smem:$0x3FB6];
	_ =	sdelay $0x3  }
0x37: {  	[smem:$0x3FB6] =	sst s10  }
0x38: {  	s10 =	sld [smem:$0x3FB7]  }
0x39: {  	_ = 	snop;
	(pc) =	sbr.ind lr, $3  }
0x3a: {  	_ = 	snop  }
0x3b: {  	_ = 	snop  }
0x3c: {  	p2 =	seq.s32 s10, $0x1;
	s10 =	sld [smem:$0x3FB6]  }
0x3d: {  	_ =	shalt  }
0x3e: {  	_ =	shalt  }
0x3f: {  	_ =	shalt  }
0x40: {  	_ =	shalt  }
0x41: {  	_ =	shalt  }
0x42: {  	_ =	shalt  }
0x43: {  	_ =	shalt  }
0x44: {  	_ =	shalt  }
0x45: {  	_ =	shalt  }
0x46: {  	_ =	shalt  }
0x47: {  	_ =	shalt  }
0x48: {  	_ =	shalt  }
0x49: {  	_ =	shalt  }
0x4a: {  	_ =	shalt  }
0x4b: {  	_ =	shalt  }
0x4c: {  	_ =	shalt  }
0x4d: {  	_ =	shalt  }
0x4e: {  	_ =	shalt  }
0x4f: {  	_ =	shalt  }
0x50: {  	_ =	shalt  }
0x51: {  	_ =	shalt  }
0x52: {  	_ =	shalt  }
0x53: {  	_ =	shalt  }
0x54: {  	_ =	shalt  }
0x55: {  	_ =	shalt  }
0x56: {  	_ =	shalt  }
0x57: {  	_ =	shalt  }
0x58: {  	_ =	shalt  }
0x59: {  	_ =	shalt  }
0x5a: {  	_ =	shalt  }
0x5b: {  	_ =	shalt  }
0x5c: {  	_ =	shalt  }
0x5d: {  	_ =	shalt  }
0x5e: {  	_ =	shalt  }
0x5f: {  	_ =	shalt  }
0x60: {  	_ =	shalt  }
0x61: {  	_ =	shalt  }
0x62: {  	_ =	shalt  }
0x63: {  	_ =	shalt  }
0x64: {  	_ =	shalt  }
0x65: {  	_ =	shalt  }
0x66: {  	_ =	shalt  }
0x67: {  	_ =	shalt  }
0x68: {  	_ =	shalt  }
0x69: {  	_ =	shalt  }
0x6a: {  	_ =	shalt  }
0x6b: {  	_ =	shalt  }
0x6c: {  	_ =	shalt  }
0x6d: {  	_ =	shalt  }
0x6e: {  	_ =	shalt  }
0x6f: {  	_ =	shalt  }
0x70: {  	_ =	shalt  }
0x71: {  	_ =	shalt  }
0x72: {  	_ =	shalt  }
0x73: {  	_ =	shalt  }
0x74: {  	_ =	shalt  }
0x75: {  	_ =	shalt  }
0x76: {  	_ =	shalt  }
0x77: {  	_ =	shalt  }
0x78: {  	_ =	shalt  }
0x79: {  	_ =	shalt  }
0x7a: {  	_ =	shalt  }
0x7b: {  	_ =	shalt  }
0x7c: {  	_ =	shalt  }
0x7d: {  	_ =	shalt  }
0x7e: {  	_ =	shalt  }
0x7f: {  	_ =	shalt  }
0x80: {  	_ =	shalt  }
0x81: {  	_ =	shalt  }
0x82: {  	_ =	shalt  }
0x83: {  	_ =	shalt  }
0x84: {  	_ =	shalt  }
0x85: {  	_ =	shalt  }
0x86: {  	_ =	shalt  }
0x87: {  	_ =	shalt  }
.Lfunc_end0:
.L_simem_size_0:
called_computation.1_lowered:
.L_overlay_start_0:
0x88: {  	s2 =	sld [smem:$0x3FD9]  }
0x89: {  	s3 =	sld [smem:$0x3FFE];
	_ =	sdelay $0x1  }
0x8a: {  	s1 =	srdreg.scid  }
0x8b: {  	s0 =	sand.u32 $0x1, s1  }
0x8c: {  	s14 =	sshll.u32 s0, $0xA;
	s2 =	sadd.s32 s3, s2  }
0x8d: {  	s2 =	sadd.s32 s2, s14  }
0x8e: {  	[smem:$0x3FC2] =	sst s2  }
0x8f: {  	_ = 	snop  }
0x90: {  	s2 =	sld [smem:$0x3FD0]  }
0x91: {  	s15 =	sld [smem:$0x3FC9]  }
0x92: {  	s4 =	sld [smem:$0x3FC8]  }
0x93: {  	s6 =	simm.s32 $0xA;
	s7 =	simm.s32 $0x10;
	s5 =	sld [smem:$0x3FC7]  }
0x94: {  	[smem:s7], [sflag:s6] =	dma.local [hbm:s2], $0x1  }
0x95: {  	_ =	swait.eq [sflag:s6], $0x1  }
0x96: {  	[sflag:s6] =	ssyncset.done $0x0  }
0x97: {  	s16 =	sld [smem:$0x10];
	[sflag:s6] =	ssyncadd.s32 $0xFFFFFFFF  }
0x98: {  	s17 =	sld [smem:$0x11];
	(tm) =	ssettm $0x1  }
0x99: {  	s18 =	sld [smem:$0x3FFB];
	_ =	sdelay $0x3  }
0x9a: {  	_ =	strace s18  }
0x9b: {  	s7 =	sld [smem:$0x3FFC];
	_ =	sdelay $0x3  }
0x9c: {  	_ =	strace s7  }
0x9d: {  	s7 =	sld [smem:$0x3FFD];
	_ =	sdelay $0x3  }
0x9e: {  	_ =	strace s7  }
0x9f: {  	_ =	strace $0x8FFFFFFF  }
0xa0: {  	s19 =	sld [smem:$0x3FDB];
	_ =	sdelay $0x1  }
0xa1: {  	s8 =	simm.s32 $_scs_section_size  }
0xa2: {  	s9 =	simm.s32 $_size__tile_overlayer_lowered;
	s10 =	simm.s32 $_tile_overlayer_lowered  }
0xa3: {  	s22 =	simm.s32 $0x1BFF;
	s21 =	sshll.u32 s10, $0x1;
	s7 =	sadd.s32 s8, s19  }
0xa4: {  	s11 =	simm.s32 $0x0;
	s20 =	sshll.u32 s9, $0x1;
	s9 =	sadd.s32 s21, s7  }
0xa5: {  	[timem:s11], [sflag:s22] =	dma.local [hbm:s9], s20  }
0xa6: {  	_ =	swait.ge [sflag:s22], s20  }
0xa7: {  	s8 =	ssub.s32 $0x0, s20;
	[sflag:s22] =	ssyncset.done $0x0  }
0xa8: {  	[sflag:s22] =	ssyncadd.s32 s8;
	_ =	sdelay $0x1  }
0xa9: {  	s23 =	simm.s32 $0x1B8B  }
0xaa: {  	_ =	swait.ge [sflag:s23], $0x1  }
0xab: {  	[sflag:s23] =	ssyncset.done $0x0  }
0xac: {  	s25 =	simm.s32 $0x1B8E;
	s24 =	sld [smem:$0x3FFE];
	[sflag:s23] =	ssyncadd.s32 $0xFFFFFFFF  }
0xad: {  	s26 =	simm.s32 $execute0_lowered;
	[smem:$0x3FD2] =	sst s25  }
0xae: {  	s9 =	sshll.u32 s26, $0x1;
	_ =	strace $0x80000049;
	[dreg:$0x1] =	wrdreg $0xFFFFFFFF  }
0xaf: {  	s28 =	simm.s32 $_size_execute0_lowered;
	s7 =	sadd.s32 s7, s9;
	[dreg:$0x0] =	wrdreg $0x0  }
0xb0: {  	s9 =	sshll.u32 s28, $0x1;
	[dreg:$0x2] =	wrdreg s7  }
0xb1: {  	[dreg:$0x3] =	wrdreg s9  }
0xb2: {  	[dreg:$0x4] =	wrdreg $0xC0  }
0xb3: {  	_ =	task [dreg:s11], $0x5FFFF  }
0xb4: {  	[dreg:$0x1] =	wrdreg $0xFFFFFFFF  }
0xb5: {  	[dreg:$0x0] =	wrdreg $0x60  }
0xb6: {  	[dreg:$0x2] =	wrdreg s5  }
0xb7: {  	[dreg:$0x3] =	wrdreg s15  }
0xb8: {  	[dreg:$0x4] =	wrdreg s4  }
0xb9: {  	[dreg:$0x5] =	wrdreg s24  }
0xba: {  	[dreg:$0x6] =	wrdreg s16  }
0xbb: {  	[dreg:$0x7] =	wrdreg s17  }
0xbc: {  	[dreg:$0x8] =	wrdreg $0x9  }
0xbd: {  	_ =	task.clear_ibuf [dreg:s11], $0x9FFFF;
	_ =	strace $0x90000049  }
0xbe: {  	s29 =	simm.s32 $0x9;
	_ =	strace $0x8000004B  }
0xbf: {  	_ =	swait.ge [sflag:s29], $0x1  }
0xc0: {  	[sflag:s29] =	ssyncadd.s32 $0xFFFFFFFF  }
0xc1: {  	_ =	strace $0x9000004B  }
0xc2: {  	_ =	sfence  }
0xc3: {  	s30 =	sld [smem:$0x0];
	_ =	sdelay $0x2  }
0xc4: {  	s31 =	sshll.u32 s1, $0xD;
	s1 =	sshrl.u32 s1, $0x2  }
0xc5: {  	s3 =	sand.u32 $0x4000, s31;
	s1 =	sadd.s32 s1, s30  }
0xc6: {  	s0 =	sor.u32 s3, s0;
	s1 =	sshll.u32 s1, $0x11  }
0xc7: {  	s0 =	sor.u32 s1, s0  }
0xc8: {  	s0 =	sadd.s32 $0x8F2B, s0  }
0xc9: {  	[sflag:s0] =	ssyncadd.remote.s32 $0x1  }
0xca: {  	_ =	sfence.sel $0xFFFF  }
0xcb: {  	[dreg:$0x0] =	wrdreg $0xFFFFFFFF;
	(pc) =	sbr.abs _section_cstart, $3  }
0xcc: {  	[dreg:$0x1] =	wrdreg $0xFFFFFFFF  }
0xcd: {  	_ =	task.clear_ibuf [dreg:s11], $0x2FFFF;
	_ =	strace $0x9FFFFFFF  }
0xce: {  	(tm) =	ssettm $0x7FFFFFFF  }
0xcf: {  	_ =	shalt  }
tec
execute0_lowered:
.L_overlay_start_1:
0x0: {  	(tag) =	ssettag $0x1  }
0x1: {  	s2 =	rddreg [dreg:$0x1]  }
0x2: {  	s3 =	rddreg [dreg:$0x2]  }
0x3: {  	s0 =	rddreg [dreg:$0x3]  }
0x4: {  	s4 =	rddreg [dreg:$0x4]  }
0x5: {  	s6 =	rddreg [dreg:$0x5]  }
0x6: {  	s7 =	simm.s32 $0x0;
	s1 =	srdreg.scid;
	s5 =	stileid.u32  }
0x7: {  	s29 =	simm.s32 $0xC80;
	[smem:$0x7FF] =	sst s7;
	s25 =	sadd.s32 $0xE00, s0  }
0x8: {  	s0 =	sadd.s32 $0xC00, s0;
	_ =	strace $0x8000004A;
	[dreg:$0x8] =	wrdreg s25  }
0x9: {  	s30 =	simm.s32 $0x12C80;
	s20 =	sadd.s32 $0xF4200, s2;
	[dreg:$0x9] =	wrdreg s0  }
0xa: {  	s28 =	simm.s32 $0x5;
	s21 =	sadd.s32 $0xF4200, s3;
	[dreg:$0x16] =	wrdreg s20  }
0xb: {  	s1 =	sand.u32 $0x1, s1;
	s22 =	sadd.s32 $0xF4200, s4;
	[dreg:$0x17] =	wrdreg s21  }
0xc: {  	s5 =	sshll.u32 s5, $0x1;
	s23 =	sadd.s32 $0xF4200, s6;
	[dreg:$0x19] =	wrdreg s22  }
0xd: {  	s24 =	ssub.s32 $0x2, s1;
	s8 =	sor.u32 s1, s5;
	[dreg:$0x1a] =	wrdreg s23  }
0xe: {  	s25 =	sadd.s32 $0xF4000, s3;
	s23 =	simm.s32 $0x8;
	s20 =	simm.s32 $0x1CC80  }
0xf: {  	s21 =	simm.s32 $0x2;
	s5 =	sshll.u32 s8, $0x9;
	[dreg:$0x1c] =	wrdreg s25  }
0x10: {  	s22 =	simm.s32 $0x3;
	[dreg:$0x7] =	wrdreg s8;
	s9 =	sadd.s32 s2, s5  }
0x11: {  	s26 =	sshrl.u32 s24, $0x1;
	s10 =	sadd.s32 s3, s5;
	[dreg:$0xa] =	wrdreg s9  }
0x12: {  	v0 =	vimm.s32 $0x1380;
	vm0 =	vcmask $0x300;
	s11 =	sshll.u32 s8, $0xC;
	s13 =	sor.u32 $0x8000, s5;
	[dreg:$0xb] =	wrdreg s10  }
0x13: {  	vm14 =	vcmask $0x704;
	v0 =	vsel vm0, $0x0, v0;
	p0 =	seq.s32 s8, $0x1;
	s14 =	sor.u32 $0x20000, s11;
	[dreg:$0xe] =	wrdreg s13  }
0x14: {  	vm15 =	vcmask $0xB08;
	v0 =	vsel vm14, $0x80, v0;
	p1 =	sne.s32 s8, $0x0;
	s15 =	sor.u32 $0x60000, s11;
	[dreg:$0xf] =	wrdreg s14  }
0x15: {  	vm4 =	vcmask $0xF0C;
	v0 =	vsel vm15, $0x100, v0;
	s25 =	simm.s32 $0x1EC80;
	s1 =	sor.u32 $0x80000, s11;
	[dreg:$0x10] =	wrdreg s15  }
0x16: {  	vm5 =	vcmask $0x1310;
	s31 =	ssub.s32 s24, s26;
	s24 =	sadd.s32 $0xF4000, s2;
	v0 =	vsel vm4, $0x180, v0;
	[dreg:$0x11] =	wrdreg s1  }
0x17: {  	vm6 =	vcmask $0x1714;
	s12 =	sor.u32 $0x4000, s5;
	s26 =	sadd.s32 $0xF4000, s4;
	[dreg:$0x1b] =	wrdreg s24;
	v0 =	vsel vm5, $0x200, v0  }
0x18: {  	vm7 =	vcmask $0x1B18;
	s5 =	sor.u32 $0xF0000, s5;
	s9 =	sadd.s32 s2, s12;
	[dreg:$0x1d] =	wrdreg s26;
	v0 =	vsel vm6, $0x280, v0  }
0x19: {  	vm8 =	vcmask $0x1F1C;
	s11 =	simm.s32 $0x18C80;
	s7 =	sadd.s32 s3, s12;
	[dreg:$0xc] =	wrdreg s9;
	v0 =	vsel vm7, $0x300, v0  }
0x1a: {  	vm9 =	vcmask $0x2320;
	s16 =	sadd.s32 s2, s5;
	s17 =	sadd.s32 s3, s5;
	[dreg:$0xd] =	wrdreg s7;
	v0 =	vsel vm8, $0x380, v0  }
0x1b: {  	vm10 =	vcmask $0x2724;
	s18 =	sadd.s32 s4, s5;
	s19 =	sadd.s32 s6, s5;
	[dreg:$0x12] =	wrdreg s16;
	v0 =	vsel vm9, $0x1000, v0  }
0x1c: {  	vm11 =	vcmask $0x2B28;
	s0 =	smax.u32 s31, $0x1;
	s31 =	sadd.s32 $0xF4000, s6;
	[dreg:$0x13] =	wrdreg s17;
	v0 =	vsel vm10, $0x1080, v0  }
.Ltmp0:
0x1d: {  	vm12 =	vcmask $0x2F2C;
	s5 =	simm.s32 $0x7A1400;
	[dreg:$0x14] =	wrdreg s18;
	v0 =	vsel vm11, $0x1100, v0;
	(pc) =	sbr.rel .LBB2_1-.Ltmp0, $4  }
0x1e: {  	vm13 =	vcmask $0x3330;
	s10 =	simm.s32 $0x16C80;
	s12 =	simm.s32 $0x1;
	[dreg:$0x15] =	wrdreg s19;
	v1 =	vsel vm12, $0x1180, v0  }
0x1f: {  	vm14 =	vcmask $0x3734;
	vm15 =	vcmask $0x3B38;
	s13 =	simm.s32 $0xA00;
	s14 =	simm.s32 $0x680;
	[dreg:$0x18] =	wrdreg s0;
	v2 =	vsel vm13, $0x1200, v1  }
0x20: {  	s26 =	simm.s32 $0x1F480;
	[dreg:$0x1e] =	wrdreg s31;
	s0 =	simm.s32 $0x1000;
	v0 =	vmov s8;
	v1 =	vlaneseq.u32;
	v3 =	vsel vm14, $0x1280, v2  }
0x21: {  	s7 =	simm.s32 $0x14C80;
	s19 =	simm.s32 $0x1AC80;
	s8 =	simm.s32 $0x0;
	v2 =	vimm.s32 $0x0;
	v4 =	vor.u32 $0x10, v1;
	v3 =	vsel vm15, $0x1300, v3  }
.LBB2_42:
0x22: {  	_ = 	snop  }
.LBB2_45:
0x23: {  	_ =	sdelay $0x3  }
0x24: {  	[tilespmem:v6+s7+$0x0] =	vst.idx.msk @p2 $0xffff, v8  }
0x25: {  	v6 =	vld.idx.msk [tilespmem:v7+s13+$0x0], $0xffff;
	_ =	sdelay $0x7  }
0x26: {  	v7 =	vld.idx.msk [tilespmem:v6+s14+$0x0], $0xffff;
	_ =	sdelay $0x4  }
0x27: {  	v60 =	vshll.u32 v7, $0x3  }
0x28: {  	v7 =	vand.u32 $0x7F, v7;
	v8 =	vand.u32 $0xC00, v60  }
0x29: {  	v7 =	vor.u32 v8, v7  }
0x2a: {  	v7 =	vor.u32 v3, v7  }
0x2b: {  	v6 =	vshll.u32 v6, $0x7  }
0x2c: {  	v61 =	vor.u32 v1, v6;
	_ =	sdelay $0x2  }
0x2d: {  	v9 =	vld.idx.msk [tilespmem:v7+s30+$0x0], $0xffff;
	_ =	sdelay $0x1  }
0x2e: {  	v8 =	vld.idx.msk [tilespmem:v61+s29+$0x0], $0xffff;
	_ =	sdelay $0x2  }
0x2f: {  	v9 =	vmul.f32 v9, v5;
	_ =	sdelay $0x1  }
0x30: {  	v8 =	vadd.f32 v9, v8;
	_ =	sdelay $0x1  }
0x31: {  	v9 =	vmul.f32 v8, v8;
	_ =	sdelay $0x1  }
0x32: {  	(xrf2) =	vadd.scan.msk.f32 $0xffff, v9;
	_ =	sdelay $0x9  }
0x33: {  	v9, _, _ =	vpop (xrf2)  }
0x34: {  	v9 =	vmax.f32 v9, $1.000000020e-24  }
0x35: {  	v9 =	vbroadcast v9, $0xF;
	_ =	sdelay $0x1  }
0x36: {  	v10 =	vshra.s32 v9, $0x1;
	v9 =	vmul.f32 $5.000000000e-01, v9  }
0x37: {  	v10 =	vsub.s32 $0x5F3759DF, v10  }
0x38: {  	v11 =	vmul.f32 v10, v9;
	_ =	sdelay $0x1  }
0x39: {  	v11 =	vmul.f32 v10, v11;
	_ =	sdelay $0x1  }
0x3a: {  	v11 =	vsub.f32 $1.500000000e+00, v11;
	_ =	sdelay $0x1  }
0x3b: {  	v10 =	vmul.f32 v10, v11;
	_ =	sdelay $0x1  }
0x3c: {  	v11 =	vmul.f32 v10, v9;
	_ =	sdelay $0x1  }
0x3d: {  	v11 =	vmul.f32 v11, v10;
	_ =	sdelay $0x1  }
0x3e: {  	v11 =	vsub.f32 $1.500000000e+00, v11;
	_ =	sdelay $0x1  }
0x3f: {  	v10 =	vmul.f32 v11, v10;
	_ =	sdelay $0x1  }
0x40: {  	v9 =	vmul.f32 v10, v9;
	_ =	sdelay $0x1  }
0x41: {  	v9 =	vmul.f32 v9, v10;
	_ =	sdelay $0x1  }
0x42: {  	v9 =	vsub.f32 $1.500000000e+00, v9;
	_ =	sdelay $0x1  }
0x43: {  	v9 =	vmul.f32 v9, v10;
	_ =	sdelay $0x1  }
0x44: {  	v6 =	vor.u32 v4, v6;
	v8 =	vmul.f32 v9, v8;
	_ =	sdelay $0x1  }
0x45: {  	[tilespmem:v7+s30+$0x0] =	vst.idx.msk $0xffff, v8  }
0x46: {  	v8 =	vld.idx.msk [tilespmem:v7+s7+$0x0], $0xffff;
	_ =	sdelay $0x1  }
0x47: {  	v6 =	vld.idx.msk [tilespmem:v6+s29+$0x0], $0xffff;
	_ =	sdelay $0x2  }
0x48: {  	v5 =	vmul.f32 v8, v5;
	_ =	sdelay $0x1  }
0x49: {  	v5 =	vadd.f32 v5, v6;
	_ =	sdelay $0x1  }
0x4a: {  	v6 =	vmul.f32 v5, v5;
	_ =	sdelay $0x1  }
0x4b: {  	(xrf2) =	vadd.scan.msk.f32 $0xffff, v6;
	_ =	sdelay $0x9  }
0x4c: {  	v6, _, _ =	vpop (xrf2)  }
0x4d: {  	v6 =	vmax.f32 v6, $1.000000020e-24  }
0x4e: {  	v6 =	vbroadcast v6, $0xF;
	_ =	sdelay $0x1  }
0x4f: {  	v62 =	vshra.s32 v6, $0x1;
	v6 =	vmul.f32 $5.000000000e-01, v6  }
0x50: {  	v8 =	vsub.s32 $0x5F3759DF, v62  }
0x51: {  	v63 =	vmul.f32 v8, v6;
	_ =	sdelay $0x1  }
0x52: {  	v9 =	vmul.f32 v8, v63;
	_ =	sdelay $0x1  }
0x53: {  	v9 =	vsub.f32 $1.500000000e+00, v9;
	_ =	sdelay $0x1  }
0x54: {  	v8 =	vmul.f32 v8, v9;
	_ =	sdelay $0x1  }
0x55: {  	v9 =	vmul.f32 v8, v6;
	_ =	sdelay $0x1  }
0x56: {  	v9 =	vmul.f32 v9, v8;
	_ =	sdelay $0x1  }
0x57: {  	v9 =	vsub.f32 $1.500000000e+00, v9;
	_ =	sdelay $0x1  }
0x58: {  	v8 =	vmul.f32 v9, v8;
	_ =	sdelay $0x1  }
0x59: {  	v6 =	vmul.f32 v8, v6;
	_ =	sdelay $0x1  }
0x5a: {  	v6 =	vmul.f32 v6, v8;
	_ =	sdelay $0x1  }
0x5b: {  	v6 =	vsub.f32 $1.500000000e+00, v6;
	_ =	sdelay $0x1  }
0x5c: {  	v6 =	vmul.f32 v6, v8;
	_ =	sdelay $0x1  }
0x5d: {  	v5 =	vmul.f32 v6, v5;
	_ =	sdelay $0x1  }
0x5e: {  	[tilespmem:v7+s7+$0x0] =	vst.idx.msk $0xffff, v5  }
.LBB2_46:
0x5f: {  	s1 =	rddreg [dreg:$0x1d]  }
0x60: {  	[hbm4b:s1+s0] =	stream.strided.scatter [tilespmem:s30], [sflag:$0x8], $0x2000, s5, s0, $0x38;
	[tilespmem:$0x1FD00] =	vst v63  }
0x61: {  	_ =	swait.ge [sflag:s23], $0x2000  }
0x62: {  	[sflag:s23] =	ssyncset.done $0x0  }
0x63: {  	s31 =	rddreg [dreg:$0x1e];
	[sflag:s23] =	ssyncadd.s32 $0xFFFFE000  }
0x64: {  	[hbm4b:s31+s0] =	stream.strided.scatter [tilespmem:s7], [sflag:$0x8], $0x2000, s5, s0, $0x38;
	[tilespmem:$0x1FD00] =	vst v63  }
0x65: {  	_ =	swait.ge [sflag:s23], $0x2000  }
0x66: {  	[sflag:s23] =	ssyncset.done $0x0  }
0x67: {  	s8 =	rddreg [dreg:$0x1f];
	[sflag:s23] =	ssyncadd.s32 $0xFFFFE000  }
.LBB2_54:
0x68: {  	s8 =	sadd.s32 $0x1, s8;
	s1 =	rddreg [dreg:$0x18]  }
0x69: {  	p2 =	sne.s32 s8, s1  }
.Ltmp1:
0x6a: {  	_ = 	snop;
	(pc) =	sbr.rel @!p2 .LBB2_55-.Ltmp1, $1  }
0x6b: {  	_ =	sdelay $0x3  }
.LBB2_1:
0x6c: {  	[dreg:$0x1f] =	wrdreg s8  }
0x6d: {  	s1 =	simm.s32 $0x0;
	s31 =	rddreg [dreg:$0x9];
	s9 =	simm.s32 $0x1FC80  }
0x6e: {  	[tilespmem:s9], [sflag:$0x8] =	stream.linear.gather [hbm4b:s31+s1], $0x80, $0x38;
	[tilespmem:$0x1FD00] =	vst v63  }
0x6f: {  	_ =	swait.ge [sflag:s23], $0x80  }
0x70: {  	[sflag:s23] =	ssyncset.done $0x0  }
0x71: {  	[sflag:s23] =	ssyncadd.s32 $0xFFFFFF80  }
0x72: {  	s1 =	simm.s32 $0x40;
	s9 =	simm.s32 $0x0;
	v5 =	vld [tilespmem:$0x1FC80]  }
.LBB2_2:
0x73: {  	p2 =	sne.s32 s1, $0x8C0;
	[tilespmem:s9+$0x400] =	vst v2;
	s8 =	smov.u32 s1;
	s1 =	sadd.s32 $0x40, s1  }
.Ltmp2:
0x74: {  	[tilespmem:s9+$0x680] =	vst v2;
	(pc) =	sbr.rel @p2 .LBB2_2-.Ltmp2, $2  }
0x75: {  	_ =	sdelay $0x2  }
0x76: {  	s9 =	sshra.s32 s8, $0x2  }
0x77: {  	[tilespmem:s9+$0x400] =	vst v2;
	s1 =	simm.s32 $0x0  }
0x78: {  	[tilespmem:s9+$0x680] =	vst v2;
	s9 =	simm.s32 $0x0;
	s18 =	simm.s32 $0x0;
	s15 =	simm.s32 $0x0  }
.LBB2_4:
0x79: {  	s8 =	sshll.u32 s15, $0x7;
	s16 =	rddreg [dreg:$0x0]  }
0x7a: {  	s8 =	sadd.s32 s16, s8  }
0x7b: {  	[tilespmem:s1], [sflag:$0x8] =	stream.linear.gather [hbm4b:s8+s1], $0x400, $0x38;
	[tilespmem:$0x1FD00] =	vst v63  }
0x7c: {  	_ =	swait.ge [sflag:s23], $0x400  }
0x7d: {  	[sflag:s23] =	ssyncset.done $0x0  }
0x7e: {  	s24 =	simm.s32 $0x0;
	[sflag:s23] =	ssyncadd.s32 $0xFFFFFC00  }
0x7f: {  	v6 =	vld [tilespmem:s24+$0x0];
	_ =	sdelay $0x4  }
0x80: {  	v7 =	vshrl.u32 v6, $0x9  }
0x81: {  	v7 =	vand.u32 $0x1F, v7  }
0x82: {  	vm0 =	veq.s32 v7, v0  }
0x83: {  	v7 =	vmpcnt.ones.xlane vm0;
	_ =	sdelay $0x1  }
0x84: {  	(v2sf) =	vpush v7, $0x0;
	_ =	sdelay $0x1  }
0x85: {  	p2 =	slt.s32 s18, $0x230;
	s8 =	smov.u32 s18  }
0x86: {  	v8 =	vor.u32 s9, v1;
	s8 =	simm.s32 @!p2 $0x230  }
0x87: {  	[tilespmem:s8+$0x400] =	vst.msk vm0, v8  }
0x88: {  	s31 =	simm.s32 $0x80;
	s24 =	smov.u32 s9;
	[tilespmem:s8+$0x680] =	vst.msk vm0, v6;
	s8 =	simm.s32 $0x10  }
.LBB2_5:
0x89: {  	p2 =	sne.s32 s31, $0xFC0;
	v6 =	vld [tilespmem:s8+$0x0];
	_ =	sdelay $0x4  }
0x8a: {  	v7 =	vshrl.u32 v6, $0x9  }
0x8b: {  	v7 =	vand.u32 $0x1F, v7  }
0x8c: {  	vm0 =	veq.s32 v7, v0  }
0x8d: {  	v7 =	vmpcnt.ones.xlane vm0  }
0x8e: {  	s8 =	spop (v2sf)  }
0x8f: {  	s24 =	sadd.s32 $0x10, s24;
	(v2sf) =	vpush v7, $0x0;
	s18 =	sadd.s32 s18, s8  }
.Ltmp3:
0x90: {  	p3 =	slt.s32 s18, $0x230;
	s8 =	smov.u32 s18;
	(pc) =	sbr.rel @p2 .LBB2_5-.Ltmp3, $4  }
0x91: {  	v7 =	vor.u32 s24, v1;
	s8 =	simm.s32 @!p3 $0x230  }
0x92: {  	[tilespmem:s8+$0x400] =	vst.msk vm0, v7  }
0x93: {  	[tilespmem:s8+$0x680] =	vst.msk vm0, v6  }
0x94: {  	s8 =	sshra.s32 s31, $0x2;
	s31 =	sadd.s32 $0x40, s31  }
0x95: {  	v6 =	vld [tilespmem:s8+$0x0];
	_ =	sdelay $0x4  }
0x96: {  	v7 =	vshrl.u32 v6, $0x9  }
0x97: {  	v7 =	vand.u32 $0x1F, v7  }
0x98: {  	vm0 =	veq.s32 v7, v0  }
0x99: {  	v7 =	vmpcnt.ones.xlane vm0;
	_ =	sdelay $0x1  }
0x9a: {  	(v2sf) =	vpush v7, $0x0;
	_ =	sdelay $0x7  }
0x9b: {  	s16 =	spop (v2sf)  }
0x9c: {  	s17 =	sadd.s32 $0x10, s24;
	s8 =	sadd.s32 s18, s16  }
0x9d: {  	s15 =	sadd.s32 $0x1, s15;
	p2 =	slt.s32 s8, $0x230;
	s24 =	smov.u32 s8  }
0x9e: {  	s24 =	simm.s32 @!p2 $0x230;
	p2 =	sne.s32 s15, $0x10  }
.Ltmp4:
0x9f: {  	_ = 	snop;
	(pc) =	sbr.rel @p2 .LBB2_4-.Ltmp4, $4  }
0xa0: {  	_ = 	snop  }
0xa1: {  	v7 =	vor.u32 s17, v1  }
0xa2: {  	[tilespmem:s24+$0x400] =	vst.msk vm0, v7;
	s31 =	spop (v2sf)  }
0xa3: {  	s9 =	sadd.s32 $0x400, s9;
	[tilespmem:s24+$0x680] =	vst.msk vm0, v6;
	s18 =	sadd.s32 s8, s31  }
0xa4: {  	p2 =	slt.s32 s18, $0x240  }
0xa5: {  	s18 =	simm.s32 @!p2 $0x240  }
0xa6: {  	s1 =	simm.s32 $0x0;
	s15 =	simm.s32 $0x0;
	s9 =	simm.s32 $0x0;
	v6 =	vmov s18  }
.LBB2_8:
0xa7: {  	v7 =	vmov s9;
	_ =	sdelay $0x3  }
0xa8: {  	v8 =	vmov s15;
	s8 =	simm.s32 $0x900  }
0xa9: {  	s24 =	simm.s32 $0x680;
	[tilespmem:v7+s8+$0x0] =	vst.idx.msk $0xffff, v8  }
0xaa: {  	v8 =	vld [tilespmem:s24+$0x0];
	_ =	sdelay $0x4  }
0xab: {  	v9 =	vor.u32 s1, v1;
	v8 =	vshrl.u32 v8, $0xE  }
0xac: {  	vm1 =	vlt.s32 v9, v6;
	vm0 =	veq.s32 v8, v7  }
0xad: {  	vm0 =	vmand vm1, vm0  }
0xae: {  	v8 =	vmpcnt.ones.xlane vm0;
	_ =	sdelay $0x1  }
0xaf: {  	(v2sf) =	vpush v8, $0x0;
	_ =	sdelay $0x2  }
0xb0: {  	p2 =	slt.s32 s15, $0x230;
	s8 =	smov.u32 s15  }
0xb1: {  	s8 =	simm.s32 @!p2 $0x230  }
0xb2: {  	s24 =	simm.s32 $0x690;
	[tilespmem:s8+$0xA00] =	vst.msk vm0, v9  }
0xb3: {  	s18 =	simm.s32 $0x10;
	s31 =	simm.s32 $0x20;
	v8 =	vld [tilespmem:s24+$0x0]  }
.LBB2_9:
0xb4: {  	p2 =	sne.s32 s31, $0x230;
	_ =	sdelay $0x3  }
0xb5: {  	v9 =	vor.u32 s18, v1;
	s18 =	smov.u32 s31;
	v8 =	vshrl.u32 v8, $0xE  }
0xb6: {  	vm1 =	vlt.s32 v9, v6;
	vm0 =	veq.s32 v8, v7  }
0xb7: {  	vm0 =	vmand vm1, vm0  }
0xb8: {  	v8 =	vmpcnt.ones.xlane vm0  }
0xb9: {  	s8 =	spop (v2sf)  }
0xba: {  	(v2sf) =	vpush v8, $0x0;
	s15 =	sadd.s32 s15, s8  }
0xbb: {  	p3 =	slt.s32 s15, $0x230;
	s8 =	smov.u32 s15  }
.Ltmp5:
0xbc: {  	s8 =	simm.s32 @!p3 $0x230;
	(pc) =	sbr.rel @p2 .LBB2_9-.Ltmp5, $3  }
0xbd: {  	[tilespmem:s8+$0xA00] =	vst.msk vm0, v9;
	_ =	sdelay $0x1  }
0xbe: {  	s24 =	sadd.s32 $0x10, s24  }
0xbf: {  	s31 =	sadd.s32 $0x10, s31;
	v8 =	vld [tilespmem:s24+$0x0]  }
0xc0: {  	_ =	sdelay $0x3  }
0xc1: {  	v9 =	vor.u32 s18, v1;
	v8 =	vshrl.u32 v8, $0xE  }
0xc2: {  	vm1 =	vlt.s32 v9, v6;
	vm0 =	veq.s32 v8, v7  }
0xc3: {  	vm0 =	vmand vm1, vm0  }
0xc4: {  	v7 =	vmpcnt.ones.xlane vm0;
	_ =	sdelay $0x1  }
0xc5: {  	(v2sf) =	vpush v7, $0x0;
	_ =	sdelay $0x7  }
0xc6: {  	s8 =	spop (v2sf)  }
0xc7: {  	s8 =	sadd.s32 s15, s8  }
0xc8: {  	s9 =	sadd.s32 $0x1, s9;
	p2 =	slt.s32 s8, $0x230;
	s15 =	smov.u32 s8  }
0xc9: {  	s15 =	simm.s32 @!p2 $0x230;
	p2 =	sne.s32 s9, $0x3F  }
.Ltmp6:
0xca: {  	_ = 	snop;
	(pc) =	sbr.rel @p2 .LBB2_8-.Ltmp6, $3  }
0xcb: {  	_ =	sdelay $0x1  }
0xcc: {  	s31 =	spop (v2sf)  }
0xcd: {  	[tilespmem:s15+$0xA00] =	vst.msk vm0, v9;
	s15 =	sadd.s32 s8, s31  }
0xce: {  	s1 =	rddreg [dreg:$0x8];
	s8 =	simm.s32 $0x80;
	s9 =	simm.s32 $0x400  }
0xcf: {  	[tilespmem:s29], [sflag:$0x7] =	stream.indirect.gather [hbm4b:s1+s8], $0x80, s9, s8, $0xb8;
	[tilespmem:$0x1FD00] =	vst v63  }
0xd0: {  	s18 =	simm.s32 $0x480;
	s15 =	simm.s32 $0x4C80  }
0xd1: {  	[tilespmem:s15], [sflag:$0x7] =	stream.indirect.gather [hbm4b:s1+s8], $0x80, s18, s8, $0xb8;
	[tilespmem:$0x1FD00] =	vst v63  }
0xd2: {  	s24 =	simm.s32 $0x500;
	s31 =	simm.s32 $0x8C80  }
0xd3: {  	[tilespmem:s31], [sflag:$0x7] =	stream.indirect.gather [hbm4b:s1+s8], $0x80, s24, s8, $0xb8;
	[tilespmem:$0x1FD00] =	vst v63  }
0xd4: {  	s16 =	simm.s32 $0x580;
	s17 =	simm.s32 $0xCC80;
	s18 =	simm.s32 $0x40  }
0xd5: {  	[tilespmem:s17], [sflag:$0x7] =	stream.indirect.gather [hbm4b:s1+s8], $0x80, s16, s8, $0xb8;
	[tilespmem:$0x1FD00] =	vst v63  }
0xd6: {  	s24 =	simm.s32 $0x600;
	s31 =	simm.s32 $0x10C80;
	s16 =	simm.s32 $0x7  }
0xd7: {  	[tilespmem:s31], [sflag:$0x7] =	stream.indirect.gather [hbm4b:s1+s18], $0x80, s24, s18, $0xb8;
	[tilespmem:$0x1FD00] =	vst v63  }
0xd8: {  	_ =	swait.ge [sflag:s16], $0x4000  }
0xd9: {  	[sflag:s16] =	ssyncset.done $0x0  }
0xda: {  	[sflag:s16] =	ssyncadd.s32 $0xFFFFC000  }
0xdb: {  	_ =	swait.ge [sflag:s16], $0x4000  }
0xdc: {  	[sflag:s16] =	ssyncset.done $0x0  }
0xdd: {  	[sflag:s16] =	ssyncadd.s32 $0xFFFFC000  }
0xde: {  	_ =	swait.ge [sflag:s16], $0x4000  }
0xdf: {  	[sflag:s16] =	ssyncset.done $0x0  }
0xe0: {  	[sflag:s16] =	ssyncadd.s32 $0xFFFFC000  }
0xe1: {  	_ =	swait.ge [sflag:s16], $0x4000  }
0xe2: {  	[sflag:s16] =	ssyncset.done $0x0  }
0xe3: {  	[sflag:s16] =	ssyncadd.s32 $0xFFFFC000  }
0xe4: {  	_ =	swait.ge [sflag:s16], $0x2000  }
0xe5: {  	[sflag:s16] =	ssyncset.done $0x0  }
0xe6: {  	s17 =	rddreg [dreg:$0xa];
	[sflag:s16] =	ssyncadd.s32 $0xFFFFE000  }
0xe7: {  	[tilespmem:s30], [sflag:$0x1] =	stream.strided.gather [hbm4b:s17+s0], $0x2000, s5, s0, $0x38;
	[tilespmem:$0x1FD00] =	vst v63  }
0xe8: {  	s18 =	rddreg [dreg:$0xb]  }
0xe9: {  	[tilespmem:s7], [sflag:$0x1] =	stream.strided.gather [hbm4b:s18+s0], $0x2000, s5, s0, $0x38;
	[tilespmem:$0x1FD00] =	vst v63  }
0xea: {  	s24 =	rddreg [dreg:$0xc]  }
0xeb: {  	[tilespmem:s10], [sflag:$0x2] =	stream.strided.gather [hbm4b:s24+s0], $0x2000, s5, s0, $0x38;
	[tilespmem:$0x1FD00] =	vst v63  }
0xec: {  	s9 =	simm.s32 $0x0;
	s31 =	rddreg [dreg:$0xd]  }
0xed: {  	[tilespmem:s11], [sflag:$0x2] =	stream.strided.gather [hbm4b:s31+s0], $0x2000, s5, s0, $0x38;
	[tilespmem:$0x1FD00] =	vst v63  }
.LBB2_12:
0xee: {  	s1 =	smul.u32 $0xC, s9;
	_ =	sdelay $0x1  }
0xef: {  	s1 =	sshra.s32 s1, $0x2  }
0xf0: {  	v6 =	vld [tilespmem:s1+$0x900]  }
0xf1: {  	_ =	swait.ge [sflag:s12], $0x2000  }
0xf2: {  	[sflag:s12] =	ssyncset.done $0x0  }
0xf3: {  	[sflag:s12] =	ssyncadd.s32 $0xFFFFE000  }
0xf4: {  	_ =	swait.ge [sflag:s12], $0x2000  }
0xf5: {  	(v2sf) =	vpush v6, $0x0  }
0xf6: {  	(v2sf) =	vpush v6, $0x1;
	_ =	sdelay $0xd  }
0xf7: {  	s8 =	spop (v2sf)  }
0xf8: {  	s1 =	spop (v2sf)  }
0xf9: {  	p2 =	sge.s32 s8, s1  }
.Ltmp7:
0xfa: {  	_ = 	snop;
	(pc) =	sbr.rel @p2 .LBB2_18-.Ltmp7, $3  }
0xfb: {  	_ =	sdelay $0x1  }
0xfc: {  	[sflag:s12] =	ssyncset.done $0x0  }
0xfd: {  	[sflag:s12] =	ssyncadd.s32 $0xFFFFE000  }
0xfe: {  	s15 =	sadd.s32 $0x1, s8  }
0xff: {  	p3 =	sne.s32 s1, s15  }
.Ltmp8:
0x100: {  	_ = 	snop;
	(pc) =	sbr.rel @!p3 .LBB2_14-.Ltmp8, $2  }
0x101: {  	_ =	sdelay $0x2  }
0x102: {  	v8 =	vmov s8;
	p2 =	por $0x0, $0x0  }
0x103: {  	_ =	sdelay $0x3  }
0x104: {  	v8 =	vld.idx.msk [tilespmem:v8+s13+$0x0], $0xffff;
	_ =	sdelay $0x7  }
0x105: {  	v7 =	vld.idx.msk [tilespmem:v8+s14+$0x0], $0xffff;
	_ =	sdelay $0x4  }
0x106: {  	v9 =	vshll.u32 v7, $0x3  }
0x107: {  	v7 =	vand.u32 $0x7F, v7;
	v9 =	vand.u32 $0xC00, v9  }
0x108: {  	v7 =	vor.u32 v9, v7  }
0x109: {  	v7 =	vor.u32 v3, v7  }
0x10a: {  	v8 =	vshll.u32 v8, $0x7  }
0x10b: {  	v9 =	vor.u32 v1, v8;
	_ =	sdelay $0x2  }
0x10c: {  	v10 =	vld.idx.msk [tilespmem:v7+s30+$0x0], $0xffff;
	_ =	sdelay $0x1  }
0x10d: {  	v9 =	vld.idx.msk [tilespmem:v9+s29+$0x0], $0xffff;
	_ =	sdelay $0x2  }
0x10e: {  	v10 =	vmul.f32 v10, v5;
	_ =	sdelay $0x1  }
0x10f: {  	v9 =	vadd.f32 v10, v9;
	_ =	sdelay $0x1  }
0x110: {  	v10 =	vmul.f32 v9, v9;
	_ =	sdelay $0x1  }
0x111: {  	(xrf2) =	vadd.scan.msk.f32 $0xffff, v10;
	_ =	sdelay $0x9  }
0x112: {  	v10, _, _ =	vpop (xrf2)  }
0x113: {  	v10 =	vmax.f32 v10, $1.000000020e-24  }
0x114: {  	v10 =	vbroadcast v10, $0xF;
	_ =	sdelay $0x1  }
0x115: {  	v11 =	vshra.s32 v10, $0x1;
	v10 =	vmul.f32 $5.000000000e-01, v10  }
0x116: {  	v11 =	vsub.s32 $0x5F3759DF, v11  }
0x117: {  	v12 =	vmul.f32 v11, v10;
	_ =	sdelay $0x1  }
0x118: {  	v12 =	vmul.f32 v11, v12;
	_ =	sdelay $0x1  }
0x119: {  	v12 =	vsub.f32 $1.500000000e+00, v12;
	_ =	sdelay $0x1  }
0x11a: {  	v11 =	vmul.f32 v11, v12;
	_ =	sdelay $0x1  }
0x11b: {  	v12 =	vmul.f32 v11, v10;
	_ =	sdelay $0x1  }
0x11c: {  	v12 =	vmul.f32 v12, v11;
	_ =	sdelay $0x1  }
0x11d: {  	v12 =	vsub.f32 $1.500000000e+00, v12;
	_ =	sdelay $0x1  }
0x11e: {  	v11 =	vmul.f32 v12, v11;
	_ =	sdelay $0x1  }
0x11f: {  	v10 =	vmul.f32 v11, v10;
	_ =	sdelay $0x1  }
0x120: {  	v10 =	vmul.f32 v10, v11;
	_ =	sdelay $0x1  }
0x121: {  	v10 =	vsub.f32 $1.500000000e+00, v10;
	_ =	sdelay $0x1  }
0x122: {  	v10 =	vmul.f32 v10, v11;
	_ =	sdelay $0x1  }
0x123: {  	v8 =	vor.u32 v4, v8;
	v9 =	vmul.f32 v10, v9;
	_ =	sdelay $0x1  }
0x124: {  	[tilespmem:v7+s30+$0x0] =	vst.idx.msk $0xffff, v9  }
0x125: {  	v9 =	vld.idx.msk [tilespmem:v7+s7+$0x0], $0xffff;
	_ =	sdelay $0x1  }
0x126: {  	v8 =	vld.idx.msk [tilespmem:v8+s29+$0x0], $0xffff;
	_ =	sdelay $0x2  }
0x127: {  	v9 =	vmul.f32 v9, v5;
	_ =	sdelay $0x1  }
0x128: {  	v9 =	vadd.f32 v9, v8;
	_ =	sdelay $0x1  }
0x129: {  	v8 =	vmul.f32 v9, v9;
	_ =	sdelay $0x1  }
0x12a: {  	(xrf2) =	vadd.scan.msk.f32 $0xffff, v8;
	_ =	sdelay $0x9  }
0x12b: {  	v8, _, _ =	vpop (xrf2)  }
0x12c: {  	v8 =	vmax.f32 v8, $1.000000020e-24  }
0x12d: {  	v8 =	vbroadcast v8, $0xF;
	_ =	sdelay $0x1  }
0x12e: {  	v10 =	vshra.s32 v8, $0x1;
	v8 =	vmul.f32 $5.000000000e-01, v8  }
0x12f: {  	v10 =	vsub.s32 $0x5F3759DF, v10  }
0x130: {  	v11 =	vmul.f32 v10, v8;
	_ =	sdelay $0x1  }
0x131: {  	v11 =	vmul.f32 v10, v11;
	_ =	sdelay $0x1  }
0x132: {  	v11 =	vsub.f32 $1.500000000e+00, v11;
	_ =	sdelay $0x1  }
0x133: {  	v10 =	vmul.f32 v10, v11;
	_ =	sdelay $0x1  }
0x134: {  	v11 =	vmul.f32 v10, v8;
	_ =	sdelay $0x1  }
0x135: {  	v11 =	vmul.f32 v11, v10;
	_ =	sdelay $0x1  }
0x136: {  	v11 =	vsub.f32 $1.500000000e+00, v11;
	_ =	sdelay $0x1  }
0x137: {  	v10 =	vmul.f32 v11, v10;
	_ =	sdelay $0x1  }
0x138: {  	v8 =	vmul.f32 v10, v8;
	_ =	sdelay $0x1  }
0x139: {  	s18 =	sadd.s32 $0x1, s15;
	v8 =	vmul.f32 v8, v10  }
0x13a: {  	p3 =	sne.s32 s1, s18  }
.Ltmp9:
0x13b: {  	v8 =	vsub.f32 $1.500000000e+00, v8;
	(pc) =	sbr.rel @!p3 .LBB2_17-.Ltmp9, $3  }
0x13c: {  	_ = 	snop  }
0x13d: {  	v10 =	vmul.f32 v8, v10;
	v8 =	vmov s15;
	_ =	sdelay $0x1  }
0x13e: {  	p2 =	por $0x1, $0x1;
	v9 =	vmul.f32 v10, v9  }
.LBB2_16:
0x13f: {  	_ = 	snop  }
0x140: {  	s24 =	smov.u32 s18;
	s18 =	sadd.s32 $0x1, s18;
	[tilespmem:v7+s7+$0x0] =	vst.idx.msk $0xffff, v9  }
0x141: {  	p3 =	sne.s32 s1, s18;
	v7 =	vld.idx.msk [tilespmem:v8+s13+$0x0], $0xffff;
	_ =	sdelay $0x5  }
0x142: {  	v8 =	vshll.u32 v7, $0x7  }
0x143: {  	v9 =	vor.u32 v1, v8  }
0x144: {  	v7 =	vld.idx.msk [tilespmem:v7+s14+$0x0], $0xffff;
	_ =	sdelay $0x5  }
0x145: {  	v10 =	vshll.u32 v7, $0x3  }
0x146: {  	v7 =	vand.u32 $0x7F, v7;
	v10 =	vand.u32 $0xC00, v10  }
0x147: {  	v7 =	vor.u32 v10, v7  }
0x148: {  	v7 =	vor.u32 v3, v7;
	_ =	sdelay $0x4  }
0x149: {  	v10 =	vld.idx.msk [tilespmem:v7+s30+$0x0], $0xffff;
	_ =	sdelay $0x1  }
0x14a: {  	v9 =	vld.idx.msk [tilespmem:v9+s29+$0x0], $0xffff;
	_ =	sdelay $0x3  }
0x14b: {  	v10 =	vmul.f32 v10, v5;
	_ =	sdelay $0x1  }
0x14c: {  	v9 =	vadd.f32 v10, v9;
	_ =	sdelay $0x1  }
0x14d: {  	v10 =	vmul.f32 v9, v9;
	_ =	sdelay $0x1  }
0x14e: {  	(xrf2) =	vadd.scan.msk.f32 $0xffff, v10;
	_ =	sdelay $0x9  }
0x14f: {  	v10, _, _ =	vpop (xrf2)  }
0x150: {  	v10 =	vmax.f32 v10, $1.000000020e-24  }
0x151: {  	v10 =	vbroadcast v10, $0xF;
	_ =	sdelay $0x1  }
0x152: {  	v11 =	vshra.s32 v10, $0x1;
	v10 =	vmul.f32 $5.000000000e-01, v10  }
0x153: {  	v11 =	vsub.s32 $0x5F3759DF, v11  }
0x154: {  	v12 =	vmul.f32 v11, v10;
	_ =	sdelay $0x1  }
0x155: {  	v12 =	vmul.f32 v11, v12;
	_ =	sdelay $0x1  }
0x156: {  	v12 =	vsub.f32 $1.500000000e+00, v12;
	_ =	sdelay $0x1  }
0x157: {  	v11 =	vmul.f32 v11, v12;
	_ =	sdelay $0x1  }
0x158: {  	v12 =	vmul.f32 v11, v10;
	_ =	sdelay $0x1  }
0x159: {  	v12 =	vmul.f32 v12, v11;
	_ =	sdelay $0x1  }
0x15a: {  	v12 =	vsub.f32 $1.500000000e+00, v12;
	_ =	sdelay $0x1  }
0x15b: {  	v11 =	vmul.f32 v12, v11;
	_ =	sdelay $0x1  }
0x15c: {  	v10 =	vmul.f32 v11, v10;
	_ =	sdelay $0x1  }
0x15d: {  	v10 =	vmul.f32 v10, v11;
	_ =	sdelay $0x1  }
0x15e: {  	v10 =	vsub.f32 $1.500000000e+00, v10;
	_ =	sdelay $0x1  }
0x15f: {  	v10 =	vmul.f32 v10, v11;
	_ =	sdelay $0x1  }
0x160: {  	v8 =	vor.u32 v4, v8;
	v9 =	vmul.f32 v10, v9;
	_ =	sdelay $0x1  }
0x161: {  	[tilespmem:v7+s30+$0x0] =	vst.idx.msk $0xffff, v9  }
0x162: {  	v9 =	vld.idx.msk [tilespmem:v7+s7+$0x0], $0xffff;
	_ =	sdelay $0x1  }
0x163: {  	v8 =	vld.idx.msk [tilespmem:v8+s29+$0x0], $0xffff;
	_ =	sdelay $0x3  }
0x164: {  	v9 =	vmul.f32 v9, v5;
	_ =	sdelay $0x1  }
0x165: {  	v9 =	vadd.f32 v9, v8;
	_ =	sdelay $0x1  }
0x166: {  	v8 =	vmul.f32 v9, v9;
	_ =	sdelay $0x1  }
0x167: {  	(xrf2) =	vadd.scan.msk.f32 $0xffff, v8;
	_ =	sdelay $0x9  }
0x168: {  	v8, _, _ =	vpop (xrf2)  }
0x169: {  	v8 =	vmax.f32 v8, $1.000000020e-24  }
0x16a: {  	v8 =	vbroadcast v8, $0xF;
	_ =	sdelay $0x1  }
0x16b: {  	v10 =	vshra.s32 v8, $0x1;
	v8 =	vmul.f32 $5.000000000e-01, v8  }
0x16c: {  	v10 =	vsub.s32 $0x5F3759DF, v10  }
0x16d: {  	v11 =	vmul.f32 v10, v8;
	_ =	sdelay $0x1  }
0x16e: {  	v11 =	vmul.f32 v10, v11;
	_ =	sdelay $0x1  }
0x16f: {  	v11 =	vsub.f32 $1.500000000e+00, v11;
	_ =	sdelay $0x1  }
0x170: {  	v10 =	vmul.f32 v10, v11;
	_ =	sdelay $0x1  }
0x171: {  	v11 =	vmul.f32 v10, v8;
	_ =	sdelay $0x1  }
0x172: {  	v11 =	vmul.f32 v11, v10;
	_ =	sdelay $0x1  }
0x173: {  	v11 =	vsub.f32 $1.500000000e+00, v11;
	_ =	sdelay $0x1  }
0x174: {  	v10 =	vmul.f32 v11, v10;
	_ =	sdelay $0x1  }
0x175: {  	v8 =	vmul.f32 v10, v8;
	_ =	sdelay $0x1  }
0x176: {  	v8 =	vmul.f32 v8, v10;
	_ =	sdelay $0x1  }
.Ltmp10:
0x177: {  	v11 =	vsub.f32 $1.500000000e+00, v8;
	(pc) =	sbr.rel @p3 .LBB2_16-.Ltmp10, $3  }
0x178: {  	_ = 	snop  }
0x179: {  	v8 =	vmov s24;
	v10 =	vmul.f32 v11, v10;
	_ =	sdelay $0x1  }
0x17a: {  	v9 =	vmul.f32 v10, v9  }
.LBB2_17:
0x17b: {  	_ =	sdelay $0x3  }
0x17c: {  	[tilespmem:v7+s7+$0x0] =	vst.idx.msk @p2 $0xffff, v9  }
0x17d: {  	v7 =	vld.idx.msk [tilespmem:v8+s13+$0x0], $0xffff;
	_ =	sdelay $0x7  }
0x17e: {  	v8 =	vld.idx.msk [tilespmem:v7+s14+$0x0], $0xffff;
	_ =	sdelay $0x4  }
0x17f: {  	v60 =	vshll.u32 v8, $0x3  }
0x180: {  	v8 =	vand.u32 $0x7F, v8;
	v9 =	vand.u32 $0xC00, v60  }
0x181: {  	v8 =	vor.u32 v9, v8  }
0x182: {  	v8 =	vor.u32 v3, v8  }
0x183: {  	v7 =	vshll.u32 v7, $0x7  }
0x184: {  	v61 =	vor.u32 v1, v7;
	_ =	sdelay $0x2  }
0x185: {  	v10 =	vld.idx.msk [tilespmem:v8+s30+$0x0], $0xffff;
	_ =	sdelay $0x1  }
0x186: {  	v9 =	vld.idx.msk [tilespmem:v61+s29+$0x0], $0xffff;
	_ =	sdelay $0x2  }
0x187: {  	v10 =	vmul.f32 v10, v5;
	_ =	sdelay $0x1  }
0x188: {  	v9 =	vadd.f32 v10, v9;
	_ =	sdelay $0x1  }
0x189: {  	v10 =	vmul.f32 v9, v9;
	_ =	sdelay $0x1  }
0x18a: {  	(xrf2) =	vadd.scan.msk.f32 $0xffff, v10;
	_ =	sdelay $0x9  }
0x18b: {  	v10, _, _ =	vpop (xrf2)  }
0x18c: {  	v10 =	vmax.f32 v10, $1.000000020e-24  }
0x18d: {  	v10 =	vbroadcast v10, $0xF;
	_ =	sdelay $0x1  }
0x18e: {  	v11 =	vshra.s32 v10, $0x1;
	v10 =	vmul.f32 $5.000000000e-01, v10  }
0x18f: {  	v11 =	vsub.s32 $0x5F3759DF, v11  }
0x190: {  	v12 =	vmul.f32 v11, v10;
	_ =	sdelay $0x1  }
0x191: {  	v12 =	vmul.f32 v11, v12;
	_ =	sdelay $0x1  }
0x192: {  	v12 =	vsub.f32 $1.500000000e+00, v12;
	_ =	sdelay $0x1  }
0x193: {  	v11 =	vmul.f32 v11, v12;
	_ =	sdelay $0x1  }
0x194: {  	v12 =	vmul.f32 v11, v10;
	_ =	sdelay $0x1  }
0x195: {  	v12 =	vmul.f32 v12, v11;
	_ =	sdelay $0x1  }
0x196: {  	v12 =	vsub.f32 $1.500000000e+00, v12;
	_ =	sdelay $0x1  }
0x197: {  	v11 =	vmul.f32 v12, v11;
	_ =	sdelay $0x1  }
0x198: {  	v10 =	vmul.f32 v11, v10;
	_ =	sdelay $0x1  }
0x199: {  	v10 =	vmul.f32 v10, v11;
	_ =	sdelay $0x1  }
0x19a: {  	v10 =	vsub.f32 $1.500000000e+00, v10;
	_ =	sdelay $0x1  }
0x19b: {  	v10 =	vmul.f32 v10, v11;
	_ =	sdelay $0x1  }
0x19c: {  	v7 =	vor.u32 v4, v7;
	v9 =	vmul.f32 v10, v9;
	_ =	sdelay $0x1  }
0x19d: {  	[tilespmem:v8+s30+$0x0] =	vst.idx.msk $0xffff, v9  }
0x19e: {  	v9 =	vld.idx.msk [tilespmem:v8+s7+$0x0], $0xffff;
	_ =	sdelay $0x1  }
0x19f: {  	v7 =	vld.idx.msk [tilespmem:v7+s29+$0x0], $0xffff;
	_ =	sdelay $0x2  }
0x1a0: {  	v9 =	vmul.f32 v9, v5;
	_ =	sdelay $0x1  }
0x1a1: {  	v7 =	vadd.f32 v9, v7;
	_ =	sdelay $0x1  }
0x1a2: {  	v9 =	vmul.f32 v7, v7;
	_ =	sdelay $0x1  }
0x1a3: {  	(xrf2) =	vadd.scan.msk.f32 $0xffff, v9;
	_ =	sdelay $0x9  }
0x1a4: {  	v9, _, _ =	vpop (xrf2)  }
0x1a5: {  	v9 =	vmax.f32 v9, $1.000000020e-24  }
0x1a6: {  	v9 =	vbroadcast v9, $0xF;
	_ =	sdelay $0x1  }
0x1a7: {  	v62 =	vshra.s32 v9, $0x1;
	v9 =	vmul.f32 $5.000000000e-01, v9  }
0x1a8: {  	v10 =	vsub.s32 $0x5F3759DF, v62  }
0x1a9: {  	v63 =	vmul.f32 v10, v9;
	_ =	sdelay $0x1  }
0x1aa: {  	v11 =	vmul.f32 v10, v63;
	_ =	sdelay $0x1  }
0x1ab: {  	v11 =	vsub.f32 $1.500000000e+00, v11;
	_ =	sdelay $0x1  }
0x1ac: {  	v10 =	vmul.f32 v10, v11;
	_ =	sdelay $0x1  }
0x1ad: {  	v11 =	vmul.f32 v10, v9;
	_ =	sdelay $0x1  }
0x1ae: {  	v11 =	vmul.f32 v11, v10;
	_ =	sdelay $0x1  }
0x1af: {  	v11 =	vsub.f32 $1.500000000e+00, v11;
	_ =	sdelay $0x1  }
0x1b0: {  	v10 =	vmul.f32 v11, v10;
	_ =	sdelay $0x1  }
0x1b1: {  	v9 =	vmul.f32 v10, v9;
	_ =	sdelay $0x1  }
0x1b2: {  	v9 =	vmul.f32 v9, v10;
	_ =	sdelay $0x1  }
0x1b3: {  	v9 =	vsub.f32 $1.500000000e+00, v9;
	_ =	sdelay $0x1  }
0x1b4: {  	v9 =	vmul.f32 v9, v10;
	_ =	sdelay $0x1  }
0x1b5: {  	v7 =	vmul.f32 v9, v7;
	_ =	sdelay $0x1  }
0x1b6: {  	[tilespmem:v8+s7+$0x0] =	vst.idx.msk $0xffff, v7  }
.LBB2_18:
0x1b7: {  	s8 =	smul.u32 $0x60, s9  }
0x1b8: {  	s15 =	rddreg [dreg:$0x7]  }
0x1b9: {  	s8 =	sor.u32 s15, s8  }
0x1ba: {  	s8 =	sshll.u32 s8, $0x9  }
0x1bb: {  	s16 =	sadd.s32 s4, s8  }
0x1bc: {  	[hbm4b:s16+s0] =	stream.strided.scatter [tilespmem:s30], [sflag:$0x4], $0x2000, s5, s0, $0x38;
	[tilespmem:$0x1FD00] =	vst v63  }
0x1bd: {  	p2 =	seq.s32 s9, $0x0;
	s8 =	sadd.s32 s6, s8  }
0x1be: {  	[hbm4b:s8+s0] =	stream.strided.scatter [tilespmem:s7], [sflag:$0x4], $0x2000, s5, s0, $0x38;
	[tilespmem:$0x1FD00] =	vst v63  }
0x1bf: {  	s8 =	simm.s32 @!p2 $0x6  }
0x1c0: {  	_ =	swait.ge @!p2 [sflag:s8], $0x2000  }
0x1c1: {  	[sflag:s8] =	ssyncset.done @!p2 $0x0  }
0x1c2: {  	[sflag:s8] =	ssyncadd.s32 @!p2 $0xFFFFE000  }
0x1c3: {  	s17 =	smul.u32 $0xC000, s9;
	_ =	swait.ge @!p2 [sflag:s8], $0x2000  }
0x1c4: {  	s16 =	rddreg [dreg:$0xe]  }
0x1c5: {  	[sflag:s8] =	ssyncset.done @!p2 $0x0;
	s31 =	sadd.s32 s16, s17  }
0x1c6: {  	[sflag:s8] =	ssyncadd.s32 @!p2 $0xFFFFE000;
	s18 =	sadd.s32 s2, s31  }
0x1c7: {  	[tilespmem:s19], [sflag:$0x3] =	stream.strided.gather [hbm4b:s18+s0], $0x2000, s5, s0, $0x38;
	[tilespmem:$0x1FD00] =	vst v63  }
0x1c8: {  	s24 =	sadd.s32 s3, s31  }
0x1c9: {  	[tilespmem:s20], [sflag:$0x3] =	stream.strided.gather [hbm4b:s24+s0], $0x2000, s5, s0, $0x38;
	[tilespmem:$0x1FD00] =	vst v63  }
0x1ca: {  	_ =	swait.ge [sflag:s21], $0x2000  }
0x1cb: {  	[sflag:s21] =	ssyncset.done $0x0  }
0x1cc: {  	[sflag:s21] =	ssyncadd.s32 $0xFFFFE000  }
0x1cd: {  	_ =	swait.ge [sflag:s21], $0x2000  }
0x1ce: {  	(v2sf) =	vpush v6, $0x2;
	_ =	sdelay $0xe  }
0x1cf: {  	s24 =	spop (v2sf)  }
0x1d0: {  	p2 =	sge.s32 s1, s24  }
.Ltmp11:
0x1d1: {  	_ = 	snop;
	(pc) =	sbr.rel @p2 .LBB2_24-.Ltmp11, $3  }
0x1d2: {  	_ =	sdelay $0x1  }
0x1d3: {  	[sflag:s21] =	ssyncset.done $0x0  }
0x1d4: {  	[sflag:s21] =	ssyncadd.s32 $0xFFFFE000  }
0x1d5: {  	s15 =	sadd.s32 $0x1, s1  }
0x1d6: {  	p3 =	sne.s32 s24, s15  }
.Ltmp12:
0x1d7: {  	_ = 	snop;
	(pc) =	sbr.rel @!p3 .LBB2_20-.Ltmp12, $2  }
0x1d8: {  	_ =	sdelay $0x2  }
0x1d9: {  	v8 =	vmov s1;
	p2 =	por $0x0, $0x0  }
0x1da: {  	_ =	sdelay $0x3  }
0x1db: {  	v8 =	vld.idx.msk [tilespmem:v8+s13+$0x0], $0xffff;
	_ =	sdelay $0x7  }
0x1dc: {  	v7 =	vld.idx.msk [tilespmem:v8+s14+$0x0], $0xffff;
	_ =	sdelay $0x4  }
0x1dd: {  	v9 =	vshll.u32 v7, $0x3  }
0x1de: {  	v7 =	vand.u32 $0x7F, v7;
	v9 =	vand.u32 $0xC00, v9  }
0x1df: {  	v7 =	vor.u32 v9, v7  }
0x1e0: {  	v7 =	vor.u32 v3, v7  }
0x1e1: {  	v8 =	vshll.u32 v8, $0x7  }
0x1e2: {  	v9 =	vor.u32 v1, v8;
	_ =	sdelay $0x2  }
0x1e3: {  	v10 =	vld.idx.msk [tilespmem:v7+s10+$0x0], $0xffff;
	_ =	sdelay $0x1  }
0x1e4: {  	v9 =	vld.idx.msk [tilespmem:v9+s29+$0x0], $0xffff;
	_ =	sdelay $0x2  }
0x1e5: {  	v10 =	vmul.f32 v10, v5;
	_ =	sdelay $0x1  }
0x1e6: {  	v9 =	vadd.f32 v10, v9;
	_ =	sdelay $0x1  }
0x1e7: {  	v10 =	vmul.f32 v9, v9;
	_ =	sdelay $0x1  }
0x1e8: {  	(xrf2) =	vadd.scan.msk.f32 $0xffff, v10;
	_ =	sdelay $0x9  }
0x1e9: {  	v10, _, _ =	vpop (xrf2)  }
0x1ea: {  	v10 =	vmax.f32 v10, $1.000000020e-24  }
0x1eb: {  	v10 =	vbroadcast v10, $0xF;
	_ =	sdelay $0x1  }
0x1ec: {  	v11 =	vshra.s32 v10, $0x1;
	v10 =	vmul.f32 $5.000000000e-01, v10  }
0x1ed: {  	v11 =	vsub.s32 $0x5F3759DF, v11  }
0x1ee: {  	v12 =	vmul.f32 v11, v10;
	_ =	sdelay $0x1  }
0x1ef: {  	v12 =	vmul.f32 v11, v12;
	_ =	sdelay $0x1  }
0x1f0: {  	v12 =	vsub.f32 $1.500000000e+00, v12;
	_ =	sdelay $0x1  }
0x1f1: {  	v11 =	vmul.f32 v11, v12;
	_ =	sdelay $0x1  }
0x1f2: {  	v12 =	vmul.f32 v11, v10;
	_ =	sdelay $0x1  }
0x1f3: {  	v12 =	vmul.f32 v12, v11;
	_ =	sdelay $0x1  }
0x1f4: {  	v12 =	vsub.f32 $1.500000000e+00, v12;
	_ =	sdelay $0x1  }
0x1f5: {  	v11 =	vmul.f32 v12, v11;
	_ =	sdelay $0x1  }
0x1f6: {  	v10 =	vmul.f32 v11, v10;
	_ =	sdelay $0x1  }
0x1f7: {  	v10 =	vmul.f32 v10, v11;
	_ =	sdelay $0x1  }
0x1f8: {  	v10 =	vsub.f32 $1.500000000e+00, v10;
	_ =	sdelay $0x1  }
0x1f9: {  	v10 =	vmul.f32 v10, v11;
	_ =	sdelay $0x1  }
0x1fa: {  	v8 =	vor.u32 v4, v8;
	v9 =	vmul.f32 v10, v9;
	_ =	sdelay $0x1  }
0x1fb: {  	[tilespmem:v7+s10+$0x0] =	vst.idx.msk $0xffff, v9  }
0x1fc: {  	v9 =	vld.idx.msk [tilespmem:v7+s11+$0x0], $0xffff;
	_ =	sdelay $0x1  }
0x1fd: {  	v8 =	vld.idx.msk [tilespmem:v8+s29+$0x0], $0xffff;
	_ =	sdelay $0x2  }
0x1fe: {  	v9 =	vmul.f32 v9, v5;
	_ =	sdelay $0x1  }
0x1ff: {  	v9 =	vadd.f32 v9, v8;
	_ =	sdelay $0x1  }
0x200: {  	v8 =	vmul.f32 v9, v9;
	_ =	sdelay $0x1  }
0x201: {  	(xrf2) =	vadd.scan.msk.f32 $0xffff, v8;
	_ =	sdelay $0x9  }
0x202: {  	v8, _, _ =	vpop (xrf2)  }
0x203: {  	v8 =	vmax.f32 v8, $1.000000020e-24  }
0x204: {  	v8 =	vbroadcast v8, $0xF;
	_ =	sdelay $0x1  }
0x205: {  	v10 =	vshra.s32 v8, $0x1;
	v8 =	vmul.f32 $5.000000000e-01, v8  }
0x206: {  	v10 =	vsub.s32 $0x5F3759DF, v10  }
0x207: {  	v11 =	vmul.f32 v10, v8;
	_ =	sdelay $0x1  }
0x208: {  	v11 =	vmul.f32 v10, v11;
	_ =	sdelay $0x1  }
0x209: {  	v11 =	vsub.f32 $1.500000000e+00, v11;
	_ =	sdelay $0x1  }
0x20a: {  	v10 =	vmul.f32 v10, v11;
	_ =	sdelay $0x1  }
0x20b: {  	v11 =	vmul.f32 v10, v8;
	_ =	sdelay $0x1  }
0x20c: {  	v11 =	vmul.f32 v11, v10;
	_ =	sdelay $0x1  }
0x20d: {  	v11 =	vsub.f32 $1.500000000e+00, v11;
	_ =	sdelay $0x1  }
0x20e: {  	v10 =	vmul.f32 v11, v10;
	_ =	sdelay $0x1  }
0x20f: {  	v8 =	vmul.f32 v10, v8;
	_ =	sdelay $0x1  }
0x210: {  	s1 =	sadd.s32 $0x1, s15;
	v8 =	vmul.f32 v8, v10  }
0x211: {  	p3 =	sne.s32 s24, s1  }
.Ltmp13:
0x212: {  	v8 =	vsub.f32 $1.500000000e+00, v8;
	(pc) =	sbr.rel @!p3 .LBB2_23-.Ltmp13, $3  }
0x213: {  	_ = 	snop  }
0x214: {  	v10 =	vmul.f32 v8, v10;
	v8 =	vmov s15;
	_ =	sdelay $0x1  }
0x215: {  	p2 =	por $0x1, $0x1;
	v9 =	vmul.f32 v10, v9  }
.LBB2_22:
0x216: {  	_ = 	snop  }
0x217: {  	s18 =	smov.u32 s1;
	s1 =	sadd.s32 $0x1, s1;
	[tilespmem:v7+s11+$0x0] =	vst.idx.msk $0xffff, v9  }
0x218: {  	p3 =	sne.s32 s24, s1;
	v7 =	vld.idx.msk [tilespmem:v8+s13+$0x0], $0xffff;
	_ =	sdelay $0x5  }
0x219: {  	v8 =	vshll.u32 v7, $0x7  }
0x21a: {  	v9 =	vor.u32 v1, v8  }
0x21b: {  	v7 =	vld.idx.msk [tilespmem:v7+s14+$0x0], $0xffff;
	_ =	sdelay $0x5  }
0x21c: {  	v10 =	vshll.u32 v7, $0x3  }
0x21d: {  	v7 =	vand.u32 $0x7F, v7;
	v10 =	vand.u32 $0xC00, v10  }
0x21e: {  	v7 =	vor.u32 v10, v7  }
0x21f: {  	v7 =	vor.u32 v3, v7;
	_ =	sdelay $0x4  }
0x220: {  	v10 =	vld.idx.msk [tilespmem:v7+s10+$0x0], $0xffff;
	_ =	sdelay $0x1  }
0x221: {  	v9 =	vld.idx.msk [tilespmem:v9+s29+$0x0], $0xffff;
	_ =	sdelay $0x3  }
0x222: {  	v10 =	vmul.f32 v10, v5;
	_ =	sdelay $0x1  }
0x223: {  	v9 =	vadd.f32 v10, v9;
	_ =	sdelay $0x1  }
0x224: {  	v10 =	vmul.f32 v9, v9;
	_ =	sdelay $0x1  }
0x225: {  	(xrf2) =	vadd.scan.msk.f32 $0xffff, v10;
	_ =	sdelay $0x9  }
0x226: {  	v10, _, _ =	vpop (xrf2)  }
0x227: {  	v10 =	vmax.f32 v10, $1.000000020e-24  }
0x228: {  	v10 =	vbroadcast v10, $0xF;
	_ =	sdelay $0x1  }
0x229: {  	v11 =	vshra.s32 v10, $0x1;
	v10 =	vmul.f32 $5.000000000e-01, v10  }
0x22a: {  	v11 =	vsub.s32 $0x5F3759DF, v11  }
0x22b: {  	v12 =	vmul.f32 v11, v10;
	_ =	sdelay $0x1  }
0x22c: {  	v12 =	vmul.f32 v11, v12;
	_ =	sdelay $0x1  }
0x22d: {  	v12 =	vsub.f32 $1.500000000e+00, v12;
	_ =	sdelay $0x1  }
0x22e: {  	v11 =	vmul.f32 v11, v12;
	_ =	sdelay $0x1  }
0x22f: {  	v12 =	vmul.f32 v11, v10;
	_ =	sdelay $0x1  }
0x230: {  	v12 =	vmul.f32 v12, v11;
	_ =	sdelay $0x1  }
0x231: {  	v12 =	vsub.f32 $1.500000000e+00, v12;
	_ =	sdelay $0x1  }
0x232: {  	v11 =	vmul.f32 v12, v11;
	_ =	sdelay $0x1  }
0x233: {  	v10 =	vmul.f32 v11, v10;
	_ =	sdelay $0x1  }
0x234: {  	v10 =	vmul.f32 v10, v11;
	_ =	sdelay $0x1  }
0x235: {  	v10 =	vsub.f32 $1.500000000e+00, v10;
	_ =	sdelay $0x1  }
0x236: {  	v10 =	vmul.f32 v10, v11;
	_ =	sdelay $0x1  }
0x237: {  	v8 =	vor.u32 v4, v8;
	v9 =	vmul.f32 v10, v9;
	_ =	sdelay $0x1  }
0x238: {  	[tilespmem:v7+s10+$0x0] =	vst.idx.msk $0xffff, v9  }
0x239: {  	v9 =	vld.idx.msk [tilespmem:v7+s11+$0x0], $0xffff;
	_ =	sdelay $0x1  }
0x23a: {  	v8 =	vld.idx.msk [tilespmem:v8+s29+$0x0], $0xffff;
	_ =	sdelay $0x3  }
0x23b: {  	v9 =	vmul.f32 v9, v5;
	_ =	sdelay $0x1  }
0x23c: {  	v9 =	vadd.f32 v9, v8;
	_ =	sdelay $0x1  }
0x23d: {  	v8 =	vmul.f32 v9, v9;
	_ =	sdelay $0x1  }
0x23e: {  	(xrf2) =	vadd.scan.msk.f32 $0xffff, v8;
	_ =	sdelay $0x9  }
0x23f: {  	v8, _, _ =	vpop (xrf2)  }
0x240: {  	v8 =	vmax.f32 v8, $1.000000020e-24  }
0x241: {  	v8 =	vbroadcast v8, $0xF;
	_ =	sdelay $0x1  }
0x242: {  	v10 =	vshra.s32 v8, $0x1;
	v8 =	vmul.f32 $5.000000000e-01, v8  }
0x243: {  	v10 =	vsub.s32 $0x5F3759DF, v10  }
0x244: {  	v11 =	vmul.f32 v10, v8;
	_ =	sdelay $0x1  }
0x245: {  	v11 =	vmul.f32 v10, v11;
	_ =	sdelay $0x1  }
0x246: {  	v11 =	vsub.f32 $1.500000000e+00, v11;
	_ =	sdelay $0x1  }
0x247: {  	v10 =	vmul.f32 v10, v11;
	_ =	sdelay $0x1  }
0x248: {  	v11 =	vmul.f32 v10, v8;
	_ =	sdelay $0x1  }
0x249: {  	v11 =	vmul.f32 v11, v10;
	_ =	sdelay $0x1  }
0x24a: {  	v11 =	vsub.f32 $1.500000000e+00, v11;
	_ =	sdelay $0x1  }
0x24b: {  	v10 =	vmul.f32 v11, v10;
	_ =	sdelay $0x1  }
0x24c: {  	v8 =	vmul.f32 v10, v8;
	_ =	sdelay $0x1  }
0x24d: {  	v8 =	vmul.f32 v8, v10;
	_ =	sdelay $0x1  }
.Ltmp14:
0x24e: {  	v11 =	vsub.f32 $1.500000000e+00, v8;
	(pc) =	sbr.rel @p3 .LBB2_22-.Ltmp14, $3  }
0x24f: {  	_ = 	snop  }
0x250: {  	v8 =	vmov s18;
	v10 =	vmul.f32 v11, v10;
	_ =	sdelay $0x1  }
0x251: {  	v9 =	vmul.f32 v10, v9  }
.LBB2_23:
0x252: {  	_ =	sdelay $0x3  }
0x253: {  	[tilespmem:v7+s11+$0x0] =	vst.idx.msk @p2 $0xffff, v9  }
0x254: {  	v7 =	vld.idx.msk [tilespmem:v8+s13+$0x0], $0xffff;
	_ =	sdelay $0x7  }
0x255: {  	v8 =	vld.idx.msk [tilespmem:v7+s14+$0x0], $0xffff;
	_ =	sdelay $0x4  }
0x256: {  	v60 =	vshll.u32 v8, $0x3  }
0x257: {  	v8 =	vand.u32 $0x7F, v8;
	v9 =	vand.u32 $0xC00, v60  }
0x258: {  	v8 =	vor.u32 v9, v8  }
0x259: {  	v8 =	vor.u32 v3, v8  }
0x25a: {  	v7 =	vshll.u32 v7, $0x7  }
0x25b: {  	v61 =	vor.u32 v1, v7;
	_ =	sdelay $0x2  }
0x25c: {  	v10 =	vld.idx.msk [tilespmem:v8+s10+$0x0], $0xffff;
	_ =	sdelay $0x1  }
0x25d: {  	v9 =	vld.idx.msk [tilespmem:v61+s29+$0x0], $0xffff;
	_ =	sdelay $0x2  }
0x25e: {  	v10 =	vmul.f32 v10, v5;
	_ =	sdelay $0x1  }
0x25f: {  	v9 =	vadd.f32 v10, v9;
	_ =	sdelay $0x1  }
0x260: {  	v10 =	vmul.f32 v9, v9;
	_ =	sdelay $0x1  }
0x261: {  	(xrf2) =	vadd.scan.msk.f32 $0xffff, v10;
	_ =	sdelay $0x9  }
0x262: {  	v10, _, _ =	vpop (xrf2)  }
0x263: {  	v10 =	vmax.f32 v10, $1.000000020e-24  }
0x264: {  	v10 =	vbroadcast v10, $0xF;
	_ =	sdelay $0x1  }
0x265: {  	v11 =	vshra.s32 v10, $0x1;
	v10 =	vmul.f32 $5.000000000e-01, v10  }
0x266: {  	v11 =	vsub.s32 $0x5F3759DF, v11  }
0x267: {  	v12 =	vmul.f32 v11, v10;
	_ =	sdelay $0x1  }
0x268: {  	v12 =	vmul.f32 v11, v12;
	_ =	sdelay $0x1  }
0x269: {  	v12 =	vsub.f32 $1.500000000e+00, v12;
	_ =	sdelay $0x1  }
0x26a: {  	v11 =	vmul.f32 v11, v12;
	_ =	sdelay $0x1  }
0x26b: {  	v12 =	vmul.f32 v11, v10;
	_ =	sdelay $0x1  }
0x26c: {  	v12 =	vmul.f32 v12, v11;
	_ =	sdelay $0x1  }
0x26d: {  	v12 =	vsub.f32 $1.500000000e+00, v12;
	_ =	sdelay $0x1  }
0x26e: {  	v11 =	vmul.f32 v12, v11;
	_ =	sdelay $0x1  }
0x26f: {  	v10 =	vmul.f32 v11, v10;
	_ =	sdelay $0x1  }
0x270: {  	v10 =	vmul.f32 v10, v11;
	_ =	sdelay $0x1  }
0x271: {  	v10 =	vsub.f32 $1.500000000e+00, v10;
	_ =	sdelay $0x1  }
0x272: {  	v10 =	vmul.f32 v10, v11;
	_ =	sdelay $0x1  }
0x273: {  	v7 =	vor.u32 v4, v7;
	v9 =	vmul.f32 v10, v9;
	_ =	sdelay $0x1  }
0x274: {  	[tilespmem:v8+s10+$0x0] =	vst.idx.msk $0xffff, v9  }
0x275: {  	v9 =	vld.idx.msk [tilespmem:v8+s11+$0x0], $0xffff;
	_ =	sdelay $0x1  }
0x276: {  	v7 =	vld.idx.msk [tilespmem:v7+s29+$0x0], $0xffff;
	_ =	sdelay $0x2  }
0x277: {  	v9 =	vmul.f32 v9, v5;
	_ =	sdelay $0x1  }
0x278: {  	v7 =	vadd.f32 v9, v7;
	_ =	sdelay $0x1  }
0x279: {  	v9 =	vmul.f32 v7, v7;
	_ =	sdelay $0x1  }
0x27a: {  	(xrf2) =	vadd.scan.msk.f32 $0xffff, v9;
	_ =	sdelay $0x9  }
0x27b: {  	v9, _, _ =	vpop (xrf2)  }
0x27c: {  	v9 =	vmax.f32 v9, $1.000000020e-24  }
0x27d: {  	v9 =	vbroadcast v9, $0xF;
	_ =	sdelay $0x1  }
0x27e: {  	v62 =	vshra.s32 v9, $0x1;
	v9 =	vmul.f32 $5.000000000e-01, v9  }
0x27f: {  	v10 =	vsub.s32 $0x5F3759DF, v62  }
0x280: {  	v63 =	vmul.f32 v10, v9;
	_ =	sdelay $0x1  }
0x281: {  	v11 =	vmul.f32 v10, v63;
	_ =	sdelay $0x1  }
0x282: {  	v11 =	vsub.f32 $1.500000000e+00, v11;
	_ =	sdelay $0x1  }
0x283: {  	v10 =	vmul.f32 v10, v11;
	_ =	sdelay $0x1  }
0x284: {  	v11 =	vmul.f32 v10, v9;
	_ =	sdelay $0x1  }
0x285: {  	v11 =	vmul.f32 v11, v10;
	_ =	sdelay $0x1  }
0x286: {  	v11 =	vsub.f32 $1.500000000e+00, v11;
	_ =	sdelay $0x1  }
0x287: {  	v10 =	vmul.f32 v11, v10;
	_ =	sdelay $0x1  }
0x288: {  	v9 =	vmul.f32 v10, v9;
	_ =	sdelay $0x1  }
0x289: {  	v9 =	vmul.f32 v9, v10;
	_ =	sdelay $0x1  }
0x28a: {  	v9 =	vsub.f32 $1.500000000e+00, v9;
	_ =	sdelay $0x1  }
0x28b: {  	v9 =	vmul.f32 v9, v10;
	_ =	sdelay $0x1  }
0x28c: {  	v7 =	vmul.f32 v9, v7;
	_ =	sdelay $0x1  }
0x28d: {  	[tilespmem:v8+s11+$0x0] =	vst.idx.msk $0xffff, v7  }
.LBB2_24:
0x28e: {  	s1 =	smul.u32 $0x60000, s9  }
0x28f: {  	s8 =	rddreg [dreg:$0xf]  }
0x290: {  	s8 =	sadd.s32 s8, s1  }
0x291: {  	s8 =	sshrl.u32 s8, $0x3  }
0x292: {  	s15 =	sadd.s32 s4, s8  }
0x293: {  	[hbm4b:s15+s0] =	stream.strided.scatter [tilespmem:s10], [sflag:$0x5], $0x2000, s5, s0, $0x38;
	[tilespmem:$0x1FD00] =	vst v63  }
0x294: {  	p2 =	seq.s32 s9, $0x13;
	s8 =	sadd.s32 s6, s8  }
0x295: {  	[hbm4b:s8+s0] =	stream.strided.scatter [tilespmem:s11], [sflag:$0x5], $0x2000, s5, s0, $0x38;
	[tilespmem:$0x1FD00] =	vst v63  }
0x296: {  	s8 =	simm.s32 @!p2 $0x4  }
0x297: {  	_ =	swait.ge @!p2 [sflag:s8], $0x2000  }
0x298: {  	[sflag:s8] =	ssyncset.done @!p2 $0x0  }
0x299: {  	[sflag:s8] =	ssyncadd.s32 @!p2 $0xFFFFE000  }
0x29a: {  	_ =	swait.ge @!p2 [sflag:s8], $0x2000  }
0x29b: {  	s15 =	rddreg [dreg:$0x10]  }
0x29c: {  	s18 =	simm.s32 @!p2 $0x1000;
	s15 =	sadd.s32 @!p2 s15, s1  }
0x29d: {  	s16 =	simm.s32 @!p2 $0x7A1400;
	[sflag:s8] =	ssyncset.done @!p2 $0x0;
	s15 =	sshrl.u32 @!p2 s15, $0x3  }
0x29e: {  	s17 =	simm.s32 @!p2 $0x12C80;
	[sflag:s8] =	ssyncadd.s32 @!p2 $0xFFFFE000;
	s8 =	sadd.s32 @!p2 s2, s15  }
0x29f: {  	[tilespmem:s17], [sflag:$0x1] =	stream.strided.gather @!p2 [hbm4b:s8+s18], $0x2000, s16, s18, $0x38;
	[tilespmem:$0x1FD00] =	vst v63  }
0x2a0: {  	s8 =	sadd.s32 @!p2 s3, s15;
	s15 =	simm.s32 @!p2 $0x14C80  }
0x2a1: {  	[tilespmem:s15], [sflag:$0x1] =	stream.strided.gather @!p2 [hbm4b:s8+s18], $0x2000, s16, s18, $0x38;
	[tilespmem:$0x1FD00] =	vst v63  }
0x2a2: {  	_ =	swait.ge [sflag:s22], $0x2000  }
0x2a3: {  	[sflag:s22] =	ssyncset.done $0x0  }
0x2a4: {  	[sflag:s22] =	ssyncadd.s32 $0xFFFFE000  }
0x2a5: {  	_ =	swait.ge [sflag:s22], $0x2000  }
0x2a6: {  	(v2sf) =	vpush v6, $0x3;
	_ =	sdelay $0xe  }
0x2a7: {  	s18 =	spop (v2sf)  }
0x2a8: {  	p3 =	sge.s32 s24, s18  }
.Ltmp15:
0x2a9: {  	_ = 	snop;
	(pc) =	sbr.rel @p3 .LBB2_30-.Ltmp15, $3  }
0x2aa: {  	_ =	sdelay $0x1  }
0x2ab: {  	[sflag:s22] =	ssyncset.done $0x0  }
0x2ac: {  	[sflag:s22] =	ssyncadd.s32 $0xFFFFE000  }
0x2ad: {  	s15 =	sadd.s32 $0x1, s24  }
0x2ae: {  	p4 =	sne.s32 s18, s15  }
.Ltmp16:
0x2af: {  	_ = 	snop;
	(pc) =	sbr.rel @!p4 .LBB2_26-.Ltmp16, $2  }
0x2b0: {  	_ =	sdelay $0x2  }
0x2b1: {  	v7 =	vmov s24;
	p3 =	por $0x0, $0x0  }
0x2b2: {  	_ =	sdelay $0x3  }
0x2b3: {  	v7 =	vld.idx.msk [tilespmem:v7+s13+$0x0], $0xffff;
	_ =	sdelay $0x7  }
0x2b4: {  	v6 =	vld.idx.msk [tilespmem:v7+s14+$0x0], $0xffff;
	_ =	sdelay $0x4  }
0x2b5: {  	v8 =	vshll.u32 v6, $0x3  }
0x2b6: {  	v6 =	vand.u32 $0x7F, v6;
	v8 =	vand.u32 $0xC00, v8  }
0x2b7: {  	v6 =	vor.u32 v8, v6  }
0x2b8: {  	v6 =	vor.u32 v3, v6  }
0x2b9: {  	v7 =	vshll.u32 v7, $0x7  }
0x2ba: {  	v8 =	vor.u32 v1, v7;
	_ =	sdelay $0x2  }
0x2bb: {  	v9 =	vld.idx.msk [tilespmem:v6+s19+$0x0], $0xffff;
	_ =	sdelay $0x1  }
0x2bc: {  	v8 =	vld.idx.msk [tilespmem:v8+s29+$0x0], $0xffff;
	_ =	sdelay $0x2  }
0x2bd: {  	v9 =	vmul.f32 v9, v5;
	_ =	sdelay $0x1  }
0x2be: {  	v8 =	vadd.f32 v9, v8;
	_ =	sdelay $0x1  }
0x2bf: {  	v9 =	vmul.f32 v8, v8;
	_ =	sdelay $0x1  }
0x2c0: {  	(xrf2) =	vadd.scan.msk.f32 $0xffff, v9;
	_ =	sdelay $0x9  }
0x2c1: {  	v9, _, _ =	vpop (xrf2)  }
0x2c2: {  	v9 =	vmax.f32 v9, $1.000000020e-24  }
0x2c3: {  	v9 =	vbroadcast v9, $0xF;
	_ =	sdelay $0x1  }
0x2c4: {  	v10 =	vshra.s32 v9, $0x1;
	v9 =	vmul.f32 $5.000000000e-01, v9  }
0x2c5: {  	v10 =	vsub.s32 $0x5F3759DF, v10  }
0x2c6: {  	v11 =	vmul.f32 v10, v9;
	_ =	sdelay $0x1  }
0x2c7: {  	v11 =	vmul.f32 v10, v11;
	_ =	sdelay $0x1  }
0x2c8: {  	v11 =	vsub.f32 $1.500000000e+00, v11;
	_ =	sdelay $0x1  }
0x2c9: {  	v10 =	vmul.f32 v10, v11;
	_ =	sdelay $0x1  }
0x2ca: {  	v11 =	vmul.f32 v10, v9;
	_ =	sdelay $0x1  }
0x2cb: {  	v11 =	vmul.f32 v11, v10;
	_ =	sdelay $0x1  }
0x2cc: {  	v11 =	vsub.f32 $1.500000000e+00, v11;
	_ =	sdelay $0x1  }
0x2cd: {  	v10 =	vmul.f32 v11, v10;
	_ =	sdelay $0x1  }
0x2ce: {  	v9 =	vmul.f32 v10, v9;
	_ =	sdelay $0x1  }
0x2cf: {  	v9 =	vmul.f32 v9, v10;
	_ =	sdelay $0x1  }
0x2d0: {  	v9 =	vsub.f32 $1.500000000e+00, v9;
	_ =	sdelay $0x1  }
0x2d1: {  	v9 =	vmul.f32 v9, v10;
	_ =	sdelay $0x1  }
0x2d2: {  	v7 =	vor.u32 v4, v7;
	v8 =	vmul.f32 v9, v8;
	_ =	sdelay $0x1  }
0x2d3: {  	[tilespmem:v6+s19+$0x0] =	vst.idx.msk $0xffff, v8  }
0x2d4: {  	v8 =	vld.idx.msk [tilespmem:v6+s20+$0x0], $0xffff;
	_ =	sdelay $0x1  }
0x2d5: {  	v7 =	vld.idx.msk [tilespmem:v7+s29+$0x0], $0xffff;
	_ =	sdelay $0x2  }
0x2d6: {  	v8 =	vmul.f32 v8, v5;
	_ =	sdelay $0x1  }
0x2d7: {  	v8 =	vadd.f32 v8, v7;
	_ =	sdelay $0x1  }
0x2d8: {  	v7 =	vmul.f32 v8, v8;
	_ =	sdelay $0x1  }
0x2d9: {  	(xrf2) =	vadd.scan.msk.f32 $0xffff, v7;
	_ =	sdelay $0x9  }
0x2da: {  	v7, _, _ =	vpop (xrf2)  }
0x2db: {  	v7 =	vmax.f32 v7, $1.000000020e-24  }
0x2dc: {  	v7 =	vbroadcast v7, $0xF;
	_ =	sdelay $0x1  }
0x2dd: {  	v9 =	vshra.s32 v7, $0x1;
	v7 =	vmul.f32 $5.000000000e-01, v7  }
0x2de: {  	v9 =	vsub.s32 $0x5F3759DF, v9  }
0x2df: {  	v10 =	vmul.f32 v9, v7;
	_ =	sdelay $0x1  }
0x2e0: {  	v10 =	vmul.f32 v9, v10;
	_ =	sdelay $0x1  }
0x2e1: {  	v10 =	vsub.f32 $1.500000000e+00, v10;
	_ =	sdelay $0x1  }
0x2e2: {  	v9 =	vmul.f32 v9, v10;
	_ =	sdelay $0x1  }
0x2e3: {  	v10 =	vmul.f32 v9, v7;
	_ =	sdelay $0x1  }
0x2e4: {  	v10 =	vmul.f32 v10, v9;
	_ =	sdelay $0x1  }
0x2e5: {  	v10 =	vsub.f32 $1.500000000e+00, v10;
	_ =	sdelay $0x1  }
0x2e6: {  	v9 =	vmul.f32 v10, v9;
	_ =	sdelay $0x1  }
0x2e7: {  	v7 =	vmul.f32 v9, v7;
	_ =	sdelay $0x1  }
0x2e8: {  	s24 =	sadd.s32 $0x1, s15;
	v7 =	vmul.f32 v7, v9  }
0x2e9: {  	p4 =	sne.s32 s18, s24  }
.Ltmp17:
0x2ea: {  	v7 =	vsub.f32 $1.500000000e+00, v7;
	(pc) =	sbr.rel @!p4 .LBB2_29-.Ltmp17, $3  }
0x2eb: {  	_ = 	snop  }
0x2ec: {  	v9 =	vmul.f32 v7, v9;
	v7 =	vmov s15;
	_ =	sdelay $0x1  }
0x2ed: {  	p3 =	por $0x1, $0x1;
	v8 =	vmul.f32 v9, v8  }
.LBB2_28:
0x2ee: {  	_ = 	snop  }
0x2ef: {  	s15 =	smov.u32 s24;
	s24 =	sadd.s32 $0x1, s24;
	[tilespmem:v6+s20+$0x0] =	vst.idx.msk $0xffff, v8  }
0x2f0: {  	p4 =	sne.s32 s18, s24;
	v6 =	vld.idx.msk [tilespmem:v7+s13+$0x0], $0xffff;
	_ =	sdelay $0x5  }
0x2f1: {  	v7 =	vshll.u32 v6, $0x7  }
0x2f2: {  	v8 =	vor.u32 v1, v7  }
0x2f3: {  	v6 =	vld.idx.msk [tilespmem:v6+s14+$0x0], $0xffff;
	_ =	sdelay $0x5  }
0x2f4: {  	v9 =	vshll.u32 v6, $0x3  }
0x2f5: {  	v6 =	vand.u32 $0x7F, v6;
	v9 =	vand.u32 $0xC00, v9  }
0x2f6: {  	v6 =	vor.u32 v9, v6  }
0x2f7: {  	v6 =	vor.u32 v3, v6;
	_ =	sdelay $0x4  }
0x2f8: {  	v9 =	vld.idx.msk [tilespmem:v6+s19+$0x0], $0xffff;
	_ =	sdelay $0x1  }
0x2f9: {  	v8 =	vld.idx.msk [tilespmem:v8+s29+$0x0], $0xffff;
	_ =	sdelay $0x3  }
0x2fa: {  	v9 =	vmul.f32 v9, v5;
	_ =	sdelay $0x1  }
0x2fb: {  	v8 =	vadd.f32 v9, v8;
	_ =	sdelay $0x1  }
0x2fc: {  	v9 =	vmul.f32 v8, v8;
	_ =	sdelay $0x1  }
0x2fd: {  	(xrf2) =	vadd.scan.msk.f32 $0xffff, v9;
	_ =	sdelay $0x9  }
0x2fe: {  	v9, _, _ =	vpop (xrf2)  }
0x2ff: {  	v9 =	vmax.f32 v9, $1.000000020e-24  }
0x300: {  	v9 =	vbroadcast v9, $0xF;
	_ =	sdelay $0x1  }
0x301: {  	v10 =	vshra.s32 v9, $0x1;
	v9 =	vmul.f32 $5.000000000e-01, v9  }
0x302: {  	v10 =	vsub.s32 $0x5F3759DF, v10  }
0x303: {  	v11 =	vmul.f32 v10, v9;
	_ =	sdelay $0x1  }
0x304: {  	v11 =	vmul.f32 v10, v11;
	_ =	sdelay $0x1  }
0x305: {  	v11 =	vsub.f32 $1.500000000e+00, v11;
	_ =	sdelay $0x1  }
0x306: {  	v10 =	vmul.f32 v10, v11;
	_ =	sdelay $0x1  }
0x307: {  	v11 =	vmul.f32 v10, v9;
	_ =	sdelay $0x1  }
0x308: {  	v11 =	vmul.f32 v11, v10;
	_ =	sdelay $0x1  }
0x309: {  	v11 =	vsub.f32 $1.500000000e+00, v11;
	_ =	sdelay $0x1  }
0x30a: {  	v10 =	vmul.f32 v11, v10;
	_ =	sdelay $0x1  }
0x30b: {  	v9 =	vmul.f32 v10, v9;
	_ =	sdelay $0x1  }
0x30c: {  	v9 =	vmul.f32 v9, v10;
	_ =	sdelay $0x1  }
0x30d: {  	v9 =	vsub.f32 $1.500000000e+00, v9;
	_ =	sdelay $0x1  }
0x30e: {  	v9 =	vmul.f32 v9, v10;
	_ =	sdelay $0x1  }
0x30f: {  	v7 =	vor.u32 v4, v7;
	v8 =	vmul.f32 v9, v8;
	_ =	sdelay $0x1  }
0x310: {  	[tilespmem:v6+s19+$0x0] =	vst.idx.msk $0xffff, v8  }
0x311: {  	v8 =	vld.idx.msk [tilespmem:v6+s20+$0x0], $0xffff;
	_ =	sdelay $0x1  }
0x312: {  	v7 =	vld.idx.msk [tilespmem:v7+s29+$0x0], $0xffff;
	_ =	sdelay $0x3  }
0x313: {  	v8 =	vmul.f32 v8, v5;
	_ =	sdelay $0x1  }
0x314: {  	v8 =	vadd.f32 v8, v7;
	_ =	sdelay $0x1  }
0x315: {  	v7 =	vmul.f32 v8, v8;
	_ =	sdelay $0x1  }
0x316: {  	(xrf2) =	vadd.scan.msk.f32 $0xffff, v7;
	_ =	sdelay $0x9  }
0x317: {  	v7, _, _ =	vpop (xrf2)  }
0x318: {  	v7 =	vmax.f32 v7, $1.000000020e-24  }
0x319: {  	v7 =	vbroadcast v7, $0xF;
	_ =	sdelay $0x1  }
0x31a: {  	v9 =	vshra.s32 v7, $0x1;
	v7 =	vmul.f32 $5.000000000e-01, v7  }
0x31b: {  	v9 =	vsub.s32 $0x5F3759DF, v9  }
0x31c: {  	v10 =	vmul.f32 v9, v7;
	_ =	sdelay $0x1  }
0x31d: {  	v10 =	vmul.f32 v9, v10;
	_ =	sdelay $0x1  }
0x31e: {  	v10 =	vsub.f32 $1.500000000e+00, v10;
	_ =	sdelay $0x1  }
0x31f: {  	v9 =	vmul.f32 v9, v10;
	_ =	sdelay $0x1  }
0x320: {  	v10 =	vmul.f32 v9, v7;
	_ =	sdelay $0x1  }
0x321: {  	v10 =	vmul.f32 v10, v9;
	_ =	sdelay $0x1  }
0x322: {  	v10 =	vsub.f32 $1.500000000e+00, v10;
	_ =	sdelay $0x1  }
0x323: {  	v9 =	vmul.f32 v10, v9;
	_ =	sdelay $0x1  }
0x324: {  	v7 =	vmul.f32 v9, v7;
	_ =	sdelay $0x1  }
0x325: {  	v7 =	vmul.f32 v7, v9;
	_ =	sdelay $0x1  }
.Ltmp18:
0x326: {  	v10 =	vsub.f32 $1.500000000e+00, v7;
	(pc) =	sbr.rel @p4 .LBB2_28-.Ltmp18, $3  }
0x327: {  	_ = 	snop  }
0x328: {  	v7 =	vmov s15;
	v9 =	vmul.f32 v10, v9;
	_ =	sdelay $0x1  }
0x329: {  	v8 =	vmul.f32 v9, v8  }
.LBB2_29:
0x32a: {  	_ =	sdelay $0x3  }
0x32b: {  	[tilespmem:v6+s20+$0x0] =	vst.idx.msk @p3 $0xffff, v8  }
0x32c: {  	v6 =	vld.idx.msk [tilespmem:v7+s13+$0x0], $0xffff;
	_ =	sdelay $0x7  }
0x32d: {  	v7 =	vld.idx.msk [tilespmem:v6+s14+$0x0], $0xffff;
	_ =	sdelay $0x4  }
0x32e: {  	v60 =	vshll.u32 v7, $0x3  }
0x32f: {  	v7 =	vand.u32 $0x7F, v7;
	v8 =	vand.u32 $0xC00, v60  }
0x330: {  	v7 =	vor.u32 v8, v7  }
0x331: {  	v7 =	vor.u32 v3, v7  }
0x332: {  	v6 =	vshll.u32 v6, $0x7  }
0x333: {  	v61 =	vor.u32 v1, v6;
	_ =	sdelay $0x2  }
0x334: {  	v9 =	vld.idx.msk [tilespmem:v7+s19+$0x0], $0xffff;
	_ =	sdelay $0x1  }
0x335: {  	v8 =	vld.idx.msk [tilespmem:v61+s29+$0x0], $0xffff;
	_ =	sdelay $0x2  }
0x336: {  	v9 =	vmul.f32 v9, v5;
	_ =	sdelay $0x1  }
0x337: {  	v8 =	vadd.f32 v9, v8;
	_ =	sdelay $0x1  }
0x338: {  	v9 =	vmul.f32 v8, v8;
	_ =	sdelay $0x1  }
0x339: {  	(xrf2) =	vadd.scan.msk.f32 $0xffff, v9;
	_ =	sdelay $0x9  }
0x33a: {  	v9, _, _ =	vpop (xrf2)  }
0x33b: {  	v9 =	vmax.f32 v9, $1.000000020e-24  }
0x33c: {  	v9 =	vbroadcast v9, $0xF;
	_ =	sdelay $0x1  }
0x33d: {  	v10 =	vshra.s32 v9, $0x1;
	v9 =	vmul.f32 $5.000000000e-01, v9  }
0x33e: {  	v10 =	vsub.s32 $0x5F3759DF, v10  }
0x33f: {  	v11 =	vmul.f32 v10, v9;
	_ =	sdelay $0x1  }
0x340: {  	v11 =	vmul.f32 v10, v11;
	_ =	sdelay $0x1  }
0x341: {  	v11 =	vsub.f32 $1.500000000e+00, v11;
	_ =	sdelay $0x1  }
0x342: {  	v10 =	vmul.f32 v10, v11;
	_ =	sdelay $0x1  }
0x343: {  	v11 =	vmul.f32 v10, v9;
	_ =	sdelay $0x1  }
0x344: {  	v11 =	vmul.f32 v11, v10;
	_ =	sdelay $0x1  }
0x345: {  	v11 =	vsub.f32 $1.500000000e+00, v11;
	_ =	sdelay $0x1  }
0x346: {  	v10 =	vmul.f32 v11, v10;
	_ =	sdelay $0x1  }
0x347: {  	v9 =	vmul.f32 v10, v9;
	_ =	sdelay $0x1  }
0x348: {  	v9 =	vmul.f32 v9, v10;
	_ =	sdelay $0x1  }
0x349: {  	v9 =	vsub.f32 $1.500000000e+00, v9;
	_ =	sdelay $0x1  }
0x34a: {  	v9 =	vmul.f32 v9, v10;
	_ =	sdelay $0x1  }
0x34b: {  	v6 =	vor.u32 v4, v6;
	v8 =	vmul.f32 v9, v8;
	_ =	sdelay $0x1  }
0x34c: {  	[tilespmem:v7+s19+$0x0] =	vst.idx.msk $0xffff, v8  }
0x34d: {  	v8 =	vld.idx.msk [tilespmem:v7+s20+$0x0], $0xffff;
	_ =	sdelay $0x1  }
0x34e: {  	v6 =	vld.idx.msk [tilespmem:v6+s29+$0x0], $0xffff;
	_ =	sdelay $0x2  }
0x34f: {  	v8 =	vmul.f32 v8, v5;
	_ =	sdelay $0x1  }
0x350: {  	v6 =	vadd.f32 v8, v6;
	_ =	sdelay $0x1  }
0x351: {  	v8 =	vmul.f32 v6, v6;
	_ =	sdelay $0x1  }
0x352: {  	(xrf2) =	vadd.scan.msk.f32 $0xffff, v8;
	_ =	sdelay $0x9  }
0x353: {  	v8, _, _ =	vpop (xrf2)  }
0x354: {  	v8 =	vmax.f32 v8, $1.000000020e-24  }
0x355: {  	v8 =	vbroadcast v8, $0xF;
	_ =	sdelay $0x1  }
0x356: {  	v62 =	vshra.s32 v8, $0x1;
	v8 =	vmul.f32 $5.000000000e-01, v8  }
0x357: {  	v9 =	vsub.s32 $0x5F3759DF, v62  }
0x358: {  	v63 =	vmul.f32 v9, v8;
	_ =	sdelay $0x1  }
0x359: {  	v10 =	vmul.f32 v9, v63;
	_ =	sdelay $0x1  }
0x35a: {  	v10 =	vsub.f32 $1.500000000e+00, v10;
	_ =	sdelay $0x1  }
0x35b: {  	v9 =	vmul.f32 v9, v10;
	_ =	sdelay $0x1  }
0x35c: {  	v10 =	vmul.f32 v9, v8;
	_ =	sdelay $0x1  }
0x35d: {  	v10 =	vmul.f32 v10, v9;
	_ =	sdelay $0x1  }
0x35e: {  	v10 =	vsub.f32 $1.500000000e+00, v10;
	_ =	sdelay $0x1  }
0x35f: {  	v9 =	vmul.f32 v10, v9;
	_ =	sdelay $0x1  }
0x360: {  	v8 =	vmul.f32 v9, v8;
	_ =	sdelay $0x1  }
0x361: {  	v8 =	vmul.f32 v8, v9;
	_ =	sdelay $0x1  }
0x362: {  	v8 =	vsub.f32 $1.500000000e+00, v8;
	_ =	sdelay $0x1  }
0x363: {  	v8 =	vmul.f32 v8, v9;
	_ =	sdelay $0x1  }
0x364: {  	v6 =	vmul.f32 v8, v6;
	_ =	sdelay $0x1  }
0x365: {  	[tilespmem:v7+s20+$0x0] =	vst.idx.msk $0xffff, v6  }
.LBB2_30:
.Ltmp19:
0x366: {  	(pc) =	sbr.rel @p2 .LBB2_32-.Ltmp19, $4  }
0x367: {  	s8 =	sadd.s32 s4, s31  }
0x368: {  	[hbm4b:s8+s0] =	stream.strided.scatter [tilespmem:s19], [sflag:$0x6], $0x2000, s5, s0, $0x38;
	[tilespmem:$0x1FD00] =	vst v63  }
0x369: {  	s31 =	sadd.s32 s6, s31  }
0x36a: {  	[hbm4b:s31+s0] =	stream.strided.scatter [tilespmem:s20], [sflag:$0x6], $0x2000, s5, s0, $0x38;
	[tilespmem:$0x1FD00] =	vst v63  }
0x36b: {  	_ =	swait.ge [sflag:s28], $0x2000  }
0x36c: {  	[sflag:s28] =	ssyncset.done $0x0  }
0x36d: {  	[sflag:s28] =	ssyncadd.s32 $0xFFFFE000  }
0x36e: {  	_ =	swait.ge [sflag:s28], $0x2000  }
0x36f: {  	s8 =	rddreg [dreg:$0x11]  }
0x370: {  	s1 =	sadd.s32 s8, s1  }
.Ltmp20:
0x371: {  	[sflag:s28] =	ssyncset.done $0x0;
	s1 =	sshrl.u32 s1, $0x3;
	(pc) =	sbr.rel .LBB2_12-.Ltmp20, $4  }
0x372: {  	[sflag:s28] =	ssyncadd.s32 $0xFFFFE000;
	s31 =	sadd.s32 s2, s1  }
0x373: {  	[tilespmem:s10], [sflag:$0x2] =	stream.strided.gather [hbm4b:s31+s0], $0x2000, s5, s0, $0x38;
	[tilespmem:$0x1FD00] =	vst v63  }
0x374: {  	s9 =	sadd.s32 $0x1, s9;
	s1 =	sadd.s32 s3, s1  }
0x375: {  	[tilespmem:s11], [sflag:$0x2] =	stream.strided.gather [hbm4b:s1+s0], $0x2000, s5, s0, $0x38;
	[tilespmem:$0x1FD00] =	vst v63  }
.LBB2_14:
.Ltmp21:
0x376: {  	(pc) =	sbr.rel .LBB2_17-.Ltmp21, $2  }
0x377: {  	_ =	sdelay $0x2  }
0x378: {  	_ = 	snop  }
.LBB2_20:
.Ltmp22:
0x379: {  	(pc) =	sbr.rel .LBB2_23-.Ltmp22, $2  }
0x37a: {  	_ =	sdelay $0x2  }
0x37b: {  	_ = 	snop  }
.LBB2_26:
.Ltmp23:
0x37c: {  	(pc) =	sbr.rel .LBB2_29-.Ltmp23, $2  }
0x37d: {  	_ =	sdelay $0x2  }
0x37e: {  	_ = 	snop  }
.LBB2_32:
0x37f: {  	s1 =	simm.s32 $0x4  }
0x380: {  	_ =	swait.ge [sflag:s1], $0x2000  }
0x381: {  	[sflag:s1] =	ssyncset.done $0x0  }
0x382: {  	[sflag:s1] =	ssyncadd.s32 $0xFFFFE000  }
0x383: {  	_ =	swait.ge [sflag:s1], $0x2000  }
0x384: {  	[sflag:s1] =	ssyncset.done $0x0  }
0x385: {  	[sflag:s1] =	ssyncadd.s32 $0xFFFFE000  }
0x386: {  	_ =	swait.ge [sflag:s28], $0x2000  }
0x387: {  	[sflag:s28] =	ssyncset.done $0x0  }
0x388: {  	[sflag:s28] =	ssyncadd.s32 $0xFFFFE000  }
0x389: {  	_ =	swait.ge [sflag:s28], $0x2000  }
0x38a: {  	[sflag:s28] =	ssyncset.done $0x0  }
0x38b: {  	s24 =	simm.s32 $0x6;
	[sflag:s28] =	ssyncadd.s32 $0xFFFFE000  }
0x38c: {  	_ =	swait.ge [sflag:s24], $0x2000  }
0x38d: {  	[sflag:s24] =	ssyncset.done $0x0  }
0x38e: {  	[sflag:s24] =	ssyncadd.s32 $0xFFFFE000  }
0x38f: {  	_ =	swait.ge [sflag:s24], $0x2000  }
0x390: {  	[sflag:s24] =	ssyncset.done $0x0  }
0x391: {  	[sflag:s24] =	ssyncadd.s32 $0xFFFFE000  }
0x392: {  	v6 =	vld [tilespmem:$0x930];
	_ =	sdelay $0x4  }
0x393: {  	(v2sf) =	vpush v6, $0xC  }
0x394: {  	(v2sf) =	vpush v6, $0xD;
	_ =	sdelay $0xb  }
0x395: {  	s8 =	rddreg [dreg:$0x12]  }
0x396: {  	[tilespmem:s30], [sflag:$0x8] =	stream.strided.gather [hbm4b:s8+s0], $0x2000, s5, s0, $0x38;
	[tilespmem:$0x1FD00] =	vst v63  }
0x397: {  	s1 =	spop (v2sf)  }
0x398: {  	s9 =	spop (v2sf)  }
0x399: {  	_ =	swait.ge [sflag:s23], $0x2000  }
0x39a: {  	p2 =	sge.s32 s1, s9;
	[sflag:s23] =	ssyncset.done $0x0  }
.Ltmp24:
0x39b: {  	s31 =	rddreg [dreg:$0x13];
	[sflag:s23] =	ssyncadd.s32 $0xFFFFE000;
	(pc) =	sbr.rel @p2 .LBB2_38-.Ltmp24, $4  }
0x39c: {  	[tilespmem:s7], [sflag:$0x8] =	stream.strided.gather [hbm4b:s31+s0], $0x2000, s5, s0, $0x38;
	[tilespmem:$0x1FD00] =	vst v63  }
0x39d: {  	_ =	swait.ge [sflag:s23], $0x2000  }
0x39e: {  	[sflag:s23] =	ssyncset.done $0x0  }
0x39f: {  	[sflag:s23] =	ssyncadd.s32 $0xFFFFE000  }
0x3a0: {  	s15 =	sadd.s32 $0x1, s1  }
0x3a1: {  	p3 =	sne.s32 s9, s15  }
.Ltmp25:
0x3a2: {  	_ = 	snop;
	(pc) =	sbr.rel @!p3 .LBB2_34-.Ltmp25, $2  }
0x3a3: {  	_ =	sdelay $0x2  }
0x3a4: {  	v8 =	vmov s1;
	p2 =	por $0x0, $0x0  }
0x3a5: {  	_ =	sdelay $0x3  }
0x3a6: {  	v8 =	vld.idx.msk [tilespmem:v8+s13+$0x0], $0xffff;
	_ =	sdelay $0x7  }
0x3a7: {  	v7 =	vld.idx.msk [tilespmem:v8+s14+$0x0], $0xffff;
	_ =	sdelay $0x4  }
0x3a8: {  	v9 =	vshll.u32 v7, $0x3  }
0x3a9: {  	v7 =	vand.u32 $0x7F, v7;
	v9 =	vand.u32 $0xC00, v9  }
0x3aa: {  	v7 =	vor.u32 v9, v7  }
0x3ab: {  	v7 =	vor.u32 v3, v7  }
0x3ac: {  	v8 =	vshll.u32 v8, $0x7  }
0x3ad: {  	v9 =	vor.u32 v1, v8;
	_ =	sdelay $0x2  }
0x3ae: {  	v10 =	vld.idx.msk [tilespmem:v7+s30+$0x0], $0xffff;
	_ =	sdelay $0x1  }
0x3af: {  	v9 =	vld.idx.msk [tilespmem:v9+s29+$0x0], $0xffff;
	_ =	sdelay $0x2  }
0x3b0: {  	v10 =	vmul.f32 v10, v5;
	_ =	sdelay $0x1  }
0x3b1: {  	v9 =	vadd.f32 v10, v9;
	_ =	sdelay $0x1  }
0x3b2: {  	v10 =	vmul.f32 v9, v9;
	_ =	sdelay $0x1  }
0x3b3: {  	(xrf2) =	vadd.scan.msk.f32 $0xffff, v10;
	_ =	sdelay $0x9  }
0x3b4: {  	v10, _, _ =	vpop (xrf2)  }
0x3b5: {  	v10 =	vmax.f32 v10, $1.000000020e-24  }
0x3b6: {  	v10 =	vbroadcast v10, $0xF;
	_ =	sdelay $0x1  }
0x3b7: {  	v11 =	vshra.s32 v10, $0x1;
	v10 =	vmul.f32 $5.000000000e-01, v10  }
0x3b8: {  	v11 =	vsub.s32 $0x5F3759DF, v11  }
0x3b9: {  	v12 =	vmul.f32 v11, v10;
	_ =	sdelay $0x1  }
0x3ba: {  	v12 =	vmul.f32 v11, v12;
	_ =	sdelay $0x1  }
0x3bb: {  	v12 =	vsub.f32 $1.500000000e+00, v12;
	_ =	sdelay $0x1  }
0x3bc: {  	v11 =	vmul.f32 v11, v12;
	_ =	sdelay $0x1  }
0x3bd: {  	v12 =	vmul.f32 v11, v10;
	_ =	sdelay $0x1  }
0x3be: {  	v12 =	vmul.f32 v12, v11;
	_ =	sdelay $0x1  }
0x3bf: {  	v12 =	vsub.f32 $1.500000000e+00, v12;
	_ =	sdelay $0x1  }
0x3c0: {  	v11 =	vmul.f32 v12, v11;
	_ =	sdelay $0x1  }
0x3c1: {  	v10 =	vmul.f32 v11, v10;
	_ =	sdelay $0x1  }
0x3c2: {  	v10 =	vmul.f32 v10, v11;
	_ =	sdelay $0x1  }
0x3c3: {  	v10 =	vsub.f32 $1.500000000e+00, v10;
	_ =	sdelay $0x1  }
0x3c4: {  	v10 =	vmul.f32 v10, v11;
	_ =	sdelay $0x1  }
0x3c5: {  	v8 =	vor.u32 v4, v8;
	v9 =	vmul.f32 v10, v9;
	_ =	sdelay $0x1  }
0x3c6: {  	[tilespmem:v7+s30+$0x0] =	vst.idx.msk $0xffff, v9  }
0x3c7: {  	v9 =	vld.idx.msk [tilespmem:v7+s7+$0x0], $0xffff;
	_ =	sdelay $0x1  }
0x3c8: {  	v8 =	vld.idx.msk [tilespmem:v8+s29+$0x0], $0xffff;
	_ =	sdelay $0x2  }
0x3c9: {  	v9 =	vmul.f32 v9, v5;
	_ =	sdelay $0x1  }
0x3ca: {  	v9 =	vadd.f32 v9, v8;
	_ =	sdelay $0x1  }
0x3cb: {  	v8 =	vmul.f32 v9, v9;
	_ =	sdelay $0x1  }
0x3cc: {  	(xrf2) =	vadd.scan.msk.f32 $0xffff, v8;
	_ =	sdelay $0x9  }
0x3cd: {  	v8, _, _ =	vpop (xrf2)  }
0x3ce: {  	v8 =	vmax.f32 v8, $1.000000020e-24  }
0x3cf: {  	v8 =	vbroadcast v8, $0xF;
	_ =	sdelay $0x1  }
0x3d0: {  	v10 =	vshra.s32 v8, $0x1;
	v8 =	vmul.f32 $5.000000000e-01, v8  }
0x3d1: {  	v10 =	vsub.s32 $0x5F3759DF, v10  }
0x3d2: {  	v11 =	vmul.f32 v10, v8;
	_ =	sdelay $0x1  }
0x3d3: {  	v11 =	vmul.f32 v10, v11;
	_ =	sdelay $0x1  }
0x3d4: {  	v11 =	vsub.f32 $1.500000000e+00, v11;
	_ =	sdelay $0x1  }
0x3d5: {  	v10 =	vmul.f32 v10, v11;
	_ =	sdelay $0x1  }
0x3d6: {  	v11 =	vmul.f32 v10, v8;
	_ =	sdelay $0x1  }
0x3d7: {  	v11 =	vmul.f32 v11, v10;
	_ =	sdelay $0x1  }
0x3d8: {  	v11 =	vsub.f32 $1.500000000e+00, v11;
	_ =	sdelay $0x1  }
0x3d9: {  	v10 =	vmul.f32 v11, v10;
	_ =	sdelay $0x1  }
0x3da: {  	v8 =	vmul.f32 v10, v8;
	_ =	sdelay $0x1  }
0x3db: {  	s1 =	sadd.s32 $0x1, s15;
	v8 =	vmul.f32 v8, v10  }
0x3dc: {  	p3 =	sne.s32 s9, s1  }
.Ltmp26:
0x3dd: {  	v8 =	vsub.f32 $1.500000000e+00, v8;
	(pc) =	sbr.rel @!p3 .LBB2_37-.Ltmp26, $3  }
0x3de: {  	_ = 	snop  }
0x3df: {  	v10 =	vmul.f32 v8, v10;
	v8 =	vmov s15;
	_ =	sdelay $0x1  }
0x3e0: {  	p2 =	por $0x1, $0x1;
	v9 =	vmul.f32 v10, v9  }
.LBB2_36:
0x3e1: {  	_ = 	snop  }
0x3e2: {  	s15 =	smov.u32 s1;
	s1 =	sadd.s32 $0x1, s1;
	[tilespmem:v7+s7+$0x0] =	vst.idx.msk $0xffff, v9  }
0x3e3: {  	p3 =	sne.s32 s9, s1;
	v7 =	vld.idx.msk [tilespmem:v8+s13+$0x0], $0xffff;
	_ =	sdelay $0x5  }
0x3e4: {  	v8 =	vshll.u32 v7, $0x7  }
0x3e5: {  	v9 =	vor.u32 v1, v8  }
0x3e6: {  	v7 =	vld.idx.msk [tilespmem:v7+s14+$0x0], $0xffff;
	_ =	sdelay $0x5  }
0x3e7: {  	v10 =	vshll.u32 v7, $0x3  }
0x3e8: {  	v7 =	vand.u32 $0x7F, v7;
	v10 =	vand.u32 $0xC00, v10  }
0x3e9: {  	v7 =	vor.u32 v10, v7  }
0x3ea: {  	v7 =	vor.u32 v3, v7;
	_ =	sdelay $0x4  }
0x3eb: {  	v10 =	vld.idx.msk [tilespmem:v7+s30+$0x0], $0xffff;
	_ =	sdelay $0x1  }
0x3ec: {  	v9 =	vld.idx.msk [tilespmem:v9+s29+$0x0], $0xffff;
	_ =	sdelay $0x3  }
0x3ed: {  	v10 =	vmul.f32 v10, v5;
	_ =	sdelay $0x1  }
0x3ee: {  	v9 =	vadd.f32 v10, v9;
	_ =	sdelay $0x1  }
0x3ef: {  	v10 =	vmul.f32 v9, v9;
	_ =	sdelay $0x1  }
0x3f0: {  	(xrf2) =	vadd.scan.msk.f32 $0xffff, v10;
	_ =	sdelay $0x9  }
0x3f1: {  	v10, _, _ =	vpop (xrf2)  }
0x3f2: {  	v10 =	vmax.f32 v10, $1.000000020e-24  }
0x3f3: {  	v10 =	vbroadcast v10, $0xF;
	_ =	sdelay $0x1  }
0x3f4: {  	v11 =	vshra.s32 v10, $0x1;
	v10 =	vmul.f32 $5.000000000e-01, v10  }
0x3f5: {  	v11 =	vsub.s32 $0x5F3759DF, v11  }
0x3f6: {  	v12 =	vmul.f32 v11, v10;
	_ =	sdelay $0x1  }
0x3f7: {  	v12 =	vmul.f32 v11, v12;
	_ =	sdelay $0x1  }
0x3f8: {  	v12 =	vsub.f32 $1.500000000e+00, v12;
	_ =	sdelay $0x1  }
0x3f9: {  	v11 =	vmul.f32 v11, v12;
	_ =	sdelay $0x1  }
0x3fa: {  	v12 =	vmul.f32 v11, v10;
	_ =	sdelay $0x1  }
0x3fb: {  	v12 =	vmul.f32 v12, v11;
	_ =	sdelay $0x1  }
0x3fc: {  	v12 =	vsub.f32 $1.500000000e+00, v12;
	_ =	sdelay $0x1  }
0x3fd: {  	v11 =	vmul.f32 v12, v11;
	_ =	sdelay $0x1  }
0x3fe: {  	v10 =	vmul.f32 v11, v10;
	_ =	sdelay $0x1  }
0x3ff: {  	v10 =	vmul.f32 v10, v11;
	_ =	sdelay $0x1  }
0x400: {  	v10 =	vsub.f32 $1.500000000e+00, v10;
	_ =	sdelay $0x1  }
0x401: {  	v10 =	vmul.f32 v10, v11;
	_ =	sdelay $0x1  }
0x402: {  	v8 =	vor.u32 v4, v8;
	v9 =	vmul.f32 v10, v9;
	_ =	sdelay $0x1  }
0x403: {  	[tilespmem:v7+s30+$0x0] =	vst.idx.msk $0xffff, v9  }
0x404: {  	v9 =	vld.idx.msk [tilespmem:v7+s7+$0x0], $0xffff;
	_ =	sdelay $0x1  }
0x405: {  	v8 =	vld.idx.msk [tilespmem:v8+s29+$0x0], $0xffff;
	_ =	sdelay $0x3  }
0x406: {  	v9 =	vmul.f32 v9, v5;
	_ =	sdelay $0x1  }
0x407: {  	v9 =	vadd.f32 v9, v8;
	_ =	sdelay $0x1  }
0x408: {  	v8 =	vmul.f32 v9, v9;
	_ =	sdelay $0x1  }
0x409: {  	(xrf2) =	vadd.scan.msk.f32 $0xffff, v8;
	_ =	sdelay $0x9  }
0x40a: {  	v8, _, _ =	vpop (xrf2)  }
0x40b: {  	v8 =	vmax.f32 v8, $1.000000020e-24  }
0x40c: {  	v8 =	vbroadcast v8, $0xF;
	_ =	sdelay $0x1  }
0x40d: {  	v10 =	vshra.s32 v8, $0x1;
	v8 =	vmul.f32 $5.000000000e-01, v8  }
0x40e: {  	v10 =	vsub.s32 $0x5F3759DF, v10  }
0x40f: {  	v11 =	vmul.f32 v10, v8;
	_ =	sdelay $0x1  }
0x410: {  	v11 =	vmul.f32 v10, v11;
	_ =	sdelay $0x1  }
0x411: {  	v11 =	vsub.f32 $1.500000000e+00, v11;
	_ =	sdelay $0x1  }
0x412: {  	v10 =	vmul.f32 v10, v11;
	_ =	sdelay $0x1  }
0x413: {  	v11 =	vmul.f32 v10, v8;
	_ =	sdelay $0x1  }
0x414: {  	v11 =	vmul.f32 v11, v10;
	_ =	sdelay $0x1  }
0x415: {  	v11 =	vsub.f32 $1.500000000e+00, v11;
	_ =	sdelay $0x1  }
0x416: {  	v10 =	vmul.f32 v11, v10;
	_ =	sdelay $0x1  }
0x417: {  	v8 =	vmul.f32 v10, v8;
	_ =	sdelay $0x1  }
0x418: {  	v8 =	vmul.f32 v8, v10;
	_ =	sdelay $0x1  }
.Ltmp27:
0x419: {  	v11 =	vsub.f32 $1.500000000e+00, v8;
	(pc) =	sbr.rel @p3 .LBB2_36-.Ltmp27, $3  }
0x41a: {  	_ = 	snop  }
0x41b: {  	v8 =	vmov s15;
	v10 =	vmul.f32 v11, v10;
	_ =	sdelay $0x1  }
0x41c: {  	v9 =	vmul.f32 v10, v9  }
.LBB2_37:
0x41d: {  	_ =	sdelay $0x3  }
0x41e: {  	[tilespmem:v7+s7+$0x0] =	vst.idx.msk @p2 $0xffff, v9  }
0x41f: {  	v7 =	vld.idx.msk [tilespmem:v8+s13+$0x0], $0xffff;
	_ =	sdelay $0x7  }
0x420: {  	v8 =	vld.idx.msk [tilespmem:v7+s14+$0x0], $0xffff;
	_ =	sdelay $0x4  }
0x421: {  	v60 =	vshll.u32 v8, $0x3  }
0x422: {  	v8 =	vand.u32 $0x7F, v8;
	v9 =	vand.u32 $0xC00, v60  }
0x423: {  	v8 =	vor.u32 v9, v8  }
0x424: {  	v8 =	vor.u32 v3, v8  }
0x425: {  	v7 =	vshll.u32 v7, $0x7  }
0x426: {  	v61 =	vor.u32 v1, v7;
	_ =	sdelay $0x2  }
0x427: {  	v10 =	vld.idx.msk [tilespmem:v8+s30+$0x0], $0xffff;
	_ =	sdelay $0x1  }
0x428: {  	v9 =	vld.idx.msk [tilespmem:v61+s29+$0x0], $0xffff;
	_ =	sdelay $0x2  }
0x429: {  	v10 =	vmul.f32 v10, v5;
	_ =	sdelay $0x1  }
0x42a: {  	v9 =	vadd.f32 v10, v9;
	_ =	sdelay $0x1  }
0x42b: {  	v10 =	vmul.f32 v9, v9;
	_ =	sdelay $0x1  }
0x42c: {  	(xrf2) =	vadd.scan.msk.f32 $0xffff, v10;
	_ =	sdelay $0x9  }
0x42d: {  	v10, _, _ =	vpop (xrf2)  }
0x42e: {  	v10 =	vmax.f32 v10, $1.000000020e-24  }
0x42f: {  	v10 =	vbroadcast v10, $0xF;
	_ =	sdelay $0x1  }
0x430: {  	v11 =	vshra.s32 v10, $0x1;
	v10 =	vmul.f32 $5.000000000e-01, v10  }
0x431: {  	v11 =	vsub.s32 $0x5F3759DF, v11  }
0x432: {  	v12 =	vmul.f32 v11, v10;
	_ =	sdelay $0x1  }
0x433: {  	v12 =	vmul.f32 v11, v12;
	_ =	sdelay $0x1  }
0x434: {  	v12 =	vsub.f32 $1.500000000e+00, v12;
	_ =	sdelay $0x1  }
0x435: {  	v11 =	vmul.f32 v11, v12;
	_ =	sdelay $0x1  }
0x436: {  	v12 =	vmul.f32 v11, v10;
	_ =	sdelay $0x1  }
0x437: {  	v12 =	vmul.f32 v12, v11;
	_ =	sdelay $0x1  }
0x438: {  	v12 =	vsub.f32 $1.500000000e+00, v12;
	_ =	sdelay $0x1  }
0x439: {  	v11 =	vmul.f32 v12, v11;
	_ =	sdelay $0x1  }
0x43a: {  	v10 =	vmul.f32 v11, v10;
	_ =	sdelay $0x1  }
0x43b: {  	v10 =	vmul.f32 v10, v11;
	_ =	sdelay $0x1  }
0x43c: {  	v10 =	vsub.f32 $1.500000000e+00, v10;
	_ =	sdelay $0x1  }
0x43d: {  	v10 =	vmul.f32 v10, v11;
	_ =	sdelay $0x1  }
0x43e: {  	v7 =	vor.u32 v4, v7;
	v9 =	vmul.f32 v10, v9;
	_ =	sdelay $0x1  }
0x43f: {  	[tilespmem:v8+s30+$0x0] =	vst.idx.msk $0xffff, v9  }
0x440: {  	v9 =	vld.idx.msk [tilespmem:v8+s7+$0x0], $0xffff;
	_ =	sdelay $0x1  }
0x441: {  	v7 =	vld.idx.msk [tilespmem:v7+s29+$0x0], $0xffff;
	_ =	sdelay $0x2  }
0x442: {  	v9 =	vmul.f32 v9, v5;
	_ =	sdelay $0x1  }
0x443: {  	v7 =	vadd.f32 v9, v7;
	_ =	sdelay $0x1  }
0x444: {  	v9 =	vmul.f32 v7, v7;
	_ =	sdelay $0x1  }
0x445: {  	(xrf2) =	vadd.scan.msk.f32 $0xffff, v9;
	_ =	sdelay $0x9  }
0x446: {  	v9, _, _ =	vpop (xrf2)  }
0x447: {  	v9 =	vmax.f32 v9, $1.000000020e-24  }
0x448: {  	v9 =	vbroadcast v9, $0xF;
	_ =	sdelay $0x1  }
0x449: {  	v62 =	vshra.s32 v9, $0x1;
	v9 =	vmul.f32 $5.000000000e-01, v9  }
0x44a: {  	v10 =	vsub.s32 $0x5F3759DF, v62  }
0x44b: {  	v63 =	vmul.f32 v10, v9;
	_ =	sdelay $0x1  }
0x44c: {  	v11 =	vmul.f32 v10, v63;
	_ =	sdelay $0x1  }
0x44d: {  	v11 =	vsub.f32 $1.500000000e+00, v11;
	_ =	sdelay $0x1  }
0x44e: {  	v10 =	vmul.f32 v10, v11;
	_ =	sdelay $0x1  }
0x44f: {  	v11 =	vmul.f32 v10, v9;
	_ =	sdelay $0x1  }
0x450: {  	v11 =	vmul.f32 v11, v10;
	_ =	sdelay $0x1  }
0x451: {  	v11 =	vsub.f32 $1.500000000e+00, v11;
	_ =	sdelay $0x1  }
0x452: {  	v10 =	vmul.f32 v11, v10;
	_ =	sdelay $0x1  }
0x453: {  	v9 =	vmul.f32 v10, v9;
	_ =	sdelay $0x1  }
0x454: {  	v9 =	vmul.f32 v9, v10;
	_ =	sdelay $0x1  }
0x455: {  	v9 =	vsub.f32 $1.500000000e+00, v9;
	_ =	sdelay $0x1  }
0x456: {  	v9 =	vmul.f32 v9, v10;
	_ =	sdelay $0x1  }
0x457: {  	v7 =	vmul.f32 v9, v7;
	_ =	sdelay $0x1  }
0x458: {  	[tilespmem:v8+s7+$0x0] =	vst.idx.msk $0xffff, v7  }
.LBB2_38:
0x459: {  	s1 =	rddreg [dreg:$0x14]  }
0x45a: {  	[hbm4b:s1+s0] =	stream.strided.scatter [tilespmem:s30], [sflag:$0x8], $0x2000, s5, s0, $0x38;
	[tilespmem:$0x1FD00] =	vst v63  }
0x45b: {  	_ =	swait.ge [sflag:s23], $0x2000  }
0x45c: {  	[sflag:s23] =	ssyncset.done $0x0  }
.Ltmp28:
0x45d: {  	s31 =	rddreg [dreg:$0x15];
	[sflag:s23] =	ssyncadd.s32 $0xFFFFE000;
	(pc) =	sbr.rel @p0 .LBB2_47-.Ltmp28, $4  }
0x45e: {  	[hbm4b:s31+s0] =	stream.strided.scatter [tilespmem:s7], [sflag:$0x8], $0x2000, s5, s0, $0x38;
	[tilespmem:$0x1FD00] =	vst v63  }
0x45f: {  	_ =	swait.ge [sflag:s23], $0x2000  }
0x460: {  	[sflag:s23] =	ssyncset.done $0x0  }
0x461: {  	[sflag:s23] =	ssyncadd.s32 $0xFFFFE000  }
.Ltmp29:
0x462: {  	(pc) =	sbr.rel @p1 .LBB2_54-.Ltmp29, $2  }
0x463: {  	_ =	sdelay $0x2  }
0x464: {  	s8 =	rddreg [dreg:$0x1f]  }
0x465: {  	(v2sf) =	vpush v6, $0xE;
	_ =	sdelay $0xc  }
0x466: {  	s8 =	rddreg [dreg:$0x1b]  }
0x467: {  	[tilespmem:s30], [sflag:$0x8] =	stream.strided.gather [hbm4b:s8+s0], $0x2000, s5, s0, $0x38;
	[tilespmem:$0x1FD00] =	vst v63  }
0x468: {  	s1 =	spop (v2sf)  }
0x469: {  	_ =	swait.ge [sflag:s23], $0x2000  }
0x46a: {  	p2 =	sge.s32 s9, s1;
	[sflag:s23] =	ssyncset.done $0x0  }
.Ltmp30:
0x46b: {  	s31 =	rddreg [dreg:$0x1c];
	[sflag:s23] =	ssyncadd.s32 $0xFFFFE000;
	(pc) =	sbr.rel @p2 .LBB2_46-.Ltmp30, $4  }
0x46c: {  	[tilespmem:s7], [sflag:$0x8] =	stream.strided.gather [hbm4b:s31+s0], $0x2000, s5, s0, $0x38;
	[tilespmem:$0x1FD00] =	vst v63  }
0x46d: {  	_ =	swait.ge [sflag:s23], $0x2000  }
0x46e: {  	[sflag:s23] =	ssyncset.done $0x0  }
0x46f: {  	[sflag:s23] =	ssyncadd.s32 $0xFFFFE000  }
0x470: {  	s15 =	sadd.s32 $0x1, s9  }
0x471: {  	p3 =	sne.s32 s1, s15  }
.Ltmp31:
0x472: {  	_ = 	snop;
	(pc) =	sbr.rel @!p3 .LBB2_42-.Ltmp31, $2  }
0x473: {  	_ =	sdelay $0x2  }
0x474: {  	v7 =	vmov s9;
	p2 =	por $0x0, $0x0  }
0x475: {  	_ =	sdelay $0x3  }
0x476: {  	v7 =	vld.idx.msk [tilespmem:v7+s13+$0x0], $0xffff;
	_ =	sdelay $0x7  }
0x477: {  	v6 =	vld.idx.msk [tilespmem:v7+s14+$0x0], $0xffff;
	_ =	sdelay $0x4  }
0x478: {  	v8 =	vshll.u32 v6, $0x3  }
0x479: {  	v6 =	vand.u32 $0x7F, v6;
	v8 =	vand.u32 $0xC00, v8  }
0x47a: {  	v6 =	vor.u32 v8, v6  }
0x47b: {  	v6 =	vor.u32 v3, v6  }
0x47c: {  	v7 =	vshll.u32 v7, $0x7  }
0x47d: {  	v8 =	vor.u32 v1, v7;
	_ =	sdelay $0x2  }
0x47e: {  	v9 =	vld.idx.msk [tilespmem:v6+s30+$0x0], $0xffff;
	_ =	sdelay $0x1  }
0x47f: {  	v8 =	vld.idx.msk [tilespmem:v8+s29+$0x0], $0xffff;
	_ =	sdelay $0x2  }
0x480: {  	v9 =	vmul.f32 v9, v5;
	_ =	sdelay $0x1  }
0x481: {  	v8 =	vadd.f32 v9, v8;
	_ =	sdelay $0x1  }
0x482: {  	v9 =	vmul.f32 v8, v8;
	_ =	sdelay $0x1  }
0x483: {  	(xrf2) =	vadd.scan.msk.f32 $0xffff, v9;
	_ =	sdelay $0x9  }
0x484: {  	v9, _, _ =	vpop (xrf2)  }
0x485: {  	v9 =	vmax.f32 v9, $1.000000020e-24  }
0x486: {  	v9 =	vbroadcast v9, $0xF;
	_ =	sdelay $0x1  }
0x487: {  	v10 =	vshra.s32 v9, $0x1;
	v9 =	vmul.f32 $5.000000000e-01, v9  }
0x488: {  	v10 =	vsub.s32 $0x5F3759DF, v10  }
0x489: {  	v11 =	vmul.f32 v10, v9;
	_ =	sdelay $0x1  }
0x48a: {  	v11 =	vmul.f32 v10, v11;
	_ =	sdelay $0x1  }
0x48b: {  	v11 =	vsub.f32 $1.500000000e+00, v11;
	_ =	sdelay $0x1  }
0x48c: {  	v10 =	vmul.f32 v10, v11;
	_ =	sdelay $0x1  }
0x48d: {  	v11 =	vmul.f32 v10, v9;
	_ =	sdelay $0x1  }
0x48e: {  	v11 =	vmul.f32 v11, v10;
	_ =	sdelay $0x1  }
0x48f: {  	v11 =	vsub.f32 $1.500000000e+00, v11;
	_ =	sdelay $0x1  }
0x490: {  	v10 =	vmul.f32 v11, v10;
	_ =	sdelay $0x1  }
0x491: {  	v9 =	vmul.f32 v10, v9;
	_ =	sdelay $0x1  }
0x492: {  	v9 =	vmul.f32 v9, v10;
	_ =	sdelay $0x1  }
0x493: {  	v9 =	vsub.f32 $1.500000000e+00, v9;
	_ =	sdelay $0x1  }
0x494: {  	v9 =	vmul.f32 v9, v10;
	_ =	sdelay $0x1  }
0x495: {  	v7 =	vor.u32 v4, v7;
	v8 =	vmul.f32 v9, v8;
	_ =	sdelay $0x1  }
0x496: {  	[tilespmem:v6+s30+$0x0] =	vst.idx.msk $0xffff, v8  }
0x497: {  	v8 =	vld.idx.msk [tilespmem:v6+s7+$0x0], $0xffff;
	_ =	sdelay $0x1  }
0x498: {  	v7 =	vld.idx.msk [tilespmem:v7+s29+$0x0], $0xffff;
	_ =	sdelay $0x2  }
0x499: {  	v8 =	vmul.f32 v8, v5;
	_ =	sdelay $0x1  }
0x49a: {  	v8 =	vadd.f32 v8, v7;
	_ =	sdelay $0x1  }
0x49b: {  	v7 =	vmul.f32 v8, v8;
	_ =	sdelay $0x1  }
0x49c: {  	(xrf2) =	vadd.scan.msk.f32 $0xffff, v7;
	_ =	sdelay $0x9  }
0x49d: {  	v7, _, _ =	vpop (xrf2)  }
0x49e: {  	v7 =	vmax.f32 v7, $1.000000020e-24  }
0x49f: {  	v7 =	vbroadcast v7, $0xF;
	_ =	sdelay $0x1  }
0x4a0: {  	v9 =	vshra.s32 v7, $0x1;
	v7 =	vmul.f32 $5.000000000e-01, v7  }
0x4a1: {  	v9 =	vsub.s32 $0x5F3759DF, v9  }
0x4a2: {  	v10 =	vmul.f32 v9, v7;
	_ =	sdelay $0x1  }
0x4a3: {  	v10 =	vmul.f32 v9, v10;
	_ =	sdelay $0x1  }
0x4a4: {  	v10 =	vsub.f32 $1.500000000e+00, v10;
	_ =	sdelay $0x1  }
0x4a5: {  	v9 =	vmul.f32 v9, v10;
	_ =	sdelay $0x1  }
0x4a6: {  	v10 =	vmul.f32 v9, v7;
	_ =	sdelay $0x1  }
0x4a7: {  	v10 =	vmul.f32 v10, v9;
	_ =	sdelay $0x1  }
0x4a8: {  	v10 =	vsub.f32 $1.500000000e+00, v10;
	_ =	sdelay $0x1  }
0x4a9: {  	v9 =	vmul.f32 v10, v9;
	_ =	sdelay $0x1  }
0x4aa: {  	v7 =	vmul.f32 v9, v7;
	_ =	sdelay $0x1  }
0x4ab: {  	v7 =	vmul.f32 v7, v9  }
0x4ac: {  	s9 =	sadd.s32 $0x1, s15  }
0x4ad: {  	p3 =	sne.s32 s1, s9;
	v7 =	vsub.f32 $1.500000000e+00, v7  }
.Ltmp32:
0x4ae: {  	_ = 	snop;
	(pc) =	sbr.rel @!p3 .LBB2_45-.Ltmp32, $3  }
0x4af: {  	v9 =	vmul.f32 v7, v9;
	v7 =	vmov s15;
	_ =	sdelay $0x1  }
0x4b0: {  	v8 =	vmul.f32 v9, v8  }
0x4b1: {  	p2 =	por $0x1, $0x1  }
.LBB2_44:
0x4b2: {  	[tilespmem:v6+s7+$0x0] =	vst.idx.msk $0xffff, v8;
	s15 =	smov.u32 s9;
	s9 =	sadd.s32 $0x1, s9  }
0x4b3: {  	p3 =	sne.s32 s1, s9;
	v6 =	vld.idx.msk [tilespmem:v7+s13+$0x0], $0xffff;
	_ =	sdelay $0x5  }
0x4b4: {  	v7 =	vshll.u32 v6, $0x7  }
0x4b5: {  	v8 =	vor.u32 v1, v7  }
0x4b6: {  	v6 =	vld.idx.msk [tilespmem:v6+s14+$0x0], $0xffff;
	_ =	sdelay $0x5  }
0x4b7: {  	v9 =	vshll.u32 v6, $0x3  }
0x4b8: {  	v6 =	vand.u32 $0x7F, v6;
	v9 =	vand.u32 $0xC00, v9  }
0x4b9: {  	v6 =	vor.u32 v9, v6  }
0x4ba: {  	v6 =	vor.u32 v3, v6;
	_ =	sdelay $0x4  }
0x4bb: {  	v9 =	vld.idx.msk [tilespmem:v6+s30+$0x0], $0xffff;
	_ =	sdelay $0x1  }
0x4bc: {  	v8 =	vld.idx.msk [tilespmem:v8+s29+$0x0], $0xffff;
	_ =	sdelay $0x3  }
0x4bd: {  	v9 =	vmul.f32 v9, v5;
	_ =	sdelay $0x1  }
0x4be: {  	v8 =	vadd.f32 v9, v8;
	_ =	sdelay $0x1  }
0x4bf: {  	v9 =	vmul.f32 v8, v8;
	_ =	sdelay $0x1  }
0x4c0: {  	(xrf2) =	vadd.scan.msk.f32 $0xffff, v9;
	_ =	sdelay $0x9  }
0x4c1: {  	v9, _, _ =	vpop (xrf2)  }
0x4c2: {  	v9 =	vmax.f32 v9, $1.000000020e-24  }
0x4c3: {  	v9 =	vbroadcast v9, $0xF;
	_ =	sdelay $0x1  }
0x4c4: {  	v10 =	vshra.s32 v9, $0x1;
	v9 =	vmul.f32 $5.000000000e-01, v9  }
0x4c5: {  	v10 =	vsub.s32 $0x5F3759DF, v10  }
0x4c6: {  	v11 =	vmul.f32 v10, v9;
	_ =	sdelay $0x1  }
0x4c7: {  	v11 =	vmul.f32 v10, v11;
	_ =	sdelay $0x1  }
0x4c8: {  	v11 =	vsub.f32 $1.500000000e+00, v11;
	_ =	sdelay $0x1  }
0x4c9: {  	v10 =	vmul.f32 v10, v11;
	_ =	sdelay $0x1  }
0x4ca: {  	v11 =	vmul.f32 v10, v9;
	_ =	sdelay $0x1  }
0x4cb: {  	v11 =	vmul.f32 v11, v10;
	_ =	sdelay $0x1  }
0x4cc: {  	v11 =	vsub.f32 $1.500000000e+00, v11;
	_ =	sdelay $0x1  }
0x4cd: {  	v10 =	vmul.f32 v11, v10;
	_ =	sdelay $0x1  }
0x4ce: {  	v9 =	vmul.f32 v10, v9;
	_ =	sdelay $0x1  }
0x4cf: {  	v9 =	vmul.f32 v9, v10;
	_ =	sdelay $0x1  }
0x4d0: {  	v9 =	vsub.f32 $1.500000000e+00, v9;
	_ =	sdelay $0x1  }
0x4d1: {  	v9 =	vmul.f32 v9, v10;
	_ =	sdelay $0x1  }
0x4d2: {  	v7 =	vor.u32 v4, v7;
	v8 =	vmul.f32 v9, v8;
	_ =	sdelay $0x1  }
0x4d3: {  	[tilespmem:v6+s30+$0x0] =	vst.idx.msk $0xffff, v8  }
0x4d4: {  	v8 =	vld.idx.msk [tilespmem:v6+s7+$0x0], $0xffff;
	_ =	sdelay $0x1  }
0x4d5: {  	v7 =	vld.idx.msk [tilespmem:v7+s29+$0x0], $0xffff;
	_ =	sdelay $0x3  }
0x4d6: {  	v8 =	vmul.f32 v8, v5;
	_ =	sdelay $0x1  }
0x4d7: {  	v8 =	vadd.f32 v8, v7;
	_ =	sdelay $0x1  }
0x4d8: {  	v7 =	vmul.f32 v8, v8;
	_ =	sdelay $0x1  }
0x4d9: {  	(xrf2) =	vadd.scan.msk.f32 $0xffff, v7;
	_ =	sdelay $0x9  }
0x4da: {  	v7, _, _ =	vpop (xrf2)  }
0x4db: {  	v7 =	vmax.f32 v7, $1.000000020e-24  }
0x4dc: {  	v7 =	vbroadcast v7, $0xF;
	_ =	sdelay $0x1  }
0x4dd: {  	v9 =	vshra.s32 v7, $0x1;
	v7 =	vmul.f32 $5.000000000e-01, v7  }
0x4de: {  	v9 =	vsub.s32 $0x5F3759DF, v9  }
0x4df: {  	v10 =	vmul.f32 v9, v7;
	_ =	sdelay $0x1  }
0x4e0: {  	v10 =	vmul.f32 v9, v10;
	_ =	sdelay $0x1  }
0x4e1: {  	v10 =	vsub.f32 $1.500000000e+00, v10;
	_ =	sdelay $0x1  }
0x4e2: {  	v9 =	vmul.f32 v9, v10;
	_ =	sdelay $0x1  }
0x4e3: {  	v10 =	vmul.f32 v9, v7;
	_ =	sdelay $0x1  }
0x4e4: {  	v10 =	vmul.f32 v10, v9;
	_ =	sdelay $0x1  }
0x4e5: {  	v10 =	vsub.f32 $1.500000000e+00, v10;
	_ =	sdelay $0x1  }
0x4e6: {  	v9 =	vmul.f32 v10, v9;
	_ =	sdelay $0x1  }
0x4e7: {  	v7 =	vmul.f32 v9, v7;
	_ =	sdelay $0x1  }
0x4e8: {  	v7 =	vmul.f32 v7, v9;
	_ =	sdelay $0x1  }
.Ltmp33:
0x4e9: {  	v10 =	vsub.f32 $1.500000000e+00, v7;
	(pc) =	sbr.rel @p3 .LBB2_44-.Ltmp33, $3  }
0x4ea: {  	_ = 	snop  }
0x4eb: {  	v7 =	vmov s15;
	v9 =	vmul.f32 v10, v9;
	_ =	sdelay $0x1  }
0x4ec: {  	v8 =	vmul.f32 v9, v8  }
.Ltmp34:
0x4ed: {  	_ = 	snop;
	(pc) =	sbr.rel .LBB2_45-.Ltmp34, $1  }
0x4ee: {  	_ =	sdelay $0x3  }
.LBB2_47:
0x4ef: {  	s1 =	rddreg [dreg:$0x16];
	s8 =	simm.s32 $0x400  }
0x4f0: {  	[tilespmem:s25], [sflag:$0x8] =	stream.strided.gather [hbm4b:s1+s8], $0x800, s5, s8, $0x38;
	[tilespmem:$0x1FD00] =	vst v63  }
0x4f1: {  	_ =	swait.ge [sflag:s23], $0x800  }
0x4f2: {  	[sflag:s23] =	ssyncset.done $0x0  }
0x4f3: {  	s31 =	rddreg [dreg:$0x17];
	[sflag:s23] =	ssyncadd.s32 $0xFFFFF800  }
0x4f4: {  	[tilespmem:s26], [sflag:$0x8] =	stream.strided.gather [hbm4b:s31+s8], $0x800, s5, s8, $0x38;
	[tilespmem:$0x1FD00] =	vst v63  }
0x4f5: {  	_ =	swait.ge [sflag:s23], $0x800  }
0x4f6: {  	(v2sf) =	vpush v6, $0xE;
	_ =	sdelay $0xe  }
0x4f7: {  	s1 =	spop (v2sf)  }
0x4f8: {  	p2 =	sge.s32 s9, s1  }
.Ltmp35:
0x4f9: {  	_ = 	snop;
	(pc) =	sbr.rel @p2 .LBB2_53-.Ltmp35, $3  }
0x4fa: {  	_ =	sdelay $0x1  }
0x4fb: {  	[sflag:s23] =	ssyncset.done $0x0  }
0x4fc: {  	[sflag:s23] =	ssyncadd.s32 $0xFFFFF800  }
0x4fd: {  	s15 =	sadd.s32 $0x1, s9  }
0x4fe: {  	p3 =	sne.s32 s1, s15  }
.Ltmp36:
0x4ff: {  	_ = 	snop;
	(pc) =	sbr.rel @!p3 .LBB2_49-.Ltmp36, $2  }
0x500: {  	_ =	sdelay $0x2  }
0x501: {  	v8 =	vmov s9;
	p2 =	por $0x0, $0x0  }
0x502: {  	_ =	sdelay $0x3  }
0x503: {  	v8 =	vld.idx.msk [tilespmem:v8+s13+$0x0], $0xffff;
	_ =	sdelay $0x7  }
0x504: {  	v7 =	vld.idx.msk [tilespmem:v8+s14+$0x0], $0xffff;
	_ =	sdelay $0x3  }
0x505: {  	v6 =	vmul.u32 $0x80, v1  }
0x506: {  	v7 =	vand.u32 $0x1FF, v7  }
0x507: {  	v7 =	vadd.s32 v6, v7  }
0x508: {  	v8 =	vshll.u32 v8, $0x7  }
0x509: {  	v9 =	vor.u32 v1, v8;
	_ =	sdelay $0x2  }
0x50a: {  	v10 =	vld.idx.msk [tilespmem:v7+s25+$0x0], $0xffff;
	_ =	sdelay $0x1  }
0x50b: {  	v9 =	vld.idx.msk [tilespmem:v9+s29+$0x0], $0xffff;
	_ =	sdelay $0x2  }
0x50c: {  	v10 =	vmul.f32 v10, v5;
	_ =	sdelay $0x1  }
0x50d: {  	v9 =	vadd.f32 v10, v9;
	_ =	sdelay $0x1  }
0x50e: {  	v10 =	vmul.f32 v9, v9;
	_ =	sdelay $0x1  }
0x50f: {  	(xrf2) =	vadd.scan.msk.f32 $0xffff, v10;
	_ =	sdelay $0x9  }
0x510: {  	v10, _, _ =	vpop (xrf2)  }
0x511: {  	v10 =	vmax.f32 v10, $1.000000020e-24  }
0x512: {  	v10 =	vbroadcast v10, $0xF;
	_ =	sdelay $0x1  }
0x513: {  	v11 =	vshra.s32 v10, $0x1;
	v10 =	vmul.f32 $5.000000000e-01, v10  }
0x514: {  	v11 =	vsub.s32 $0x5F3759DF, v11  }
0x515: {  	v12 =	vmul.f32 v11, v10;
	_ =	sdelay $0x1  }
0x516: {  	v12 =	vmul.f32 v11, v12;
	_ =	sdelay $0x1  }
0x517: {  	v12 =	vsub.f32 $1.500000000e+00, v12;
	_ =	sdelay $0x1  }
0x518: {  	v11 =	vmul.f32 v11, v12;
	_ =	sdelay $0x1  }
0x519: {  	v12 =	vmul.f32 v11, v10;
	_ =	sdelay $0x1  }
0x51a: {  	v12 =	vmul.f32 v12, v11;
	_ =	sdelay $0x1  }
0x51b: {  	v12 =	vsub.f32 $1.500000000e+00, v12;
	_ =	sdelay $0x1  }
0x51c: {  	v11 =	vmul.f32 v12, v11;
	_ =	sdelay $0x1  }
0x51d: {  	v10 =	vmul.f32 v11, v10;
	_ =	sdelay $0x1  }
0x51e: {  	v10 =	vmul.f32 v10, v11;
	_ =	sdelay $0x1  }
0x51f: {  	v10 =	vsub.f32 $1.500000000e+00, v10;
	_ =	sdelay $0x1  }
0x520: {  	v10 =	vmul.f32 v10, v11;
	_ =	sdelay $0x1  }
0x521: {  	v8 =	vor.u32 v4, v8;
	v9 =	vmul.f32 v10, v9;
	_ =	sdelay $0x1  }
0x522: {  	[tilespmem:v7+s25+$0x0] =	vst.idx.msk $0xffff, v9  }
0x523: {  	v9 =	vld.idx.msk [tilespmem:v7+s26+$0x0], $0xffff;
	_ =	sdelay $0x1  }
0x524: {  	v8 =	vld.idx.msk [tilespmem:v8+s29+$0x0], $0xffff;
	_ =	sdelay $0x2  }
0x525: {  	v9 =	vmul.f32 v9, v5;
	_ =	sdelay $0x1  }
0x526: {  	v9 =	vadd.f32 v9, v8;
	_ =	sdelay $0x1  }
0x527: {  	v8 =	vmul.f32 v9, v9;
	_ =	sdelay $0x1  }
0x528: {  	(xrf2) =	vadd.scan.msk.f32 $0xffff, v8;
	_ =	sdelay $0x9  }
0x529: {  	v8, _, _ =	vpop (xrf2)  }
0x52a: {  	v8 =	vmax.f32 v8, $1.000000020e-24  }
0x52b: {  	v8 =	vbroadcast v8, $0xF;
	_ =	sdelay $0x1  }
0x52c: {  	v10 =	vshra.s32 v8, $0x1;
	v8 =	vmul.f32 $5.000000000e-01, v8  }
0x52d: {  	v10 =	vsub.s32 $0x5F3759DF, v10  }
0x52e: {  	v11 =	vmul.f32 v10, v8;
	_ =	sdelay $0x1  }
0x52f: {  	v11 =	vmul.f32 v10, v11;
	_ =	sdelay $0x1  }
0x530: {  	v11 =	vsub.f32 $1.500000000e+00, v11;
	_ =	sdelay $0x1  }
0x531: {  	v10 =	vmul.f32 v10, v11;
	_ =	sdelay $0x1  }
0x532: {  	v11 =	vmul.f32 v10, v8;
	_ =	sdelay $0x1  }
0x533: {  	v11 =	vmul.f32 v11, v10;
	_ =	sdelay $0x1  }
0x534: {  	v11 =	vsub.f32 $1.500000000e+00, v11;
	_ =	sdelay $0x1  }
0x535: {  	v10 =	vmul.f32 v11, v10;
	_ =	sdelay $0x1  }
0x536: {  	v8 =	vmul.f32 v10, v8;
	_ =	sdelay $0x1  }
0x537: {  	s9 =	sadd.s32 $0x1, s15;
	v8 =	vmul.f32 v8, v10  }
0x538: {  	p3 =	sne.s32 s1, s9  }
.Ltmp37:
0x539: {  	v8 =	vsub.f32 $1.500000000e+00, v8;
	(pc) =	sbr.rel @!p3 .LBB2_52-.Ltmp37, $3  }
0x53a: {  	_ = 	snop  }
0x53b: {  	v10 =	vmul.f32 v8, v10;
	v8 =	vmov s15;
	_ =	sdelay $0x1  }
0x53c: {  	p2 =	por $0x1, $0x1;
	v9 =	vmul.f32 v10, v9  }
.LBB2_51:
0x53d: {  	_ = 	snop  }
0x53e: {  	s15 =	smov.u32 s9;
	s9 =	sadd.s32 $0x1, s9;
	[tilespmem:v7+s26+$0x0] =	vst.idx.msk $0xffff, v9  }
0x53f: {  	p3 =	sne.s32 s1, s9;
	v7 =	vld.idx.msk [tilespmem:v8+s13+$0x0], $0xffff;
	_ =	sdelay $0x5  }
0x540: {  	v8 =	vshll.u32 v7, $0x7  }
0x541: {  	v9 =	vor.u32 v1, v8  }
0x542: {  	v7 =	vld.idx.msk [tilespmem:v7+s14+$0x0], $0xffff;
	_ =	sdelay $0x5  }
0x543: {  	v7 =	vand.u32 $0x1FF, v7  }
0x544: {  	v7 =	vadd.s32 v6, v7;
	_ =	sdelay $0x4  }
0x545: {  	v10 =	vld.idx.msk [tilespmem:v7+s25+$0x0], $0xffff;
	_ =	sdelay $0x1  }
0x546: {  	v9 =	vld.idx.msk [tilespmem:v9+s29+$0x0], $0xffff;
	_ =	sdelay $0x3  }
0x547: {  	v10 =	vmul.f32 v10, v5;
	_ =	sdelay $0x1  }
0x548: {  	v9 =	vadd.f32 v10, v9;
	_ =	sdelay $0x1  }
0x549: {  	v10 =	vmul.f32 v9, v9;
	_ =	sdelay $0x1  }
0x54a: {  	(xrf2) =	vadd.scan.msk.f32 $0xffff, v10;
	_ =	sdelay $0x9  }
0x54b: {  	v10, _, _ =	vpop (xrf2)  }
0x54c: {  	v10 =	vmax.f32 v10, $1.000000020e-24  }
0x54d: {  	v10 =	vbroadcast v10, $0xF;
	_ =	sdelay $0x1  }
0x54e: {  	v11 =	vshra.s32 v10, $0x1;
	v10 =	vmul.f32 $5.000000000e-01, v10  }
0x54f: {  	v11 =	vsub.s32 $0x5F3759DF, v11  }
0x550: {  	v12 =	vmul.f32 v11, v10;
	_ =	sdelay $0x1  }
0x551: {  	v12 =	vmul.f32 v11, v12;
	_ =	sdelay $0x1  }
0x552: {  	v12 =	vsub.f32 $1.500000000e+00, v12;
	_ =	sdelay $0x1  }
0x553: {  	v11 =	vmul.f32 v11, v12;
	_ =	sdelay $0x1  }
0x554: {  	v12 =	vmul.f32 v11, v10;
	_ =	sdelay $0x1  }
0x555: {  	v12 =	vmul.f32 v12, v11;
	_ =	sdelay $0x1  }
0x556: {  	v12 =	vsub.f32 $1.500000000e+00, v12;
	_ =	sdelay $0x1  }
0x557: {  	v11 =	vmul.f32 v12, v11;
	_ =	sdelay $0x1  }
0x558: {  	v10 =	vmul.f32 v11, v10;
	_ =	sdelay $0x1  }
0x559: {  	v10 =	vmul.f32 v10, v11;
	_ =	sdelay $0x1  }
0x55a: {  	v10 =	vsub.f32 $1.500000000e+00, v10;
	_ =	sdelay $0x1  }
0x55b: {  	v10 =	vmul.f32 v10, v11;
	_ =	sdelay $0x1  }
0x55c: {  	v8 =	vor.u32 v4, v8;
	v9 =	vmul.f32 v10, v9;
	_ =	sdelay $0x1  }
0x55d: {  	[tilespmem:v7+s25+$0x0] =	vst.idx.msk $0xffff, v9  }
0x55e: {  	v9 =	vld.idx.msk [tilespmem:v7+s26+$0x0], $0xffff;
	_ =	sdelay $0x1  }
0x55f: {  	v8 =	vld.idx.msk [tilespmem:v8+s29+$0x0], $0xffff;
	_ =	sdelay $0x3  }
0x560: {  	v9 =	vmul.f32 v9, v5;
	_ =	sdelay $0x1  }
0x561: {  	v9 =	vadd.f32 v9, v8;
	_ =	sdelay $0x1  }
0x562: {  	v8 =	vmul.f32 v9, v9;
	_ =	sdelay $0x1  }
0x563: {  	(xrf2) =	vadd.scan.msk.f32 $0xffff, v8;
	_ =	sdelay $0x9  }
0x564: {  	v8, _, _ =	vpop (xrf2)  }
0x565: {  	v8 =	vmax.f32 v8, $1.000000020e-24  }
0x566: {  	v8 =	vbroadcast v8, $0xF;
	_ =	sdelay $0x1  }
0x567: {  	v10 =	vshra.s32 v8, $0x1;
	v8 =	vmul.f32 $5.000000000e-01, v8  }
0x568: {  	v10 =	vsub.s32 $0x5F3759DF, v10  }
0x569: {  	v11 =	vmul.f32 v10, v8;
	_ =	sdelay $0x1  }
0x56a: {  	v11 =	vmul.f32 v10, v11;
	_ =	sdelay $0x1  }
0x56b: {  	v11 =	vsub.f32 $1.500000000e+00, v11;
	_ =	sdelay $0x1  }
0x56c: {  	v10 =	vmul.f32 v10, v11;
	_ =	sdelay $0x1  }
0x56d: {  	v11 =	vmul.f32 v10, v8;
	_ =	sdelay $0x1  }
0x56e: {  	v11 =	vmul.f32 v11, v10;
	_ =	sdelay $0x1  }
0x56f: {  	v11 =	vsub.f32 $1.500000000e+00, v11;
	_ =	sdelay $0x1  }
0x570: {  	v10 =	vmul.f32 v11, v10;
	_ =	sdelay $0x1  }
0x571: {  	v8 =	vmul.f32 v10, v8;
	_ =	sdelay $0x1  }
0x572: {  	v8 =	vmul.f32 v8, v10;
	_ =	sdelay $0x1  }
.Ltmp38:
0x573: {  	v11 =	vsub.f32 $1.500000000e+00, v8;
	(pc) =	sbr.rel @p3 .LBB2_51-.Ltmp38, $3  }
0x574: {  	_ = 	snop  }
0x575: {  	v8 =	vmov s15;
	v10 =	vmul.f32 v11, v10;
	_ =	sdelay $0x1  }
0x576: {  	v9 =	vmul.f32 v10, v9  }
.LBB2_52:
0x577: {  	_ =	sdelay $0x3  }
0x578: {  	[tilespmem:v7+s26+$0x0] =	vst.idx.msk @p2 $0xffff, v9  }
0x579: {  	v6 =	vld.idx.msk [tilespmem:v8+s13+$0x0], $0xffff;
	_ =	sdelay $0x7  }
0x57a: {  	v7 =	vld.idx.msk [tilespmem:v6+s14+$0x0], $0xffff;
	_ =	sdelay $0x3  }
0x57b: {  	v60 =	vmul.u32 $0x80, v1  }
0x57c: {  	v7 =	vand.u32 $0x1FF, v7  }
0x57d: {  	v7 =	vadd.s32 v60, v7  }
0x57e: {  	v6 =	vshll.u32 v6, $0x7  }
0x57f: {  	v61 =	vor.u32 v1, v6;
	_ =	sdelay $0x2  }
0x580: {  	v9 =	vld.idx.msk [tilespmem:v7+s25+$0x0], $0xffff;
	_ =	sdelay $0x1  }
0x581: {  	v8 =	vld.idx.msk [tilespmem:v61+s29+$0x0], $0xffff;
	_ =	sdelay $0x2  }
0x582: {  	v9 =	vmul.f32 v9, v5;
	_ =	sdelay $0x1  }
0x583: {  	v8 =	vadd.f32 v9, v8;
	_ =	sdelay $0x1  }
0x584: {  	v9 =	vmul.f32 v8, v8;
	_ =	sdelay $0x1  }
0x585: {  	(xrf2) =	vadd.scan.msk.f32 $0xffff, v9;
	_ =	sdelay $0x9  }
0x586: {  	v9, _, _ =	vpop (xrf2)  }
0x587: {  	v9 =	vmax.f32 v9, $1.000000020e-24  }
0x588: {  	v9 =	vbroadcast v9, $0xF;
	_ =	sdelay $0x1  }
0x589: {  	v10 =	vshra.s32 v9, $0x1;
	v9 =	vmul.f32 $5.000000000e-01, v9  }
0x58a: {  	v10 =	vsub.s32 $0x5F3759DF, v10  }
0x58b: {  	v11 =	vmul.f32 v10, v9;
	_ =	sdelay $0x1  }
0x58c: {  	v11 =	vmul.f32 v10, v11;
	_ =	sdelay $0x1  }
0x58d: {  	v11 =	vsub.f32 $1.500000000e+00, v11;
	_ =	sdelay $0x1  }
0x58e: {  	v10 =	vmul.f32 v10, v11;
	_ =	sdelay $0x1  }
0x58f: {  	v11 =	vmul.f32 v10, v9;
	_ =	sdelay $0x1  }
0x590: {  	v11 =	vmul.f32 v11, v10;
	_ =	sdelay $0x1  }
0x591: {  	v11 =	vsub.f32 $1.500000000e+00, v11;
	_ =	sdelay $0x1  }
0x592: {  	v10 =	vmul.f32 v11, v10;
	_ =	sdelay $0x1  }
0x593: {  	v9 =	vmul.f32 v10, v9;
	_ =	sdelay $0x1  }
0x594: {  	v9 =	vmul.f32 v9, v10;
	_ =	sdelay $0x1  }
0x595: {  	v9 =	vsub.f32 $1.500000000e+00, v9;
	_ =	sdelay $0x1  }
0x596: {  	v9 =	vmul.f32 v9, v10;
	_ =	sdelay $0x1  }
0x597: {  	v6 =	vor.u32 v4, v6;
	v8 =	vmul.f32 v9, v8;
	_ =	sdelay $0x1  }
0x598: {  	[tilespmem:v7+s25+$0x0] =	vst.idx.msk $0xffff, v8  }
0x599: {  	v8 =	vld.idx.msk [tilespmem:v7+s26+$0x0], $0xffff;
	_ =	sdelay $0x1  }
0x59a: {  	v6 =	vld.idx.msk [tilespmem:v6+s29+$0x0], $0xffff;
	_ =	sdelay $0x2  }
0x59b: {  	v5 =	vmul.f32 v8, v5;
	_ =	sdelay $0x1  }
0x59c: {  	v5 =	vadd.f32 v5, v6;
	_ =	sdelay $0x1  }
0x59d: {  	v6 =	vmul.f32 v5, v5;
	_ =	sdelay $0x1  }
0x59e: {  	(xrf2) =	vadd.scan.msk.f32 $0xffff, v6;
	_ =	sdelay $0x9  }
0x59f: {  	v6, _, _ =	vpop (xrf2)  }
0x5a0: {  	v6 =	vmax.f32 v6, $1.000000020e-24  }
0x5a1: {  	v6 =	vbroadcast v6, $0xF;
	_ =	sdelay $0x1  }
0x5a2: {  	v62 =	vshra.s32 v6, $0x1;
	v6 =	vmul.f32 $5.000000000e-01, v6  }
0x5a3: {  	v8 =	vsub.s32 $0x5F3759DF, v62  }
0x5a4: {  	v63 =	vmul.f32 v8, v6;
	_ =	sdelay $0x1  }
0x5a5: {  	v9 =	vmul.f32 v8, v63;
	_ =	sdelay $0x1  }
0x5a6: {  	v9 =	vsub.f32 $1.500000000e+00, v9;
	_ =	sdelay $0x1  }
0x5a7: {  	v8 =	vmul.f32 v8, v9;
	_ =	sdelay $0x1  }
0x5a8: {  	v9 =	vmul.f32 v8, v6;
	_ =	sdelay $0x1  }
0x5a9: {  	v9 =	vmul.f32 v9, v8;
	_ =	sdelay $0x1  }
0x5aa: {  	v9 =	vsub.f32 $1.500000000e+00, v9;
	_ =	sdelay $0x1  }
0x5ab: {  	v8 =	vmul.f32 v9, v8;
	_ =	sdelay $0x1  }
0x5ac: {  	v6 =	vmul.f32 v8, v6;
	_ =	sdelay $0x1  }
0x5ad: {  	v6 =	vmul.f32 v6, v8;
	_ =	sdelay $0x1  }
0x5ae: {  	v6 =	vsub.f32 $1.500000000e+00, v6;
	_ =	sdelay $0x1  }
0x5af: {  	v6 =	vmul.f32 v6, v8;
	_ =	sdelay $0x1  }
0x5b0: {  	v5 =	vmul.f32 v6, v5;
	_ =	sdelay $0x1  }
0x5b1: {  	[tilespmem:v7+s26+$0x0] =	vst.idx.msk $0xffff, v5  }
.LBB2_53:
0x5b2: {  	s1 =	rddreg [dreg:$0x19];
	s8 =	simm.s32 $0x400  }
0x5b3: {  	[hbm4b:s1+s8] =	stream.strided.scatter [tilespmem:s25], [sflag:$0x8], $0x800, s5, s8, $0x38;
	[tilespmem:$0x1FD00] =	vst v63  }
0x5b4: {  	_ =	swait.ge [sflag:s23], $0x800  }
0x5b5: {  	[sflag:s23] =	ssyncset.done $0x0  }
.Ltmp39:
0x5b6: {  	s31 =	rddreg [dreg:$0x1a];
	[sflag:s23] =	ssyncadd.s32 $0xFFFFF800;
	(pc) =	sbr.rel .LBB2_54-.Ltmp39, $4  }
0x5b7: {  	[hbm4b:s31+s8] =	stream.strided.scatter [tilespmem:s26], [sflag:$0x8], $0x800, s5, s8, $0x38;
	[tilespmem:$0x1FD00] =	vst v63  }
0x5b8: {  	_ =	swait.ge [sflag:s23], $0x800  }
0x5b9: {  	[sflag:s23] =	ssyncset.done $0x0  }
0x5ba: {  	s8 =	rddreg [dreg:$0x1f];
	[sflag:s23] =	ssyncadd.s32 $0xFFFFF800  }
.LBB2_34:
.Ltmp40:
0x5bb: {  	(pc) =	sbr.rel .LBB2_37-.Ltmp40, $2  }
0x5bc: {  	_ =	sdelay $0x2  }
0x5bd: {  	_ = 	snop  }
.LBB2_49:
.Ltmp41:
0x5be: {  	(pc) =	sbr.rel .LBB2_52-.Ltmp41, $2  }
0x5bf: {  	_ =	sdelay $0x2  }
0x5c0: {  	_ = 	snop  }
.LBB2_55:
0x5c1: {  	_ =	sfence.sel $0x180000  }
0x5c2: {  	[bflag:$0x0] =	sbarrier.arrive $0xFFFF  }
0x5c3: {  	_ =	strace $0x9000004A  }
0x5c4: {  	s0 =	stileid.u32;
	[bflag:$0x2] =	sbarrier.arrive $0xFFFF  }
0x5c5: {  	p0 =	sne.s32 s0, $0x0;
	s0 =	rddreg [dreg:$0x6]  }
0x5c6: {  	s0 =	sadd.s32 @!p0 $0x100000, s0  }
0x5c7: {  	[sflag:s0] =	ssyncadd.tile.s32 @!p0 $0x1;
	_ =	shalt  }
.Lfunc_end2:
_tile_overlayer_lowered:
.L_overlay_start_2:
0x5c8: {  	(tag) =	ssettag $0x2  }
0x5c9: {  	s0 =	rddreg [dreg:$0x0];
	s2 =	stileid.u32  }
0x5ca: {  	s1 =	rddreg [dreg:$0x1];
	p0 =	sne.s32 s2, $0x0  }
0x5cb: {  	s3 =	rddreg [dreg:$0x2];
	[bflag:$0x3] =	sbarrier.arrive $0xFFFF;
	s2 =	simm.s32 @!p0 $0x1C08  }
0x5cc: {  	[timem:s3], [sflag:s2] =	dma.local @!p0 [hbm:s0], s1  }
0x5cd: {  	s0 =	simm.s32 @!p0 $0x8  }
0x5ce: {  	_ =	swait.ge @!p0 [sflag:s0], s1  }
0x5cf: {  	s1 =	ssub.s32 @!p0 $0x0, s1;
	[sflag:s0] =	ssyncset.done @!p0 $0x0  }
0x5d0: {  	[sflag:s0] =	ssyncadd.s32 @!p0 s1  }
0x5d1: {  	[bflag:$0x3] =	sbarrier.arrive $0xFFFF  }
0x5d2: {  	_ =	shalt  }

</sc_bundles>
